<compile_context>
chip_gen: v7x
topology: tpu7x:2x2x1
jax: 0.10.2.dev20260603
libtpu: 0.0.44.dev20260713+nightly
codegen_flags: <defaults>
</compile_context>

<pallas_src>
import functools

import jax
import jax.numpy as jnp
from jax import lax
from jax.experimental import pallas as pl
from jax.experimental.pallas import tpu as pltpu
from jax.experimental.pallas import tpu_sc as plsc

R = 64
V = 100000
L = 16
NCHUNK = V // L
U = 5
NGRP = NCHUNK // U
UA = 25
NGRPA = NCHUNK // UA
CAP = 4096
TOPK = 64
TEMPERATURE = 0.8
TOP_P = 0.9
NEG = float("-inf")
BIG = 1 << 30


def _shuf(v, idx):
    return lax.gather(
        v, idx[:, None],
        dimension_numbers=lax.GatherDimensionNumbers(
            offset_dims=(), collapsed_slice_dims=(0,), start_index_map=(0,)),
        slice_sizes=(1,),
        mode=lax.GatherScatterMode.PROMISE_IN_BOUNDS)


def _bfly(v, op):
    iota = lax.iota(jnp.int32, L)
    for s in (1, 2, 4, 8):
        v = op(v, _shuf(v, iota ^ s))
    return v


def _popcount(mask):
    return _bfly(mask.astype(jnp.int32), jnp.add)[0]


def _row_pipeline(rowid, logits_hbm, out_hbm, row, cand_v, cand_i,
                  top_v, top_i, kidx):
    iota = lax.iota(jnp.int32, L)

    pltpu.sync_copy(logits_hbm.at[rowid], row)

    ninf16 = jnp.full((L,), NEG, jnp.float32)

    def phase_a(g, accs):
        base = pl.multiple_of(g * (L * UA), L)
        r1a, r2a, r1b, r2b = accs
        for u in range(UA):
            x = row[pl.ds(base + u * L, L)]
            if u % 2 == 0:
                hi = jnp.maximum(r1a, x)
                r2a = jnp.maximum(r2a, jnp.minimum(r1a, x))
                r1a = hi
            else:
                hi = jnp.maximum(r1b, x)
                r2b = jnp.maximum(r2b, jnp.minimum(r1b, x))
                r1b = hi
        return (r1a, r2a, r1b, r2b)

    _, r2a, _, r2b = lax.fori_loop(0, NGRPA, phase_a, (ninf16,) * 4)
    t0 = _bfly(jnp.minimum(r2a, r2b), jnp.minimum)

    def prefill(c, _):
        cand_v[pl.ds(pl.multiple_of(c * L, L), L)] = ninf16
        return 0
    lax.fori_loop(0, CAP // L, prefill, 0)

    def phase_c(g, off):
        base = pl.multiple_of(g * (L * U), L)
        xs = [row[pl.ds(base + u * L, L)] for u in range(U)]
        ms = [x >= t0 for x in xs]
        anym = (ms[0] | ms[1]) | (ms[2] | ms[3]) | ms[4]

        def append(o):
            for u in range(U):
                def app_u(o2, u=u):
                    m32 = ms[u].astype(jnp.int32)
                    cs = plsc.cumsum(m32)
                    exc = cs - m32
                    pos = jnp.minimum(jnp.broadcast_to(o2, (L,)) + exc,
                                      CAP - 1)
                    plsc.store_scatter(cand_v, [pos], xs[u], mask=ms[u])
                    plsc.store_scatter(cand_i, [pos], base + u * L + iota,
                                       mask=ms[u])
                    return o2 + cs[L - 1]
                o = lax.cond(jnp.any(ms[u]), app_u, lambda o2: o2, o)
            return o

        return lax.cond(jnp.any(anym), append, lambda o: o, off)

    off = lax.fori_loop(0, NGRP, phase_c, jnp.int32(0))
    ncch = (jnp.minimum(off, CAP) + (L - 1)) // L

    lane0 = iota == 0
    FASTCH = 32

    def finish_extract(j, m, posc):
        mv = _bfly(m, jnp.maximum)
        pos = _bfly(jnp.where(m == mv, posc * L + iota, BIG), jnp.minimum)
        jsplat = jnp.broadcast_to(j, (L,))
        plsc.store_scatter(top_v, [jsplat], mv, mask=lane0)
        plsc.store_scatter(top_i, [jsplat], plsc.load_gather(cand_i, [pos]),
                           mask=lane0)
        plsc.store_scatter(cand_v, [pos], ninf16, mask=lane0)
        return 0

    def extract_fast(j, _):
        m = ninf16
        posc = jnp.zeros((L,), jnp.int32)
        for c in range(FASTCH):
            x = cand_v[pl.ds(c * L, L)]
            upd = x > m
            m = jnp.where(upd, x, m)
            posc = jnp.where(upd, jnp.full((L,), c, jnp.int32), posc)
        return finish_extract(j, m, posc)

    def extract_slow(j, _):
        def scan_chunk(c, carry):
            m, posc = carry
            x = cand_v[pl.ds(pl.multiple_of(c * L, L), L)]
            upd = x > m
            m = jnp.where(upd, x, m)
            posc = jnp.where(upd, jnp.broadcast_to(c, (L,)), posc)
            return (m, posc)

        m, posc = lax.fori_loop(0, ncch, scan_chunk,
                                (ninf16, jnp.zeros((L,), jnp.int32)))
        return finish_extract(j, m, posc)

    lax.cond(off <= FASTCH * L,
             lambda: lax.fori_loop(0, TOPK, extract_fast, 0),
             lambda: lax.fori_loop(0, TOPK, extract_slow, 0))

    for c in range(TOPK // L):
        top_v[pl.ds(c * L, L)] = top_v[pl.ds(c * L, L)] / TEMPERATURE
    v50 = plsc.load_gather(top_v, [jnp.broadcast_to(kidx, (L,))])
    m0 = plsc.load_gather(top_v, [jnp.zeros((L,), jnp.int32)])
    e = []
    zacc = jnp.zeros((L,), jnp.float32)
    for c in range(TOPK // L):
        vc = top_v[pl.ds(c * L, L)]
        ec = jnp.where(vc >= v50, jnp.exp(vc - m0), 0.0)
        e.append(ec)
        zacc = zacc + ec
    z = _bfly(zacc, jnp.add)
    carry = jnp.zeros((L,), jnp.float32)
    cnt = jnp.int32(0)
    for c in range(TOPK // L):
        pc = e[c] / z
        cs = plsc.cumsum(pc) + carry
        cnt = cnt + _popcount(cs <= TOP_P)
        carry = jnp.broadcast_to(cs[L - 1], (L,))
    kept = jnp.minimum(1 + cnt, TOPK)

    def phase_f(g, _):
        base = pl.multiple_of(g * (L * UA), L)
        for u in range(UA):
            row[pl.ds(base + u * L, L)] = ninf16
        return 0

    lax.fori_loop(0, NGRPA, phase_f, 0)
    for c in range(TOPK // L):
        cols = top_i[pl.ds(c * L, L)]
        vals = top_v[pl.ds(c * L, L)]
        plsc.store_scatter(row, [cols], vals, mask=(c * L + iota) < kept)
    pltpu.sync_copy(row, out_hbm.at[rowid])


def _sc_filter(logits, karr):
    info = plsc.get_sparse_core_info()
    nc, ns = info.num_cores, info.num_subcores
    nw = nc * ns
    rows_per = R // nw

    @functools.partial(
        pl.kernel,
        out_type=jax.ShapeDtypeStruct((R, V), jnp.float32),
        mesh=plsc.VectorSubcoreMesh(core_axis_name="c", subcore_axis_name="s"),
        compiler_params=pltpu.CompilerParams(needs_layout_passes=False),
        scratch_types=[
            pltpu.VMEM((V,), jnp.float32),
            pltpu.VMEM((CAP,), jnp.float32),
            pltpu.VMEM((CAP,), jnp.int32),
            pltpu.VMEM((TOPK,), jnp.float32),
            pltpu.VMEM((TOPK,), jnp.int32),
            pltpu.VMEM((L,), jnp.int32),
        ],
    )
    def k(logits_hbm, karr_hbm, out_hbm, row, cand_v, cand_i, top_v, top_i, kv):
        wid = lax.axis_index("s") * nc + lax.axis_index("c")
        pltpu.sync_copy(karr_hbm, kv)
        kidx = kv[pl.ds(0, L)][0] - 1
        for j in range(rows_per):
            _row_pipeline(wid * rows_per + j, logits_hbm, out_hbm, row,
                          cand_v, cand_i, top_v, top_i, kidx)

    return k(logits, karr)


def kernel(logits, k):
    kk = jnp.clip(jnp.asarray(k, jnp.int32), 1, jnp.int32(min(50, V)))
    karr = jnp.broadcast_to(kk, (L,))
    return _sc_filter(logits, karr)

# --- scband reference (transcript-rebuilt; emitter-appended) ---
"""Pipeline reference for scband-sampler-35502199669440 (READ-ONLY COPY).

The authoritative reference and input builder live on the scoring server;
editing this copy changes nothing except your own understanding.
"""

import jax, jax.numpy as jnp
import numpy as np

TEMPERATURE = 0.8
TOP_P = 0.9
FILTER_VALUE = -jnp.inf


def top_k_filter(logits, k):
    vocab = logits.shape[-1]
    k_static = min(50, vocab)
    top_k_vals, _ = jax.lax.top_k(logits, k_static)
    idx = jnp.clip(jnp.asarray(k, jnp.int32), 1, k_static) - 1
    idx = jnp.broadcast_to(idx, top_k_vals.shape[:-1] + (1,))
    thresh = jnp.take_along_axis(top_k_vals, idx, axis=-1)
    keep_mask = logits >= thresh
    return jnp.where(keep_mask, logits, FILTER_VALUE)


def top_p_filter(logits, p, min_tokens_to_keep=1):
    # descending sort
    sorted_idx = jnp.argsort(-logits, axis=-1)
    sorted_logits = jnp.take_along_axis(logits, sorted_idx, axis=-1)
    m = sorted_logits[..., :1]
    probs_sorted = jax.nn.softmax(sorted_logits - m, axis=-1)
    cdf = jnp.cumsum(probs_sorted, axis=-1)
    to_remove_sorted = cdf > p
    to_remove_sorted = jnp.roll(to_remove_sorted, shift=1, axis=-1)
    to_remove_sorted = to_remove_sorted.at[..., 0].set(False)
    if min_tokens_to_keep > 1:
        to_remove_sorted = to_remove_sorted.at[..., :min_tokens_to_keep].set(False)
    b = logits.shape[0]
    rows = jnp.arange(b)[:, None]
    to_remove = jnp.zeros(logits.shape, dtype=bool).at[rows, sorted_idx].set(to_remove_sorted)
    return jnp.where(to_remove, FILTER_VALUE, logits)


def setup_inputs(seed: int = 0) -> dict:
    key = jax.random.key(seed)
    logits = jax.random.normal(key, (64, 100000), dtype=jnp.float32)
    return {"logits": logits, "k": 50}


def reference(logits, k):
    logits = logits / TEMPERATURE
    logits = top_k_filter(logits, k)
    logits = top_p_filter(logits, TOP_P)
    return logits

if __name__ == "__main__":
    import jax
    _d = setup_inputs()
    print(jax.jit(kernel)(*tuple(_d.values())))

</pallas_src>

<mosaic_0001>
#map = affine_map<(d0, d1) -> (0, 0)>
#map1 = affine_map<(d0, d1) -> (0)>
module attributes {stable_mosaic.version = 14 : i64} {
  func.func @k(%arg0: i32, %arg1: i32, %arg2: memref<64x100000xf32, #tpu.memory_space<hbm>>, %arg3: memref<16xi32, #tpu.memory_space<hbm>>, %arg4: memref<64x100000xf32, #tpu.memory_space<hbm>>, %arg5: memref<100000xf32, #tpu.memory_space<vmem>>, %arg6: memref<4096xf32, #tpu.memory_space<vmem>>, %arg7: memref<4096xi32, #tpu.memory_space<vmem>>, %arg8: memref<64xf32, #tpu.memory_space<vmem>>, %arg9: memref<64xi32, #tpu.memory_space<vmem>>, %arg10: memref<16xi32, #tpu.memory_space<vmem>>) attributes {dimension_semantics = [#tpu.dimension_semantics<core_parallel>, #tpu.dimension_semantics<subcore_parallel>], iteration_bounds = array<i64: 2, 16>, scalar_prefetch = 0 : i64, scratch_operands = 6 : i64, tpu.core_type = #tpu.core_type<sc_vector_subcore>, window_params = [{transform_indices = #map}, {transform_indices = #map1}, {transform_indices = #map}]} {
    %mul3A = arith.constant 2 : i32
    %mul3A_0 = arith.muli %arg1, %mul3A : i32
    %add3A = arith.addi %mul3A_0, %arg0 : i32
    "tpu.region"() ({
      %run_scoped3A = tpu.sem_alloc : memref<!tpu.dma_semaphore, #tpu.memory_space<semaphore_mem>>
      tpu.enqueue_dma source(%arg3 : memref<16xi32, #tpu.memory_space<hbm>>) target(%arg10 : memref<16xi32, #tpu.memory_space<vmem>>) target_semaphore(%run_scoped3A : memref<!tpu.dma_semaphore, #tpu.memory_space<semaphore_mem>>)
      tpu.wait_dma2 semaphore(%run_scoped3A : memref<!tpu.dma_semaphore, #tpu.memory_space<semaphore_mem>>) src(%arg3 : memref<16xi32, #tpu.memory_space<hbm>>) dst(%arg10 : memref<16xi32, #tpu.memory_space<vmem>>)
      tpu.yield
    }) : () -> ()
    %get3A = arith.constant 0 : index
    %get3A_1 = tpu.vector_load %arg10[%get3A] {strides = array<i32>} : memref<16xi32, #tpu.memory_space<vmem>>, vector<16xi32>,
    %slice3A = vector.extract_strided_slice %get3A_1 {offsets = [0], sizes = [1], strides = [1]} : vector<16xi32> to vector<1xi32>
    %squeeze3A = vector.extract %slice3A[0] : i32 from vector<1xi32>
    %sub3A = arith.constant 1 : i32
    %sub3A_2 = arith.subi %squeeze3A, %sub3A : i32
    %mul3A_3 = arith.constant 2 : i32
    %mul3A_4 = arith.muli %add3A, %mul3A_3 : i32
    %add3A_5 = arith.constant 0 : i32
    %add3A_6 = arith.addi %mul3A_4, %add3A_5 : i32
    %iota3A = tpu.iota {dimensions = array<i32: 0>} : vector<16xi32>
    "tpu.region"() ({
      %run_scoped3A = tpu.sem_alloc : memref<!tpu.dma_semaphore, #tpu.memory_space<semaphore_mem>>
      %dma_start3A = arith.constant 0 : i32
      %dma_start3A_821 = tpu.memref_slice %arg2[%add3A_6, %dma_start3A] : memref<64x100000xf32, #tpu.memory_space<hbm>> -> memref<1x100000xf32, #tpu.memory_space<hbm>>
      %dma_start3A_822 = tpu.memref_squeeze %dma_start3A_821 : memref<1x100000xf32, #tpu.memory_space<hbm>> -> memref<100000xf32, #tpu.memory_space<hbm>>
      %dma_start3A_823 = arith.constant 0 : i32
      %dma_start3A_824 = tpu.memref_slice %arg2[%add3A_6, %dma_start3A_823] : memref<64x100000xf32, #tpu.memory_space<hbm>> -> memref<1x100000xf32, #tpu.memory_space<hbm>>
      %dma_start3A_825 = tpu.memref_squeeze %dma_start3A_824 : memref<1x100000xf32, #tpu.memory_space<hbm>> -> memref<100000xf32, #tpu.memory_space<hbm>>
      tpu.enqueue_dma source(%dma_start3A_825 : memref<100000xf32, #tpu.memory_space<hbm>>) target(%arg5 : memref<100000xf32, #tpu.memory_space<vmem>>) target_semaphore(%run_scoped3A : memref<!tpu.dma_semaphore, #tpu.memory_space<semaphore_mem>>)
      %dma_wait3A = arith.constant 0 : i32
      %dma_wait3A_826 = tpu.memref_slice %arg2[%add3A_6, %dma_wait3A] : memref<64x100000xf32, #tpu.memory_space<hbm>> -> memref<1x100000xf32, #tpu.memory_space<hbm>>
      %dma_wait3A_827 = tpu.memref_squeeze %dma_wait3A_826 : memref<1x100000xf32, #tpu.memory_space<hbm>> -> memref<100000xf32, #tpu.memory_space<hbm>>
      %dma_wait3A_828 = arith.constant 0 : i32
      %dma_wait3A_829 = tpu.memref_slice %arg2[%add3A_6, %dma_wait3A_828] : memref<64x100000xf32, #tpu.memory_space<hbm>> -> memref<1x100000xf32, #tpu.memory_space<hbm>>
      %dma_wait3A_830 = tpu.memref_squeeze %dma_wait3A_829 : memref<1x100000xf32, #tpu.memory_space<hbm>> -> memref<100000xf32, #tpu.memory_space<hbm>>
      tpu.wait_dma2 semaphore(%run_scoped3A : memref<!tpu.dma_semaphore, #tpu.memory_space<semaphore_mem>>) src(%dma_wait3A_830 : memref<100000xf32, #tpu.memory_space<hbm>>) dst(%arg5 : memref<100000xf32, #tpu.memory_space<vmem>>)
      tpu.yield
    }) : () -> ()
    %broadcast_in_dim3A = arith.constant 0xFF800000 : f32
    %broadcast_in_dim3A_7 = vector.broadcast %broadcast_in_dim3A : f32 to vector<16xf32>
    %scan3A = arith.constant 0 : i32
    %scan3A_8 = arith.constant 250 : i32
    %scan3A_9 = arith.addi %scan3A, %scan3A_8 : i32
    %scan3A_10 = arith.constant 1 : i32
    %scan3A_11:4 = scf.for %scan3A_821 = %scan3A to %scan3A_9 step %scan3A_10 iter_args(%scan3A_822 = %broadcast_in_dim3A_7, %scan3A_823 = %broadcast_in_dim3A_7, %scan3A_824 = %broadcast_in_dim3A_7, %scan3A_825 = %broadcast_in_dim3A_7) -> (vector<16xf32>, vector<16xf32>, vector<16xf32>, vector<16xf32>)  : i32 {
      %mul3A_826 = arith.constant 400 : i32
      %mul3A_827 = arith.muli %scan3A_821, %mul3A_826 : i32
      %multiple_of3A = tpu.assume_multiple %mul3A_827, 16 : i32
      %add3A_828 = arith.constant 0 : i32
      %add3A_829 = arith.addi %multiple_of3A, %add3A_828 : i32
      %get3A_830 = arith.index_cast %add3A_829 : i32 to index
      %get3A_831 = tpu.vector_load %arg5[%get3A_830] {strides = array<i32>} : memref<100000xf32, #tpu.memory_space<vmem>>, vector<16xf32>,
      %max3A = arith.maximumf %scan3A_822, %get3A_831 : vector<16xf32>
      %min3A_832 = arith.minimumf %scan3A_822, %get3A_831 : vector<16xf32>
      %max3A_833 = arith.maximumf %scan3A_823, %min3A_832 : vector<16xf32>
      %add3A_834 = arith.constant 16 : i32
      %add3A_835 = arith.addi %multiple_of3A, %add3A_834 : i32
      %get3A_836 = arith.index_cast %add3A_835 : i32 to index
      %get3A_837 = tpu.vector_load %arg5[%get3A_836] {strides = array<i32>} : memref<100000xf32, #tpu.memory_space<vmem>>, vector<16xf32>,
      %max3A_838 = arith.maximumf %scan3A_824, %get3A_837 : vector<16xf32>
      %min3A_839 = arith.minimumf %scan3A_824, %get3A_837 : vector<16xf32>
      %max3A_840 = arith.maximumf %scan3A_825, %min3A_839 : vector<16xf32>
      %add3A_841 = arith.constant 32 : i32
      %add3A_842 = arith.addi %multiple_of3A, %add3A_841 : i32
      %get3A_843 = arith.index_cast %add3A_842 : i32 to index
      %get3A_844 = tpu.vector_load %arg5[%get3A_843] {strides = array<i32>} : memref<100000xf32, #tpu.memory_space<vmem>>, vector<16xf32>,
      %max3A_845 = arith.maximumf %max3A, %get3A_844 : vector<16xf32>
      %min3A_846 = arith.minimumf %max3A, %get3A_844 : vector<16xf32>
      %max3A_847 = arith.maximumf %max3A_833, %min3A_846 : vector<16xf32>
      %add3A_848 = arith.constant 48 : i32
      %add3A_849 = arith.addi %multiple_of3A, %add3A_848 : i32
      %get3A_850 = arith.index_cast %add3A_849 : i32 to index
      %get3A_851 = tpu.vector_load %arg5[%get3A_850] {strides = array<i32>} : memref<100000xf32, #tpu.memory_space<vmem>>, vector<16xf32>,
      %max3A_852 = arith.maximumf %max3A_838, %get3A_851 : vector<16xf32>
      %min3A_853 = arith.minimumf %max3A_838, %get3A_851 : vector<16xf32>
      %max3A_854 = arith.maximumf %max3A_840, %min3A_853 : vector<16xf32>
      %add3A_855 = arith.constant 64 : i32
      %add3A_856 = arith.addi %multiple_of3A, %add3A_855 : i32
      %get3A_857 = arith.index_cast %add3A_856 : i32 to index
      %get3A_858 = tpu.vector_load %arg5[%get3A_857] {strides = array<i32>} : memref<100000xf32, #tpu.memory_space<vmem>>, vector<16xf32>,
      %max3A_859 = arith.maximumf %max3A_845, %get3A_858 : vector<16xf32>
      %min3A_860 = arith.minimumf %max3A_845, %get3A_858 : vector<16xf32>
      %max3A_861 = arith.maximumf %max3A_847, %min3A_860 : vector<16xf32>
      %add3A_862 = arith.constant 80 : i32
      %add3A_863 = arith.addi %multiple_of3A, %add3A_862 : i32
      %get3A_864 = arith.index_cast %add3A_863 : i32 to index
      %get3A_865 = tpu.vector_load %arg5[%get3A_864] {strides = array<i32>} : memref<100000xf32, #tpu.memory_space<vmem>>, vector<16xf32>,
      %max3A_866 = arith.maximumf %max3A_852, %get3A_865 : vector<16xf32>
      %min3A_867 = arith.minimumf %max3A_852, %get3A_865 : vector<16xf32>
      %max3A_868 = arith.maximumf %max3A_854, %min3A_867 : vector<16xf32>
      %add3A_869 = arith.constant 96 : i32
      %add3A_870 = arith.addi %multiple_of3A, %add3A_869 : i32
      %get3A_871 = arith.index_cast %add3A_870 : i32 to index
      %get3A_872 = tpu.vector_load %arg5[%get3A_871] {strides = array<i32>} : memref<100000xf32, #tpu.memory_space<vmem>>, vector<16xf32>,
      %max3A_873 = arith.maximumf %max3A_859, %get3A_872 : vector<16xf32>
      %min3A_874 = arith.minimumf %max3A_859, %get3A_872 : vector<16xf32>
      %max3A_875 = arith.maximumf %max3A_861, %min3A_874 : vector<16xf32>
      %add3A_876 = arith.constant 112 : i32
      %add3A_877 = arith.addi %multiple_of3A, %add3A_876 : i32
      %get3A_878 = arith.index_cast %add3A_877 : i32 to index
      %get3A_879 = tpu.vector_load %arg5[%get3A_878] {strides = array<i32>} : memref<100000xf32, #tpu.memory_space<vmem>>, vector<16xf32>,
      %max3A_880 = arith.maximumf %max3A_866, %get3A_879 : vector<16xf32>
      %min3A_881 = arith.minimumf %max3A_866, %get3A_879 : vector<16xf32>
      %max3A_882 = arith.maximumf %max3A_868, %min3A_881 : vector<16xf32>
      %add3A_883 = arith.constant 128 : i32
      %add3A_884 = arith.addi %multiple_of3A, %add3A_883 : i32
      %get3A_885 = arith.index_cast %add3A_884 : i32 to index
      %get3A_886 = tpu.vector_load %arg5[%get3A_885] {strides = array<i32>} : memref<100000xf32, #tpu.memory_space<vmem>>, vector<16xf32>,
      %max3A_887 = arith.maximumf %max3A_873, %get3A_886 : vector<16xf32>
      %min3A_888 = arith.minimumf %max3A_873, %get3A_886 : vector<16xf32>
      %max3A_889 = arith.maximumf %max3A_875, %min3A_888 : vector<16xf32>
      %add3A_890 = arith.constant 144 : i32
      %add3A_891 = arith.addi %multiple_of3A, %add3A_890 : i32
      %get3A_892 = arith.index_cast %add3A_891 : i32 to index
      %get3A_893 = tpu.vector_load %arg5[%get3A_892] {strides = array<i32>} : memref<100000xf32, #tpu.memory_space<vmem>>, vector<16xf32>,
      %max3A_894 = arith.maximumf %max3A_880, %get3A_893 : vector<16xf32>
      %min3A_895 = arith.minimumf %max3A_880, %get3A_893 : vector<16xf32>
      %max3A_896 = arith.maximumf %max3A_882, %min3A_895 : vector<16xf32>
      %add3A_897 = arith.constant 160 : i32
      %add3A_898 = arith.addi %multiple_of3A, %add3A_897 : i32
      %get3A_899 = arith.index_cast %add3A_898 : i32 to index
      %get3A_900 = tpu.vector_load %arg5[%get3A_899] {strides = array<i32>} : memref<100000xf32, #tpu.memory_space<vmem>>, vector<16xf32>,
      %max3A_901 = arith.maximumf %max3A_887, %get3A_900 : vector<16xf32>
      %min3A_902 = arith.minimumf %max3A_887, %get3A_900 : vector<16xf32>
      %max3A_903 = arith.maximumf %max3A_889, %min3A_902 : vector<16xf32>
      %add3A_904 = arith.constant 176 : i32
      %add3A_905 = arith.addi %multiple_of3A, %add3A_904 : i32
      %get3A_906 = arith.index_cast %add3A_905 : i32 to index
      %get3A_907 = tpu.vector_load %arg5[%get3A_906] {strides = array<i32>} : memref<100000xf32, #tpu.memory_space<vmem>>, vector<16xf32>,
      %max3A_908 = arith.maximumf %max3A_894, %get3A_907 : vector<16xf32>
      %min3A_909 = arith.minimumf %max3A_894, %get3A_907 : vector<16xf32>
      %max3A_910 = arith.maximumf %max3A_896, %min3A_909 : vector<16xf32>
      %add3A_911 = arith.constant 192 : i32
      %add3A_912 = arith.addi %multiple_of3A, %add3A_911 : i32
      %get3A_913 = arith.index_cast %add3A_912 : i32 to index
      %get3A_914 = tpu.vector_load %arg5[%get3A_913] {strides = array<i32>} : memref<100000xf32, #tpu.memory_space<vmem>>, vector<16xf32>,
      %max3A_915 = arith.maximumf %max3A_901, %get3A_914 : vector<16xf32>
      %min3A_916 = arith.minimumf %max3A_901, %get3A_914 : vector<16xf32>
      %max3A_917 = arith.maximumf %max3A_903, %min3A_916 : vector<16xf32>
      %add3A_918 = arith.constant 208 : i32
      %add3A_919 = arith.addi %multiple_of3A, %add3A_918 : i32
      %get3A_920 = arith.index_cast %add3A_919 : i32 to index
      %get3A_921 = tpu.vector_load %arg5[%get3A_920] {strides = array<i32>} : memref<100000xf32, #tpu.memory_space<vmem>>, vector<16xf32>,
      %max3A_922 = arith.maximumf %max3A_908, %get3A_921 : vector<16xf32>
      %min3A_923 = arith.minimumf %max3A_908, %get3A_921 : vector<16xf32>
      %max3A_924 = arith.maximumf %max3A_910, %min3A_923 : vector<16xf32>
      %add3A_925 = arith.constant 224 : i32
      %add3A_926 = arith.addi %multiple_of3A, %add3A_925 : i32
      %get3A_927 = arith.index_cast %add3A_926 : i32 to index
      %get3A_928 = tpu.vector_load %arg5[%get3A_927] {strides = array<i32>} : memref<100000xf32, #tpu.memory_space<vmem>>, vector<16xf32>,
      %max3A_929 = arith.maximumf %max3A_915, %get3A_928 : vector<16xf32>
      %min3A_930 = arith.minimumf %max3A_915, %get3A_928 : vector<16xf32>
      %max3A_931 = arith.maximumf %max3A_917, %min3A_930 : vector<16xf32>
      %add3A_932 = arith.constant 240 : i32
      %add3A_933 = arith.addi %multiple_of3A, %add3A_932 : i32
      %get3A_934 = arith.index_cast %add3A_933 : i32 to index
      %get3A_935 = tpu.vector_load %arg5[%get3A_934] {strides = array<i32>} : memref<100000xf32, #tpu.memory_space<vmem>>, vector<16xf32>,
      %max3A_936 = arith.maximumf %max3A_922, %get3A_935 : vector<16xf32>
      %min3A_937 = arith.minimumf %max3A_922, %get3A_935 : vector<16xf32>
      %max3A_938 = arith.maximumf %max3A_924, %min3A_937 : vector<16xf32>
      %add3A_939 = arith.constant 256 : i32
      %add3A_940 = arith.addi %multiple_of3A, %add3A_939 : i32
      %get3A_941 = arith.index_cast %add3A_940 : i32 to index
      %get3A_942 = tpu.vector_load %arg5[%get3A_941] {strides = array<i32>} : memref<100000xf32, #tpu.memory_space<vmem>>, vector<16xf32>,
      %max3A_943 = arith.maximumf %max3A_929, %get3A_942 : vector<16xf32>
      %min3A_944 = arith.minimumf %max3A_929, %get3A_942 : vector<16xf32>
      %max3A_945 = arith.maximumf %max3A_931, %min3A_944 : vector<16xf32>
      %add3A_946 = arith.constant 272 : i32
      %add3A_947 = arith.addi %multiple_of3A, %add3A_946 : i32
      %get3A_948 = arith.index_cast %add3A_947 : i32 to index
      %get3A_949 = tpu.vector_load %arg5[%get3A_948] {strides = array<i32>} : memref<100000xf32, #tpu.memory_space<vmem>>, vector<16xf32>,
      %max3A_950 = arith.maximumf %max3A_936, %get3A_949 : vector<16xf32>
      %min3A_951 = arith.minimumf %max3A_936, %get3A_949 : vector<16xf32>
      %max3A_952 = arith.maximumf %max3A_938, %min3A_951 : vector<16xf32>
      %add3A_953 = arith.constant 288 : i32
      %add3A_954 = arith.addi %multiple_of3A, %add3A_953 : i32
      %get3A_955 = arith.index_cast %add3A_954 : i32 to index
      %get3A_956 = tpu.vector_load %arg5[%get3A_955] {strides = array<i32>} : memref<100000xf32, #tpu.memory_space<vmem>>, vector<16xf32>,
      %max3A_957 = arith.maximumf %max3A_943, %get3A_956 : vector<16xf32>
      %min3A_958 = arith.minimumf %max3A_943, %get3A_956 : vector<16xf32>
      %max3A_959 = arith.maximumf %max3A_945, %min3A_958 : vector<16xf32>
      %add3A_960 = arith.constant 304 : i32
      %add3A_961 = arith.addi %multiple_of3A, %add3A_960 : i32
      %get3A_962 = arith.index_cast %add3A_961 : i32 to index
      %get3A_963 = tpu.vector_load %arg5[%get3A_962] {strides = array<i32>} : memref<100000xf32, #tpu.memory_space<vmem>>, vector<16xf32>,
      %max3A_964 = arith.maximumf %max3A_950, %get3A_963 : vector<16xf32>
      %min3A_965 = arith.minimumf %max3A_950, %get3A_963 : vector<16xf32>
      %max3A_966 = arith.maximumf %max3A_952, %min3A_965 : vector<16xf32>
      %add3A_967 = arith.constant 320 : i32
      %add3A_968 = arith.addi %multiple_of3A, %add3A_967 : i32
      %get3A_969 = arith.index_cast %add3A_968 : i32 to index
      %get3A_970 = tpu.vector_load %arg5[%get3A_969] {strides = array<i32>} : memref<100000xf32, #tpu.memory_space<vmem>>, vector<16xf32>,
      %max3A_971 = arith.maximumf %max3A_957, %get3A_970 : vector<16xf32>
      %min3A_972 = arith.minimumf %max3A_957, %get3A_970 : vector<16xf32>
      %max3A_973 = arith.maximumf %max3A_959, %min3A_972 : vector<16xf32>
      %add3A_974 = arith.constant 336 : i32
      %add3A_975 = arith.addi %multiple_of3A, %add3A_974 : i32
      %get3A_976 = arith.index_cast %add3A_975 : i32 to index
      %get3A_977 = tpu.vector_load %arg5[%get3A_976] {strides = array<i32>} : memref<100000xf32, #tpu.memory_space<vmem>>, vector<16xf32>,
      %max3A_978 = arith.maximumf %max3A_964, %get3A_977 : vector<16xf32>
      %min3A_979 = arith.minimumf %max3A_964, %get3A_977 : vector<16xf32>
      %max3A_980 = arith.maximumf %max3A_966, %min3A_979 : vector<16xf32>
      %add3A_981 = arith.constant 352 : i32
      %add3A_982 = arith.addi %multiple_of3A, %add3A_981 : i32
      %get3A_983 = arith.index_cast %add3A_982 : i32 to index
      %get3A_984 = tpu.vector_load %arg5[%get3A_983] {strides = array<i32>} : memref<100000xf32, #tpu.memory_space<vmem>>, vector<16xf32>,
      %max3A_985 = arith.maximumf %max3A_971, %get3A_984 : vector<16xf32>
      %min3A_986 = arith.minimumf %max3A_971, %get3A_984 : vector<16xf32>
      %max3A_987 = arith.maximumf %max3A_973, %min3A_986 : vector<16xf32>
      %add3A_988 = arith.constant 368 : i32
      %add3A_989 = arith.addi %multiple_of3A, %add3A_988 : i32
      %get3A_990 = arith.index_cast %add3A_989 : i32 to index
      %get3A_991 = tpu.vector_load %arg5[%get3A_990] {strides = array<i32>} : memref<100000xf32, #tpu.memory_space<vmem>>, vector<16xf32>,
      %max3A_992 = arith.maximumf %max3A_978, %get3A_991 : vector<16xf32>
      %min3A_993 = arith.minimumf %max3A_978, %get3A_991 : vector<16xf32>
      %max3A_994 = arith.maximumf %max3A_980, %min3A_993 : vector<16xf32>
      %add3A_995 = arith.constant 384 : i32
      %add3A_996 = arith.addi %multiple_of3A, %add3A_995 : i32
      %get3A_997 = arith.index_cast %add3A_996 : i32 to index
      %get3A_998 = tpu.vector_load %arg5[%get3A_997] {strides = array<i32>} : memref<100000xf32, #tpu.memory_space<vmem>>, vector<16xf32>,
      %max3A_999 = arith.maximumf %max3A_985, %get3A_998 : vector<16xf32>
      %min3A_1000 = arith.minimumf %max3A_985, %get3A_998 : vector<16xf32>
      %max3A_1001 = arith.maximumf %max3A_987, %min3A_1000 : vector<16xf32>
      scf.yield %max3A_999, %max3A_1001, %max3A_992, %max3A_994 : vector<16xf32>, vector<16xf32>, vector<16xf32>, vector<16xf32>
    }
    %scan3A_12 = arith.constant 250 : i32
    %min3A = arith.minimumf %scan3A_11#1, %scan3A_11#3 : vector<16xf32>
    %iota3A_13 = tpu.iota {dimensions = array<i32: 0>} : vector<16xi32>
    %xor3A = arith.constant 1 : i32
    %xor3A_14 = vector.broadcast %xor3A : i32 to vector<16xi32>
    %xor3A_15 = arith.xori %iota3A_13, %xor3A_14 : vector<16xi32>
    %broadcast_in_dim3A_16 = vector.shape_cast %xor3A_15 : vector<16xi32> to vector<16x1xi32>
    %gather3A = vector.shape_cast %broadcast_in_dim3A_16 : vector<16x1xi32> to vector<16xi32>
    %gather3A_17 = tpu.dynamic_gather %min3A[%gather3A] in [0] : vector<16xf32>, vector<16xi32> -> vector<16xf32>
    %min3A_18 = arith.minimumf %min3A, %gather3A_17 : vector<16xf32>
    %xor3A_19 = arith.constant 2 : i32
    %xor3A_20 = vector.broadcast %xor3A_19 : i32 to vector<16xi32>
    %xor3A_21 = arith.xori %iota3A_13, %xor3A_20 : vector<16xi32>
    %broadcast_in_dim3A_22 = vector.shape_cast %xor3A_21 : vector<16xi32> to vector<16x1xi32>
    %gather3A_23 = vector.shape_cast %broadcast_in_dim3A_22 : vector<16x1xi32> to vector<16xi32>
    %gather3A_24 = tpu.dynamic_gather %min3A_18[%gather3A_23] in [0] : vector<16xf32>, vector<16xi32> -> vector<16xf32>
    %min3A_25 = arith.minimumf %min3A_18, %gather3A_24 : vector<16xf32>
    %xor3A_26 = arith.constant 4 : i32
    %xor3A_27 = vector.broadcast %xor3A_26 : i32 to vector<16xi32>
    %xor3A_28 = arith.xori %iota3A_13, %xor3A_27 : vector<16xi32>
    %broadcast_in_dim3A_29 = vector.shape_cast %xor3A_28 : vector<16xi32> to vector<16x1xi32>
    %gather3A_30 = vector.shape_cast %broadcast_in_dim3A_29 : vector<16x1xi32> to vector<16xi32>
    %gather3A_31 = tpu.dynamic_gather %min3A_25[%gather3A_30] in [0] : vector<16xf32>, vector<16xi32> -> vector<16xf32>
    %min3A_32 = arith.minimumf %min3A_25, %gather3A_31 : vector<16xf32>
    %xor3A_33 = arith.constant 8 : i32
    %xor3A_34 = vector.broadcast %xor3A_33 : i32 to vector<16xi32>
    %xor3A_35 = arith.xori %iota3A_13, %xor3A_34 : vector<16xi32>
    %broadcast_in_dim3A_36 = vector.shape_cast %xor3A_35 : vector<16xi32> to vector<16x1xi32>
    %gather3A_37 = vector.shape_cast %broadcast_in_dim3A_36 : vector<16x1xi32> to vector<16xi32>
    %gather3A_38 = tpu.dynamic_gather %min3A_32[%gather3A_37] in [0] : vector<16xf32>, vector<16xi32> -> vector<16xf32>
    %min3A_39 = arith.minimumf %min3A_32, %gather3A_38 : vector<16xf32>
    %scan3A_40 = arith.constant 0 : i32
    %scan3A_41 = arith.constant 0 : i32
    %scan3A_42 = arith.constant 256 : i32
    %scan3A_43 = arith.addi %scan3A_41, %scan3A_42 : i32
    %scan3A_44 = arith.constant 1 : i32
    %scan3A_45 = scf.for %scan3A_821 = %scan3A_41 to %scan3A_43 step %scan3A_44 iter_args(%scan3A_822 = %scan3A_40) -> (i32)  : i32 {
      %mul3A_823 = arith.constant 16 : i32
      %mul3A_824 = arith.muli %scan3A_821, %mul3A_823 : i32
      %multiple_of3A = tpu.assume_multiple %mul3A_824, 16 : i32
      %swap3A_825 = arith.index_cast %multiple_of3A : i32 to index
      %swap3A_826 = tpu.vector_load %arg6[%swap3A_825] {strides = array<i32>} : memref<4096xf32, #tpu.memory_space<vmem>>, vector<16xf32>,
      tpu.vector_store %arg6[%swap3A_825], %broadcast_in_dim3A_7 {strides = array<i32>} : memref<4096xf32, #tpu.memory_space<vmem>>, vector<16xf32>,
      %scan3A_827 = arith.constant 0 : i32
      scf.yield %scan3A_827 : i32
    }
    %scan3A_46 = arith.constant 256 : i32
    %scan3A_47 = arith.constant 0 : i32
    %scan3A_48 = arith.constant 0 : i32
    %scan3A_49 = arith.constant 1250 : i32
    %scan3A_50 = arith.addi %scan3A_48, %scan3A_49 : i32
    %scan3A_51 = arith.constant 1 : i32
    %scan3A_52 = scf.for %scan3A_821 = %scan3A_48 to %scan3A_50 step %scan3A_51 iter_args(%scan3A_822 = %scan3A_47) -> (i32)  : i32 {
      %mul3A_823 = arith.constant 80 : i32
      %mul3A_824 = arith.muli %scan3A_821, %mul3A_823 : i32
      %multiple_of3A = tpu.assume_multiple %mul3A_824, 16 : i32
      %add3A_825 = arith.constant 0 : i32
      %add3A_826 = arith.addi %multiple_of3A, %add3A_825 : i32
      %get3A_827 = arith.index_cast %add3A_826 : i32 to index
      %get3A_828 = tpu.vector_load %arg5[%get3A_827] {strides = array<i32>} : memref<100000xf32, #tpu.memory_space<vmem>>, vector<16xf32>,
      %add3A_829 = arith.constant 16 : i32
      %add3A_830 = arith.addi %multiple_of3A, %add3A_829 : i32
      %get3A_831 = arith.index_cast %add3A_830 : i32 to index
      %get3A_832 = tpu.vector_load %arg5[%get3A_831] {strides = array<i32>} : memref<100000xf32, #tpu.memory_space<vmem>>, vector<16xf32>,
      %add3A_833 = arith.constant 32 : i32
      %add3A_834 = arith.addi %multiple_of3A, %add3A_833 : i32
      %get3A_835 = arith.index_cast %add3A_834 : i32 to index
      %get3A_836 = tpu.vector_load %arg5[%get3A_835] {strides = array<i32>} : memref<100000xf32, #tpu.memory_space<vmem>>, vector<16xf32>,
      %add3A_837 = arith.constant 48 : i32
      %add3A_838 = arith.addi %multiple_of3A, %add3A_837 : i32
      %get3A_839 = arith.index_cast %add3A_838 : i32 to index
      %get3A_840 = tpu.vector_load %arg5[%get3A_839] {strides = array<i32>} : memref<100000xf32, #tpu.memory_space<vmem>>, vector<16xf32>,
      %add3A_841 = arith.constant 64 : i32
      %add3A_842 = arith.addi %multiple_of3A, %add3A_841 : i32
      %get3A_843 = arith.index_cast %add3A_842 : i32 to index
      %get3A_844 = tpu.vector_load %arg5[%get3A_843] {strides = array<i32>} : memref<100000xf32, #tpu.memory_space<vmem>>, vector<16xf32>,
      %ge3A_845 = arith.cmpf oge, %get3A_828, %min3A_39 : vector<16xf32>
      %ge3A_846 = arith.cmpf oge, %get3A_832, %min3A_39 : vector<16xf32>
      %ge3A_847 = arith.cmpf oge, %get3A_836, %min3A_39 : vector<16xf32>
      %ge3A_848 = arith.cmpf oge, %get3A_840, %min3A_39 : vector<16xf32>
      %ge3A_849 = arith.cmpf oge, %get3A_844, %min3A_39 : vector<16xf32>
      %or3A = arith.ori %ge3A_845, %ge3A_846 : vector<16xi1>
      %or3A_850 = arith.ori %ge3A_847, %ge3A_848 : vector<16xi1>
      %or3A_851 = arith.ori %or3A, %or3A_850 : vector<16xi1>
      %or3A_852 = arith.ori %or3A_851, %ge3A_849 : vector<16xi1>
      %reduce_or3A = arith.constant 1.000000e+00 : f32
      %reduce_or3A_853 = arith.constant 0.000000e+00 : f32
      %reduce_or3A_854 = vector.broadcast %reduce_or3A : f32 to vector<16xf32>
      %reduce_or3A_855 = vector.broadcast %reduce_or3A_853 : f32 to vector<16xf32>
      %reduce_or3A_856 = arith.select %or3A_852, %reduce_or3A_854, %reduce_or3A_855 : vector<16xi1>, vector<16xf32>
      %reduce_or3A_857 = arith.constant true
      %reduce_or3A_858 = vector.broadcast %reduce_or3A_857 : i1 to vector<16xi1>
      %reduce_or3A_859 = tpu.scan <max>, %reduce_or3A_856 masked %reduce_or3A_858 : vector<16xf32>, vector<16xi1> -> vector<16xf32>
      %reduce_or3A_860 = vector.extract %reduce_or3A_859[15] : f32 from vector<16xf32>
      %reduce_or3A_861 = arith.constant 0.000000e+00 : f32
      %reduce_or3A_862 = arith.cmpf ogt, %reduce_or3A_860, %reduce_or3A_861 : f32
      %convert_element_type3A_863 = arith.extui %reduce_or3A_862 : i1 to i32
      %cond3A_864 = arith.constant 0 : i32
      %cond3A_865 = arith.cmpi ne, %convert_element_type3A_863, %cond3A_864 : i32
      %cond3A_866 = scf.if %cond3A_865 -> (i32) {
        %reduce_or3A_867 = arith.constant 1.000000e+00 : f32
        %reduce_or3A_868 = arith.constant 0.000000e+00 : f32
        %reduce_or3A_869 = vector.broadcast %reduce_or3A_867 : f32 to vector<16xf32>
        %reduce_or3A_870 = vector.broadcast %reduce_or3A_868 : f32 to vector<16xf32>
        %reduce_or3A_871 = arith.select %ge3A_845, %reduce_or3A_869, %reduce_or3A_870 : vector<16xi1>, vector<16xf32>
        %reduce_or3A_872 = arith.constant true
        %reduce_or3A_873 = vector.broadcast %reduce_or3A_872 : i1 to vector<16xi1>
        %reduce_or3A_874 = tpu.scan <max>, %reduce_or3A_871 masked %reduce_or3A_873 : vector<16xf32>, vector<16xi1> -> vector<16xf32>
        %reduce_or3A_875 = vector.extract %reduce_or3A_874[15] : f32 from vector<16xf32>
        %reduce_or3A_876 = arith.constant 0.000000e+00 : f32
        %reduce_or3A_877 = arith.cmpf ogt, %reduce_or3A_875, %reduce_or3A_876 : f32
        %convert_element_type3A_878 = arith.extui %reduce_or3A_877 : i1 to i32
        %cond3A_879 = arith.constant 0 : i32
        %cond3A_880 = arith.cmpi ne, %convert_element_type3A_878, %cond3A_879 : i32
        %cond3A_881 = scf.if %cond3A_880 -> (i32) {
          %convert_element_type3A_942 = arith.extui %ge3A_845 : vector<16xi1> to vector<16xi32>
          %broadcast_in_dim3A_943 = arith.constant true
          %broadcast_in_dim3A_944 = vector.broadcast %broadcast_in_dim3A_943 : i1 to vector<16xi1>
          %masked_cumsum3A_945 = tpu.scan <sum>, %convert_element_type3A_942 masked %broadcast_in_dim3A_944 : vector<16xi32>, vector<16xi1> -> vector<16xi32>
          %sub3A_946 = arith.subi %masked_cumsum3A_945, %convert_element_type3A_942 : vector<16xi32>
          %broadcast_in_dim3A_947 = vector.broadcast %scan3A_822 : i32 to vector<16xi32>
          %add3A_948 = arith.addi %broadcast_in_dim3A_947, %sub3A_946 : vector<16xi32>
          %min3A_949 = arith.constant 4095 : i32
          %min3A_950 = vector.broadcast %min3A_949 : i32 to vector<16xi32>
          %min3A_951 = arith.minsi %add3A_948, %min3A_950 : vector<16xi32>
          tpu.vector_store_idx %arg6[%min3A_951], %get3A_828 masked %ge3A_845 : memref<4096xf32, #tpu.memory_space<vmem>>[vector<16xi32>], vector<16xf32>, vector<16xi1>
          %add3A_952 = arith.constant 0 : i32
          %add3A_953 = arith.addi %multiple_of3A, %add3A_952 : i32
          %add3A_954 = vector.broadcast %add3A_953 : i32 to vector<16xi32>
          %add3A_955 = arith.addi %add3A_954, %iota3A : vector<16xi32>
          tpu.vector_store_idx %arg7[%min3A_951], %add3A_955 masked %ge3A_845 : memref<4096xi32, #tpu.memory_space<vmem>>[vector<16xi32>], vector<16xi32>, vector<16xi1>
          %slice3A_956 = vector.extract_strided_slice %masked_cumsum3A_945 {offsets = [15], sizes = [1], strides = [1]} : vector<16xi32> to vector<1xi32>
          %squeeze3A_957 = vector.extract %slice3A_956[0] : i32 from vector<1xi32>
          %add3A_958 = arith.addi %scan3A_822, %squeeze3A_957 : i32
          scf.yield %add3A_958 : i32
        } else {
          scf.yield %scan3A_822 : i32
        }
        %reduce_or3A_882 = arith.constant 1.000000e+00 : f32
        %reduce_or3A_883 = arith.constant 0.000000e+00 : f32
        %reduce_or3A_884 = vector.broadcast %reduce_or3A_882 : f32 to vector<16xf32>
        %reduce_or3A_885 = vector.broadcast %reduce_or3A_883 : f32 to vector<16xf32>
        %reduce_or3A_886 = arith.select %ge3A_846, %reduce_or3A_884, %reduce_or3A_885 : vector<16xi1>, vector<16xf32>
        %reduce_or3A_887 = arith.constant true
        %reduce_or3A_888 = vector.broadcast %reduce_or3A_887 : i1 to vector<16xi1>
        %reduce_or3A_889 = tpu.scan <max>, %reduce_or3A_886 masked %reduce_or3A_888 : vector<16xf32>, vector<16xi1> -> vector<16xf32>
        %reduce_or3A_890 = vector.extract %reduce_or3A_889[15] : f32 from vector<16xf32>
        %reduce_or3A_891 = arith.constant 0.000000e+00 : f32
        %reduce_or3A_892 = arith.cmpf ogt, %reduce_or3A_890, %reduce_or3A_891 : f32
        %convert_element_type3A_893 = arith.extui %reduce_or3A_892 : i1 to i32
        %cond3A_894 = arith.constant 0 : i32
        %cond3A_895 = arith.cmpi ne, %convert_element_type3A_893, %cond3A_894 : i32
        %cond3A_896 = scf.if %cond3A_895 -> (i32) {
          %convert_element_type3A_942 = arith.extui %ge3A_846 : vector<16xi1> to vector<16xi32>
          %broadcast_in_dim3A_943 = arith.constant true
          %broadcast_in_dim3A_944 = vector.broadcast %broadcast_in_dim3A_943 : i1 to vector<16xi1>
          %masked_cumsum3A_945 = tpu.scan <sum>, %convert_element_type3A_942 masked %broadcast_in_dim3A_944 : vector<16xi32>, vector<16xi1> -> vector<16xi32>
          %sub3A_946 = arith.subi %masked_cumsum3A_945, %convert_element_type3A_942 : vector<16xi32>
          %broadcast_in_dim3A_947 = vector.broadcast %cond3A_881 : i32 to vector<16xi32>
          %add3A_948 = arith.addi %broadcast_in_dim3A_947, %sub3A_946 : vector<16xi32>
          %min3A_949 = arith.constant 4095 : i32
          %min3A_950 = vector.broadcast %min3A_949 : i32 to vector<16xi32>
          %min3A_951 = arith.minsi %add3A_948, %min3A_950 : vector<16xi32>
          tpu.vector_store_idx %arg6[%min3A_951], %get3A_832 masked %ge3A_846 : memref<4096xf32, #tpu.memory_space<vmem>>[vector<16xi32>], vector<16xf32>, vector<16xi1>
          %add3A_952 = arith.constant 16 : i32
          %add3A_953 = arith.addi %multiple_of3A, %add3A_952 : i32
          %add3A_954 = vector.broadcast %add3A_953 : i32 to vector<16xi32>
          %add3A_955 = arith.addi %add3A_954, %iota3A : vector<16xi32>
          tpu.vector_store_idx %arg7[%min3A_951], %add3A_955 masked %ge3A_846 : memref<4096xi32, #tpu.memory_space<vmem>>[vector<16xi32>], vector<16xi32>, vector<16xi1>
          %slice3A_956 = vector.extract_strided_slice %masked_cumsum3A_945 {offsets = [15], sizes = [1], strides = [1]} : vector<16xi32> to vector<1xi32>
          %squeeze3A_957 = vector.extract %slice3A_956[0] : i32 from vector<1xi32>
          %add3A_958 = arith.addi %cond3A_881, %squeeze3A_957 : i32
          scf.yield %add3A_958 : i32
        } else {
          scf.yield %cond3A_881 : i32
        }
        %reduce_or3A_897 = arith.constant 1.000000e+00 : f32
        %reduce_or3A_898 = arith.constant 0.000000e+00 : f32
        %reduce_or3A_899 = vector.broadcast %reduce_or3A_897 : f32 to vector<16xf32>
        %reduce_or3A_900 = vector.broadcast %reduce_or3A_898 : f32 to vector<16xf32>
        %reduce_or3A_901 = arith.select %ge3A_847, %reduce_or3A_899, %reduce_or3A_900 : vector<16xi1>, vector<16xf32>
        %reduce_or3A_902 = arith.constant true
        %reduce_or3A_903 = vector.broadcast %reduce_or3A_902 : i1 to vector<16xi1>
        %reduce_or3A_904 = tpu.scan <max>, %reduce_or3A_901 masked %reduce_or3A_903 : vector<16xf32>, vector<16xi1> -> vector<16xf32>
        %reduce_or3A_905 = vector.extract %reduce_or3A_904[15] : f32 from vector<16xf32>
        %reduce_or3A_906 = arith.constant 0.000000e+00 : f32
        %reduce_or3A_907 = arith.cmpf ogt, %reduce_or3A_905, %reduce_or3A_906 : f32
        %convert_element_type3A_908 = arith.extui %reduce_or3A_907 : i1 to i32
        %cond3A_909 = arith.constant 0 : i32
        %cond3A_910 = arith.cmpi ne, %convert_element_type3A_908, %cond3A_909 : i32
        %cond3A_911 = scf.if %cond3A_910 -> (i32) {
          %convert_element_type3A_942 = arith.extui %ge3A_847 : vector<16xi1> to vector<16xi32>
          %broadcast_in_dim3A_943 = arith.constant true
          %broadcast_in_dim3A_944 = vector.broadcast %broadcast_in_dim3A_943 : i1 to vector<16xi1>
          %masked_cumsum3A_945 = tpu.scan <sum>, %convert_element_type3A_942 masked %broadcast_in_dim3A_944 : vector<16xi32>, vector<16xi1> -> vector<16xi32>
          %sub3A_946 = arith.subi %masked_cumsum3A_945, %convert_element_type3A_942 : vector<16xi32>
          %broadcast_in_dim3A_947 = vector.broadcast %cond3A_896 : i32 to vector<16xi32>
          %add3A_948 = arith.addi %broadcast_in_dim3A_947, %sub3A_946 : vector<16xi32>
          %min3A_949 = arith.constant 4095 : i32
          %min3A_950 = vector.broadcast %min3A_949 : i32 to vector<16xi32>
          %min3A_951 = arith.minsi %add3A_948, %min3A_950 : vector<16xi32>
          tpu.vector_store_idx %arg6[%min3A_951], %get3A_836 masked %ge3A_847 : memref<4096xf32, #tpu.memory_space<vmem>>[vector<16xi32>], vector<16xf32>, vector<16xi1>
          %add3A_952 = arith.constant 32 : i32
          %add3A_953 = arith.addi %multiple_of3A, %add3A_952 : i32
          %add3A_954 = vector.broadcast %add3A_953 : i32 to vector<16xi32>
          %add3A_955 = arith.addi %add3A_954, %iota3A : vector<16xi32>
          tpu.vector_store_idx %arg7[%min3A_951], %add3A_955 masked %ge3A_847 : memref<4096xi32, #tpu.memory_space<vmem>>[vector<16xi32>], vector<16xi32>, vector<16xi1>
          %slice3A_956 = vector.extract_strided_slice %masked_cumsum3A_945 {offsets = [15], sizes = [1], strides = [1]} : vector<16xi32> to vector<1xi32>
          %squeeze3A_957 = vector.extract %slice3A_956[0] : i32 from vector<1xi32>
          %add3A_958 = arith.addi %cond3A_896, %squeeze3A_957 : i32
          scf.yield %add3A_958 : i32
        } else {
          scf.yield %cond3A_896 : i32
        }
        %reduce_or3A_912 = arith.constant 1.000000e+00 : f32
        %reduce_or3A_913 = arith.constant 0.000000e+00 : f32
        %reduce_or3A_914 = vector.broadcast %reduce_or3A_912 : f32 to vector<16xf32>
        %reduce_or3A_915 = vector.broadcast %reduce_or3A_913 : f32 to vector<16xf32>
        %reduce_or3A_916 = arith.select %ge3A_848, %reduce_or3A_914, %reduce_or3A_915 : vector<16xi1>, vector<16xf32>
        %reduce_or3A_917 = arith.constant true
        %reduce_or3A_918 = vector.broadcast %reduce_or3A_917 : i1 to vector<16xi1>
        %reduce_or3A_919 = tpu.scan <max>, %reduce_or3A_916 masked %reduce_or3A_918 : vector<16xf32>, vector<16xi1> -> vector<16xf32>
        %reduce_or3A_920 = vector.extract %reduce_or3A_919[15] : f32 from vector<16xf32>
        %reduce_or3A_921 = arith.constant 0.000000e+00 : f32
        %reduce_or3A_922 = arith.cmpf ogt, %reduce_or3A_920, %reduce_or3A_921 : f32
        %convert_element_type3A_923 = arith.extui %reduce_or3A_922 : i1 to i32
        %cond3A_924 = arith.constant 0 : i32
        %cond3A_925 = arith.cmpi ne, %convert_element_type3A_923, %cond3A_924 : i32
        %cond3A_926 = scf.if %cond3A_925 -> (i32) {
          %convert_element_type3A_942 = arith.extui %ge3A_848 : vector<16xi1> to vector<16xi32>
          %broadcast_in_dim3A_943 = arith.constant true
          %broadcast_in_dim3A_944 = vector.broadcast %broadcast_in_dim3A_943 : i1 to vector<16xi1>
          %masked_cumsum3A_945 = tpu.scan <sum>, %convert_element_type3A_942 masked %broadcast_in_dim3A_944 : vector<16xi32>, vector<16xi1> -> vector<16xi32>
          %sub3A_946 = arith.subi %masked_cumsum3A_945, %convert_element_type3A_942 : vector<16xi32>
          %broadcast_in_dim3A_947 = vector.broadcast %cond3A_911 : i32 to vector<16xi32>
          %add3A_948 = arith.addi %broadcast_in_dim3A_947, %sub3A_946 : vector<16xi32>
          %min3A_949 = arith.constant 4095 : i32
          %min3A_950 = vector.broadcast %min3A_949 : i32 to vector<16xi32>
          %min3A_951 = arith.minsi %add3A_948, %min3A_950 : vector<16xi32>
          tpu.vector_store_idx %arg6[%min3A_951], %get3A_840 masked %ge3A_848 : memref<4096xf32, #tpu.memory_space<vmem>>[vector<16xi32>], vector<16xf32>, vector<16xi1>
          %add3A_952 = arith.constant 48 : i32
          %add3A_953 = arith.addi %multiple_of3A, %add3A_952 : i32
          %add3A_954 = vector.broadcast %add3A_953 : i32 to vector<16xi32>
          %add3A_955 = arith.addi %add3A_954, %iota3A : vector<16xi32>
          tpu.vector_store_idx %arg7[%min3A_951], %add3A_955 masked %ge3A_848 : memref<4096xi32, #tpu.memory_space<vmem>>[vector<16xi32>], vector<16xi32>, vector<16xi1>
          %slice3A_956 = vector.extract_strided_slice %masked_cumsum3A_945 {offsets = [15], sizes = [1], strides = [1]} : vector<16xi32> to vector<1xi32>
          %squeeze3A_957 = vector.extract %slice3A_956[0] : i32 from vector<1xi32>
          %add3A_958 = arith.addi %cond3A_911, %squeeze3A_957 : i32
          scf.yield %add3A_958 : i32
        } else {
          scf.yield %cond3A_911 : i32
        }
        %reduce_or3A_927 = arith.constant 1.000000e+00 : f32
        %reduce_or3A_928 = arith.constant 0.000000e+00 : f32
        %reduce_or3A_929 = vector.broadcast %reduce_or3A_927 : f32 to vector<16xf32>
        %reduce_or3A_930 = vector.broadcast %reduce_or3A_928 : f32 to vector<16xf32>
        %reduce_or3A_931 = arith.select %ge3A_849, %reduce_or3A_929, %reduce_or3A_930 : vector<16xi1>, vector<16xf32>
        %reduce_or3A_932 = arith.constant true
        %reduce_or3A_933 = vector.broadcast %reduce_or3A_932 : i1 to vector<16xi1>
        %reduce_or3A_934 = tpu.scan <max>, %reduce_or3A_931 masked %reduce_or3A_933 : vector<16xf32>, vector<16xi1> -> vector<16xf32>
        %reduce_or3A_935 = vector.extract %reduce_or3A_934[15] : f32 from vector<16xf32>
        %reduce_or3A_936 = arith.constant 0.000000e+00 : f32
        %reduce_or3A_937 = arith.cmpf ogt, %reduce_or3A_935, %reduce_or3A_936 : f32
        %convert_element_type3A_938 = arith.extui %reduce_or3A_937 : i1 to i32
        %cond3A_939 = arith.constant 0 : i32
        %cond3A_940 = arith.cmpi ne, %convert_element_type3A_938, %cond3A_939 : i32
        %cond3A_941 = scf.if %cond3A_940 -> (i32) {
          %convert_element_type3A_942 = arith.extui %ge3A_849 : vector<16xi1> to vector<16xi32>
          %broadcast_in_dim3A_943 = arith.constant true
          %broadcast_in_dim3A_944 = vector.broadcast %broadcast_in_dim3A_943 : i1 to vector<16xi1>
          %masked_cumsum3A_945 = tpu.scan <sum>, %convert_element_type3A_942 masked %broadcast_in_dim3A_944 : vector<16xi32>, vector<16xi1> -> vector<16xi32>
          %sub3A_946 = arith.subi %masked_cumsum3A_945, %convert_element_type3A_942 : vector<16xi32>
          %broadcast_in_dim3A_947 = vector.broadcast %cond3A_926 : i32 to vector<16xi32>
          %add3A_948 = arith.addi %broadcast_in_dim3A_947, %sub3A_946 : vector<16xi32>
          %min3A_949 = arith.constant 4095 : i32
          %min3A_950 = vector.broadcast %min3A_949 : i32 to vector<16xi32>
          %min3A_951 = arith.minsi %add3A_948, %min3A_950 : vector<16xi32>
          tpu.vector_store_idx %arg6[%min3A_951], %get3A_844 masked %ge3A_849 : memref<4096xf32, #tpu.memory_space<vmem>>[vector<16xi32>], vector<16xf32>, vector<16xi1>
          %add3A_952 = arith.constant 64 : i32
          %add3A_953 = arith.addi %multiple_of3A, %add3A_952 : i32
          %add3A_954 = vector.broadcast %add3A_953 : i32 to vector<16xi32>
          %add3A_955 = arith.addi %add3A_954, %iota3A : vector<16xi32>
          tpu.vector_store_idx %arg7[%min3A_951], %add3A_955 masked %ge3A_849 : memref<4096xi32, #tpu.memory_space<vmem>>[vector<16xi32>], vector<16xi32>, vector<16xi1>
          %slice3A_956 = vector.extract_strided_slice %masked_cumsum3A_945 {offsets = [15], sizes = [1], strides = [1]} : vector<16xi32> to vector<1xi32>
          %squeeze3A_957 = vector.extract %slice3A_956[0] : i32 from vector<1xi32>
          %add3A_958 = arith.addi %cond3A_926, %squeeze3A_957 : i32
          scf.yield %add3A_958 : i32
        } else {
          scf.yield %cond3A_926 : i32
        }
        scf.yield %cond3A_941 : i32
      } else {
        scf.yield %scan3A_822 : i32
      }
      scf.yield %cond3A_866 : i32
    }
    %scan3A_53 = arith.constant 1250 : i32
    %min3A_54 = arith.constant 4096 : i32
    %min3A_55 = arith.minsi %scan3A_52, %min3A_54 : i32
    %add3A_56 = arith.constant 15 : i32
    %add3A_57 = arith.addi %min3A_55, %add3A_56 : i32
    %jit3A = arith.constant 16 : i32
    %div3A = arith.divsi %add3A_57, %jit3A : i32
    %sign3A = arith.constant 0 : i32
    %sign3A_58 = arith.cmpi sgt, %add3A_57, %sign3A : i32
    %sign3A_59 = arith.extui %sign3A_58 : i1 to i32
    %sign3A_60 = arith.constant 0 : i32
    %sign3A_61 = arith.cmpi slt, %add3A_57, %sign3A_60 : i32
    %sign3A_62 = arith.extui %sign3A_61 : i1 to i32
    %sign3A_63 = arith.subi %sign3A_59, %sign3A_62 : i32
    %sign3A_64 = arith.constant 0 : i32
    %sign3A_65 = arith.cmpi sgt, %jit3A, %sign3A_64 : i32
    %sign3A_66 = arith.extui %sign3A_65 : i1 to i32
    %sign3A_67 = arith.constant 0 : i32
    %sign3A_68 = arith.cmpi slt, %jit3A, %sign3A_67 : i32
    %sign3A_69 = arith.extui %sign3A_68 : i1 to i32
    %sign3A_70 = arith.subi %sign3A_66, %sign3A_69 : i32
    %ne3A = arith.cmpi ne, %sign3A_63, %sign3A_70 : i32
    %rem3A = arith.remsi %add3A_57, %jit3A : i32
    %ne3A_71 = arith.constant 0 : i32
    %ne3A_72 = arith.cmpi ne, %rem3A, %ne3A_71 : i32
    %and3A = arith.andi %ne3A, %ne3A_72 : i1
    %sub3A_73 = arith.constant 1 : i32
    %sub3A_74 = arith.subi %div3A, %sub3A_73 : i32
    %select_n3A = arith.select %and3A, %sub3A_74, %div3A : i32
    %eq3A = arith.constant 0 : i32
    %eq3A_75 = vector.broadcast %eq3A : i32 to vector<16xi32>
    %eq3A_76 = arith.cmpi eq, %iota3A, %eq3A_75 : vector<16xi32>
    %le3A = arith.constant 512 : i32
    %le3A_77 = arith.cmpi sle, %scan3A_52, %le3A : i32
    %convert_element_type3A = arith.extui %le3A_77 : i1 to i32
    %cond3A = arith.constant 0 : i32
    %cond3A_78 = arith.cmpi ne, %convert_element_type3A, %cond3A : i32
    %cond3A_79 = scf.if %cond3A_78 -> (i32) {
      %scan3A_821 = arith.constant 0 : i32
      %scan3A_822 = arith.constant 0 : i32
      %scan3A_823 = arith.constant 64 : i32
      %scan3A_824 = arith.addi %scan3A_822, %scan3A_823 : i32
      %scan3A_825 = arith.constant 1 : i32
      %scan3A_826 = scf.for %scan3A_828 = %scan3A_822 to %scan3A_824 step %scan3A_825 iter_args(%scan3A_829 = %scan3A_821) -> (i32)  : i32 {
        %broadcast_in_dim3A_830 = arith.constant 0 : i32
        %broadcast_in_dim3A_831 = vector.broadcast %broadcast_in_dim3A_830 : i32 to vector<16xi32>
        %get3A_832 = arith.constant 0 : index
        %get3A_833 = tpu.vector_load %arg6[%get3A_832] {strides = array<i32>} : memref<4096xf32, #tpu.memory_space<vmem>>, vector<16xf32>,
        %gt3A = arith.cmpf ogt, %get3A_833, %broadcast_in_dim3A_7 : vector<16xf32>
        %select_n3A_834 = arith.select %gt3A, %get3A_833, %broadcast_in_dim3A_7 : vector<16xi1>, vector<16xf32>
        %broadcast_in_dim3A_835 = arith.constant 0 : i32
        %broadcast_in_dim3A_836 = vector.broadcast %broadcast_in_dim3A_835 : i32 to vector<16xi32>
        %select_n3A_837 = arith.select %gt3A, %broadcast_in_dim3A_836, %broadcast_in_dim3A_831 : vector<16xi1>, vector<16xi32>
        %get3A_838 = arith.constant 16 : index
        %get3A_839 = tpu.vector_load %arg6[%get3A_838] {strides = array<i32>} : memref<4096xf32, #tpu.memory_space<vmem>>, vector<16xf32>,
        %gt3A_840 = arith.cmpf ogt, %get3A_839, %select_n3A_834 : vector<16xf32>
        %select_n3A_841 = arith.select %gt3A_840, %get3A_839, %select_n3A_834 : vector<16xi1>, vector<16xf32>
        %broadcast_in_dim3A_842 = arith.constant 1 : i32
        %broadcast_in_dim3A_843 = vector.broadcast %broadcast_in_dim3A_842 : i32 to vector<16xi32>
        %select_n3A_844 = arith.select %gt3A_840, %broadcast_in_dim3A_843, %select_n3A_837 : vector<16xi1>, vector<16xi32>
        %get3A_845 = arith.constant 32 : index
        %get3A_846 = tpu.vector_load %arg6[%get3A_845] {strides = array<i32>} : memref<4096xf32, #tpu.memory_space<vmem>>, vector<16xf32>,
        %gt3A_847 = arith.cmpf ogt, %get3A_846, %select_n3A_841 : vector<16xf32>
        %select_n3A_848 = arith.select %gt3A_847, %get3A_846, %select_n3A_841 : vector<16xi1>, vector<16xf32>
        %broadcast_in_dim3A_849 = arith.constant 2 : i32
        %broadcast_in_dim3A_850 = vector.broadcast %broadcast_in_dim3A_849 : i32 to vector<16xi32>
        %select_n3A_851 = arith.select %gt3A_847, %broadcast_in_dim3A_850, %select_n3A_844 : vector<16xi1>, vector<16xi32>
        %get3A_852 = arith.constant 48 : index
        %get3A_853 = tpu.vector_load %arg6[%get3A_852] {strides = array<i32>} : memref<4096xf32, #tpu.memory_space<vmem>>, vector<16xf32>,
        %gt3A_854 = arith.cmpf ogt, %get3A_853, %select_n3A_848 : vector<16xf32>
        %select_n3A_855 = arith.select %gt3A_854, %get3A_853, %select_n3A_848 : vector<16xi1>, vector<16xf32>
        %broadcast_in_dim3A_856 = arith.constant 3 : i32
        %broadcast_in_dim3A_857 = vector.broadcast %broadcast_in_dim3A_856 : i32 to vector<16xi32>
        %select_n3A_858 = arith.select %gt3A_854, %broadcast_in_dim3A_857, %select_n3A_851 : vector<16xi1>, vector<16xi32>
        %get3A_859 = arith.constant 64 : index
        %get3A_860 = tpu.vector_load %arg6[%get3A_859] {strides = array<i32>} : memref<4096xf32, #tpu.memory_space<vmem>>, vector<16xf32>,
        %gt3A_861 = arith.cmpf ogt, %get3A_860, %select_n3A_855 : vector<16xf32>
        %select_n3A_862 = arith.select %gt3A_861, %get3A_860, %select_n3A_855 : vector<16xi1>, vector<16xf32>
        %broadcast_in_dim3A_863 = arith.constant 4 : i32
        %broadcast_in_dim3A_864 = vector.broadcast %broadcast_in_dim3A_863 : i32 to vector<16xi32>
        %select_n3A_865 = arith.select %gt3A_861, %broadcast_in_dim3A_864, %select_n3A_858 : vector<16xi1>, vector<16xi32>
        %get3A_866 = arith.constant 80 : index
        %get3A_867 = tpu.vector_load %arg6[%get3A_866] {strides = array<i32>} : memref<4096xf32, #tpu.memory_space<vmem>>, vector<16xf32>,
        %gt3A_868 = arith.cmpf ogt, %get3A_867, %select_n3A_862 : vector<16xf32>
        %select_n3A_869 = arith.select %gt3A_868, %get3A_867, %select_n3A_862 : vector<16xi1>, vector<16xf32>
        %broadcast_in_dim3A_870 = arith.constant 5 : i32
        %broadcast_in_dim3A_871 = vector.broadcast %broadcast_in_dim3A_870 : i32 to vector<16xi32>
        %select_n3A_872 = arith.select %gt3A_868, %broadcast_in_dim3A_871, %select_n3A_865 : vector<16xi1>, vector<16xi32>
        %get3A_873 = arith.constant 96 : index
        %get3A_874 = tpu.vector_load %arg6[%get3A_873] {strides = array<i32>} : memref<4096xf32, #tpu.memory_space<vmem>>, vector<16xf32>,
        %gt3A_875 = arith.cmpf ogt, %get3A_874, %select_n3A_869 : vector<16xf32>
        %select_n3A_876 = arith.select %gt3A_875, %get3A_874, %select_n3A_869 : vector<16xi1>, vector<16xf32>
        %broadcast_in_dim3A_877 = arith.constant 6 : i32
        %broadcast_in_dim3A_878 = vector.broadcast %broadcast_in_dim3A_877 : i32 to vector<16xi32>
        %select_n3A_879 = arith.select %gt3A_875, %broadcast_in_dim3A_878, %select_n3A_872 : vector<16xi1>, vector<16xi32>
        %get3A_880 = arith.constant 112 : index
        %get3A_881 = tpu.vector_load %arg6[%get3A_880] {strides = array<i32>} : memref<4096xf32, #tpu.memory_space<vmem>>, vector<16xf32>,
        %gt3A_882 = arith.cmpf ogt, %get3A_881, %select_n3A_876 : vector<16xf32>
        %select_n3A_883 = arith.select %gt3A_882, %get3A_881, %select_n3A_876 : vector<16xi1>, vector<16xf32>
        %broadcast_in_dim3A_884 = arith.constant 7 : i32
        %broadcast_in_dim3A_885 = vector.broadcast %broadcast_in_dim3A_884 : i32 to vector<16xi32>
        %select_n3A_886 = arith.select %gt3A_882, %broadcast_in_dim3A_885, %select_n3A_879 : vector<16xi1>, vector<16xi32>
        %get3A_887 = arith.constant 128 : index
        %get3A_888 = tpu.vector_load %arg6[%get3A_887] {strides = array<i32>} : memref<4096xf32, #tpu.memory_space<vmem>>, vector<16xf32>,
        %gt3A_889 = arith.cmpf ogt, %get3A_888, %select_n3A_883 : vector<16xf32>
        %select_n3A_890 = arith.select %gt3A_889, %get3A_888, %select_n3A_883 : vector<16xi1>, vector<16xf32>
        %broadcast_in_dim3A_891 = arith.constant 8 : i32
        %broadcast_in_dim3A_892 = vector.broadcast %broadcast_in_dim3A_891 : i32 to vector<16xi32>
        %select_n3A_893 = arith.select %gt3A_889, %broadcast_in_dim3A_892, %select_n3A_886 : vector<16xi1>, vector<16xi32>
        %get3A_894 = arith.constant 144 : index
        %get3A_895 = tpu.vector_load %arg6[%get3A_894] {strides = array<i32>} : memref<4096xf32, #tpu.memory_space<vmem>>, vector<16xf32>,
        %gt3A_896 = arith.cmpf ogt, %get3A_895, %select_n3A_890 : vector<16xf32>
        %select_n3A_897 = arith.select %gt3A_896, %get3A_895, %select_n3A_890 : vector<16xi1>, vector<16xf32>
        %broadcast_in_dim3A_898 = arith.constant 9 : i32
        %broadcast_in_dim3A_899 = vector.broadcast %broadcast_in_dim3A_898 : i32 to vector<16xi32>
        %select_n3A_900 = arith.select %gt3A_896, %broadcast_in_dim3A_899, %select_n3A_893 : vector<16xi1>, vector<16xi32>
        %get3A_901 = arith.constant 160 : index
        %get3A_902 = tpu.vector_load %arg6[%get3A_901] {strides = array<i32>} : memref<4096xf32, #tpu.memory_space<vmem>>, vector<16xf32>,
        %gt3A_903 = arith.cmpf ogt, %get3A_902, %select_n3A_897 : vector<16xf32>
        %select_n3A_904 = arith.select %gt3A_903, %get3A_902, %select_n3A_897 : vector<16xi1>, vector<16xf32>
        %broadcast_in_dim3A_905 = arith.constant 10 : i32
        %broadcast_in_dim3A_906 = vector.broadcast %broadcast_in_dim3A_905 : i32 to vector<16xi32>
        %select_n3A_907 = arith.select %gt3A_903, %broadcast_in_dim3A_906, %select_n3A_900 : vector<16xi1>, vector<16xi32>
        %get3A_908 = arith.constant 176 : index
        %get3A_909 = tpu.vector_load %arg6[%get3A_908] {strides = array<i32>} : memref<4096xf32, #tpu.memory_space<vmem>>, vector<16xf32>,
        %gt3A_910 = arith.cmpf ogt, %get3A_909, %select_n3A_904 : vector<16xf32>
        %select_n3A_911 = arith.select %gt3A_910, %get3A_909, %select_n3A_904 : vector<16xi1>, vector<16xf32>
        %broadcast_in_dim3A_912 = arith.constant 11 : i32
        %broadcast_in_dim3A_913 = vector.broadcast %broadcast_in_dim3A_912 : i32 to vector<16xi32>
        %select_n3A_914 = arith.select %gt3A_910, %broadcast_in_dim3A_913, %select_n3A_907 : vector<16xi1>, vector<16xi32>
        %get3A_915 = arith.constant 192 : index
        %get3A_916 = tpu.vector_load %arg6[%get3A_915] {strides = array<i32>} : memref<4096xf32, #tpu.memory_space<vmem>>, vector<16xf32>,
        %gt3A_917 = arith.cmpf ogt, %get3A_916, %select_n3A_911 : vector<16xf32>
        %select_n3A_918 = arith.select %gt3A_917, %get3A_916, %select_n3A_911 : vector<16xi1>, vector<16xf32>
        %broadcast_in_dim3A_919 = arith.constant 12 : i32
        %broadcast_in_dim3A_920 = vector.broadcast %broadcast_in_dim3A_919 : i32 to vector<16xi32>
        %select_n3A_921 = arith.select %gt3A_917, %broadcast_in_dim3A_920, %select_n3A_914 : vector<16xi1>, vector<16xi32>
        %get3A_922 = arith.constant 208 : index
        %get3A_923 = tpu.vector_load %arg6[%get3A_922] {strides = array<i32>} : memref<4096xf32, #tpu.memory_space<vmem>>, vector<16xf32>,
        %gt3A_924 = arith.cmpf ogt, %get3A_923, %select_n3A_918 : vector<16xf32>
        %select_n3A_925 = arith.select %gt3A_924, %get3A_923, %select_n3A_918 : vector<16xi1>, vector<16xf32>
        %broadcast_in_dim3A_926 = arith.constant 13 : i32
        %broadcast_in_dim3A_927 = vector.broadcast %broadcast_in_dim3A_926 : i32 to vector<16xi32>
        %select_n3A_928 = arith.select %gt3A_924, %broadcast_in_dim3A_927, %select_n3A_921 : vector<16xi1>, vector<16xi32>
        %get3A_929 = arith.constant 224 : index
        %get3A_930 = tpu.vector_load %arg6[%get3A_929] {strides = array<i32>} : memref<4096xf32, #tpu.memory_space<vmem>>, vector<16xf32>,
        %gt3A_931 = arith.cmpf ogt, %get3A_930, %select_n3A_925 : vector<16xf32>
        %select_n3A_932 = arith.select %gt3A_931, %get3A_930, %select_n3A_925 : vector<16xi1>, vector<16xf32>
        %broadcast_in_dim3A_933 = arith.constant 14 : i32
        %broadcast_in_dim3A_934 = vector.broadcast %broadcast_in_dim3A_933 : i32 to vector<16xi32>
        %select_n3A_935 = arith.select %gt3A_931, %broadcast_in_dim3A_934, %select_n3A_928 : vector<16xi1>, vector<16xi32>
        %get3A_936 = arith.constant 240 : index
        %get3A_937 = tpu.vector_load %arg6[%get3A_936] {strides = array<i32>} : memref<4096xf32, #tpu.memory_space<vmem>>, vector<16xf32>,
        %gt3A_938 = arith.cmpf ogt, %get3A_937, %select_n3A_932 : vector<16xf32>
        %select_n3A_939 = arith.select %gt3A_938, %get3A_937, %select_n3A_932 : vector<16xi1>, vector<16xf32>
        %broadcast_in_dim3A_940 = arith.constant 15 : i32
        %broadcast_in_dim3A_941 = vector.broadcast %broadcast_in_dim3A_940 : i32 to vector<16xi32>
        %select_n3A_942 = arith.select %gt3A_938, %broadcast_in_dim3A_941, %select_n3A_935 : vector<16xi1>, vector<16xi32>
        %get3A_943 = arith.constant 256 : index
        %get3A_944 = tpu.vector_load %arg6[%get3A_943] {strides = array<i32>} : memref<4096xf32, #tpu.memory_space<vmem>>, vector<16xf32>,
        %gt3A_945 = arith.cmpf ogt, %get3A_944, %select_n3A_939 : vector<16xf32>
        %select_n3A_946 = arith.select %gt3A_945, %get3A_944, %select_n3A_939 : vector<16xi1>, vector<16xf32>
        %broadcast_in_dim3A_947 = arith.constant 16 : i32
        %broadcast_in_dim3A_948 = vector.broadcast %broadcast_in_dim3A_947 : i32 to vector<16xi32>
        %select_n3A_949 = arith.select %gt3A_945, %broadcast_in_dim3A_948, %select_n3A_942 : vector<16xi1>, vector<16xi32>
        %get3A_950 = arith.constant 272 : index
        %get3A_951 = tpu.vector_load %arg6[%get3A_950] {strides = array<i32>} : memref<4096xf32, #tpu.memory_space<vmem>>, vector<16xf32>,
        %gt3A_952 = arith.cmpf ogt, %get3A_951, %select_n3A_946 : vector<16xf32>
        %select_n3A_953 = arith.select %gt3A_952, %get3A_951, %select_n3A_946 : vector<16xi1>, vector<16xf32>
        %broadcast_in_dim3A_954 = arith.constant 17 : i32
        %broadcast_in_dim3A_955 = vector.broadcast %broadcast_in_dim3A_954 : i32 to vector<16xi32>
        %select_n3A_956 = arith.select %gt3A_952, %broadcast_in_dim3A_955, %select_n3A_949 : vector<16xi1>, vector<16xi32>
        %get3A_957 = arith.constant 288 : index
        %get3A_958 = tpu.vector_load %arg6[%get3A_957] {strides = array<i32>} : memref<4096xf32, #tpu.memory_space<vmem>>, vector<16xf32>,
        %gt3A_959 = arith.cmpf ogt, %get3A_958, %select_n3A_953 : vector<16xf32>
        %select_n3A_960 = arith.select %gt3A_959, %get3A_958, %select_n3A_953 : vector<16xi1>, vector<16xf32>
        %broadcast_in_dim3A_961 = arith.constant 18 : i32
        %broadcast_in_dim3A_962 = vector.broadcast %broadcast_in_dim3A_961 : i32 to vector<16xi32>
        %select_n3A_963 = arith.select %gt3A_959, %broadcast_in_dim3A_962, %select_n3A_956 : vector<16xi1>, vector<16xi32>
        %get3A_964 = arith.constant 304 : index
        %get3A_965 = tpu.vector_load %arg6[%get3A_964] {strides = array<i32>} : memref<4096xf32, #tpu.memory_space<vmem>>, vector<16xf32>,
        %gt3A_966 = arith.cmpf ogt, %get3A_965, %select_n3A_960 : vector<16xf32>
        %select_n3A_967 = arith.select %gt3A_966, %get3A_965, %select_n3A_960 : vector<16xi1>, vector<16xf32>
        %broadcast_in_dim3A_968 = arith.constant 19 : i32
        %broadcast_in_dim3A_969 = vector.broadcast %broadcast_in_dim3A_968 : i32 to vector<16xi32>
        %select_n3A_970 = arith.select %gt3A_966, %broadcast_in_dim3A_969, %select_n3A_963 : vector<16xi1>, vector<16xi32>
        %get3A_971 = arith.constant 320 : index
        %get3A_972 = tpu.vector_load %arg6[%get3A_971] {strides = array<i32>} : memref<4096xf32, #tpu.memory_space<vmem>>, vector<16xf32>,
        %gt3A_973 = arith.cmpf ogt, %get3A_972, %select_n3A_967 : vector<16xf32>
        %select_n3A_974 = arith.select %gt3A_973, %get3A_972, %select_n3A_967 : vector<16xi1>, vector<16xf32>
        %broadcast_in_dim3A_975 = arith.constant 20 : i32
        %broadcast_in_dim3A_976 = vector.broadcast %broadcast_in_dim3A_975 : i32 to vector<16xi32>
        %select_n3A_977 = arith.select %gt3A_973, %broadcast_in_dim3A_976, %select_n3A_970 : vector<16xi1>, vector<16xi32>
        %get3A_978 = arith.constant 336 : index
        %get3A_979 = tpu.vector_load %arg6[%get3A_978] {strides = array<i32>} : memref<4096xf32, #tpu.memory_space<vmem>>, vector<16xf32>,
        %gt3A_980 = arith.cmpf ogt, %get3A_979, %select_n3A_974 : vector<16xf32>
        %select_n3A_981 = arith.select %gt3A_980, %get3A_979, %select_n3A_974 : vector<16xi1>, vector<16xf32>
        %broadcast_in_dim3A_982 = arith.constant 21 : i32
        %broadcast_in_dim3A_983 = vector.broadcast %broadcast_in_dim3A_982 : i32 to vector<16xi32>
        %select_n3A_984 = arith.select %gt3A_980, %broadcast_in_dim3A_983, %select_n3A_977 : vector<16xi1>, vector<16xi32>
        %get3A_985 = arith.constant 352 : index
        %get3A_986 = tpu.vector_load %arg6[%get3A_985] {strides = array<i32>} : memref<4096xf32, #tpu.memory_space<vmem>>, vector<16xf32>,
        %gt3A_987 = arith.cmpf ogt, %get3A_986, %select_n3A_981 : vector<16xf32>
        %select_n3A_988 = arith.select %gt3A_987, %get3A_986, %select_n3A_981 : vector<16xi1>, vector<16xf32>
        %broadcast_in_dim3A_989 = arith.constant 22 : i32
        %broadcast_in_dim3A_990 = vector.broadcast %broadcast_in_dim3A_989 : i32 to vector<16xi32>
        %select_n3A_991 = arith.select %gt3A_987, %broadcast_in_dim3A_990, %select_n3A_984 : vector<16xi1>, vector<16xi32>
        %get3A_992 = arith.constant 368 : index
        %get3A_993 = tpu.vector_load %arg6[%get3A_992] {strides = array<i32>} : memref<4096xf32, #tpu.memory_space<vmem>>, vector<16xf32>,
        %gt3A_994 = arith.cmpf ogt, %get3A_993, %select_n3A_988 : vector<16xf32>
        %select_n3A_995 = arith.select %gt3A_994, %get3A_993, %select_n3A_988 : vector<16xi1>, vector<16xf32>
        %broadcast_in_dim3A_996 = arith.constant 23 : i32
        %broadcast_in_dim3A_997 = vector.broadcast %broadcast_in_dim3A_996 : i32 to vector<16xi32>
        %select_n3A_998 = arith.select %gt3A_994, %broadcast_in_dim3A_997, %select_n3A_991 : vector<16xi1>, vector<16xi32>
        %get3A_999 = arith.constant 384 : index
        %get3A_1000 = tpu.vector_load %arg6[%get3A_999] {strides = array<i32>} : memref<4096xf32, #tpu.memory_space<vmem>>, vector<16xf32>,
        %gt3A_1001 = arith.cmpf ogt, %get3A_1000, %select_n3A_995 : vector<16xf32>
        %select_n3A_1002 = arith.select %gt3A_1001, %get3A_1000, %select_n3A_995 : vector<16xi1>, vector<16xf32>
        %broadcast_in_dim3A_1003 = arith.constant 24 : i32
        %broadcast_in_dim3A_1004 = vector.broadcast %broadcast_in_dim3A_1003 : i32 to vector<16xi32>
        %select_n3A_1005 = arith.select %gt3A_1001, %broadcast_in_dim3A_1004, %select_n3A_998 : vector<16xi1>, vector<16xi32>
        %get3A_1006 = arith.constant 400 : index
        %get3A_1007 = tpu.vector_load %arg6[%get3A_1006] {strides = array<i32>} : memref<4096xf32, #tpu.memory_space<vmem>>, vector<16xf32>,
        %gt3A_1008 = arith.cmpf ogt, %get3A_1007, %select_n3A_1002 : vector<16xf32>
        %select_n3A_1009 = arith.select %gt3A_1008, %get3A_1007, %select_n3A_1002 : vector<16xi1>, vector<16xf32>
        %broadcast_in_dim3A_1010 = arith.constant 25 : i32
        %broadcast_in_dim3A_1011 = vector.broadcast %broadcast_in_dim3A_1010 : i32 to vector<16xi32>
        %select_n3A_1012 = arith.select %gt3A_1008, %broadcast_in_dim3A_1011, %select_n3A_1005 : vector<16xi1>, vector<16xi32>
        %get3A_1013 = arith.constant 416 : index
        %get3A_1014 = tpu.vector_load %arg6[%get3A_1013] {strides = array<i32>} : memref<4096xf32, #tpu.memory_space<vmem>>, vector<16xf32>,
        %gt3A_1015 = arith.cmpf ogt, %get3A_1014, %select_n3A_1009 : vector<16xf32>
        %select_n3A_1016 = arith.select %gt3A_1015, %get3A_1014, %select_n3A_1009 : vector<16xi1>, vector<16xf32>
        %broadcast_in_dim3A_1017 = arith.constant 26 : i32
        %broadcast_in_dim3A_1018 = vector.broadcast %broadcast_in_dim3A_1017 : i32 to vector<16xi32>
        %select_n3A_1019 = arith.select %gt3A_1015, %broadcast_in_dim3A_1018, %select_n3A_1012 : vector<16xi1>, vector<16xi32>
        %get3A_1020 = arith.constant 432 : index
        %get3A_1021 = tpu.vector_load %arg6[%get3A_1020] {strides = array<i32>} : memref<4096xf32, #tpu.memory_space<vmem>>, vector<16xf32>,
        %gt3A_1022 = arith.cmpf ogt, %get3A_1021, %select_n3A_1016 : vector<16xf32>
        %select_n3A_1023 = arith.select %gt3A_1022, %get3A_1021, %select_n3A_1016 : vector<16xi1>, vector<16xf32>
        %broadcast_in_dim3A_1024 = arith.constant 27 : i32
        %broadcast_in_dim3A_1025 = vector.broadcast %broadcast_in_dim3A_1024 : i32 to vector<16xi32>
        %select_n3A_1026 = arith.select %gt3A_1022, %broadcast_in_dim3A_1025, %select_n3A_1019 : vector<16xi1>, vector<16xi32>
        %get3A_1027 = arith.constant 448 : index
        %get3A_1028 = tpu.vector_load %arg6[%get3A_1027] {strides = array<i32>} : memref<4096xf32, #tpu.memory_space<vmem>>, vector<16xf32>,
        %gt3A_1029 = arith.cmpf ogt, %get3A_1028, %select_n3A_1023 : vector<16xf32>
        %select_n3A_1030 = arith.select %gt3A_1029, %get3A_1028, %select_n3A_1023 : vector<16xi1>, vector<16xf32>
        %broadcast_in_dim3A_1031 = arith.constant 28 : i32
        %broadcast_in_dim3A_1032 = vector.broadcast %broadcast_in_dim3A_1031 : i32 to vector<16xi32>
        %select_n3A_1033 = arith.select %gt3A_1029, %broadcast_in_dim3A_1032, %select_n3A_1026 : vector<16xi1>, vector<16xi32>
        %get3A_1034 = arith.constant 464 : index
        %get3A_1035 = tpu.vector_load %arg6[%get3A_1034] {strides = array<i32>} : memref<4096xf32, #tpu.memory_space<vmem>>, vector<16xf32>,
        %gt3A_1036 = arith.cmpf ogt, %get3A_1035, %select_n3A_1030 : vector<16xf32>
        %select_n3A_1037 = arith.select %gt3A_1036, %get3A_1035, %select_n3A_1030 : vector<16xi1>, vector<16xf32>
        %broadcast_in_dim3A_1038 = arith.constant 29 : i32
        %broadcast_in_dim3A_1039 = vector.broadcast %broadcast_in_dim3A_1038 : i32 to vector<16xi32>
        %select_n3A_1040 = arith.select %gt3A_1036, %broadcast_in_dim3A_1039, %select_n3A_1033 : vector<16xi1>, vector<16xi32>
        %get3A_1041 = arith.constant 480 : index
        %get3A_1042 = tpu.vector_load %arg6[%get3A_1041] {strides = array<i32>} : memref<4096xf32, #tpu.memory_space<vmem>>, vector<16xf32>,
        %gt3A_1043 = arith.cmpf ogt, %get3A_1042, %select_n3A_1037 : vector<16xf32>
        %select_n3A_1044 = arith.select %gt3A_1043, %get3A_1042, %select_n3A_1037 : vector<16xi1>, vector<16xf32>
        %broadcast_in_dim3A_1045 = arith.constant 30 : i32
        %broadcast_in_dim3A_1046 = vector.broadcast %broadcast_in_dim3A_1045 : i32 to vector<16xi32>
        %select_n3A_1047 = arith.select %gt3A_1043, %broadcast_in_dim3A_1046, %select_n3A_1040 : vector<16xi1>, vector<16xi32>
        %get3A_1048 = arith.constant 496 : index
        %get3A_1049 = tpu.vector_load %arg6[%get3A_1048] {strides = array<i32>} : memref<4096xf32, #tpu.memory_space<vmem>>, vector<16xf32>,
        %gt3A_1050 = arith.cmpf ogt, %get3A_1049, %select_n3A_1044 : vector<16xf32>
        %select_n3A_1051 = arith.select %gt3A_1050, %get3A_1049, %select_n3A_1044 : vector<16xi1>, vector<16xf32>
        %broadcast_in_dim3A_1052 = arith.constant 31 : i32
        %broadcast_in_dim3A_1053 = vector.broadcast %broadcast_in_dim3A_1052 : i32 to vector<16xi32>
        %select_n3A_1054 = arith.select %gt3A_1050, %broadcast_in_dim3A_1053, %select_n3A_1047 : vector<16xi1>, vector<16xi32>
        %iota3A_1055 = tpu.iota {dimensions = array<i32: 0>} : vector<16xi32>
        %xor3A_1056 = arith.constant 1 : i32
        %xor3A_1057 = vector.broadcast %xor3A_1056 : i32 to vector<16xi32>
        %xor3A_1058 = arith.xori %iota3A_1055, %xor3A_1057 : vector<16xi32>
        %broadcast_in_dim3A_1059 = vector.shape_cast %xor3A_1058 : vector<16xi32> to vector<16x1xi32>
        %gather3A_1060 = vector.shape_cast %broadcast_in_dim3A_1059 : vector<16x1xi32> to vector<16xi32>
        %gather3A_1061 = tpu.dynamic_gather %select_n3A_1051[%gather3A_1060] in [0] : vector<16xf32>, vector<16xi32> -> vector<16xf32>
        %max3A = arith.maximumf %select_n3A_1051, %gather3A_1061 : vector<16xf32>
        %xor3A_1062 = arith.constant 2 : i32
        %xor3A_1063 = vector.broadcast %xor3A_1062 : i32 to vector<16xi32>
        %xor3A_1064 = arith.xori %iota3A_1055, %xor3A_1063 : vector<16xi32>
        %broadcast_in_dim3A_1065 = vector.shape_cast %xor3A_1064 : vector<16xi32> to vector<16x1xi32>
        %gather3A_1066 = vector.shape_cast %broadcast_in_dim3A_1065 : vector<16x1xi32> to vector<16xi32>
        %gather3A_1067 = tpu.dynamic_gather %max3A[%gather3A_1066] in [0] : vector<16xf32>, vector<16xi32> -> vector<16xf32>
        %max3A_1068 = arith.maximumf %max3A, %gather3A_1067 : vector<16xf32>
        %xor3A_1069 = arith.constant 4 : i32
        %xor3A_1070 = vector.broadcast %xor3A_1069 : i32 to vector<16xi32>
        %xor3A_1071 = arith.xori %iota3A_1055, %xor3A_1070 : vector<16xi32>
        %broadcast_in_dim3A_1072 = vector.shape_cast %xor3A_1071 : vector<16xi32> to vector<16x1xi32>
        %gather3A_1073 = vector.shape_cast %broadcast_in_dim3A_1072 : vector<16x1xi32> to vector<16xi32>
        %gather3A_1074 = tpu.dynamic_gather %max3A_1068[%gather3A_1073] in [0] : vector<16xf32>, vector<16xi32> -> vector<16xf32>
        %max3A_1075 = arith.maximumf %max3A_1068, %gather3A_1074 : vector<16xf32>
        %xor3A_1076 = arith.constant 8 : i32
        %xor3A_1077 = vector.broadcast %xor3A_1076 : i32 to vector<16xi32>
        %xor3A_1078 = arith.xori %iota3A_1055, %xor3A_1077 : vector<16xi32>
        %broadcast_in_dim3A_1079 = vector.shape_cast %xor3A_1078 : vector<16xi32> to vector<16x1xi32>
        %gather3A_1080 = vector.shape_cast %broadcast_in_dim3A_1079 : vector<16x1xi32> to vector<16xi32>
        %gather3A_1081 = tpu.dynamic_gather %max3A_1075[%gather3A_1080] in [0] : vector<16xf32>, vector<16xi32> -> vector<16xf32>
        %max3A_1082 = arith.maximumf %max3A_1075, %gather3A_1081 : vector<16xf32>
        %eq3A_1083 = arith.cmpf oeq, %select_n3A_1051, %max3A_1082 : vector<16xf32>
        %mul3A_1084 = arith.constant 16 : i32
        %mul3A_1085 = vector.broadcast %mul3A_1084 : i32 to vector<16xi32>
        %mul3A_1086 = arith.muli %select_n3A_1054, %mul3A_1085 : vector<16xi32>
        %add3A_1087 = arith.addi %mul3A_1086, %iota3A : vector<16xi32>
        %jit3A_1088 = arith.constant 1073741824 : i32
        %broadcast_in_dim3A_1089 = vector.broadcast %jit3A_1088 : i32 to vector<16xi32>
        %select_n3A_1090 = arith.select %eq3A_1083, %add3A_1087, %broadcast_in_dim3A_1089 : vector<16xi1>, vector<16xi32>
        %iota3A_1091 = tpu.iota {dimensions = array<i32: 0>} : vector<16xi32>
        %xor3A_1092 = arith.constant 1 : i32
        %xor3A_1093 = vector.broadcast %xor3A_1092 : i32 to vector<16xi32>
        %xor3A_1094 = arith.xori %iota3A_1091, %xor3A_1093 : vector<16xi32>
        %broadcast_in_dim3A_1095 = vector.shape_cast %xor3A_1094 : vector<16xi32> to vector<16x1xi32>
        %gather3A_1096 = vector.shape_cast %broadcast_in_dim3A_1095 : vector<16x1xi32> to vector<16xi32>
        %gather3A_1097 = tpu.dynamic_gather %select_n3A_1090[%gather3A_1096] in [0] : vector<16xi32>, vector<16xi32> -> vector<16xi32>
        %min3A_1098 = arith.minsi %select_n3A_1090, %gather3A_1097 : vector<16xi32>
        %xor3A_1099 = arith.constant 2 : i32
        %xor3A_1100 = vector.broadcast %xor3A_1099 : i32 to vector<16xi32>
        %xor3A_1101 = arith.xori %iota3A_1091, %xor3A_1100 : vector<16xi32>
        %broadcast_in_dim3A_1102 = vector.shape_cast %xor3A_1101 : vector<16xi32> to vector<16x1xi32>
        %gather3A_1103 = vector.shape_cast %broadcast_in_dim3A_1102 : vector<16x1xi32> to vector<16xi32>
        %gather3A_1104 = tpu.dynamic_gather %min3A_1098[%gather3A_1103] in [0] : vector<16xi32>, vector<16xi32> -> vector<16xi32>
        %min3A_1105 = arith.minsi %min3A_1098, %gather3A_1104 : vector<16xi32>
        %xor3A_1106 = arith.constant 4 : i32
        %xor3A_1107 = vector.broadcast %xor3A_1106 : i32 to vector<16xi32>
        %xor3A_1108 = arith.xori %iota3A_1091, %xor3A_1107 : vector<16xi32>
        %broadcast_in_dim3A_1109 = vector.shape_cast %xor3A_1108 : vector<16xi32> to vector<16x1xi32>
        %gather3A_1110 = vector.shape_cast %broadcast_in_dim3A_1109 : vector<16x1xi32> to vector<16xi32>
        %gather3A_1111 = tpu.dynamic_gather %min3A_1105[%gather3A_1110] in [0] : vector<16xi32>, vector<16xi32> -> vector<16xi32>
        %min3A_1112 = arith.minsi %min3A_1105, %gather3A_1111 : vector<16xi32>
        %xor3A_1113 = arith.constant 8 : i32
        %xor3A_1114 = vector.broadcast %xor3A_1113 : i32 to vector<16xi32>
        %xor3A_1115 = arith.xori %iota3A_1091, %xor3A_1114 : vector<16xi32>
        %broadcast_in_dim3A_1116 = vector.shape_cast %xor3A_1115 : vector<16xi32> to vector<16x1xi32>
        %gather3A_1117 = vector.shape_cast %broadcast_in_dim3A_1116 : vector<16x1xi32> to vector<16xi32>
        %gather3A_1118 = tpu.dynamic_gather %min3A_1112[%gather3A_1117] in [0] : vector<16xi32>, vector<16xi32> -> vector<16xi32>
        %min3A_1119 = arith.minsi %min3A_1112, %gather3A_1118 : vector<16xi32>
        %broadcast_in_dim3A_1120 = vector.broadcast %scan3A_828 : i32 to vector<16xi32>
        tpu.vector_store_idx %arg8[%broadcast_in_dim3A_1120], %max3A_1082 masked %eq3A_76 : memref<64xf32, #tpu.memory_space<vmem>>[vector<16xi32>], vector<16xf32>, vector<16xi1>
        %gather3A_1121 = tpu.vector_load_idx %arg7[%min3A_1119] : memref<4096xi32, #tpu.memory_space<vmem>>[vector<16xi32>], vector<16xi32>,
        tpu.vector_store_idx %arg9[%broadcast_in_dim3A_1120], %gather3A_1121 masked %eq3A_76 : memref<64xi32, #tpu.memory_space<vmem>>[vector<16xi32>], vector<16xi32>, vector<16xi1>
        tpu.vector_store_idx %arg6[%min3A_1119], %broadcast_in_dim3A_7 masked %eq3A_76 : memref<4096xf32, #tpu.memory_space<vmem>>[vector<16xi32>], vector<16xf32>, vector<16xi1>
        %scan3A_1122 = arith.constant 0 : i32
        scf.yield %scan3A_1122 : i32
      }
      %scan3A_827 = arith.constant 64 : i32
      scf.yield %scan3A_826 : i32
    } else {
      %scan3A_821 = arith.constant 0 : i32
      %scan3A_822 = arith.constant 0 : i32
      %scan3A_823 = arith.constant 64 : i32
      %scan3A_824 = arith.addi %scan3A_822, %scan3A_823 : i32
      %scan3A_825 = arith.constant 1 : i32
      %scan3A_826 = scf.for %scan3A_828 = %scan3A_822 to %scan3A_824 step %scan3A_825 iter_args(%scan3A_829 = %scan3A_821) -> (i32)  : i32 {
        %broadcast_in_dim3A_830 = arith.constant 0 : i32
        %broadcast_in_dim3A_831 = vector.broadcast %broadcast_in_dim3A_830 : i32 to vector<16xi32>
        %while3A = arith.constant 0 : i32
        %while3A_832 = arith.subi %select_n3A, %while3A : i32
        %while3A_833 = arith.addi %while3A, %while3A_832 : i32
        %while3A_834 = arith.constant 1 : i32
        %while3A_835 = arith.divsi %while3A_832, %while3A_834 : i32
        %while3A_836 = arith.muli %while3A_835, %while3A_834 : i32
        %while3A_837 = arith.addi %while3A, %while3A_836 : i32
        %while3A_838 = arith.constant 1 : i32
        %while3A_839:2 = scf.for %while3A_910 = %while3A to %while3A_837 step %while3A_838 iter_args(%while3A_911 = %broadcast_in_dim3A_7, %while3A_912 = %broadcast_in_dim3A_831) -> (vector<16xf32>, vector<16xi32>)  : i32 {
          %mul3A_913 = arith.constant 16 : i32
          %mul3A_914 = arith.muli %while3A_910, %mul3A_913 : i32
          %multiple_of3A = tpu.assume_multiple %mul3A_914, 16 : i32
          %get3A_915 = arith.index_cast %multiple_of3A : i32 to index
          %get3A_916 = tpu.vector_load %arg6[%get3A_915] {strides = array<i32>} : memref<4096xf32, #tpu.memory_space<vmem>>, vector<16xf32>,
          %gt3A = arith.cmpf ogt, %get3A_916, %while3A_911 : vector<16xf32>
          %select_n3A_917 = arith.select %gt3A, %get3A_916, %while3A_911 : vector<16xi1>, vector<16xf32>
          %broadcast_in_dim3A_918 = vector.broadcast %while3A_910 : i32 to vector<16xi32>
          %select_n3A_919 = arith.select %gt3A, %broadcast_in_dim3A_918, %while3A_912 : vector<16xi1>, vector<16xi32>
          scf.yield %select_n3A_917, %select_n3A_919 : vector<16xf32>, vector<16xi32>
        }
        %while3A_840 = arith.constant 1 : i32
        %while3A_841:2 = scf.for %while3A_910 = %while3A_837 to %while3A_833 step %while3A_840 iter_args(%while3A_911 = %while3A_839#0, %while3A_912 = %while3A_839#1) -> (vector<16xf32>, vector<16xi32>)  : i32 {
          %mul3A_913 = arith.constant 16 : i32
          %mul3A_914 = arith.muli %while3A_910, %mul3A_913 : i32
          %multiple_of3A = tpu.assume_multiple %mul3A_914, 16 : i32
          %get3A_915 = arith.index_cast %multiple_of3A : i32 to index
          %get3A_916 = tpu.vector_load %arg6[%get3A_915] {strides = array<i32>} : memref<4096xf32, #tpu.memory_space<vmem>>, vector<16xf32>,
          %gt3A = arith.cmpf ogt, %get3A_916, %while3A_911 : vector<16xf32>
          %select_n3A_917 = arith.select %gt3A, %get3A_916, %while3A_911 : vector<16xi1>, vector<16xf32>
          %broadcast_in_dim3A_918 = vector.broadcast %while3A_910 : i32 to vector<16xi32>
          %select_n3A_919 = arith.select %gt3A, %broadcast_in_dim3A_918, %while3A_912 : vector<16xi1>, vector<16xi32>
          scf.yield %select_n3A_917, %select_n3A_919 : vector<16xf32>, vector<16xi32>
        }
        %iota3A_842 = tpu.iota {dimensions = array<i32: 0>} : vector<16xi32>
        %xor3A_843 = arith.constant 1 : i32
        %xor3A_844 = vector.broadcast %xor3A_843 : i32 to vector<16xi32>
        %xor3A_845 = arith.xori %iota3A_842, %xor3A_844 : vector<16xi32>
        %broadcast_in_dim3A_846 = vector.shape_cast %xor3A_845 : vector<16xi32> to vector<16x1xi32>
        %gather3A_847 = vector.shape_cast %broadcast_in_dim3A_846 : vector<16x1xi32> to vector<16xi32>
        %gather3A_848 = tpu.dynamic_gather %while3A_841#0[%gather3A_847] in [0] : vector<16xf32>, vector<16xi32> -> vector<16xf32>
        %max3A = arith.maximumf %while3A_841#0, %gather3A_848 : vector<16xf32>
        %xor3A_849 = arith.constant 2 : i32
        %xor3A_850 = vector.broadcast %xor3A_849 : i32 to vector<16xi32>
        %xor3A_851 = arith.xori %iota3A_842, %xor3A_850 : vector<16xi32>
        %broadcast_in_dim3A_852 = vector.shape_cast %xor3A_851 : vector<16xi32> to vector<16x1xi32>
        %gather3A_853 = vector.shape_cast %broadcast_in_dim3A_852 : vector<16x1xi32> to vector<16xi32>
        %gather3A_854 = tpu.dynamic_gather %max3A[%gather3A_853] in [0] : vector<16xf32>, vector<16xi32> -> vector<16xf32>
        %max3A_855 = arith.maximumf %max3A, %gather3A_854 : vector<16xf32>
        %xor3A_856 = arith.constant 4 : i32
        %xor3A_857 = vector.broadcast %xor3A_856 : i32 to vector<16xi32>
        %xor3A_858 = arith.xori %iota3A_842, %xor3A_857 : vector<16xi32>
        %broadcast_in_dim3A_859 = vector.shape_cast %xor3A_858 : vector<16xi32> to vector<16x1xi32>
        %gather3A_860 = vector.shape_cast %broadcast_in_dim3A_859 : vector<16x1xi32> to vector<16xi32>
        %gather3A_861 = tpu.dynamic_gather %max3A_855[%gather3A_860] in [0] : vector<16xf32>, vector<16xi32> -> vector<16xf32>
        %max3A_862 = arith.maximumf %max3A_855, %gather3A_861 : vector<16xf32>
        %xor3A_863 = arith.constant 8 : i32
        %xor3A_864 = vector.broadcast %xor3A_863 : i32 to vector<16xi32>
        %xor3A_865 = arith.xori %iota3A_842, %xor3A_864 : vector<16xi32>
        %broadcast_in_dim3A_866 = vector.shape_cast %xor3A_865 : vector<16xi32> to vector<16x1xi32>
        %gather3A_867 = vector.shape_cast %broadcast_in_dim3A_866 : vector<16x1xi32> to vector<16xi32>
        %gather3A_868 = tpu.dynamic_gather %max3A_862[%gather3A_867] in [0] : vector<16xf32>, vector<16xi32> -> vector<16xf32>
        %max3A_869 = arith.maximumf %max3A_862, %gather3A_868 : vector<16xf32>
        %eq3A_870 = arith.cmpf oeq, %while3A_841#0, %max3A_869 : vector<16xf32>
        %mul3A_871 = arith.constant 16 : i32
        %mul3A_872 = vector.broadcast %mul3A_871 : i32 to vector<16xi32>
        %mul3A_873 = arith.muli %while3A_841#1, %mul3A_872 : vector<16xi32>
        %add3A_874 = arith.addi %mul3A_873, %iota3A : vector<16xi32>
        %jit3A_875 = arith.constant 1073741824 : i32
        %broadcast_in_dim3A_876 = vector.broadcast %jit3A_875 : i32 to vector<16xi32>
        %select_n3A_877 = arith.select %eq3A_870, %add3A_874, %broadcast_in_dim3A_876 : vector<16xi1>, vector<16xi32>
        %iota3A_878 = tpu.iota {dimensions = array<i32: 0>} : vector<16xi32>
        %xor3A_879 = arith.constant 1 : i32
        %xor3A_880 = vector.broadcast %xor3A_879 : i32 to vector<16xi32>
        %xor3A_881 = arith.xori %iota3A_878, %xor3A_880 : vector<16xi32>
        %broadcast_in_dim3A_882 = vector.shape_cast %xor3A_881 : vector<16xi32> to vector<16x1xi32>
        %gather3A_883 = vector.shape_cast %broadcast_in_dim3A_882 : vector<16x1xi32> to vector<16xi32>
        %gather3A_884 = tpu.dynamic_gather %select_n3A_877[%gather3A_883] in [0] : vector<16xi32>, vector<16xi32> -> vector<16xi32>
        %min3A_885 = arith.minsi %select_n3A_877, %gather3A_884 : vector<16xi32>
        %xor3A_886 = arith.constant 2 : i32
        %xor3A_887 = vector.broadcast %xor3A_886 : i32 to vector<16xi32>
        %xor3A_888 = arith.xori %iota3A_878, %xor3A_887 : vector<16xi32>
        %broadcast_in_dim3A_889 = vector.shape_cast %xor3A_888 : vector<16xi32> to vector<16x1xi32>
        %gather3A_890 = vector.shape_cast %broadcast_in_dim3A_889 : vector<16x1xi32> to vector<16xi32>
        %gather3A_891 = tpu.dynamic_gather %min3A_885[%gather3A_890] in [0] : vector<16xi32>, vector<16xi32> -> vector<16xi32>
        %min3A_892 = arith.minsi %min3A_885, %gather3A_891 : vector<16xi32>
        %xor3A_893 = arith.constant 4 : i32
        %xor3A_894 = vector.broadcast %xor3A_893 : i32 to vector<16xi32>
        %xor3A_895 = arith.xori %iota3A_878, %xor3A_894 : vector<16xi32>
        %broadcast_in_dim3A_896 = vector.shape_cast %xor3A_895 : vector<16xi32> to vector<16x1xi32>
        %gather3A_897 = vector.shape_cast %broadcast_in_dim3A_896 : vector<16x1xi32> to vector<16xi32>
        %gather3A_898 = tpu.dynamic_gather %min3A_892[%gather3A_897] in [0] : vector<16xi32>, vector<16xi32> -> vector<16xi32>
        %min3A_899 = arith.minsi %min3A_892, %gather3A_898 : vector<16xi32>
        %xor3A_900 = arith.constant 8 : i32
        %xor3A_901 = vector.broadcast %xor3A_900 : i32 to vector<16xi32>
        %xor3A_902 = arith.xori %iota3A_878, %xor3A_901 : vector<16xi32>
        %broadcast_in_dim3A_903 = vector.shape_cast %xor3A_902 : vector<16xi32> to vector<16x1xi32>
        %gather3A_904 = vector.shape_cast %broadcast_in_dim3A_903 : vector<16x1xi32> to vector<16xi32>
        %gather3A_905 = tpu.dynamic_gather %min3A_899[%gather3A_904] in [0] : vector<16xi32>, vector<16xi32> -> vector<16xi32>
        %min3A_906 = arith.minsi %min3A_899, %gather3A_905 : vector<16xi32>
        %broadcast_in_dim3A_907 = vector.broadcast %scan3A_828 : i32 to vector<16xi32>
        tpu.vector_store_idx %arg8[%broadcast_in_dim3A_907], %max3A_869 masked %eq3A_76 : memref<64xf32, #tpu.memory_space<vmem>>[vector<16xi32>], vector<16xf32>, vector<16xi1>
        %gather3A_908 = tpu.vector_load_idx %arg7[%min3A_906] : memref<4096xi32, #tpu.memory_space<vmem>>[vector<16xi32>], vector<16xi32>,
        tpu.vector_store_idx %arg9[%broadcast_in_dim3A_907], %gather3A_908 masked %eq3A_76 : memref<64xi32, #tpu.memory_space<vmem>>[vector<16xi32>], vector<16xi32>, vector<16xi1>
        tpu.vector_store_idx %arg6[%min3A_906], %broadcast_in_dim3A_7 masked %eq3A_76 : memref<4096xf32, #tpu.memory_space<vmem>>[vector<16xi32>], vector<16xf32>, vector<16xi1>
        %scan3A_909 = arith.constant 0 : i32
        scf.yield %scan3A_909 : i32
      }
      %scan3A_827 = arith.constant 64 : i32
      scf.yield %scan3A_826 : i32
    }
    %get3A_80 = arith.constant 0 : index
    %get3A_81 = tpu.vector_load %arg8[%get3A_80] {strides = array<i32>} : memref<64xf32, #tpu.memory_space<vmem>>, vector<16xf32>,
    %div3A_82 = arith.constant 8.000000e-01 : f32
    %div3A_83 = vector.broadcast %div3A_82 : f32 to vector<16xf32>
    %div3A_84 = arith.divf %get3A_81, %div3A_83 : vector<16xf32>
    %swap3A = arith.constant 0 : index
    %swap3A_85 = tpu.vector_load %arg8[%swap3A] {strides = array<i32>} : memref<64xf32, #tpu.memory_space<vmem>>, vector<16xf32>,
    tpu.vector_store %arg8[%swap3A], %div3A_84 {strides = array<i32>} : memref<64xf32, #tpu.memory_space<vmem>>, vector<16xf32>,
    %get3A_86 = arith.constant 16 : index
    %get3A_87 = tpu.vector_load %arg8[%get3A_86] {strides = array<i32>} : memref<64xf32, #tpu.memory_space<vmem>>, vector<16xf32>,
    %div3A_88 = arith.constant 8.000000e-01 : f32
    %div3A_89 = vector.broadcast %div3A_88 : f32 to vector<16xf32>
    %div3A_90 = arith.divf %get3A_87, %div3A_89 : vector<16xf32>
    %swap3A_91 = arith.constant 16 : index
    %swap3A_92 = tpu.vector_load %arg8[%swap3A_91] {strides = array<i32>} : memref<64xf32, #tpu.memory_space<vmem>>, vector<16xf32>,
    tpu.vector_store %arg8[%swap3A_91], %div3A_90 {strides = array<i32>} : memref<64xf32, #tpu.memory_space<vmem>>, vector<16xf32>,
    %get3A_93 = arith.constant 32 : index
    %get3A_94 = tpu.vector_load %arg8[%get3A_93] {strides = array<i32>} : memref<64xf32, #tpu.memory_space<vmem>>, vector<16xf32>,
    %div3A_95 = arith.constant 8.000000e-01 : f32
    %div3A_96 = vector.broadcast %div3A_95 : f32 to vector<16xf32>
    %div3A_97 = arith.divf %get3A_94, %div3A_96 : vector<16xf32>
    %swap3A_98 = arith.constant 32 : index
    %swap3A_99 = tpu.vector_load %arg8[%swap3A_98] {strides = array<i32>} : memref<64xf32, #tpu.memory_space<vmem>>, vector<16xf32>,
    tpu.vector_store %arg8[%swap3A_98], %div3A_97 {strides = array<i32>} : memref<64xf32, #tpu.memory_space<vmem>>, vector<16xf32>,
    %get3A_100 = arith.constant 48 : index
    %get3A_101 = tpu.vector_load %arg8[%get3A_100] {strides = array<i32>} : memref<64xf32, #tpu.memory_space<vmem>>, vector<16xf32>,
    %div3A_102 = arith.constant 8.000000e-01 : f32
    %div3A_103 = vector.broadcast %div3A_102 : f32 to vector<16xf32>
    %div3A_104 = arith.divf %get3A_101, %div3A_103 : vector<16xf32>
    %swap3A_105 = arith.constant 48 : index
    %swap3A_106 = tpu.vector_load %arg8[%swap3A_105] {strides = array<i32>} : memref<64xf32, #tpu.memory_space<vmem>>, vector<16xf32>,
    tpu.vector_store %arg8[%swap3A_105], %div3A_104 {strides = array<i32>} : memref<64xf32, #tpu.memory_space<vmem>>, vector<16xf32>,
    %broadcast_in_dim3A_107 = vector.broadcast %sub3A_2 : i32 to vector<16xi32>
    %gather3A_108 = tpu.vector_load_idx %arg8[%broadcast_in_dim3A_107] : memref<64xf32, #tpu.memory_space<vmem>>[vector<16xi32>], vector<16xf32>,
    %broadcast_in_dim3A_109 = arith.constant 0 : i32
    %broadcast_in_dim3A_110 = vector.broadcast %broadcast_in_dim3A_109 : i32 to vector<16xi32>
    %gather3A_111 = tpu.vector_load_idx %arg8[%broadcast_in_dim3A_110] : memref<64xf32, #tpu.memory_space<vmem>>[vector<16xi32>], vector<16xf32>,
    %broadcast_in_dim3A_112 = arith.constant 0.000000e+00 : f32
    %broadcast_in_dim3A_113 = vector.broadcast %broadcast_in_dim3A_112 : f32 to vector<16xf32>
    %get3A_114 = arith.constant 0 : index
    %get3A_115 = tpu.vector_load %arg8[%get3A_114] {strides = array<i32>} : memref<64xf32, #tpu.memory_space<vmem>>, vector<16xf32>,
    %ge3A = arith.cmpf oge, %get3A_115, %gather3A_108 : vector<16xf32>
    %sub3A_116 = arith.subf %get3A_115, %gather3A_111 : vector<16xf32>
    %exp3A = math.exp %sub3A_116 : vector<16xf32>
    %jit3A_117 = arith.constant 0.000000e+00 : f32
    %broadcast_in_dim3A_118 = vector.broadcast %jit3A_117 : f32 to vector<16xf32>
    %select_n3A_119 = arith.select %ge3A, %exp3A, %broadcast_in_dim3A_118 : vector<16xi1>, vector<16xf32>
    %add3A_120 = arith.addf %broadcast_in_dim3A_113, %select_n3A_119 : vector<16xf32>
    %get3A_121 = arith.constant 16 : index
    %get3A_122 = tpu.vector_load %arg8[%get3A_121] {strides = array<i32>} : memref<64xf32, #tpu.memory_space<vmem>>, vector<16xf32>,
    %ge3A_123 = arith.cmpf oge, %get3A_122, %gather3A_108 : vector<16xf32>
    %sub3A_124 = arith.subf %get3A_122, %gather3A_111 : vector<16xf32>
    %exp3A_125 = math.exp %sub3A_124 : vector<16xf32>
    %jit3A_126 = arith.constant 0.000000e+00 : f32
    %broadcast_in_dim3A_127 = vector.broadcast %jit3A_126 : f32 to vector<16xf32>
    %select_n3A_128 = arith.select %ge3A_123, %exp3A_125, %broadcast_in_dim3A_127 : vector<16xi1>, vector<16xf32>
    %add3A_129 = arith.addf %add3A_120, %select_n3A_128 : vector<16xf32>
    %get3A_130 = arith.constant 32 : index
    %get3A_131 = tpu.vector_load %arg8[%get3A_130] {strides = array<i32>} : memref<64xf32, #tpu.memory_space<vmem>>, vector<16xf32>,
    %ge3A_132 = arith.cmpf oge, %get3A_131, %gather3A_108 : vector<16xf32>
    %sub3A_133 = arith.subf %get3A_131, %gather3A_111 : vector<16xf32>
    %exp3A_134 = math.exp %sub3A_133 : vector<16xf32>
    %jit3A_135 = arith.constant 0.000000e+00 : f32
    %broadcast_in_dim3A_136 = vector.broadcast %jit3A_135 : f32 to vector<16xf32>
    %select_n3A_137 = arith.select %ge3A_132, %exp3A_134, %broadcast_in_dim3A_136 : vector<16xi1>, vector<16xf32>
    %add3A_138 = arith.addf %add3A_129, %select_n3A_137 : vector<16xf32>
    %get3A_139 = arith.constant 48 : index
    %get3A_140 = tpu.vector_load %arg8[%get3A_139] {strides = array<i32>} : memref<64xf32, #tpu.memory_space<vmem>>, vector<16xf32>,
    %ge3A_141 = arith.cmpf oge, %get3A_140, %gather3A_108 : vector<16xf32>
    %sub3A_142 = arith.subf %get3A_140, %gather3A_111 : vector<16xf32>
    %exp3A_143 = math.exp %sub3A_142 : vector<16xf32>
    %jit3A_144 = arith.constant 0.000000e+00 : f32
    %broadcast_in_dim3A_145 = vector.broadcast %jit3A_144 : f32 to vector<16xf32>
    %select_n3A_146 = arith.select %ge3A_141, %exp3A_143, %broadcast_in_dim3A_145 : vector<16xi1>, vector<16xf32>
    %add3A_147 = arith.addf %add3A_138, %select_n3A_146 : vector<16xf32>
    %iota3A_148 = tpu.iota {dimensions = array<i32: 0>} : vector<16xi32>
    %xor3A_149 = arith.constant 1 : i32
    %xor3A_150 = vector.broadcast %xor3A_149 : i32 to vector<16xi32>
    %xor3A_151 = arith.xori %iota3A_148, %xor3A_150 : vector<16xi32>
    %broadcast_in_dim3A_152 = vector.shape_cast %xor3A_151 : vector<16xi32> to vector<16x1xi32>
    %gather3A_153 = vector.shape_cast %broadcast_in_dim3A_152 : vector<16x1xi32> to vector<16xi32>
    %gather3A_154 = tpu.dynamic_gather %add3A_147[%gather3A_153] in [0] : vector<16xf32>, vector<16xi32> -> vector<16xf32>
    %add3A_155 = arith.addf %add3A_147, %gather3A_154 : vector<16xf32>
    %xor3A_156 = arith.constant 2 : i32
    %xor3A_157 = vector.broadcast %xor3A_156 : i32 to vector<16xi32>
    %xor3A_158 = arith.xori %iota3A_148, %xor3A_157 : vector<16xi32>
    %broadcast_in_dim3A_159 = vector.shape_cast %xor3A_158 : vector<16xi32> to vector<16x1xi32>
    %gather3A_160 = vector.shape_cast %broadcast_in_dim3A_159 : vector<16x1xi32> to vector<16xi32>
    %gather3A_161 = tpu.dynamic_gather %add3A_155[%gather3A_160] in [0] : vector<16xf32>, vector<16xi32> -> vector<16xf32>
    %add3A_162 = arith.addf %add3A_155, %gather3A_161 : vector<16xf32>
    %xor3A_163 = arith.constant 4 : i32
    %xor3A_164 = vector.broadcast %xor3A_163 : i32 to vector<16xi32>
    %xor3A_165 = arith.xori %iota3A_148, %xor3A_164 : vector<16xi32>
    %broadcast_in_dim3A_166 = vector.shape_cast %xor3A_165 : vector<16xi32> to vector<16x1xi32>
    %gather3A_167 = vector.shape_cast %broadcast_in_dim3A_166 : vector<16x1xi32> to vector<16xi32>
    %gather3A_168 = tpu.dynamic_gather %add3A_162[%gather3A_167] in [0] : vector<16xf32>, vector<16xi32> -> vector<16xf32>
    %add3A_169 = arith.addf %add3A_162, %gather3A_168 : vector<16xf32>
    %xor3A_170 = arith.constant 8 : i32
    %xor3A_171 = vector.broadcast %xor3A_170 : i32 to vector<16xi32>
    %xor3A_172 = arith.xori %iota3A_148, %xor3A_171 : vector<16xi32>
    %broadcast_in_dim3A_173 = vector.shape_cast %xor3A_172 : vector<16xi32> to vector<16x1xi32>
    %gather3A_174 = vector.shape_cast %broadcast_in_dim3A_173 : vector<16x1xi32> to vector<16xi32>
    %gather3A_175 = tpu.dynamic_gather %add3A_169[%gather3A_174] in [0] : vector<16xf32>, vector<16xi32> -> vector<16xf32>
    %add3A_176 = arith.addf %add3A_169, %gather3A_175 : vector<16xf32>
    %broadcast_in_dim3A_177 = arith.constant 0.000000e+00 : f32
    %broadcast_in_dim3A_178 = vector.broadcast %broadcast_in_dim3A_177 : f32 to vector<16xf32>
    %div3A_179 = arith.divf %select_n3A_119, %add3A_176 : vector<16xf32>
    %broadcast_in_dim3A_180 = arith.constant true
    %broadcast_in_dim3A_181 = vector.broadcast %broadcast_in_dim3A_180 : i1 to vector<16xi1>
    %masked_cumsum3A = tpu.scan <sum>, %div3A_179 masked %broadcast_in_dim3A_181 : vector<16xf32>, vector<16xi1> -> vector<16xf32>
    %add3A_182 = arith.addf %masked_cumsum3A, %broadcast_in_dim3A_178 : vector<16xf32>
    %le3A_183 = arith.constant 0.899999976 : f32
    %le3A_184 = vector.broadcast %le3A_183 : f32 to vector<16xf32>
    %le3A_185 = arith.cmpf ole, %add3A_182, %le3A_184 : vector<16xf32>
    %convert_element_type3A_186 = arith.extui %le3A_185 : vector<16xi1> to vector<16xi32>
    %iota3A_187 = tpu.iota {dimensions = array<i32: 0>} : vector<16xi32>
    %xor3A_188 = arith.constant 1 : i32
    %xor3A_189 = vector.broadcast %xor3A_188 : i32 to vector<16xi32>
    %xor3A_190 = arith.xori %iota3A_187, %xor3A_189 : vector<16xi32>
    %broadcast_in_dim3A_191 = vector.shape_cast %xor3A_190 : vector<16xi32> to vector<16x1xi32>
    %gather3A_192 = vector.shape_cast %broadcast_in_dim3A_191 : vector<16x1xi32> to vector<16xi32>
    %gather3A_193 = tpu.dynamic_gather %convert_element_type3A_186[%gather3A_192] in [0] : vector<16xi32>, vector<16xi32> -> vector<16xi32>
    %add3A_194 = arith.addi %convert_element_type3A_186, %gather3A_193 : vector<16xi32>
    %xor3A_195 = arith.constant 2 : i32
    %xor3A_196 = vector.broadcast %xor3A_195 : i32 to vector<16xi32>
    %xor3A_197 = arith.xori %iota3A_187, %xor3A_196 : vector<16xi32>
    %broadcast_in_dim3A_198 = vector.shape_cast %xor3A_197 : vector<16xi32> to vector<16x1xi32>
    %gather3A_199 = vector.shape_cast %broadcast_in_dim3A_198 : vector<16x1xi32> to vector<16xi32>
    %gather3A_200 = tpu.dynamic_gather %add3A_194[%gather3A_199] in [0] : vector<16xi32>, vector<16xi32> -> vector<16xi32>
    %add3A_201 = arith.addi %add3A_194, %gather3A_200 : vector<16xi32>
    %xor3A_202 = arith.constant 4 : i32
    %xor3A_203 = vector.broadcast %xor3A_202 : i32 to vector<16xi32>
    %xor3A_204 = arith.xori %iota3A_187, %xor3A_203 : vector<16xi32>
    %broadcast_in_dim3A_205 = vector.shape_cast %xor3A_204 : vector<16xi32> to vector<16x1xi32>
    %gather3A_206 = vector.shape_cast %broadcast_in_dim3A_205 : vector<16x1xi32> to vector<16xi32>
    %gather3A_207 = tpu.dynamic_gather %add3A_201[%gather3A_206] in [0] : vector<16xi32>, vector<16xi32> -> vector<16xi32>
    %add3A_208 = arith.addi %add3A_201, %gather3A_207 : vector<16xi32>
    %xor3A_209 = arith.constant 8 : i32
    %xor3A_210 = vector.broadcast %xor3A_209 : i32 to vector<16xi32>
    %xor3A_211 = arith.xori %iota3A_187, %xor3A_210 : vector<16xi32>
    %broadcast_in_dim3A_212 = vector.shape_cast %xor3A_211 : vector<16xi32> to vector<16x1xi32>
    %gather3A_213 = vector.shape_cast %broadcast_in_dim3A_212 : vector<16x1xi32> to vector<16xi32>
    %gather3A_214 = tpu.dynamic_gather %add3A_208[%gather3A_213] in [0] : vector<16xi32>, vector<16xi32> -> vector<16xi32>
    %add3A_215 = arith.addi %add3A_208, %gather3A_214 : vector<16xi32>
    %slice3A_216 = vector.extract_strided_slice %add3A_215 {offsets = [0], sizes = [1], strides = [1]} : vector<16xi32> to vector<1xi32>
    %squeeze3A_217 = vector.extract %slice3A_216[0] : i32 from vector<1xi32>
    %add3A_218 = arith.constant 0 : i32
    %add3A_219 = arith.addi %add3A_218, %squeeze3A_217 : i32
    %slice3A_220 = vector.extract_strided_slice %add3A_182 {offsets = [15], sizes = [1], strides = [1]} : vector<16xf32> to vector<1xf32>
    %squeeze3A_221 = vector.extract %slice3A_220[0] : f32 from vector<1xf32>
    %broadcast_in_dim3A_222 = vector.broadcast %squeeze3A_221 : f32 to vector<16xf32>
    %div3A_223 = arith.divf %select_n3A_128, %add3A_176 : vector<16xf32>
    %broadcast_in_dim3A_224 = arith.constant true
    %broadcast_in_dim3A_225 = vector.broadcast %broadcast_in_dim3A_224 : i1 to vector<16xi1>
    %masked_cumsum3A_226 = tpu.scan <sum>, %div3A_223 masked %broadcast_in_dim3A_225 : vector<16xf32>, vector<16xi1> -> vector<16xf32>
    %add3A_227 = arith.addf %masked_cumsum3A_226, %broadcast_in_dim3A_222 : vector<16xf32>
    %le3A_228 = arith.constant 0.899999976 : f32
    %le3A_229 = vector.broadcast %le3A_228 : f32 to vector<16xf32>
    %le3A_230 = arith.cmpf ole, %add3A_227, %le3A_229 : vector<16xf32>
    %convert_element_type3A_231 = arith.extui %le3A_230 : vector<16xi1> to vector<16xi32>
    %iota3A_232 = tpu.iota {dimensions = array<i32: 0>} : vector<16xi32>
    %xor3A_233 = arith.constant 1 : i32
    %xor3A_234 = vector.broadcast %xor3A_233 : i32 to vector<16xi32>
    %xor3A_235 = arith.xori %iota3A_232, %xor3A_234 : vector<16xi32>
    %broadcast_in_dim3A_236 = vector.shape_cast %xor3A_235 : vector<16xi32> to vector<16x1xi32>
    %gather3A_237 = vector.shape_cast %broadcast_in_dim3A_236 : vector<16x1xi32> to vector<16xi32>
    %gather3A_238 = tpu.dynamic_gather %convert_element_type3A_231[%gather3A_237] in [0] : vector<16xi32>, vector<16xi32> -> vector<16xi32>
    %add3A_239 = arith.addi %convert_element_type3A_231, %gather3A_238 : vector<16xi32>
    %xor3A_240 = arith.constant 2 : i32
    %xor3A_241 = vector.broadcast %xor3A_240 : i32 to vector<16xi32>
    %xor3A_242 = arith.xori %iota3A_232, %xor3A_241 : vector<16xi32>
    %broadcast_in_dim3A_243 = vector.shape_cast %xor3A_242 : vector<16xi32> to vector<16x1xi32>
    %gather3A_244 = vector.shape_cast %broadcast_in_dim3A_243 : vector<16x1xi32> to vector<16xi32>
    %gather3A_245 = tpu.dynamic_gather %add3A_239[%gather3A_244] in [0] : vector<16xi32>, vector<16xi32> -> vector<16xi32>
    %add3A_246 = arith.addi %add3A_239, %gather3A_245 : vector<16xi32>
    %xor3A_247 = arith.constant 4 : i32
    %xor3A_248 = vector.broadcast %xor3A_247 : i32 to vector<16xi32>
    %xor3A_249 = arith.xori %iota3A_232, %xor3A_248 : vector<16xi32>
    %broadcast_in_dim3A_250 = vector.shape_cast %xor3A_249 : vector<16xi32> to vector<16x1xi32>
    %gather3A_251 = vector.shape_cast %broadcast_in_dim3A_250 : vector<16x1xi32> to vector<16xi32>
    %gather3A_252 = tpu.dynamic_gather %add3A_246[%gather3A_251] in [0] : vector<16xi32>, vector<16xi32> -> vector<16xi32>
    %add3A_253 = arith.addi %add3A_246, %gather3A_252 : vector<16xi32>
    %xor3A_254 = arith.constant 8 : i32
    %xor3A_255 = vector.broadcast %xor3A_254 : i32 to vector<16xi32>
    %xor3A_256 = arith.xori %iota3A_232, %xor3A_255 : vector<16xi32>
    %broadcast_in_dim3A_257 = vector.shape_cast %xor3A_256 : vector<16xi32> to vector<16x1xi32>
    %gather3A_258 = vector.shape_cast %broadcast_in_dim3A_257 : vector<16x1xi32> to vector<16xi32>
    %gather3A_259 = tpu.dynamic_gather %add3A_253[%gather3A_258] in [0] : vector<16xi32>, vector<16xi32> -> vector<16xi32>
    %add3A_260 = arith.addi %add3A_253, %gather3A_259 : vector<16xi32>
    %slice3A_261 = vector.extract_strided_slice %add3A_260 {offsets = [0], sizes = [1], strides = [1]} : vector<16xi32> to vector<1xi32>
    %squeeze3A_262 = vector.extract %slice3A_261[0] : i32 from vector<1xi32>
    %add3A_263 = arith.addi %add3A_219, %squeeze3A_262 : i32
    %slice3A_264 = vector.extract_strided_slice %add3A_227 {offsets = [15], sizes = [1], strides = [1]} : vector<16xf32> to vector<1xf32>
    %squeeze3A_265 = vector.extract %slice3A_264[0] : f32 from vector<1xf32>
    %broadcast_in_dim3A_266 = vector.broadcast %squeeze3A_265 : f32 to vector<16xf32>
    %div3A_267 = arith.divf %select_n3A_137, %add3A_176 : vector<16xf32>
    %broadcast_in_dim3A_268 = arith.constant true
    %broadcast_in_dim3A_269 = vector.broadcast %broadcast_in_dim3A_268 : i1 to vector<16xi1>
    %masked_cumsum3A_270 = tpu.scan <sum>, %div3A_267 masked %broadcast_in_dim3A_269 : vector<16xf32>, vector<16xi1> -> vector<16xf32>
    %add3A_271 = arith.addf %masked_cumsum3A_270, %broadcast_in_dim3A_266 : vector<16xf32>
    %le3A_272 = arith.constant 0.899999976 : f32
    %le3A_273 = vector.broadcast %le3A_272 : f32 to vector<16xf32>
    %le3A_274 = arith.cmpf ole, %add3A_271, %le3A_273 : vector<16xf32>
    %convert_element_type3A_275 = arith.extui %le3A_274 : vector<16xi1> to vector<16xi32>
    %iota3A_276 = tpu.iota {dimensions = array<i32: 0>} : vector<16xi32>
    %xor3A_277 = arith.constant 1 : i32
    %xor3A_278 = vector.broadcast %xor3A_277 : i32 to vector<16xi32>
    %xor3A_279 = arith.xori %iota3A_276, %xor3A_278 : vector<16xi32>
    %broadcast_in_dim3A_280 = vector.shape_cast %xor3A_279 : vector<16xi32> to vector<16x1xi32>
    %gather3A_281 = vector.shape_cast %broadcast_in_dim3A_280 : vector<16x1xi32> to vector<16xi32>
    %gather3A_282 = tpu.dynamic_gather %convert_element_type3A_275[%gather3A_281] in [0] : vector<16xi32>, vector<16xi32> -> vector<16xi32>
    %add3A_283 = arith.addi %convert_element_type3A_275, %gather3A_282 : vector<16xi32>
    %xor3A_284 = arith.constant 2 : i32
    %xor3A_285 = vector.broadcast %xor3A_284 : i32 to vector<16xi32>
    %xor3A_286 = arith.xori %iota3A_276, %xor3A_285 : vector<16xi32>
    %broadcast_in_dim3A_287 = vector.shape_cast %xor3A_286 : vector<16xi32> to vector<16x1xi32>
    %gather3A_288 = vector.shape_cast %broadcast_in_dim3A_287 : vector<16x1xi32> to vector<16xi32>
    %gather3A_289 = tpu.dynamic_gather %add3A_283[%gather3A_288] in [0] : vector<16xi32>, vector<16xi32> -> vector<16xi32>
    %add3A_290 = arith.addi %add3A_283, %gather3A_289 : vector<16xi32>
    %xor3A_291 = arith.constant 4 : i32
    %xor3A_292 = vector.broadcast %xor3A_291 : i32 to vector<16xi32>
    %xor3A_293 = arith.xori %iota3A_276, %xor3A_292 : vector<16xi32>
    %broadcast_in_dim3A_294 = vector.shape_cast %xor3A_293 : vector<16xi32> to vector<16x1xi32>
    %gather3A_295 = vector.shape_cast %broadcast_in_dim3A_294 : vector<16x1xi32> to vector<16xi32>
    %gather3A_296 = tpu.dynamic_gather %add3A_290[%gather3A_295] in [0] : vector<16xi32>, vector<16xi32> -> vector<16xi32>
    %add3A_297 = arith.addi %add3A_290, %gather3A_296 : vector<16xi32>
    %xor3A_298 = arith.constant 8 : i32
    %xor3A_299 = vector.broadcast %xor3A_298 : i32 to vector<16xi32>
    %xor3A_300 = arith.xori %iota3A_276, %xor3A_299 : vector<16xi32>
    %broadcast_in_dim3A_301 = vector.shape_cast %xor3A_300 : vector<16xi32> to vector<16x1xi32>
    %gather3A_302 = vector.shape_cast %broadcast_in_dim3A_301 : vector<16x1xi32> to vector<16xi32>
    %gather3A_303 = tpu.dynamic_gather %add3A_297[%gather3A_302] in [0] : vector<16xi32>, vector<16xi32> -> vector<16xi32>
    %add3A_304 = arith.addi %add3A_297, %gather3A_303 : vector<16xi32>
    %slice3A_305 = vector.extract_strided_slice %add3A_304 {offsets = [0], sizes = [1], strides = [1]} : vector<16xi32> to vector<1xi32>
    %squeeze3A_306 = vector.extract %slice3A_305[0] : i32 from vector<1xi32>
    %add3A_307 = arith.addi %add3A_263, %squeeze3A_306 : i32
    %slice3A_308 = vector.extract_strided_slice %add3A_271 {offsets = [15], sizes = [1], strides = [1]} : vector<16xf32> to vector<1xf32>
    %squeeze3A_309 = vector.extract %slice3A_308[0] : f32 from vector<1xf32>
    %broadcast_in_dim3A_310 = vector.broadcast %squeeze3A_309 : f32 to vector<16xf32>
    %div3A_311 = arith.divf %select_n3A_146, %add3A_176 : vector<16xf32>
    %broadcast_in_dim3A_312 = arith.constant true
    %broadcast_in_dim3A_313 = vector.broadcast %broadcast_in_dim3A_312 : i1 to vector<16xi1>
    %masked_cumsum3A_314 = tpu.scan <sum>, %div3A_311 masked %broadcast_in_dim3A_313 : vector<16xf32>, vector<16xi1> -> vector<16xf32>
    %add3A_315 = arith.addf %masked_cumsum3A_314, %broadcast_in_dim3A_310 : vector<16xf32>
    %le3A_316 = arith.constant 0.899999976 : f32
    %le3A_317 = vector.broadcast %le3A_316 : f32 to vector<16xf32>
    %le3A_318 = arith.cmpf ole, %add3A_315, %le3A_317 : vector<16xf32>
    %convert_element_type3A_319 = arith.extui %le3A_318 : vector<16xi1> to vector<16xi32>
    %iota3A_320 = tpu.iota {dimensions = array<i32: 0>} : vector<16xi32>
    %xor3A_321 = arith.constant 1 : i32
    %xor3A_322 = vector.broadcast %xor3A_321 : i32 to vector<16xi32>
    %xor3A_323 = arith.xori %iota3A_320, %xor3A_322 : vector<16xi32>
    %broadcast_in_dim3A_324 = vector.shape_cast %xor3A_323 : vector<16xi32> to vector<16x1xi32>
    %gather3A_325 = vector.shape_cast %broadcast_in_dim3A_324 : vector<16x1xi32> to vector<16xi32>
    %gather3A_326 = tpu.dynamic_gather %convert_element_type3A_319[%gather3A_325] in [0] : vector<16xi32>, vector<16xi32> -> vector<16xi32>
    %add3A_327 = arith.addi %convert_element_type3A_319, %gather3A_326 : vector<16xi32>
    %xor3A_328 = arith.constant 2 : i32
    %xor3A_329 = vector.broadcast %xor3A_328 : i32 to vector<16xi32>
    %xor3A_330 = arith.xori %iota3A_320, %xor3A_329 : vector<16xi32>
    %broadcast_in_dim3A_331 = vector.shape_cast %xor3A_330 : vector<16xi32> to vector<16x1xi32>
    %gather3A_332 = vector.shape_cast %broadcast_in_dim3A_331 : vector<16x1xi32> to vector<16xi32>
    %gather3A_333 = tpu.dynamic_gather %add3A_327[%gather3A_332] in [0] : vector<16xi32>, vector<16xi32> -> vector<16xi32>
    %add3A_334 = arith.addi %add3A_327, %gather3A_333 : vector<16xi32>
    %xor3A_335 = arith.constant 4 : i32
    %xor3A_336 = vector.broadcast %xor3A_335 : i32 to vector<16xi32>
    %xor3A_337 = arith.xori %iota3A_320, %xor3A_336 : vector<16xi32>
    %broadcast_in_dim3A_338 = vector.shape_cast %xor3A_337 : vector<16xi32> to vector<16x1xi32>
    %gather3A_339 = vector.shape_cast %broadcast_in_dim3A_338 : vector<16x1xi32> to vector<16xi32>
    %gather3A_340 = tpu.dynamic_gather %add3A_334[%gather3A_339] in [0] : vector<16xi32>, vector<16xi32> -> vector<16xi32>
    %add3A_341 = arith.addi %add3A_334, %gather3A_340 : vector<16xi32>
    %xor3A_342 = arith.constant 8 : i32
    %xor3A_343 = vector.broadcast %xor3A_342 : i32 to vector<16xi32>
    %xor3A_344 = arith.xori %iota3A_320, %xor3A_343 : vector<16xi32>
    %broadcast_in_dim3A_345 = vector.shape_cast %xor3A_344 : vector<16xi32> to vector<16x1xi32>
    %gather3A_346 = vector.shape_cast %broadcast_in_dim3A_345 : vector<16x1xi32> to vector<16xi32>
    %gather3A_347 = tpu.dynamic_gather %add3A_341[%gather3A_346] in [0] : vector<16xi32>, vector<16xi32> -> vector<16xi32>
    %add3A_348 = arith.addi %add3A_341, %gather3A_347 : vector<16xi32>
    %slice3A_349 = vector.extract_strided_slice %add3A_348 {offsets = [0], sizes = [1], strides = [1]} : vector<16xi32> to vector<1xi32>
    %squeeze3A_350 = vector.extract %slice3A_349[0] : i32 from vector<1xi32>
    %add3A_351 = arith.addi %add3A_307, %squeeze3A_350 : i32
    %slice3A_352 = vector.extract_strided_slice %add3A_315 {offsets = [15], sizes = [1], strides = [1]} : vector<16xf32> to vector<1xf32>
    %squeeze3A_353 = vector.extract %slice3A_352[0] : f32 from vector<1xf32>
    %broadcast_in_dim3A_354 = vector.broadcast %squeeze3A_353 : f32 to vector<16xf32>
    %add3A_355 = arith.constant 1 : i32
    %add3A_356 = arith.addi %add3A_355, %add3A_351 : i32
    %min3A_357 = arith.constant 64 : i32
    %min3A_358 = arith.minsi %add3A_356, %min3A_357 : i32
    %scan3A_359 = arith.constant 0 : i32
    %scan3A_360 = arith.constant 0 : i32
    %scan3A_361 = arith.constant 250 : i32
    %scan3A_362 = arith.addi %scan3A_360, %scan3A_361 : i32
    %scan3A_363 = arith.constant 1 : i32
    %scan3A_364 = scf.for %scan3A_821 = %scan3A_360 to %scan3A_362 step %scan3A_363 iter_args(%scan3A_822 = %scan3A_359) -> (i32)  : i32 {
      %mul3A_823 = arith.constant 400 : i32
      %mul3A_824 = arith.muli %scan3A_821, %mul3A_823 : i32
      %multiple_of3A = tpu.assume_multiple %mul3A_824, 16 : i32
      %add3A_825 = arith.constant 0 : i32
      %add3A_826 = arith.addi %multiple_of3A, %add3A_825 : i32
      %swap3A_827 = arith.index_cast %add3A_826 : i32 to index
      %swap3A_828 = tpu.vector_load %arg5[%swap3A_827] {strides = array<i32>} : memref<100000xf32, #tpu.memory_space<vmem>>, vector<16xf32>,
      tpu.vector_store %arg5[%swap3A_827], %broadcast_in_dim3A_7 {strides = array<i32>} : memref<100000xf32, #tpu.memory_space<vmem>>, vector<16xf32>,
      %add3A_829 = arith.constant 16 : i32
      %add3A_830 = arith.addi %multiple_of3A, %add3A_829 : i32
      %swap3A_831 = arith.index_cast %add3A_830 : i32 to index
      %swap3A_832 = tpu.vector_load %arg5[%swap3A_831] {strides = array<i32>} : memref<100000xf32, #tpu.memory_space<vmem>>, vector<16xf32>,
      tpu.vector_store %arg5[%swap3A_831], %broadcast_in_dim3A_7 {strides = array<i32>} : memref<100000xf32, #tpu.memory_space<vmem>>, vector<16xf32>,
      %add3A_833 = arith.constant 32 : i32
      %add3A_834 = arith.addi %multiple_of3A, %add3A_833 : i32
      %swap3A_835 = arith.index_cast %add3A_834 : i32 to index
      %swap3A_836 = tpu.vector_load %arg5[%swap3A_835] {strides = array<i32>} : memref<100000xf32, #tpu.memory_space<vmem>>, vector<16xf32>,
      tpu.vector_store %arg5[%swap3A_835], %broadcast_in_dim3A_7 {strides = array<i32>} : memref<100000xf32, #tpu.memory_space<vmem>>, vector<16xf32>,
      %add3A_837 = arith.constant 48 : i32
      %add3A_838 = arith.addi %multiple_of3A, %add3A_837 : i32
      %swap3A_839 = arith.index_cast %add3A_838 : i32 to index
      %swap3A_840 = tpu.vector_load %arg5[%swap3A_839] {strides = array<i32>} : memref<100000xf32, #tpu.memory_space<vmem>>, vector<16xf32>,
      tpu.vector_store %arg5[%swap3A_839], %broadcast_in_dim3A_7 {strides = array<i32>} : memref<100000xf32, #tpu.memory_space<vmem>>, vector<16xf32>,
      %add3A_841 = arith.constant 64 : i32
      %add3A_842 = arith.addi %multiple_of3A, %add3A_841 : i32
      %swap3A_843 = arith.index_cast %add3A_842 : i32 to index
      %swap3A_844 = tpu.vector_load %arg5[%swap3A_843] {strides = array<i32>} : memref<100000xf32, #tpu.memory_space<vmem>>, vector<16xf32>,
      tpu.vector_store %arg5[%swap3A_843], %broadcast_in_dim3A_7 {strides = array<i32>} : memref<100000xf32, #tpu.memory_space<vmem>>, vector<16xf32>,
      %add3A_845 = arith.constant 80 : i32
      %add3A_846 = arith.addi %multiple_of3A, %add3A_845 : i32
      %swap3A_847 = arith.index_cast %add3A_846 : i32 to index
      %swap3A_848 = tpu.vector_load %arg5[%swap3A_847] {strides = array<i32>} : memref<100000xf32, #tpu.memory_space<vmem>>, vector<16xf32>,
      tpu.vector_store %arg5[%swap3A_847], %broadcast_in_dim3A_7 {strides = array<i32>} : memref<100000xf32, #tpu.memory_space<vmem>>, vector<16xf32>,
      %add3A_849 = arith.constant 96 : i32
      %add3A_850 = arith.addi %multiple_of3A, %add3A_849 : i32
      %swap3A_851 = arith.index_cast %add3A_850 : i32 to index
      %swap3A_852 = tpu.vector_load %arg5[%swap3A_851] {strides = array<i32>} : memref<100000xf32, #tpu.memory_space<vmem>>, vector<16xf32>,
      tpu.vector_store %arg5[%swap3A_851], %broadcast_in_dim3A_7 {strides = array<i32>} : memref<100000xf32, #tpu.memory_space<vmem>>, vector<16xf32>,
      %add3A_853 = arith.constant 112 : i32
      %add3A_854 = arith.addi %multiple_of3A, %add3A_853 : i32
      %swap3A_855 = arith.index_cast %add3A_854 : i32 to index
      %swap3A_856 = tpu.vector_load %arg5[%swap3A_855] {strides = array<i32>} : memref<100000xf32, #tpu.memory_space<vmem>>, vector<16xf32>,
      tpu.vector_store %arg5[%swap3A_855], %broadcast_in_dim3A_7 {strides = array<i32>} : memref<100000xf32, #tpu.memory_space<vmem>>, vector<16xf32>,
      %add3A_857 = arith.constant 128 : i32
      %add3A_858 = arith.addi %multiple_of3A, %add3A_857 : i32
      %swap3A_859 = arith.index_cast %add3A_858 : i32 to index
      %swap3A_860 = tpu.vector_load %arg5[%swap3A_859] {strides = array<i32>} : memref<100000xf32, #tpu.memory_space<vmem>>, vector<16xf32>,
      tpu.vector_store %arg5[%swap3A_859], %broadcast_in_dim3A_7 {strides = array<i32>} : memref<100000xf32, #tpu.memory_space<vmem>>, vector<16xf32>,
      %add3A_861 = arith.constant 144 : i32
      %add3A_862 = arith.addi %multiple_of3A, %add3A_861 : i32
      %swap3A_863 = arith.index_cast %add3A_862 : i32 to index
      %swap3A_864 = tpu.vector_load %arg5[%swap3A_863] {strides = array<i32>} : memref<100000xf32, #tpu.memory_space<vmem>>, vector<16xf32>,
      tpu.vector_store %arg5[%swap3A_863], %broadcast_in_dim3A_7 {strides = array<i32>} : memref<100000xf32, #tpu.memory_space<vmem>>, vector<16xf32>,
      %add3A_865 = arith.constant 160 : i32
      %add3A_866 = arith.addi %multiple_of3A, %add3A_865 : i32
      %swap3A_867 = arith.index_cast %add3A_866 : i32 to index
      %swap3A_868 = tpu.vector_load %arg5[%swap3A_867] {strides = array<i32>} : memref<100000xf32, #tpu.memory_space<vmem>>, vector<16xf32>,
      tpu.vector_store %arg5[%swap3A_867], %broadcast_in_dim3A_7 {strides = array<i32>} : memref<100000xf32, #tpu.memory_space<vmem>>, vector<16xf32>,
      %add3A_869 = arith.constant 176 : i32
      %add3A_870 = arith.addi %multiple_of3A, %add3A_869 : i32
      %swap3A_871 = arith.index_cast %add3A_870 : i32 to index
      %swap3A_872 = tpu.vector_load %arg5[%swap3A_871] {strides = array<i32>} : memref<100000xf32, #tpu.memory_space<vmem>>, vector<16xf32>,
      tpu.vector_store %arg5[%swap3A_871], %broadcast_in_dim3A_7 {strides = array<i32>} : memref<100000xf32, #tpu.memory_space<vmem>>, vector<16xf32>,
      %add3A_873 = arith.constant 192 : i32
      %add3A_874 = arith.addi %multiple_of3A, %add3A_873 : i32
      %swap3A_875 = arith.index_cast %add3A_874 : i32 to index
      %swap3A_876 = tpu.vector_load %arg5[%swap3A_875] {strides = array<i32>} : memref<100000xf32, #tpu.memory_space<vmem>>, vector<16xf32>,
      tpu.vector_store %arg5[%swap3A_875], %broadcast_in_dim3A_7 {strides = array<i32>} : memref<100000xf32, #tpu.memory_space<vmem>>, vector<16xf32>,
      %add3A_877 = arith.constant 208 : i32
      %add3A_878 = arith.addi %multiple_of3A, %add3A_877 : i32
      %swap3A_879 = arith.index_cast %add3A_878 : i32 to index
      %swap3A_880 = tpu.vector_load %arg5[%swap3A_879] {strides = array<i32>} : memref<100000xf32, #tpu.memory_space<vmem>>, vector<16xf32>,
      tpu.vector_store %arg5[%swap3A_879], %broadcast_in_dim3A_7 {strides = array<i32>} : memref<100000xf32, #tpu.memory_space<vmem>>, vector<16xf32>,
      %add3A_881 = arith.constant 224 : i32
      %add3A_882 = arith.addi %multiple_of3A, %add3A_881 : i32
      %swap3A_883 = arith.index_cast %add3A_882 : i32 to index
      %swap3A_884 = tpu.vector_load %arg5[%swap3A_883] {strides = array<i32>} : memref<100000xf32, #tpu.memory_space<vmem>>, vector<16xf32>,
      tpu.vector_store %arg5[%swap3A_883], %broadcast_in_dim3A_7 {strides = array<i32>} : memref<100000xf32, #tpu.memory_space<vmem>>, vector<16xf32>,
      %add3A_885 = arith.constant 240 : i32
      %add3A_886 = arith.addi %multiple_of3A, %add3A_885 : i32
      %swap3A_887 = arith.index_cast %add3A_886 : i32 to index
      %swap3A_888 = tpu.vector_load %arg5[%swap3A_887] {strides = array<i32>} : memref<100000xf32, #tpu.memory_space<vmem>>, vector<16xf32>,
      tpu.vector_store %arg5[%swap3A_887], %broadcast_in_dim3A_7 {strides = array<i32>} : memref<100000xf32, #tpu.memory_space<vmem>>, vector<16xf32>,
      %add3A_889 = arith.constant 256 : i32
      %add3A_890 = arith.addi %multiple_of3A, %add3A_889 : i32
      %swap3A_891 = arith.index_cast %add3A_890 : i32 to index
      %swap3A_892 = tpu.vector_load %arg5[%swap3A_891] {strides = array<i32>} : memref<100000xf32, #tpu.memory_space<vmem>>, vector<16xf32>,
      tpu.vector_store %arg5[%swap3A_891], %broadcast_in_dim3A_7 {strides = array<i32>} : memref<100000xf32, #tpu.memory_space<vmem>>, vector<16xf32>,
      %add3A_893 = arith.constant 272 : i32
      %add3A_894 = arith.addi %multiple_of3A, %add3A_893 : i32
      %swap3A_895 = arith.index_cast %add3A_894 : i32 to index
      %swap3A_896 = tpu.vector_load %arg5[%swap3A_895] {strides = array<i32>} : memref<100000xf32, #tpu.memory_space<vmem>>, vector<16xf32>,
      tpu.vector_store %arg5[%swap3A_895], %broadcast_in_dim3A_7 {strides = array<i32>} : memref<100000xf32, #tpu.memory_space<vmem>>, vector<16xf32>,
      %add3A_897 = arith.constant 288 : i32
      %add3A_898 = arith.addi %multiple_of3A, %add3A_897 : i32
      %swap3A_899 = arith.index_cast %add3A_898 : i32 to index
      %swap3A_900 = tpu.vector_load %arg5[%swap3A_899] {strides = array<i32>} : memref<100000xf32, #tpu.memory_space<vmem>>, vector<16xf32>,
      tpu.vector_store %arg5[%swap3A_899], %broadcast_in_dim3A_7 {strides = array<i32>} : memref<100000xf32, #tpu.memory_space<vmem>>, vector<16xf32>,
      %add3A_901 = arith.constant 304 : i32
      %add3A_902 = arith.addi %multiple_of3A, %add3A_901 : i32
      %swap3A_903 = arith.index_cast %add3A_902 : i32 to index
      %swap3A_904 = tpu.vector_load %arg5[%swap3A_903] {strides = array<i32>} : memref<100000xf32, #tpu.memory_space<vmem>>, vector<16xf32>,
      tpu.vector_store %arg5[%swap3A_903], %broadcast_in_dim3A_7 {strides = array<i32>} : memref<100000xf32, #tpu.memory_space<vmem>>, vector<16xf32>,
      %add3A_905 = arith.constant 320 : i32
      %add3A_906 = arith.addi %multiple_of3A, %add3A_905 : i32
      %swap3A_907 = arith.index_cast %add3A_906 : i32 to index
      %swap3A_908 = tpu.vector_load %arg5[%swap3A_907] {strides = array<i32>} : memref<100000xf32, #tpu.memory_space<vmem>>, vector<16xf32>,
      tpu.vector_store %arg5[%swap3A_907], %broadcast_in_dim3A_7 {strides = array<i32>} : memref<100000xf32, #tpu.memory_space<vmem>>, vector<16xf32>,
      %add3A_909 = arith.constant 336 : i32
      %add3A_910 = arith.addi %multiple_of3A, %add3A_909 : i32
      %swap3A_911 = arith.index_cast %add3A_910 : i32 to index
      %swap3A_912 = tpu.vector_load %arg5[%swap3A_911] {strides = array<i32>} : memref<100000xf32, #tpu.memory_space<vmem>>, vector<16xf32>,
      tpu.vector_store %arg5[%swap3A_911], %broadcast_in_dim3A_7 {strides = array<i32>} : memref<100000xf32, #tpu.memory_space<vmem>>, vector<16xf32>,
      %add3A_913 = arith.constant 352 : i32
      %add3A_914 = arith.addi %multiple_of3A, %add3A_913 : i32
      %swap3A_915 = arith.index_cast %add3A_914 : i32 to index
      %swap3A_916 = tpu.vector_load %arg5[%swap3A_915] {strides = array<i32>} : memref<100000xf32, #tpu.memory_space<vmem>>, vector<16xf32>,
      tpu.vector_store %arg5[%swap3A_915], %broadcast_in_dim3A_7 {strides = array<i32>} : memref<100000xf32, #tpu.memory_space<vmem>>, vector<16xf32>,
      %add3A_917 = arith.constant 368 : i32
      %add3A_918 = arith.addi %multiple_of3A, %add3A_917 : i32
      %swap3A_919 = arith.index_cast %add3A_918 : i32 to index
      %swap3A_920 = tpu.vector_load %arg5[%swap3A_919] {strides = array<i32>} : memref<100000xf32, #tpu.memory_space<vmem>>, vector<16xf32>,
      tpu.vector_store %arg5[%swap3A_919], %broadcast_in_dim3A_7 {strides = array<i32>} : memref<100000xf32, #tpu.memory_space<vmem>>, vector<16xf32>,
      %add3A_921 = arith.constant 384 : i32
      %add3A_922 = arith.addi %multiple_of3A, %add3A_921 : i32
      %swap3A_923 = arith.index_cast %add3A_922 : i32 to index
      %swap3A_924 = tpu.vector_load %arg5[%swap3A_923] {strides = array<i32>} : memref<100000xf32, #tpu.memory_space<vmem>>, vector<16xf32>,
      tpu.vector_store %arg5[%swap3A_923], %broadcast_in_dim3A_7 {strides = array<i32>} : memref<100000xf32, #tpu.memory_space<vmem>>, vector<16xf32>,
      %scan3A_925 = arith.constant 0 : i32
      scf.yield %scan3A_925 : i32
    }
    %scan3A_365 = arith.constant 250 : i32
    %get3A_366 = arith.constant 0 : index
    %get3A_367 = tpu.vector_load %arg9[%get3A_366] {strides = array<i32>} : memref<64xi32, #tpu.memory_space<vmem>>, vector<16xi32>,
    %get3A_368 = arith.constant 0 : index
    %get3A_369 = tpu.vector_load %arg8[%get3A_368] {strides = array<i32>} : memref<64xf32, #tpu.memory_space<vmem>>, vector<16xf32>,
    %add3A_370 = arith.constant 0 : i32
    %add3A_371 = vector.broadcast %add3A_370 : i32 to vector<16xi32>
    %add3A_372 = arith.addi %add3A_371, %iota3A : vector<16xi32>
    %lt3A = vector.broadcast %min3A_358 : i32 to vector<16xi32>
    %lt3A_373 = arith.cmpi slt, %add3A_372, %lt3A : vector<16xi32>
    tpu.vector_store_idx %arg5[%get3A_367], %get3A_369 masked %lt3A_373 : memref<100000xf32, #tpu.memory_space<vmem>>[vector<16xi32>], vector<16xf32>, vector<16xi1>
    %get3A_374 = arith.constant 16 : index
    %get3A_375 = tpu.vector_load %arg9[%get3A_374] {strides = array<i32>} : memref<64xi32, #tpu.memory_space<vmem>>, vector<16xi32>,
    %get3A_376 = arith.constant 16 : index
    %get3A_377 = tpu.vector_load %arg8[%get3A_376] {strides = array<i32>} : memref<64xf32, #tpu.memory_space<vmem>>, vector<16xf32>,
    %add3A_378 = arith.constant 16 : i32
    %add3A_379 = vector.broadcast %add3A_378 : i32 to vector<16xi32>
    %add3A_380 = arith.addi %add3A_379, %iota3A : vector<16xi32>
    %lt3A_381 = vector.broadcast %min3A_358 : i32 to vector<16xi32>
    %lt3A_382 = arith.cmpi slt, %add3A_380, %lt3A_381 : vector<16xi32>
    tpu.vector_store_idx %arg5[%get3A_375], %get3A_377 masked %lt3A_382 : memref<100000xf32, #tpu.memory_space<vmem>>[vector<16xi32>], vector<16xf32>, vector<16xi1>
    %get3A_383 = arith.constant 32 : index
    %get3A_384 = tpu.vector_load %arg9[%get3A_383] {strides = array<i32>} : memref<64xi32, #tpu.memory_space<vmem>>, vector<16xi32>,
    %get3A_385 = arith.constant 32 : index
    %get3A_386 = tpu.vector_load %arg8[%get3A_385] {strides = array<i32>} : memref<64xf32, #tpu.memory_space<vmem>>, vector<16xf32>,
    %add3A_387 = arith.constant 32 : i32
    %add3A_388 = vector.broadcast %add3A_387 : i32 to vector<16xi32>
    %add3A_389 = arith.addi %add3A_388, %iota3A : vector<16xi32>
    %lt3A_390 = vector.broadcast %min3A_358 : i32 to vector<16xi32>
    %lt3A_391 = arith.cmpi slt, %add3A_389, %lt3A_390 : vector<16xi32>
    tpu.vector_store_idx %arg5[%get3A_384], %get3A_386 masked %lt3A_391 : memref<100000xf32, #tpu.memory_space<vmem>>[vector<16xi32>], vector<16xf32>, vector<16xi1>
    %get3A_392 = arith.constant 48 : index
    %get3A_393 = tpu.vector_load %arg9[%get3A_392] {strides = array<i32>} : memref<64xi32, #tpu.memory_space<vmem>>, vector<16xi32>,
    %get3A_394 = arith.constant 48 : index
    %get3A_395 = tpu.vector_load %arg8[%get3A_394] {strides = array<i32>} : memref<64xf32, #tpu.memory_space<vmem>>, vector<16xf32>,
    %add3A_396 = arith.constant 48 : i32
    %add3A_397 = vector.broadcast %add3A_396 : i32 to vector<16xi32>
    %add3A_398 = arith.addi %add3A_397, %iota3A : vector<16xi32>
    %lt3A_399 = vector.broadcast %min3A_358 : i32 to vector<16xi32>
    %lt3A_400 = arith.cmpi slt, %add3A_398, %lt3A_399 : vector<16xi32>
    tpu.vector_store_idx %arg5[%get3A_393], %get3A_395 masked %lt3A_400 : memref<100000xf32, #tpu.memory_space<vmem>>[vector<16xi32>], vector<16xf32>, vector<16xi1>
    "tpu.region"() ({
      %run_scoped3A = tpu.sem_alloc : memref<!tpu.dma_semaphore, #tpu.memory_space<semaphore_mem>>
      %dma_start3A = arith.constant 0 : i32
      %dma_start3A_821 = tpu.memref_slice %arg4[%add3A_6, %dma_start3A] : memref<64x100000xf32, #tpu.memory_space<hbm>> -> memref<1x100000xf32, #tpu.memory_space<hbm>>
      %dma_start3A_822 = tpu.memref_squeeze %dma_start3A_821 : memref<1x100000xf32, #tpu.memory_space<hbm>> -> memref<100000xf32, #tpu.memory_space<hbm>>
      %dma_start3A_823 = arith.constant 0 : i32
      %dma_start3A_824 = tpu.memref_slice %arg4[%add3A_6, %dma_start3A_823] : memref<64x100000xf32, #tpu.memory_space<hbm>> -> memref<1x100000xf32, #tpu.memory_space<hbm>>
      %dma_start3A_825 = tpu.memref_squeeze %dma_start3A_824 : memref<1x100000xf32, #tpu.memory_space<hbm>> -> memref<100000xf32, #tpu.memory_space<hbm>>
      tpu.enqueue_dma source(%arg5 : memref<100000xf32, #tpu.memory_space<vmem>>) target(%dma_start3A_825 : memref<100000xf32, #tpu.memory_space<hbm>>) target_semaphore(%run_scoped3A : memref<!tpu.dma_semaphore, #tpu.memory_space<semaphore_mem>>)
      %dma_wait3A = arith.constant 0 : i32
      %dma_wait3A_826 = tpu.memref_slice %arg4[%add3A_6, %dma_wait3A] : memref<64x100000xf32, #tpu.memory_space<hbm>> -> memref<1x100000xf32, #tpu.memory_space<hbm>>
      %dma_wait3A_827 = tpu.memref_squeeze %dma_wait3A_826 : memref<1x100000xf32, #tpu.memory_space<hbm>> -> memref<100000xf32, #tpu.memory_space<hbm>>
      %dma_wait3A_828 = arith.constant 0 : i32
      %dma_wait3A_829 = tpu.memref_slice %arg4[%add3A_6, %dma_wait3A_828] : memref<64x100000xf32, #tpu.memory_space<hbm>> -> memref<1x100000xf32, #tpu.memory_space<hbm>>
      %dma_wait3A_830 = tpu.memref_squeeze %dma_wait3A_829 : memref<1x100000xf32, #tpu.memory_space<hbm>> -> memref<100000xf32, #tpu.memory_space<hbm>>
      tpu.wait_dma2 semaphore(%run_scoped3A : memref<!tpu.dma_semaphore, #tpu.memory_space<semaphore_mem>>) src(%arg5 : memref<100000xf32, #tpu.memory_space<vmem>>) dst(%dma_wait3A_830 : memref<100000xf32, #tpu.memory_space<hbm>>)
      tpu.yield
    }) : () -> ()
    %mul3A_401 = arith.constant 2 : i32
    %mul3A_402 = arith.muli %add3A, %mul3A_401 : i32
    %add3A_403 = arith.constant 1 : i32
    %add3A_404 = arith.addi %mul3A_402, %add3A_403 : i32
    %iota3A_405 = tpu.iota {dimensions = array<i32: 0>} : vector<16xi32>
    "tpu.region"() ({
      %run_scoped3A = tpu.sem_alloc : memref<!tpu.dma_semaphore, #tpu.memory_space<semaphore_mem>>
      %dma_start3A = arith.constant 0 : i32
      %dma_start3A_821 = tpu.memref_slice %arg2[%add3A_404, %dma_start3A] : memref<64x100000xf32, #tpu.memory_space<hbm>> -> memref<1x100000xf32, #tpu.memory_space<hbm>>
      %dma_start3A_822 = tpu.memref_squeeze %dma_start3A_821 : memref<1x100000xf32, #tpu.memory_space<hbm>> -> memref<100000xf32, #tpu.memory_space<hbm>>
      %dma_start3A_823 = arith.constant 0 : i32
      %dma_start3A_824 = tpu.memref_slice %arg2[%add3A_404, %dma_start3A_823] : memref<64x100000xf32, #tpu.memory_space<hbm>> -> memref<1x100000xf32, #tpu.memory_space<hbm>>
      %dma_start3A_825 = tpu.memref_squeeze %dma_start3A_824 : memref<1x100000xf32, #tpu.memory_space<hbm>> -> memref<100000xf32, #tpu.memory_space<hbm>>
      tpu.enqueue_dma source(%dma_start3A_825 : memref<100000xf32, #tpu.memory_space<hbm>>) target(%arg5 : memref<100000xf32, #tpu.memory_space<vmem>>) target_semaphore(%run_scoped3A : memref<!tpu.dma_semaphore, #tpu.memory_space<semaphore_mem>>)
      %dma_wait3A = arith.constant 0 : i32
      %dma_wait3A_826 = tpu.memref_slice %arg2[%add3A_404, %dma_wait3A] : memref<64x100000xf32, #tpu.memory_space<hbm>> -> memref<1x100000xf32, #tpu.memory_space<hbm>>
      %dma_wait3A_827 = tpu.memref_squeeze %dma_wait3A_826 : memref<1x100000xf32, #tpu.memory_space<hbm>> -> memref<100000xf32, #tpu.memory_space<hbm>>
      %dma_wait3A_828 = arith.constant 0 : i32
      %dma_wait3A_829 = tpu.memref_slice %arg2[%add3A_404, %dma_wait3A_828] : memref<64x100000xf32, #tpu.memory_space<hbm>> -> memref<1x100000xf32, #tpu.memory_space<hbm>>
      %dma_wait3A_830 = tpu.memref_squeeze %dma_wait3A_829 : memref<1x100000xf32, #tpu.memory_space<hbm>> -> memref<100000xf32, #tpu.memory_space<hbm>>
      tpu.wait_dma2 semaphore(%run_scoped3A : memref<!tpu.dma_semaphore, #tpu.memory_space<semaphore_mem>>) src(%dma_wait3A_830 : memref<100000xf32, #tpu.memory_space<hbm>>) dst(%arg5 : memref<100000xf32, #tpu.memory_space<vmem>>)
      tpu.yield
    }) : () -> ()
    %broadcast_in_dim3A_406 = arith.constant 0xFF800000 : f32
    %broadcast_in_dim3A_407 = vector.broadcast %broadcast_in_dim3A_406 : f32 to vector<16xf32>
    %scan3A_408 = arith.constant 0 : i32
    %scan3A_409 = arith.constant 250 : i32
    %scan3A_410 = arith.addi %scan3A_408, %scan3A_409 : i32
    %scan3A_411 = arith.constant 1 : i32
    %scan3A_412:4 = scf.for %scan3A_821 = %scan3A_408 to %scan3A_410 step %scan3A_411 iter_args(%scan3A_822 = %broadcast_in_dim3A_407, %scan3A_823 = %broadcast_in_dim3A_407, %scan3A_824 = %broadcast_in_dim3A_407, %scan3A_825 = %broadcast_in_dim3A_407) -> (vector<16xf32>, vector<16xf32>, vector<16xf32>, vector<16xf32>)  : i32 {
      %mul3A_826 = arith.constant 400 : i32
      %mul3A_827 = arith.muli %scan3A_821, %mul3A_826 : i32
      %multiple_of3A = tpu.assume_multiple %mul3A_827, 16 : i32
      %add3A_828 = arith.constant 0 : i32
      %add3A_829 = arith.addi %multiple_of3A, %add3A_828 : i32
      %get3A_830 = arith.index_cast %add3A_829 : i32 to index
      %get3A_831 = tpu.vector_load %arg5[%get3A_830] {strides = array<i32>} : memref<100000xf32, #tpu.memory_space<vmem>>, vector<16xf32>,
      %max3A = arith.maximumf %scan3A_822, %get3A_831 : vector<16xf32>
      %min3A_832 = arith.minimumf %scan3A_822, %get3A_831 : vector<16xf32>
      %max3A_833 = arith.maximumf %scan3A_823, %min3A_832 : vector<16xf32>
      %add3A_834 = arith.constant 16 : i32
      %add3A_835 = arith.addi %multiple_of3A, %add3A_834 : i32
      %get3A_836 = arith.index_cast %add3A_835 : i32 to index
      %get3A_837 = tpu.vector_load %arg5[%get3A_836] {strides = array<i32>} : memref<100000xf32, #tpu.memory_space<vmem>>, vector<16xf32>,
      %max3A_838 = arith.maximumf %scan3A_824, %get3A_837 : vector<16xf32>
      %min3A_839 = arith.minimumf %scan3A_824, %get3A_837 : vector<16xf32>
      %max3A_840 = arith.maximumf %scan3A_825, %min3A_839 : vector<16xf32>
      %add3A_841 = arith.constant 32 : i32
      %add3A_842 = arith.addi %multiple_of3A, %add3A_841 : i32
      %get3A_843 = arith.index_cast %add3A_842 : i32 to index
      %get3A_844 = tpu.vector_load %arg5[%get3A_843] {strides = array<i32>} : memref<100000xf32, #tpu.memory_space<vmem>>, vector<16xf32>,
      %max3A_845 = arith.maximumf %max3A, %get3A_844 : vector<16xf32>
      %min3A_846 = arith.minimumf %max3A, %get3A_844 : vector<16xf32>
      %max3A_847 = arith.maximumf %max3A_833, %min3A_846 : vector<16xf32>
      %add3A_848 = arith.constant 48 : i32
      %add3A_849 = arith.addi %multiple_of3A, %add3A_848 : i32
      %get3A_850 = arith.index_cast %add3A_849 : i32 to index
      %get3A_851 = tpu.vector_load %arg5[%get3A_850] {strides = array<i32>} : memref<100000xf32, #tpu.memory_space<vmem>>, vector<16xf32>,
      %max3A_852 = arith.maximumf %max3A_838, %get3A_851 : vector<16xf32>
      %min3A_853 = arith.minimumf %max3A_838, %get3A_851 : vector<16xf32>
      %max3A_854 = arith.maximumf %max3A_840, %min3A_853 : vector<16xf32>
      %add3A_855 = arith.constant 64 : i32
      %add3A_856 = arith.addi %multiple_of3A, %add3A_855 : i32
      %get3A_857 = arith.index_cast %add3A_856 : i32 to index
      %get3A_858 = tpu.vector_load %arg5[%get3A_857] {strides = array<i32>} : memref<100000xf32, #tpu.memory_space<vmem>>, vector<16xf32>,
      %max3A_859 = arith.maximumf %max3A_845, %get3A_858 : vector<16xf32>
      %min3A_860 = arith.minimumf %max3A_845, %get3A_858 : vector<16xf32>
      %max3A_861 = arith.maximumf %max3A_847, %min3A_860 : vector<16xf32>
      %add3A_862 = arith.constant 80 : i32
      %add3A_863 = arith.addi %multiple_of3A, %add3A_862 : i32
      %get3A_864 = arith.index_cast %add3A_863 : i32 to index
      %get3A_865 = tpu.vector_load %arg5[%get3A_864] {strides = array<i32>} : memref<100000xf32, #tpu.memory_space<vmem>>, vector<16xf32>,
      %max3A_866 = arith.maximumf %max3A_852, %get3A_865 : vector<16xf32>
      %min3A_867 = arith.minimumf %max3A_852, %get3A_865 : vector<16xf32>
      %max3A_868 = arith.maximumf %max3A_854, %min3A_867 : vector<16xf32>
      %add3A_869 = arith.constant 96 : i32
      %add3A_870 = arith.addi %multiple_of3A, %add3A_869 : i32
      %get3A_871 = arith.index_cast %add3A_870 : i32 to index
      %get3A_872 = tpu.vector_load %arg5[%get3A_871] {strides = array<i32>} : memref<100000xf32, #tpu.memory_space<vmem>>, vector<16xf32>,
      %max3A_873 = arith.maximumf %max3A_859, %get3A_872 : vector<16xf32>
      %min3A_874 = arith.minimumf %max3A_859, %get3A_872 : vector<16xf32>
      %max3A_875 = arith.maximumf %max3A_861, %min3A_874 : vector<16xf32>
      %add3A_876 = arith.constant 112 : i32
      %add3A_877 = arith.addi %multiple_of3A, %add3A_876 : i32
      %get3A_878 = arith.index_cast %add3A_877 : i32 to index
      %get3A_879 = tpu.vector_load %arg5[%get3A_878] {strides = array<i32>} : memref<100000xf32, #tpu.memory_space<vmem>>, vector<16xf32>,
      %max3A_880 = arith.maximumf %max3A_866, %get3A_879 : vector<16xf32>
      %min3A_881 = arith.minimumf %max3A_866, %get3A_879 : vector<16xf32>
      %max3A_882 = arith.maximumf %max3A_868, %min3A_881 : vector<16xf32>
      %add3A_883 = arith.constant 128 : i32
      %add3A_884 = arith.addi %multiple_of3A, %add3A_883 : i32
      %get3A_885 = arith.index_cast %add3A_884 : i32 to index
      %get3A_886 = tpu.vector_load %arg5[%get3A_885] {strides = array<i32>} : memref<100000xf32, #tpu.memory_space<vmem>>, vector<16xf32>,
      %max3A_887 = arith.maximumf %max3A_873, %get3A_886 : vector<16xf32>
      %min3A_888 = arith.minimumf %max3A_873, %get3A_886 : vector<16xf32>
      %max3A_889 = arith.maximumf %max3A_875, %min3A_888 : vector<16xf32>
      %add3A_890 = arith.constant 144 : i32
      %add3A_891 = arith.addi %multiple_of3A, %add3A_890 : i32
      %get3A_892 = arith.index_cast %add3A_891 : i32 to index
      %get3A_893 = tpu.vector_load %arg5[%get3A_892] {strides = array<i32>} : memref<100000xf32, #tpu.memory_space<vmem>>, vector<16xf32>,
      %max3A_894 = arith.maximumf %max3A_880, %get3A_893 : vector<16xf32>
      %min3A_895 = arith.minimumf %max3A_880, %get3A_893 : vector<16xf32>
      %max3A_896 = arith.maximumf %max3A_882, %min3A_895 : vector<16xf32>
      %add3A_897 = arith.constant 160 : i32
      %add3A_898 = arith.addi %multiple_of3A, %add3A_897 : i32
      %get3A_899 = arith.index_cast %add3A_898 : i32 to index
      %get3A_900 = tpu.vector_load %arg5[%get3A_899] {strides = array<i32>} : memref<100000xf32, #tpu.memory_space<vmem>>, vector<16xf32>,
      %max3A_901 = arith.maximumf %max3A_887, %get3A_900 : vector<16xf32>
      %min3A_902 = arith.minimumf %max3A_887, %get3A_900 : vector<16xf32>
      %max3A_903 = arith.maximumf %max3A_889, %min3A_902 : vector<16xf32>
      %add3A_904 = arith.constant 176 : i32
      %add3A_905 = arith.addi %multiple_of3A, %add3A_904 : i32
      %get3A_906 = arith.index_cast %add3A_905 : i32 to index
      %get3A_907 = tpu.vector_load %arg5[%get3A_906] {strides = array<i32>} : memref<100000xf32, #tpu.memory_space<vmem>>, vector<16xf32>,
      %max3A_908 = arith.maximumf %max3A_894, %get3A_907 : vector<16xf32>
      %min3A_909 = arith.minimumf %max3A_894, %get3A_907 : vector<16xf32>
      %max3A_910 = arith.maximumf %max3A_896, %min3A_909 : vector<16xf32>
      %add3A_911 = arith.constant 192 : i32
      %add3A_912 = arith.addi %multiple_of3A, %add3A_911 : i32
      %get3A_913 = arith.index_cast %add3A_912 : i32 to index
      %get3A_914 = tpu.vector_load %arg5[%get3A_913] {strides = array<i32>} : memref<100000xf32, #tpu.memory_space<vmem>>, vector<16xf32>,
      %max3A_915 = arith.maximumf %max3A_901, %get3A_914 : vector<16xf32>
      %min3A_916 = arith.minimumf %max3A_901, %get3A_914 : vector<16xf32>
      %max3A_917 = arith.maximumf %max3A_903, %min3A_916 : vector<16xf32>
      %add3A_918 = arith.constant 208 : i32
      %add3A_919 = arith.addi %multiple_of3A, %add3A_918 : i32
      %get3A_920 = arith.index_cast %add3A_919 : i32 to index
      %get3A_921 = tpu.vector_load %arg5[%get3A_920] {strides = array<i32>} : memref<100000xf32, #tpu.memory_space<vmem>>, vector<16xf32>,
      %max3A_922 = arith.maximumf %max3A_908, %get3A_921 : vector<16xf32>
      %min3A_923 = arith.minimumf %max3A_908, %get3A_921 : vector<16xf32>
      %max3A_924 = arith.maximumf %max3A_910, %min3A_923 : vector<16xf32>
      %add3A_925 = arith.constant 224 : i32
      %add3A_926 = arith.addi %multiple_of3A, %add3A_925 : i32
      %get3A_927 = arith.index_cast %add3A_926 : i32 to index
      %get3A_928 = tpu.vector_load %arg5[%get3A_927] {strides = array<i32>} : memref<100000xf32, #tpu.memory_space<vmem>>, vector<16xf32>,
      %max3A_929 = arith.maximumf %max3A_915, %get3A_928 : vector<16xf32>
      %min3A_930 = arith.minimumf %max3A_915, %get3A_928 : vector<16xf32>
      %max3A_931 = arith.maximumf %max3A_917, %min3A_930 : vector<16xf32>
      %add3A_932 = arith.constant 240 : i32
      %add3A_933 = arith.addi %multiple_of3A, %add3A_932 : i32
      %get3A_934 = arith.index_cast %add3A_933 : i32 to index
      %get3A_935 = tpu.vector_load %arg5[%get3A_934] {strides = array<i32>} : memref<100000xf32, #tpu.memory_space<vmem>>, vector<16xf32>,
      %max3A_936 = arith.maximumf %max3A_922, %get3A_935 : vector<16xf32>
      %min3A_937 = arith.minimumf %max3A_922, %get3A_935 : vector<16xf32>
      %max3A_938 = arith.maximumf %max3A_924, %min3A_937 : vector<16xf32>
      %add3A_939 = arith.constant 256 : i32
      %add3A_940 = arith.addi %multiple_of3A, %add3A_939 : i32
      %get3A_941 = arith.index_cast %add3A_940 : i32 to index
      %get3A_942 = tpu.vector_load %arg5[%get3A_941] {strides = array<i32>} : memref<100000xf32, #tpu.memory_space<vmem>>, vector<16xf32>,
      %max3A_943 = arith.maximumf %max3A_929, %get3A_942 : vector<16xf32>
      %min3A_944 = arith.minimumf %max3A_929, %get3A_942 : vector<16xf32>
      %max3A_945 = arith.maximumf %max3A_931, %min3A_944 : vector<16xf32>
      %add3A_946 = arith.constant 272 : i32
      %add3A_947 = arith.addi %multiple_of3A, %add3A_946 : i32
      %get3A_948 = arith.index_cast %add3A_947 : i32 to index
      %get3A_949 = tpu.vector_load %arg5[%get3A_948] {strides = array<i32>} : memref<100000xf32, #tpu.memory_space<vmem>>, vector<16xf32>,
      %max3A_950 = arith.maximumf %max3A_936, %get3A_949 : vector<16xf32>
      %min3A_951 = arith.minimumf %max3A_936, %get3A_949 : vector<16xf32>
      %max3A_952 = arith.maximumf %max3A_938, %min3A_951 : vector<16xf32>
      %add3A_953 = arith.constant 288 : i32
      %add3A_954 = arith.addi %multiple_of3A, %add3A_953 : i32
      %get3A_955 = arith.index_cast %add3A_954 : i32 to index
      %get3A_956 = tpu.vector_load %arg5[%get3A_955] {strides = array<i32>} : memref<100000xf32, #tpu.memory_space<vmem>>, vector<16xf32>,
      %max3A_957 = arith.maximumf %max3A_943, %get3A_956 : vector<16xf32>
      %min3A_958 = arith.minimumf %max3A_943, %get3A_956 : vector<16xf32>
      %max3A_959 = arith.maximumf %max3A_945, %min3A_958 : vector<16xf32>
      %add3A_960 = arith.constant 304 : i32
      %add3A_961 = arith.addi %multiple_of3A, %add3A_960 : i32
      %get3A_962 = arith.index_cast %add3A_961 : i32 to index
      %get3A_963 = tpu.vector_load %arg5[%get3A_962] {strides = array<i32>} : memref<100000xf32, #tpu.memory_space<vmem>>, vector<16xf32>,
      %max3A_964 = arith.maximumf %max3A_950, %get3A_963 : vector<16xf32>
      %min3A_965 = arith.minimumf %max3A_950, %get3A_963 : vector<16xf32>
      %max3A_966 = arith.maximumf %max3A_952, %min3A_965 : vector<16xf32>
      %add3A_967 = arith.constant 320 : i32
      %add3A_968 = arith.addi %multiple_of3A, %add3A_967 : i32
      %get3A_969 = arith.index_cast %add3A_968 : i32 to index
      %get3A_970 = tpu.vector_load %arg5[%get3A_969] {strides = array<i32>} : memref<100000xf32, #tpu.memory_space<vmem>>, vector<16xf32>,
      %max3A_971 = arith.maximumf %max3A_957, %get3A_970 : vector<16xf32>
      %min3A_972 = arith.minimumf %max3A_957, %get3A_970 : vector<16xf32>
      %max3A_973 = arith.maximumf %max3A_959, %min3A_972 : vector<16xf32>
      %add3A_974 = arith.constant 336 : i32
      %add3A_975 = arith.addi %multiple_of3A, %add3A_974 : i32
      %get3A_976 = arith.index_cast %add3A_975 : i32 to index
      %get3A_977 = tpu.vector_load %arg5[%get3A_976] {strides = array<i32>} : memref<100000xf32, #tpu.memory_space<vmem>>, vector<16xf32>,
      %max3A_978 = arith.maximumf %max3A_964, %get3A_977 : vector<16xf32>
      %min3A_979 = arith.minimumf %max3A_964, %get3A_977 : vector<16xf32>
      %max3A_980 = arith.maximumf %max3A_966, %min3A_979 : vector<16xf32>
      %add3A_981 = arith.constant 352 : i32
      %add3A_982 = arith.addi %multiple_of3A, %add3A_981 : i32
      %get3A_983 = arith.index_cast %add3A_982 : i32 to index
      %get3A_984 = tpu.vector_load %arg5[%get3A_983] {strides = array<i32>} : memref<100000xf32, #tpu.memory_space<vmem>>, vector<16xf32>,
      %max3A_985 = arith.maximumf %max3A_971, %get3A_984 : vector<16xf32>
      %min3A_986 = arith.minimumf %max3A_971, %get3A_984 : vector<16xf32>
      %max3A_987 = arith.maximumf %max3A_973, %min3A_986 : vector<16xf32>
      %add3A_988 = arith.constant 368 : i32
      %add3A_989 = arith.addi %multiple_of3A, %add3A_988 : i32
      %get3A_990 = arith.index_cast %add3A_989 : i32 to index
      %get3A_991 = tpu.vector_load %arg5[%get3A_990] {strides = array<i32>} : memref<100000xf32, #tpu.memory_space<vmem>>, vector<16xf32>,
      %max3A_992 = arith.maximumf %max3A_978, %get3A_991 : vector<16xf32>
      %min3A_993 = arith.minimumf %max3A_978, %get3A_991 : vector<16xf32>
      %max3A_994 = arith.maximumf %max3A_980, %min3A_993 : vector<16xf32>
      %add3A_995 = arith.constant 384 : i32
      %add3A_996 = arith.addi %multiple_of3A, %add3A_995 : i32
      %get3A_997 = arith.index_cast %add3A_996 : i32 to index
      %get3A_998 = tpu.vector_load %arg5[%get3A_997] {strides = array<i32>} : memref<100000xf32, #tpu.memory_space<vmem>>, vector<16xf32>,
      %max3A_999 = arith.maximumf %max3A_985, %get3A_998 : vector<16xf32>
      %min3A_1000 = arith.minimumf %max3A_985, %get3A_998 : vector<16xf32>
      %max3A_1001 = arith.maximumf %max3A_987, %min3A_1000 : vector<16xf32>
      scf.yield %max3A_999, %max3A_1001, %max3A_992, %max3A_994 : vector<16xf32>, vector<16xf32>, vector<16xf32>, vector<16xf32>
    }
    %scan3A_413 = arith.constant 250 : i32
    %min3A_414 = arith.minimumf %scan3A_412#1, %scan3A_412#3 : vector<16xf32>
    %iota3A_415 = tpu.iota {dimensions = array<i32: 0>} : vector<16xi32>
    %xor3A_416 = arith.constant 1 : i32
    %xor3A_417 = vector.broadcast %xor3A_416 : i32 to vector<16xi32>
    %xor3A_418 = arith.xori %iota3A_415, %xor3A_417 : vector<16xi32>
    %broadcast_in_dim3A_419 = vector.shape_cast %xor3A_418 : vector<16xi32> to vector<16x1xi32>
    %gather3A_420 = vector.shape_cast %broadcast_in_dim3A_419 : vector<16x1xi32> to vector<16xi32>
    %gather3A_421 = tpu.dynamic_gather %min3A_414[%gather3A_420] in [0] : vector<16xf32>, vector<16xi32> -> vector<16xf32>
    %min3A_422 = arith.minimumf %min3A_414, %gather3A_421 : vector<16xf32>
    %xor3A_423 = arith.constant 2 : i32
    %xor3A_424 = vector.broadcast %xor3A_423 : i32 to vector<16xi32>
    %xor3A_425 = arith.xori %iota3A_415, %xor3A_424 : vector<16xi32>
    %broadcast_in_dim3A_426 = vector.shape_cast %xor3A_425 : vector<16xi32> to vector<16x1xi32>
    %gather3A_427 = vector.shape_cast %broadcast_in_dim3A_426 : vector<16x1xi32> to vector<16xi32>
    %gather3A_428 = tpu.dynamic_gather %min3A_422[%gather3A_427] in [0] : vector<16xf32>, vector<16xi32> -> vector<16xf32>
    %min3A_429 = arith.minimumf %min3A_422, %gather3A_428 : vector<16xf32>
    %xor3A_430 = arith.constant 4 : i32
    %xor3A_431 = vector.broadcast %xor3A_430 : i32 to vector<16xi32>
    %xor3A_432 = arith.xori %iota3A_415, %xor3A_431 : vector<16xi32>
    %broadcast_in_dim3A_433 = vector.shape_cast %xor3A_432 : vector<16xi32> to vector<16x1xi32>
    %gather3A_434 = vector.shape_cast %broadcast_in_dim3A_433 : vector<16x1xi32> to vector<16xi32>
    %gather3A_435 = tpu.dynamic_gather %min3A_429[%gather3A_434] in [0] : vector<16xf32>, vector<16xi32> -> vector<16xf32>
    %min3A_436 = arith.minimumf %min3A_429, %gather3A_435 : vector<16xf32>
    %xor3A_437 = arith.constant 8 : i32
    %xor3A_438 = vector.broadcast %xor3A_437 : i32 to vector<16xi32>
    %xor3A_439 = arith.xori %iota3A_415, %xor3A_438 : vector<16xi32>
    %broadcast_in_dim3A_440 = vector.shape_cast %xor3A_439 : vector<16xi32> to vector<16x1xi32>
    %gather3A_441 = vector.shape_cast %broadcast_in_dim3A_440 : vector<16x1xi32> to vector<16xi32>
    %gather3A_442 = tpu.dynamic_gather %min3A_436[%gather3A_441] in [0] : vector<16xf32>, vector<16xi32> -> vector<16xf32>
    %min3A_443 = arith.minimumf %min3A_436, %gather3A_442 : vector<16xf32>
    %scan3A_444 = arith.constant 0 : i32
    %scan3A_445 = arith.constant 0 : i32
    %scan3A_446 = arith.constant 256 : i32
    %scan3A_447 = arith.addi %scan3A_445, %scan3A_446 : i32
    %scan3A_448 = arith.constant 1 : i32
    %scan3A_449 = scf.for %scan3A_821 = %scan3A_445 to %scan3A_447 step %scan3A_448 iter_args(%scan3A_822 = %scan3A_444) -> (i32)  : i32 {
      %mul3A_823 = arith.constant 16 : i32
      %mul3A_824 = arith.muli %scan3A_821, %mul3A_823 : i32
      %multiple_of3A = tpu.assume_multiple %mul3A_824, 16 : i32
      %swap3A_825 = arith.index_cast %multiple_of3A : i32 to index
      %swap3A_826 = tpu.vector_load %arg6[%swap3A_825] {strides = array<i32>} : memref<4096xf32, #tpu.memory_space<vmem>>, vector<16xf32>,
      tpu.vector_store %arg6[%swap3A_825], %broadcast_in_dim3A_407 {strides = array<i32>} : memref<4096xf32, #tpu.memory_space<vmem>>, vector<16xf32>,
      %scan3A_827 = arith.constant 0 : i32
      scf.yield %scan3A_827 : i32
    }
    %scan3A_450 = arith.constant 256 : i32
    %scan3A_451 = arith.constant 0 : i32
    %scan3A_452 = arith.constant 0 : i32
    %scan3A_453 = arith.constant 1250 : i32
    %scan3A_454 = arith.addi %scan3A_452, %scan3A_453 : i32
    %scan3A_455 = arith.constant 1 : i32
    %scan3A_456 = scf.for %scan3A_821 = %scan3A_452 to %scan3A_454 step %scan3A_455 iter_args(%scan3A_822 = %scan3A_451) -> (i32)  : i32 {
      %mul3A_823 = arith.constant 80 : i32
      %mul3A_824 = arith.muli %scan3A_821, %mul3A_823 : i32
      %multiple_of3A = tpu.assume_multiple %mul3A_824, 16 : i32
      %add3A_825 = arith.constant 0 : i32
      %add3A_826 = arith.addi %multiple_of3A, %add3A_825 : i32
      %get3A_827 = arith.index_cast %add3A_826 : i32 to index
      %get3A_828 = tpu.vector_load %arg5[%get3A_827] {strides = array<i32>} : memref<100000xf32, #tpu.memory_space<vmem>>, vector<16xf32>,
      %add3A_829 = arith.constant 16 : i32
      %add3A_830 = arith.addi %multiple_of3A, %add3A_829 : i32
      %get3A_831 = arith.index_cast %add3A_830 : i32 to index
      %get3A_832 = tpu.vector_load %arg5[%get3A_831] {strides = array<i32>} : memref<100000xf32, #tpu.memory_space<vmem>>, vector<16xf32>,
      %add3A_833 = arith.constant 32 : i32
      %add3A_834 = arith.addi %multiple_of3A, %add3A_833 : i32
      %get3A_835 = arith.index_cast %add3A_834 : i32 to index
      %get3A_836 = tpu.vector_load %arg5[%get3A_835] {strides = array<i32>} : memref<100000xf32, #tpu.memory_space<vmem>>, vector<16xf32>,
      %add3A_837 = arith.constant 48 : i32
      %add3A_838 = arith.addi %multiple_of3A, %add3A_837 : i32
      %get3A_839 = arith.index_cast %add3A_838 : i32 to index
      %get3A_840 = tpu.vector_load %arg5[%get3A_839] {strides = array<i32>} : memref<100000xf32, #tpu.memory_space<vmem>>, vector<16xf32>,
      %add3A_841 = arith.constant 64 : i32
      %add3A_842 = arith.addi %multiple_of3A, %add3A_841 : i32
      %get3A_843 = arith.index_cast %add3A_842 : i32 to index
      %get3A_844 = tpu.vector_load %arg5[%get3A_843] {strides = array<i32>} : memref<100000xf32, #tpu.memory_space<vmem>>, vector<16xf32>,
      %ge3A_845 = arith.cmpf oge, %get3A_828, %min3A_443 : vector<16xf32>
      %ge3A_846 = arith.cmpf oge, %get3A_832, %min3A_443 : vector<16xf32>
      %ge3A_847 = arith.cmpf oge, %get3A_836, %min3A_443 : vector<16xf32>
      %ge3A_848 = arith.cmpf oge, %get3A_840, %min3A_443 : vector<16xf32>
      %ge3A_849 = arith.cmpf oge, %get3A_844, %min3A_443 : vector<16xf32>
      %or3A = arith.ori %ge3A_845, %ge3A_846 : vector<16xi1>
      %or3A_850 = arith.ori %ge3A_847, %ge3A_848 : vector<16xi1>
      %or3A_851 = arith.ori %or3A, %or3A_850 : vector<16xi1>
      %or3A_852 = arith.ori %or3A_851, %ge3A_849 : vector<16xi1>
      %reduce_or3A = arith.constant 1.000000e+00 : f32
      %reduce_or3A_853 = arith.constant 0.000000e+00 : f32
      %reduce_or3A_854 = vector.broadcast %reduce_or3A : f32 to vector<16xf32>
      %reduce_or3A_855 = vector.broadcast %reduce_or3A_853 : f32 to vector<16xf32>
      %reduce_or3A_856 = arith.select %or3A_852, %reduce_or3A_854, %reduce_or3A_855 : vector<16xi1>, vector<16xf32>
      %reduce_or3A_857 = arith.constant true
      %reduce_or3A_858 = vector.broadcast %reduce_or3A_857 : i1 to vector<16xi1>
      %reduce_or3A_859 = tpu.scan <max>, %reduce_or3A_856 masked %reduce_or3A_858 : vector<16xf32>, vector<16xi1> -> vector<16xf32>
      %reduce_or3A_860 = vector.extract %reduce_or3A_859[15] : f32 from vector<16xf32>
      %reduce_or3A_861 = arith.constant 0.000000e+00 : f32
      %reduce_or3A_862 = arith.cmpf ogt, %reduce_or3A_860, %reduce_or3A_861 : f32
      %convert_element_type3A_863 = arith.extui %reduce_or3A_862 : i1 to i32
      %cond3A_864 = arith.constant 0 : i32
      %cond3A_865 = arith.cmpi ne, %convert_element_type3A_863, %cond3A_864 : i32
      %cond3A_866 = scf.if %cond3A_865 -> (i32) {
        %reduce_or3A_867 = arith.constant 1.000000e+00 : f32
        %reduce_or3A_868 = arith.constant 0.000000e+00 : f32
        %reduce_or3A_869 = vector.broadcast %reduce_or3A_867 : f32 to vector<16xf32>
        %reduce_or3A_870 = vector.broadcast %reduce_or3A_868 : f32 to vector<16xf32>
        %reduce_or3A_871 = arith.select %ge3A_845, %reduce_or3A_869, %reduce_or3A_870 : vector<16xi1>, vector<16xf32>
        %reduce_or3A_872 = arith.constant true
        %reduce_or3A_873 = vector.broadcast %reduce_or3A_872 : i1 to vector<16xi1>
        %reduce_or3A_874 = tpu.scan <max>, %reduce_or3A_871 masked %reduce_or3A_873 : vector<16xf32>, vector<16xi1> -> vector<16xf32>
        %reduce_or3A_875 = vector.extract %reduce_or3A_874[15] : f32 from vector<16xf32>
        %reduce_or3A_876 = arith.constant 0.000000e+00 : f32
        %reduce_or3A_877 = arith.cmpf ogt, %reduce_or3A_875, %reduce_or3A_876 : f32
        %convert_element_type3A_878 = arith.extui %reduce_or3A_877 : i1 to i32
        %cond3A_879 = arith.constant 0 : i32
        %cond3A_880 = arith.cmpi ne, %convert_element_type3A_878, %cond3A_879 : i32
        %cond3A_881 = scf.if %cond3A_880 -> (i32) {
          %convert_element_type3A_942 = arith.extui %ge3A_845 : vector<16xi1> to vector<16xi32>
          %broadcast_in_dim3A_943 = arith.constant true
          %broadcast_in_dim3A_944 = vector.broadcast %broadcast_in_dim3A_943 : i1 to vector<16xi1>
          %masked_cumsum3A_945 = tpu.scan <sum>, %convert_element_type3A_942 masked %broadcast_in_dim3A_944 : vector<16xi32>, vector<16xi1> -> vector<16xi32>
          %sub3A_946 = arith.subi %masked_cumsum3A_945, %convert_element_type3A_942 : vector<16xi32>
          %broadcast_in_dim3A_947 = vector.broadcast %scan3A_822 : i32 to vector<16xi32>
          %add3A_948 = arith.addi %broadcast_in_dim3A_947, %sub3A_946 : vector<16xi32>
          %min3A_949 = arith.constant 4095 : i32
          %min3A_950 = vector.broadcast %min3A_949 : i32 to vector<16xi32>
          %min3A_951 = arith.minsi %add3A_948, %min3A_950 : vector<16xi32>
          tpu.vector_store_idx %arg6[%min3A_951], %get3A_828 masked %ge3A_845 : memref<4096xf32, #tpu.memory_space<vmem>>[vector<16xi32>], vector<16xf32>, vector<16xi1>
          %add3A_952 = arith.constant 0 : i32
          %add3A_953 = arith.addi %multiple_of3A, %add3A_952 : i32
          %add3A_954 = vector.broadcast %add3A_953 : i32 to vector<16xi32>
          %add3A_955 = arith.addi %add3A_954, %iota3A_405 : vector<16xi32>
          tpu.vector_store_idx %arg7[%min3A_951], %add3A_955 masked %ge3A_845 : memref<4096xi32, #tpu.memory_space<vmem>>[vector<16xi32>], vector<16xi32>, vector<16xi1>
          %slice3A_956 = vector.extract_strided_slice %masked_cumsum3A_945 {offsets = [15], sizes = [1], strides = [1]} : vector<16xi32> to vector<1xi32>
          %squeeze3A_957 = vector.extract %slice3A_956[0] : i32 from vector<1xi32>
          %add3A_958 = arith.addi %scan3A_822, %squeeze3A_957 : i32
          scf.yield %add3A_958 : i32
        } else {
          scf.yield %scan3A_822 : i32
        }
        %reduce_or3A_882 = arith.constant 1.000000e+00 : f32
        %reduce_or3A_883 = arith.constant 0.000000e+00 : f32
        %reduce_or3A_884 = vector.broadcast %reduce_or3A_882 : f32 to vector<16xf32>
        %reduce_or3A_885 = vector.broadcast %reduce_or3A_883 : f32 to vector<16xf32>
        %reduce_or3A_886 = arith.select %ge3A_846, %reduce_or3A_884, %reduce_or3A_885 : vector<16xi1>, vector<16xf32>
        %reduce_or3A_887 = arith.constant true
        %reduce_or3A_888 = vector.broadcast %reduce_or3A_887 : i1 to vector<16xi1>
        %reduce_or3A_889 = tpu.scan <max>, %reduce_or3A_886 masked %reduce_or3A_888 : vector<16xf32>, vector<16xi1> -> vector<16xf32>
        %reduce_or3A_890 = vector.extract %reduce_or3A_889[15] : f32 from vector<16xf32>
        %reduce_or3A_891 = arith.constant 0.000000e+00 : f32
        %reduce_or3A_892 = arith.cmpf ogt, %reduce_or3A_890, %reduce_or3A_891 : f32
        %convert_element_type3A_893 = arith.extui %reduce_or3A_892 : i1 to i32
        %cond3A_894 = arith.constant 0 : i32
        %cond3A_895 = arith.cmpi ne, %convert_element_type3A_893, %cond3A_894 : i32
        %cond3A_896 = scf.if %cond3A_895 -> (i32) {
          %convert_element_type3A_942 = arith.extui %ge3A_846 : vector<16xi1> to vector<16xi32>
          %broadcast_in_dim3A_943 = arith.constant true
          %broadcast_in_dim3A_944 = vector.broadcast %broadcast_in_dim3A_943 : i1 to vector<16xi1>
          %masked_cumsum3A_945 = tpu.scan <sum>, %convert_element_type3A_942 masked %broadcast_in_dim3A_944 : vector<16xi32>, vector<16xi1> -> vector<16xi32>
          %sub3A_946 = arith.subi %masked_cumsum3A_945, %convert_element_type3A_942 : vector<16xi32>
          %broadcast_in_dim3A_947 = vector.broadcast %cond3A_881 : i32 to vector<16xi32>
          %add3A_948 = arith.addi %broadcast_in_dim3A_947, %sub3A_946 : vector<16xi32>
          %min3A_949 = arith.constant 4095 : i32
          %min3A_950 = vector.broadcast %min3A_949 : i32 to vector<16xi32>
          %min3A_951 = arith.minsi %add3A_948, %min3A_950 : vector<16xi32>
          tpu.vector_store_idx %arg6[%min3A_951], %get3A_832 masked %ge3A_846 : memref<4096xf32, #tpu.memory_space<vmem>>[vector<16xi32>], vector<16xf32>, vector<16xi1>
          %add3A_952 = arith.constant 16 : i32
          %add3A_953 = arith.addi %multiple_of3A, %add3A_952 : i32
          %add3A_954 = vector.broadcast %add3A_953 : i32 to vector<16xi32>
          %add3A_955 = arith.addi %add3A_954, %iota3A_405 : vector<16xi32>
          tpu.vector_store_idx %arg7[%min3A_951], %add3A_955 masked %ge3A_846 : memref<4096xi32, #tpu.memory_space<vmem>>[vector<16xi32>], vector<16xi32>, vector<16xi1>
          %slice3A_956 = vector.extract_strided_slice %masked_cumsum3A_945 {offsets = [15], sizes = [1], strides = [1]} : vector<16xi32> to vector<1xi32>
          %squeeze3A_957 = vector.extract %slice3A_956[0] : i32 from vector<1xi32>
          %add3A_958 = arith.addi %cond3A_881, %squeeze3A_957 : i32
          scf.yield %add3A_958 : i32
        } else {
          scf.yield %cond3A_881 : i32
        }
        %reduce_or3A_897 = arith.constant 1.000000e+00 : f32
        %reduce_or3A_898 = arith.constant 0.000000e+00 : f32
        %reduce_or3A_899 = vector.broadcast %reduce_or3A_897 : f32 to vector<16xf32>
        %reduce_or3A_900 = vector.broadcast %reduce_or3A_898 : f32 to vector<16xf32>
        %reduce_or3A_901 = arith.select %ge3A_847, %reduce_or3A_899, %reduce_or3A_900 : vector<16xi1>, vector<16xf32>
        %reduce_or3A_902 = arith.constant true
        %reduce_or3A_903 = vector.broadcast %reduce_or3A_902 : i1 to vector<16xi1>
        %reduce_or3A_904 = tpu.scan <max>, %reduce_or3A_901 masked %reduce_or3A_903 : vector<16xf32>, vector<16xi1> -> vector<16xf32>
        %reduce_or3A_905 = vector.extract %reduce_or3A_904[15] : f32 from vector<16xf32>
        %reduce_or3A_906 = arith.constant 0.000000e+00 : f32
        %reduce_or3A_907 = arith.cmpf ogt, %reduce_or3A_905, %reduce_or3A_906 : f32
        %convert_element_type3A_908 = arith.extui %reduce_or3A_907 : i1 to i32
        %cond3A_909 = arith.constant 0 : i32
        %cond3A_910 = arith.cmpi ne, %convert_element_type3A_908, %cond3A_909 : i32
        %cond3A_911 = scf.if %cond3A_910 -> (i32) {
          %convert_element_type3A_942 = arith.extui %ge3A_847 : vector<16xi1> to vector<16xi32>
          %broadcast_in_dim3A_943 = arith.constant true
          %broadcast_in_dim3A_944 = vector.broadcast %broadcast_in_dim3A_943 : i1 to vector<16xi1>
          %masked_cumsum3A_945 = tpu.scan <sum>, %convert_element_type3A_942 masked %broadcast_in_dim3A_944 : vector<16xi32>, vector<16xi1> -> vector<16xi32>
          %sub3A_946 = arith.subi %masked_cumsum3A_945, %convert_element_type3A_942 : vector<16xi32>
          %broadcast_in_dim3A_947 = vector.broadcast %cond3A_896 : i32 to vector<16xi32>
          %add3A_948 = arith.addi %broadcast_in_dim3A_947, %sub3A_946 : vector<16xi32>
          %min3A_949 = arith.constant 4095 : i32
          %min3A_950 = vector.broadcast %min3A_949 : i32 to vector<16xi32>
          %min3A_951 = arith.minsi %add3A_948, %min3A_950 : vector<16xi32>
          tpu.vector_store_idx %arg6[%min3A_951], %get3A_836 masked %ge3A_847 : memref<4096xf32, #tpu.memory_space<vmem>>[vector<16xi32>], vector<16xf32>, vector<16xi1>
          %add3A_952 = arith.constant 32 : i32
          %add3A_953 = arith.addi %multiple_of3A, %add3A_952 : i32
          %add3A_954 = vector.broadcast %add3A_953 : i32 to vector<16xi32>
          %add3A_955 = arith.addi %add3A_954, %iota3A_405 : vector<16xi32>
          tpu.vector_store_idx %arg7[%min3A_951], %add3A_955 masked %ge3A_847 : memref<4096xi32, #tpu.memory_space<vmem>>[vector<16xi32>], vector<16xi32>, vector<16xi1>
          %slice3A_956 = vector.extract_strided_slice %masked_cumsum3A_945 {offsets = [15], sizes = [1], strides = [1]} : vector<16xi32> to vector<1xi32>
          %squeeze3A_957 = vector.extract %slice3A_956[0] : i32 from vector<1xi32>
          %add3A_958 = arith.addi %cond3A_896, %squeeze3A_957 : i32
          scf.yield %add3A_958 : i32
        } else {
          scf.yield %cond3A_896 : i32
        }
        %reduce_or3A_912 = arith.constant 1.000000e+00 : f32
        %reduce_or3A_913 = arith.constant 0.000000e+00 : f32
        %reduce_or3A_914 = vector.broadcast %reduce_or3A_912 : f32 to vector<16xf32>
        %reduce_or3A_915 = vector.broadcast %reduce_or3A_913 : f32 to vector<16xf32>
        %reduce_or3A_916 = arith.select %ge3A_848, %reduce_or3A_914, %reduce_or3A_915 : vector<16xi1>, vector<16xf32>
        %reduce_or3A_917 = arith.constant true
        %reduce_or3A_918 = vector.broadcast %reduce_or3A_917 : i1 to vector<16xi1>
        %reduce_or3A_919 = tpu.scan <max>, %reduce_or3A_916 masked %reduce_or3A_918 : vector<16xf32>, vector<16xi1> -> vector<16xf32>
        %reduce_or3A_920 = vector.extract %reduce_or3A_919[15] : f32 from vector<16xf32>
        %reduce_or3A_921 = arith.constant 0.000000e+00 : f32
        %reduce_or3A_922 = arith.cmpf ogt, %reduce_or3A_920, %reduce_or3A_921 : f32
        %convert_element_type3A_923 = arith.extui %reduce_or3A_922 : i1 to i32
        %cond3A_924 = arith.constant 0 : i32
        %cond3A_925 = arith.cmpi ne, %convert_element_type3A_923, %cond3A_924 : i32
        %cond3A_926 = scf.if %cond3A_925 -> (i32) {
          %convert_element_type3A_942 = arith.extui %ge3A_848 : vector<16xi1> to vector<16xi32>
          %broadcast_in_dim3A_943 = arith.constant true
          %broadcast_in_dim3A_944 = vector.broadcast %broadcast_in_dim3A_943 : i1 to vector<16xi1>
          %masked_cumsum3A_945 = tpu.scan <sum>, %convert_element_type3A_942 masked %broadcast_in_dim3A_944 : vector<16xi32>, vector<16xi1> -> vector<16xi32>
          %sub3A_946 = arith.subi %masked_cumsum3A_945, %convert_element_type3A_942 : vector<16xi32>
          %broadcast_in_dim3A_947 = vector.broadcast %cond3A_911 : i32 to vector<16xi32>
          %add3A_948 = arith.addi %broadcast_in_dim3A_947, %sub3A_946 : vector<16xi32>
          %min3A_949 = arith.constant 4095 : i32
          %min3A_950 = vector.broadcast %min3A_949 : i32 to vector<16xi32>
          %min3A_951 = arith.minsi %add3A_948, %min3A_950 : vector<16xi32>
          tpu.vector_store_idx %arg6[%min3A_951], %get3A_840 masked %ge3A_848 : memref<4096xf32, #tpu.memory_space<vmem>>[vector<16xi32>], vector<16xf32>, vector<16xi1>
          %add3A_952 = arith.constant 48 : i32
          %add3A_953 = arith.addi %multiple_of3A, %add3A_952 : i32
          %add3A_954 = vector.broadcast %add3A_953 : i32 to vector<16xi32>
          %add3A_955 = arith.addi %add3A_954, %iota3A_405 : vector<16xi32>
          tpu.vector_store_idx %arg7[%min3A_951], %add3A_955 masked %ge3A_848 : memref<4096xi32, #tpu.memory_space<vmem>>[vector<16xi32>], vector<16xi32>, vector<16xi1>
          %slice3A_956 = vector.extract_strided_slice %masked_cumsum3A_945 {offsets = [15], sizes = [1], strides = [1]} : vector<16xi32> to vector<1xi32>
          %squeeze3A_957 = vector.extract %slice3A_956[0] : i32 from vector<1xi32>
          %add3A_958 = arith.addi %cond3A_911, %squeeze3A_957 : i32
          scf.yield %add3A_958 : i32
        } else {
          scf.yield %cond3A_911 : i32
        }
        %reduce_or3A_927 = arith.constant 1.000000e+00 : f32
        %reduce_or3A_928 = arith.constant 0.000000e+00 : f32
        %reduce_or3A_929 = vector.broadcast %reduce_or3A_927 : f32 to vector<16xf32>
        %reduce_or3A_930 = vector.broadcast %reduce_or3A_928 : f32 to vector<16xf32>
        %reduce_or3A_931 = arith.select %ge3A_849, %reduce_or3A_929, %reduce_or3A_930 : vector<16xi1>, vector<16xf32>
        %reduce_or3A_932 = arith.constant true
        %reduce_or3A_933 = vector.broadcast %reduce_or3A_932 : i1 to vector<16xi1>
        %reduce_or3A_934 = tpu.scan <max>, %reduce_or3A_931 masked %reduce_or3A_933 : vector<16xf32>, vector<16xi1> -> vector<16xf32>
        %reduce_or3A_935 = vector.extract %reduce_or3A_934[15] : f32 from vector<16xf32>
        %reduce_or3A_936 = arith.constant 0.000000e+00 : f32
        %reduce_or3A_937 = arith.cmpf ogt, %reduce_or3A_935, %reduce_or3A_936 : f32
        %convert_element_type3A_938 = arith.extui %reduce_or3A_937 : i1 to i32
        %cond3A_939 = arith.constant 0 : i32
        %cond3A_940 = arith.cmpi ne, %convert_element_type3A_938, %cond3A_939 : i32
        %cond3A_941 = scf.if %cond3A_940 -> (i32) {
          %convert_element_type3A_942 = arith.extui %ge3A_849 : vector<16xi1> to vector<16xi32>
          %broadcast_in_dim3A_943 = arith.constant true
          %broadcast_in_dim3A_944 = vector.broadcast %broadcast_in_dim3A_943 : i1 to vector<16xi1>
          %masked_cumsum3A_945 = tpu.scan <sum>, %convert_element_type3A_942 masked %broadcast_in_dim3A_944 : vector<16xi32>, vector<16xi1> -> vector<16xi32>
          %sub3A_946 = arith.subi %masked_cumsum3A_945, %convert_element_type3A_942 : vector<16xi32>
          %broadcast_in_dim3A_947 = vector.broadcast %cond3A_926 : i32 to vector<16xi32>
          %add3A_948 = arith.addi %broadcast_in_dim3A_947, %sub3A_946 : vector<16xi32>
          %min3A_949 = arith.constant 4095 : i32
          %min3A_950 = vector.broadcast %min3A_949 : i32 to vector<16xi32>
          %min3A_951 = arith.minsi %add3A_948, %min3A_950 : vector<16xi32>
          tpu.vector_store_idx %arg6[%min3A_951], %get3A_844 masked %ge3A_849 : memref<4096xf32, #tpu.memory_space<vmem>>[vector<16xi32>], vector<16xf32>, vector<16xi1>
          %add3A_952 = arith.constant 64 : i32
          %add3A_953 = arith.addi %multiple_of3A, %add3A_952 : i32
          %add3A_954 = vector.broadcast %add3A_953 : i32 to vector<16xi32>
          %add3A_955 = arith.addi %add3A_954, %iota3A_405 : vector<16xi32>
          tpu.vector_store_idx %arg7[%min3A_951], %add3A_955 masked %ge3A_849 : memref<4096xi32, #tpu.memory_space<vmem>>[vector<16xi32>], vector<16xi32>, vector<16xi1>
          %slice3A_956 = vector.extract_strided_slice %masked_cumsum3A_945 {offsets = [15], sizes = [1], strides = [1]} : vector<16xi32> to vector<1xi32>
          %squeeze3A_957 = vector.extract %slice3A_956[0] : i32 from vector<1xi32>
          %add3A_958 = arith.addi %cond3A_926, %squeeze3A_957 : i32
          scf.yield %add3A_958 : i32
        } else {
          scf.yield %cond3A_926 : i32
        }
        scf.yield %cond3A_941 : i32
      } else {
        scf.yield %scan3A_822 : i32
      }
      scf.yield %cond3A_866 : i32
    }
    %scan3A_457 = arith.constant 1250 : i32
    %min3A_458 = arith.constant 4096 : i32
    %min3A_459 = arith.minsi %scan3A_456, %min3A_458 : i32
    %add3A_460 = arith.constant 15 : i32
    %add3A_461 = arith.addi %min3A_459, %add3A_460 : i32
    %jit3A_462 = arith.constant 16 : i32
    %div3A_463 = arith.divsi %add3A_461, %jit3A_462 : i32
    %sign3A_464 = arith.constant 0 : i32
    %sign3A_465 = arith.cmpi sgt, %add3A_461, %sign3A_464 : i32
    %sign3A_466 = arith.extui %sign3A_465 : i1 to i32
    %sign3A_467 = arith.constant 0 : i32
    %sign3A_468 = arith.cmpi slt, %add3A_461, %sign3A_467 : i32
    %sign3A_469 = arith.extui %sign3A_468 : i1 to i32
    %sign3A_470 = arith.subi %sign3A_466, %sign3A_469 : i32
    %sign3A_471 = arith.constant 0 : i32
    %sign3A_472 = arith.cmpi sgt, %jit3A_462, %sign3A_471 : i32
    %sign3A_473 = arith.extui %sign3A_472 : i1 to i32
    %sign3A_474 = arith.constant 0 : i32
    %sign3A_475 = arith.cmpi slt, %jit3A_462, %sign3A_474 : i32
    %sign3A_476 = arith.extui %sign3A_475 : i1 to i32
    %sign3A_477 = arith.subi %sign3A_473, %sign3A_476 : i32
    %ne3A_478 = arith.cmpi ne, %sign3A_470, %sign3A_477 : i32
    %rem3A_479 = arith.remsi %add3A_461, %jit3A_462 : i32
    %ne3A_480 = arith.constant 0 : i32
    %ne3A_481 = arith.cmpi ne, %rem3A_479, %ne3A_480 : i32
    %and3A_482 = arith.andi %ne3A_478, %ne3A_481 : i1
    %sub3A_483 = arith.constant 1 : i32
    %sub3A_484 = arith.subi %div3A_463, %sub3A_483 : i32
    %select_n3A_485 = arith.select %and3A_482, %sub3A_484, %div3A_463 : i32
    %eq3A_486 = arith.constant 0 : i32
    %eq3A_487 = vector.broadcast %eq3A_486 : i32 to vector<16xi32>
    %eq3A_488 = arith.cmpi eq, %iota3A_405, %eq3A_487 : vector<16xi32>
    %le3A_489 = arith.constant 512 : i32
    %le3A_490 = arith.cmpi sle, %scan3A_456, %le3A_489 : i32
    %convert_element_type3A_491 = arith.extui %le3A_490 : i1 to i32
    %cond3A_492 = arith.constant 0 : i32
    %cond3A_493 = arith.cmpi ne, %convert_element_type3A_491, %cond3A_492 : i32
    %cond3A_494 = scf.if %cond3A_493 -> (i32) {
      %scan3A_821 = arith.constant 0 : i32
      %scan3A_822 = arith.constant 0 : i32
      %scan3A_823 = arith.constant 64 : i32
      %scan3A_824 = arith.addi %scan3A_822, %scan3A_823 : i32
      %scan3A_825 = arith.constant 1 : i32
      %scan3A_826 = scf.for %scan3A_828 = %scan3A_822 to %scan3A_824 step %scan3A_825 iter_args(%scan3A_829 = %scan3A_821) -> (i32)  : i32 {
        %broadcast_in_dim3A_830 = arith.constant 0 : i32
        %broadcast_in_dim3A_831 = vector.broadcast %broadcast_in_dim3A_830 : i32 to vector<16xi32>
        %get3A_832 = arith.constant 0 : index
        %get3A_833 = tpu.vector_load %arg6[%get3A_832] {strides = array<i32>} : memref<4096xf32, #tpu.memory_space<vmem>>, vector<16xf32>,
        %gt3A = arith.cmpf ogt, %get3A_833, %broadcast_in_dim3A_407 : vector<16xf32>
        %select_n3A_834 = arith.select %gt3A, %get3A_833, %broadcast_in_dim3A_407 : vector<16xi1>, vector<16xf32>
        %broadcast_in_dim3A_835 = arith.constant 0 : i32
        %broadcast_in_dim3A_836 = vector.broadcast %broadcast_in_dim3A_835 : i32 to vector<16xi32>
        %select_n3A_837 = arith.select %gt3A, %broadcast_in_dim3A_836, %broadcast_in_dim3A_831 : vector<16xi1>, vector<16xi32>
        %get3A_838 = arith.constant 16 : index
        %get3A_839 = tpu.vector_load %arg6[%get3A_838] {strides = array<i32>} : memref<4096xf32, #tpu.memory_space<vmem>>, vector<16xf32>,
        %gt3A_840 = arith.cmpf ogt, %get3A_839, %select_n3A_834 : vector<16xf32>
        %select_n3A_841 = arith.select %gt3A_840, %get3A_839, %select_n3A_834 : vector<16xi1>, vector<16xf32>
        %broadcast_in_dim3A_842 = arith.constant 1 : i32
        %broadcast_in_dim3A_843 = vector.broadcast %broadcast_in_dim3A_842 : i32 to vector<16xi32>
        %select_n3A_844 = arith.select %gt3A_840, %broadcast_in_dim3A_843, %select_n3A_837 : vector<16xi1>, vector<16xi32>
        %get3A_845 = arith.constant 32 : index
        %get3A_846 = tpu.vector_load %arg6[%get3A_845] {strides = array<i32>} : memref<4096xf32, #tpu.memory_space<vmem>>, vector<16xf32>,
        %gt3A_847 = arith.cmpf ogt, %get3A_846, %select_n3A_841 : vector<16xf32>
        %select_n3A_848 = arith.select %gt3A_847, %get3A_846, %select_n3A_841 : vector<16xi1>, vector<16xf32>
        %broadcast_in_dim3A_849 = arith.constant 2 : i32
        %broadcast_in_dim3A_850 = vector.broadcast %broadcast_in_dim3A_849 : i32 to vector<16xi32>
        %select_n3A_851 = arith.select %gt3A_847, %broadcast_in_dim3A_850, %select_n3A_844 : vector<16xi1>, vector<16xi32>
        %get3A_852 = arith.constant 48 : index
        %get3A_853 = tpu.vector_load %arg6[%get3A_852] {strides = array<i32>} : memref<4096xf32, #tpu.memory_space<vmem>>, vector<16xf32>,
        %gt3A_854 = arith.cmpf ogt, %get3A_853, %select_n3A_848 : vector<16xf32>
        %select_n3A_855 = arith.select %gt3A_854, %get3A_853, %select_n3A_848 : vector<16xi1>, vector<16xf32>
        %broadcast_in_dim3A_856 = arith.constant 3 : i32
        %broadcast_in_dim3A_857 = vector.broadcast %broadcast_in_dim3A_856 : i32 to vector<16xi32>
        %select_n3A_858 = arith.select %gt3A_854, %broadcast_in_dim3A_857, %select_n3A_851 : vector<16xi1>, vector<16xi32>
        %get3A_859 = arith.constant 64 : index
        %get3A_860 = tpu.vector_load %arg6[%get3A_859] {strides = array<i32>} : memref<4096xf32, #tpu.memory_space<vmem>>, vector<16xf32>,
        %gt3A_861 = arith.cmpf ogt, %get3A_860, %select_n3A_855 : vector<16xf32>
        %select_n3A_862 = arith.select %gt3A_861, %get3A_860, %select_n3A_855 : vector<16xi1>, vector<16xf32>
        %broadcast_in_dim3A_863 = arith.constant 4 : i32
        %broadcast_in_dim3A_864 = vector.broadcast %broadcast_in_dim3A_863 : i32 to vector<16xi32>
        %select_n3A_865 = arith.select %gt3A_861, %broadcast_in_dim3A_864, %select_n3A_858 : vector<16xi1>, vector<16xi32>
        %get3A_866 = arith.constant 80 : index
        %get3A_867 = tpu.vector_load %arg6[%get3A_866] {strides = array<i32>} : memref<4096xf32, #tpu.memory_space<vmem>>, vector<16xf32>,
        %gt3A_868 = arith.cmpf ogt, %get3A_867, %select_n3A_862 : vector<16xf32>
        %select_n3A_869 = arith.select %gt3A_868, %get3A_867, %select_n3A_862 : vector<16xi1>, vector<16xf32>
        %broadcast_in_dim3A_870 = arith.constant 5 : i32
        %broadcast_in_dim3A_871 = vector.broadcast %broadcast_in_dim3A_870 : i32 to vector<16xi32>
        %select_n3A_872 = arith.select %gt3A_868, %broadcast_in_dim3A_871, %select_n3A_865 : vector<16xi1>, vector<16xi32>
        %get3A_873 = arith.constant 96 : index
        %get3A_874 = tpu.vector_load %arg6[%get3A_873] {strides = array<i32>} : memref<4096xf32, #tpu.memory_space<vmem>>, vector<16xf32>,
        %gt3A_875 = arith.cmpf ogt, %get3A_874, %select_n3A_869 : vector<16xf32>
        %select_n3A_876 = arith.select %gt3A_875, %get3A_874, %select_n3A_869 : vector<16xi1>, vector<16xf32>
        %broadcast_in_dim3A_877 = arith.constant 6 : i32
        %broadcast_in_dim3A_878 = vector.broadcast %broadcast_in_dim3A_877 : i32 to vector<16xi32>
        %select_n3A_879 = arith.select %gt3A_875, %broadcast_in_dim3A_878, %select_n3A_872 : vector<16xi1>, vector<16xi32>
        %get3A_880 = arith.constant 112 : index
        %get3A_881 = tpu.vector_load %arg6[%get3A_880] {strides = array<i32>} : memref<4096xf32, #tpu.memory_space<vmem>>, vector<16xf32>,
        %gt3A_882 = arith.cmpf ogt, %get3A_881, %select_n3A_876 : vector<16xf32>
        %select_n3A_883 = arith.select %gt3A_882, %get3A_881, %select_n3A_876 : vector<16xi1>, vector<16xf32>
        %broadcast_in_dim3A_884 = arith.constant 7 : i32
        %broadcast_in_dim3A_885 = vector.broadcast %broadcast_in_dim3A_884 : i32 to vector<16xi32>
        %select_n3A_886 = arith.select %gt3A_882, %broadcast_in_dim3A_885, %select_n3A_879 : vector<16xi1>, vector<16xi32>
        %get3A_887 = arith.constant 128 : index
        %get3A_888 = tpu.vector_load %arg6[%get3A_887] {strides = array<i32>} : memref<4096xf32, #tpu.memory_space<vmem>>, vector<16xf32>,
        %gt3A_889 = arith.cmpf ogt, %get3A_888, %select_n3A_883 : vector<16xf32>
        %select_n3A_890 = arith.select %gt3A_889, %get3A_888, %select_n3A_883 : vector<16xi1>, vector<16xf32>
        %broadcast_in_dim3A_891 = arith.constant 8 : i32
        %broadcast_in_dim3A_892 = vector.broadcast %broadcast_in_dim3A_891 : i32 to vector<16xi32>
        %select_n3A_893 = arith.select %gt3A_889, %broadcast_in_dim3A_892, %select_n3A_886 : vector<16xi1>, vector<16xi32>
        %get3A_894 = arith.constant 144 : index
        %get3A_895 = tpu.vector_load %arg6[%get3A_894] {strides = array<i32>} : memref<4096xf32, #tpu.memory_space<vmem>>, vector<16xf32>,
        %gt3A_896 = arith.cmpf ogt, %get3A_895, %select_n3A_890 : vector<16xf32>
        %select_n3A_897 = arith.select %gt3A_896, %get3A_895, %select_n3A_890 : vector<16xi1>, vector<16xf32>
        %broadcast_in_dim3A_898 = arith.constant 9 : i32
        %broadcast_in_dim3A_899 = vector.broadcast %broadcast_in_dim3A_898 : i32 to vector<16xi32>
        %select_n3A_900 = arith.select %gt3A_896, %broadcast_in_dim3A_899, %select_n3A_893 : vector<16xi1>, vector<16xi32>
        %get3A_901 = arith.constant 160 : index
        %get3A_902 = tpu.vector_load %arg6[%get3A_901] {strides = array<i32>} : memref<4096xf32, #tpu.memory_space<vmem>>, vector<16xf32>,
        %gt3A_903 = arith.cmpf ogt, %get3A_902, %select_n3A_897 : vector<16xf32>
        %select_n3A_904 = arith.select %gt3A_903, %get3A_902, %select_n3A_897 : vector<16xi1>, vector<16xf32>
        %broadcast_in_dim3A_905 = arith.constant 10 : i32
        %broadcast_in_dim3A_906 = vector.broadcast %broadcast_in_dim3A_905 : i32 to vector<16xi32>
        %select_n3A_907 = arith.select %gt3A_903, %broadcast_in_dim3A_906, %select_n3A_900 : vector<16xi1>, vector<16xi32>
        %get3A_908 = arith.constant 176 : index
        %get3A_909 = tpu.vector_load %arg6[%get3A_908] {strides = array<i32>} : memref<4096xf32, #tpu.memory_space<vmem>>, vector<16xf32>,
        %gt3A_910 = arith.cmpf ogt, %get3A_909, %select_n3A_904 : vector<16xf32>
        %select_n3A_911 = arith.select %gt3A_910, %get3A_909, %select_n3A_904 : vector<16xi1>, vector<16xf32>
        %broadcast_in_dim3A_912 = arith.constant 11 : i32
        %broadcast_in_dim3A_913 = vector.broadcast %broadcast_in_dim3A_912 : i32 to vector<16xi32>
        %select_n3A_914 = arith.select %gt3A_910, %broadcast_in_dim3A_913, %select_n3A_907 : vector<16xi1>, vector<16xi32>
        %get3A_915 = arith.constant 192 : index
        %get3A_916 = tpu.vector_load %arg6[%get3A_915] {strides = array<i32>} : memref<4096xf32, #tpu.memory_space<vmem>>, vector<16xf32>,
        %gt3A_917 = arith.cmpf ogt, %get3A_916, %select_n3A_911 : vector<16xf32>
        %select_n3A_918 = arith.select %gt3A_917, %get3A_916, %select_n3A_911 : vector<16xi1>, vector<16xf32>
        %broadcast_in_dim3A_919 = arith.constant 12 : i32
        %broadcast_in_dim3A_920 = vector.broadcast %broadcast_in_dim3A_919 : i32 to vector<16xi32>
        %select_n3A_921 = arith.select %gt3A_917, %broadcast_in_dim3A_920, %select_n3A_914 : vector<16xi1>, vector<16xi32>
        %get3A_922 = arith.constant 208 : index
        %get3A_923 = tpu.vector_load %arg6[%get3A_922] {strides = array<i32>} : memref<4096xf32, #tpu.memory_space<vmem>>, vector<16xf32>,
        %gt3A_924 = arith.cmpf ogt, %get3A_923, %select_n3A_918 : vector<16xf32>
        %select_n3A_925 = arith.select %gt3A_924, %get3A_923, %select_n3A_918 : vector<16xi1>, vector<16xf32>
        %broadcast_in_dim3A_926 = arith.constant 13 : i32
        %broadcast_in_dim3A_927 = vector.broadcast %broadcast_in_dim3A_926 : i32 to vector<16xi32>
        %select_n3A_928 = arith.select %gt3A_924, %broadcast_in_dim3A_927, %select_n3A_921 : vector<16xi1>, vector<16xi32>
        %get3A_929 = arith.constant 224 : index
        %get3A_930 = tpu.vector_load %arg6[%get3A_929] {strides = array<i32>} : memref<4096xf32, #tpu.memory_space<vmem>>, vector<16xf32>,
        %gt3A_931 = arith.cmpf ogt, %get3A_930, %select_n3A_925 : vector<16xf32>
        %select_n3A_932 = arith.select %gt3A_931, %get3A_930, %select_n3A_925 : vector<16xi1>, vector<16xf32>
        %broadcast_in_dim3A_933 = arith.constant 14 : i32
        %broadcast_in_dim3A_934 = vector.broadcast %broadcast_in_dim3A_933 : i32 to vector<16xi32>
        %select_n3A_935 = arith.select %gt3A_931, %broadcast_in_dim3A_934, %select_n3A_928 : vector<16xi1>, vector<16xi32>
        %get3A_936 = arith.constant 240 : index
        %get3A_937 = tpu.vector_load %arg6[%get3A_936] {strides = array<i32>} : memref<4096xf32, #tpu.memory_space<vmem>>, vector<16xf32>,
        %gt3A_938 = arith.cmpf ogt, %get3A_937, %select_n3A_932 : vector<16xf32>
        %select_n3A_939 = arith.select %gt3A_938, %get3A_937, %select_n3A_932 : vector<16xi1>, vector<16xf32>
        %broadcast_in_dim3A_940 = arith.constant 15 : i32
        %broadcast_in_dim3A_941 = vector.broadcast %broadcast_in_dim3A_940 : i32 to vector<16xi32>
        %select_n3A_942 = arith.select %gt3A_938, %broadcast_in_dim3A_941, %select_n3A_935 : vector<16xi1>, vector<16xi32>
        %get3A_943 = arith.constant 256 : index
        %get3A_944 = tpu.vector_load %arg6[%get3A_943] {strides = array<i32>} : memref<4096xf32, #tpu.memory_space<vmem>>, vector<16xf32>,
        %gt3A_945 = arith.cmpf ogt, %get3A_944, %select_n3A_939 : vector<16xf32>
        %select_n3A_946 = arith.select %gt3A_945, %get3A_944, %select_n3A_939 : vector<16xi1>, vector<16xf32>
        %broadcast_in_dim3A_947 = arith.constant 16 : i32
        %broadcast_in_dim3A_948 = vector.broadcast %broadcast_in_dim3A_947 : i32 to vector<16xi32>
        %select_n3A_949 = arith.select %gt3A_945, %broadcast_in_dim3A_948, %select_n3A_942 : vector<16xi1>, vector<16xi32>
        %get3A_950 = arith.constant 272 : index
        %get3A_951 = tpu.vector_load %arg6[%get3A_950] {strides = array<i32>} : memref<4096xf32, #tpu.memory_space<vmem>>, vector<16xf32>,
        %gt3A_952 = arith.cmpf ogt, %get3A_951, %select_n3A_946 : vector<16xf32>
        %select_n3A_953 = arith.select %gt3A_952, %get3A_951, %select_n3A_946 : vector<16xi1>, vector<16xf32>
        %broadcast_in_dim3A_954 = arith.constant 17 : i32
        %broadcast_in_dim3A_955 = vector.broadcast %broadcast_in_dim3A_954 : i32 to vector<16xi32>
        %select_n3A_956 = arith.select %gt3A_952, %broadcast_in_dim3A_955, %select_n3A_949 : vector<16xi1>, vector<16xi32>
        %get3A_957 = arith.constant 288 : index
        %get3A_958 = tpu.vector_load %arg6[%get3A_957] {strides = array<i32>} : memref<4096xf32, #tpu.memory_space<vmem>>, vector<16xf32>,
        %gt3A_959 = arith.cmpf ogt, %get3A_958, %select_n3A_953 : vector<16xf32>
        %select_n3A_960 = arith.select %gt3A_959, %get3A_958, %select_n3A_953 : vector<16xi1>, vector<16xf32>
        %broadcast_in_dim3A_961 = arith.constant 18 : i32
        %broadcast_in_dim3A_962 = vector.broadcast %broadcast_in_dim3A_961 : i32 to vector<16xi32>
        %select_n3A_963 = arith.select %gt3A_959, %broadcast_in_dim3A_962, %select_n3A_956 : vector<16xi1>, vector<16xi32>
        %get3A_964 = arith.constant 304 : index
        %get3A_965 = tpu.vector_load %arg6[%get3A_964] {strides = array<i32>} : memref<4096xf32, #tpu.memory_space<vmem>>, vector<16xf32>,
        %gt3A_966 = arith.cmpf ogt, %get3A_965, %select_n3A_960 : vector<16xf32>
        %select_n3A_967 = arith.select %gt3A_966, %get3A_965, %select_n3A_960 : vector<16xi1>, vector<16xf32>
        %broadcast_in_dim3A_968 = arith.constant 19 : i32
        %broadcast_in_dim3A_969 = vector.broadcast %broadcast_in_dim3A_968 : i32 to vector<16xi32>
        %select_n3A_970 = arith.select %gt3A_966, %broadcast_in_dim3A_969, %select_n3A_963 : vector<16xi1>, vector<16xi32>
        %get3A_971 = arith.constant 320 : index
        %get3A_972 = tpu.vector_load %arg6[%get3A_971] {strides = array<i32>} : memref<4096xf32, #tpu.memory_space<vmem>>, vector<16xf32>,
        %gt3A_973 = arith.cmpf ogt, %get3A_972, %select_n3A_967 : vector<16xf32>
        %select_n3A_974 = arith.select %gt3A_973, %get3A_972, %select_n3A_967 : vector<16xi1>, vector<16xf32>
        %broadcast_in_dim3A_975 = arith.constant 20 : i32
        %broadcast_in_dim3A_976 = vector.broadcast %broadcast_in_dim3A_975 : i32 to vector<16xi32>
        %select_n3A_977 = arith.select %gt3A_973, %broadcast_in_dim3A_976, %select_n3A_970 : vector<16xi1>, vector<16xi32>
        %get3A_978 = arith.constant 336 : index
        %get3A_979 = tpu.vector_load %arg6[%get3A_978] {strides = array<i32>} : memref<4096xf32, #tpu.memory_space<vmem>>, vector<16xf32>,
        %gt3A_980 = arith.cmpf ogt, %get3A_979, %select_n3A_974 : vector<16xf32>
        %select_n3A_981 = arith.select %gt3A_980, %get3A_979, %select_n3A_974 : vector<16xi1>, vector<16xf32>
        %broadcast_in_dim3A_982 = arith.constant 21 : i32
        %broadcast_in_dim3A_983 = vector.broadcast %broadcast_in_dim3A_982 : i32 to vector<16xi32>
        %select_n3A_984 = arith.select %gt3A_980, %broadcast_in_dim3A_983, %select_n3A_977 : vector<16xi1>, vector<16xi32>
        %get3A_985 = arith.constant 352 : index
        %get3A_986 = tpu.vector_load %arg6[%get3A_985] {strides = array<i32>} : memref<4096xf32, #tpu.memory_space<vmem>>, vector<16xf32>,
        %gt3A_987 = arith.cmpf ogt, %get3A_986, %select_n3A_981 : vector<16xf32>
        %select_n3A_988 = arith.select %gt3A_987, %get3A_986, %select_n3A_981 : vector<16xi1>, vector<16xf32>
        %broadcast_in_dim3A_989 = arith.constant 22 : i32
        %broadcast_in_dim3A_990 = vector.broadcast %broadcast_in_dim3A_989 : i32 to vector<16xi32>
        %select_n3A_991 = arith.select %gt3A_987, %broadcast_in_dim3A_990, %select_n3A_984 : vector<16xi1>, vector<16xi32>
        %get3A_992 = arith.constant 368 : index
        %get3A_993 = tpu.vector_load %arg6[%get3A_992] {strides = array<i32>} : memref<4096xf32, #tpu.memory_space<vmem>>, vector<16xf32>,
        %gt3A_994 = arith.cmpf ogt, %get3A_993, %select_n3A_988 : vector<16xf32>
        %select_n3A_995 = arith.select %gt3A_994, %get3A_993, %select_n3A_988 : vector<16xi1>, vector<16xf32>
        %broadcast_in_dim3A_996 = arith.constant 23 : i32
        %broadcast_in_dim3A_997 = vector.broadcast %broadcast_in_dim3A_996 : i32 to vector<16xi32>
        %select_n3A_998 = arith.select %gt3A_994, %broadcast_in_dim3A_997, %select_n3A_991 : vector<16xi1>, vector<16xi32>
        %get3A_999 = arith.constant 384 : index
        %get3A_1000 = tpu.vector_load %arg6[%get3A_999] {strides = array<i32>} : memref<4096xf32, #tpu.memory_space<vmem>>, vector<16xf32>,
        %gt3A_1001 = arith.cmpf ogt, %get3A_1000, %select_n3A_995 : vector<16xf32>
        %select_n3A_1002 = arith.select %gt3A_1001, %get3A_1000, %select_n3A_995 : vector<16xi1>, vector<16xf32>
        %broadcast_in_dim3A_1003 = arith.constant 24 : i32
        %broadcast_in_dim3A_1004 = vector.broadcast %broadcast_in_dim3A_1003 : i32 to vector<16xi32>
        %select_n3A_1005 = arith.select %gt3A_1001, %broadcast_in_dim3A_1004, %select_n3A_998 : vector<16xi1>, vector<16xi32>
        %get3A_1006 = arith.constant 400 : index
        %get3A_1007 = tpu.vector_load %arg6[%get3A_1006] {strides = array<i32>} : memref<4096xf32, #tpu.memory_space<vmem>>, vector<16xf32>,
        %gt3A_1008 = arith.cmpf ogt, %get3A_1007, %select_n3A_1002 : vector<16xf32>
        %select_n3A_1009 = arith.select %gt3A_1008, %get3A_1007, %select_n3A_1002 : vector<16xi1>, vector<16xf32>
        %broadcast_in_dim3A_1010 = arith.constant 25 : i32
        %broadcast_in_dim3A_1011 = vector.broadcast %broadcast_in_dim3A_1010 : i32 to vector<16xi32>
        %select_n3A_1012 = arith.select %gt3A_1008, %broadcast_in_dim3A_1011, %select_n3A_1005 : vector<16xi1>, vector<16xi32>
        %get3A_1013 = arith.constant 416 : index
        %get3A_1014 = tpu.vector_load %arg6[%get3A_1013] {strides = array<i32>} : memref<4096xf32, #tpu.memory_space<vmem>>, vector<16xf32>,
        %gt3A_1015 = arith.cmpf ogt, %get3A_1014, %select_n3A_1009 : vector<16xf32>
        %select_n3A_1016 = arith.select %gt3A_1015, %get3A_1014, %select_n3A_1009 : vector<16xi1>, vector<16xf32>
        %broadcast_in_dim3A_1017 = arith.constant 26 : i32
        %broadcast_in_dim3A_1018 = vector.broadcast %broadcast_in_dim3A_1017 : i32 to vector<16xi32>
        %select_n3A_1019 = arith.select %gt3A_1015, %broadcast_in_dim3A_1018, %select_n3A_1012 : vector<16xi1>, vector<16xi32>
        %get3A_1020 = arith.constant 432 : index
        %get3A_1021 = tpu.vector_load %arg6[%get3A_1020] {strides = array<i32>} : memref<4096xf32, #tpu.memory_space<vmem>>, vector<16xf32>,
        %gt3A_1022 = arith.cmpf ogt, %get3A_1021, %select_n3A_1016 : vector<16xf32>
        %select_n3A_1023 = arith.select %gt3A_1022, %get3A_1021, %select_n3A_1016 : vector<16xi1>, vector<16xf32>
        %broadcast_in_dim3A_1024 = arith.constant 27 : i32
        %broadcast_in_dim3A_1025 = vector.broadcast %broadcast_in_dim3A_1024 : i32 to vector<16xi32>
        %select_n3A_1026 = arith.select %gt3A_1022, %broadcast_in_dim3A_1025, %select_n3A_1019 : vector<16xi1>, vector<16xi32>
        %get3A_1027 = arith.constant 448 : index
        %get3A_1028 = tpu.vector_load %arg6[%get3A_1027] {strides = array<i32>} : memref<4096xf32, #tpu.memory_space<vmem>>, vector<16xf32>,
        %gt3A_1029 = arith.cmpf ogt, %get3A_1028, %select_n3A_1023 : vector<16xf32>
        %select_n3A_1030 = arith.select %gt3A_1029, %get3A_1028, %select_n3A_1023 : vector<16xi1>, vector<16xf32>
        %broadcast_in_dim3A_1031 = arith.constant 28 : i32
        %broadcast_in_dim3A_1032 = vector.broadcast %broadcast_in_dim3A_1031 : i32 to vector<16xi32>
        %select_n3A_1033 = arith.select %gt3A_1029, %broadcast_in_dim3A_1032, %select_n3A_1026 : vector<16xi1>, vector<16xi32>
        %get3A_1034 = arith.constant 464 : index
        %get3A_1035 = tpu.vector_load %arg6[%get3A_1034] {strides = array<i32>} : memref<4096xf32, #tpu.memory_space<vmem>>, vector<16xf32>,
        %gt3A_1036 = arith.cmpf ogt, %get3A_1035, %select_n3A_1030 : vector<16xf32>
        %select_n3A_1037 = arith.select %gt3A_1036, %get3A_1035, %select_n3A_1030 : vector<16xi1>, vector<16xf32>
        %broadcast_in_dim3A_1038 = arith.constant 29 : i32
        %broadcast_in_dim3A_1039 = vector.broadcast %broadcast_in_dim3A_1038 : i32 to vector<16xi32>
        %select_n3A_1040 = arith.select %gt3A_1036, %broadcast_in_dim3A_1039, %select_n3A_1033 : vector<16xi1>, vector<16xi32>
        %get3A_1041 = arith.constant 480 : index
        %get3A_1042 = tpu.vector_load %arg6[%get3A_1041] {strides = array<i32>} : memref<4096xf32, #tpu.memory_space<vmem>>, vector<16xf32>,
        %gt3A_1043 = arith.cmpf ogt, %get3A_1042, %select_n3A_1037 : vector<16xf32>
        %select_n3A_1044 = arith.select %gt3A_1043, %get3A_1042, %select_n3A_1037 : vector<16xi1>, vector<16xf32>
        %broadcast_in_dim3A_1045 = arith.constant 30 : i32
        %broadcast_in_dim3A_1046 = vector.broadcast %broadcast_in_dim3A_1045 : i32 to vector<16xi32>
        %select_n3A_1047 = arith.select %gt3A_1043, %broadcast_in_dim3A_1046, %select_n3A_1040 : vector<16xi1>, vector<16xi32>
        %get3A_1048 = arith.constant 496 : index
        %get3A_1049 = tpu.vector_load %arg6[%get3A_1048] {strides = array<i32>} : memref<4096xf32, #tpu.memory_space<vmem>>, vector<16xf32>,
        %gt3A_1050 = arith.cmpf ogt, %get3A_1049, %select_n3A_1044 : vector<16xf32>
        %select_n3A_1051 = arith.select %gt3A_1050, %get3A_1049, %select_n3A_1044 : vector<16xi1>, vector<16xf32>
        %broadcast_in_dim3A_1052 = arith.constant 31 : i32
        %broadcast_in_dim3A_1053 = vector.broadcast %broadcast_in_dim3A_1052 : i32 to vector<16xi32>
        %select_n3A_1054 = arith.select %gt3A_1050, %broadcast_in_dim3A_1053, %select_n3A_1047 : vector<16xi1>, vector<16xi32>
        %iota3A_1055 = tpu.iota {dimensions = array<i32: 0>} : vector<16xi32>
        %xor3A_1056 = arith.constant 1 : i32
        %xor3A_1057 = vector.broadcast %xor3A_1056 : i32 to vector<16xi32>
        %xor3A_1058 = arith.xori %iota3A_1055, %xor3A_1057 : vector<16xi32>
        %broadcast_in_dim3A_1059 = vector.shape_cast %xor3A_1058 : vector<16xi32> to vector<16x1xi32>
        %gather3A_1060 = vector.shape_cast %broadcast_in_dim3A_1059 : vector<16x1xi32> to vector<16xi32>
        %gather3A_1061 = tpu.dynamic_gather %select_n3A_1051[%gather3A_1060] in [0] : vector<16xf32>, vector<16xi32> -> vector<16xf32>
        %max3A = arith.maximumf %select_n3A_1051, %gather3A_1061 : vector<16xf32>
        %xor3A_1062 = arith.constant 2 : i32
        %xor3A_1063 = vector.broadcast %xor3A_1062 : i32 to vector<16xi32>
        %xor3A_1064 = arith.xori %iota3A_1055, %xor3A_1063 : vector<16xi32>
        %broadcast_in_dim3A_1065 = vector.shape_cast %xor3A_1064 : vector<16xi32> to vector<16x1xi32>
        %gather3A_1066 = vector.shape_cast %broadcast_in_dim3A_1065 : vector<16x1xi32> to vector<16xi32>
        %gather3A_1067 = tpu.dynamic_gather %max3A[%gather3A_1066] in [0] : vector<16xf32>, vector<16xi32> -> vector<16xf32>
        %max3A_1068 = arith.maximumf %max3A, %gather3A_1067 : vector<16xf32>
        %xor3A_1069 = arith.constant 4 : i32
        %xor3A_1070 = vector.broadcast %xor3A_1069 : i32 to vector<16xi32>
        %xor3A_1071 = arith.xori %iota3A_1055, %xor3A_1070 : vector<16xi32>
        %broadcast_in_dim3A_1072 = vector.shape_cast %xor3A_1071 : vector<16xi32> to vector<16x1xi32>
        %gather3A_1073 = vector.shape_cast %broadcast_in_dim3A_1072 : vector<16x1xi32> to vector<16xi32>
        %gather3A_1074 = tpu.dynamic_gather %max3A_1068[%gather3A_1073] in [0] : vector<16xf32>, vector<16xi32> -> vector<16xf32>
        %max3A_1075 = arith.maximumf %max3A_1068, %gather3A_1074 : vector<16xf32>
        %xor3A_1076 = arith.constant 8 : i32
        %xor3A_1077 = vector.broadcast %xor3A_1076 : i32 to vector<16xi32>
        %xor3A_1078 = arith.xori %iota3A_1055, %xor3A_1077 : vector<16xi32>
        %broadcast_in_dim3A_1079 = vector.shape_cast %xor3A_1078 : vector<16xi32> to vector<16x1xi32>
        %gather3A_1080 = vector.shape_cast %broadcast_in_dim3A_1079 : vector<16x1xi32> to vector<16xi32>
        %gather3A_1081 = tpu.dynamic_gather %max3A_1075[%gather3A_1080] in [0] : vector<16xf32>, vector<16xi32> -> vector<16xf32>
        %max3A_1082 = arith.maximumf %max3A_1075, %gather3A_1081 : vector<16xf32>
        %eq3A_1083 = arith.cmpf oeq, %select_n3A_1051, %max3A_1082 : vector<16xf32>
        %mul3A_1084 = arith.constant 16 : i32
        %mul3A_1085 = vector.broadcast %mul3A_1084 : i32 to vector<16xi32>
        %mul3A_1086 = arith.muli %select_n3A_1054, %mul3A_1085 : vector<16xi32>
        %add3A_1087 = arith.addi %mul3A_1086, %iota3A_405 : vector<16xi32>
        %jit3A_1088 = arith.constant 1073741824 : i32
        %broadcast_in_dim3A_1089 = vector.broadcast %jit3A_1088 : i32 to vector<16xi32>
        %select_n3A_1090 = arith.select %eq3A_1083, %add3A_1087, %broadcast_in_dim3A_1089 : vector<16xi1>, vector<16xi32>
        %iota3A_1091 = tpu.iota {dimensions = array<i32: 0>} : vector<16xi32>
        %xor3A_1092 = arith.constant 1 : i32
        %xor3A_1093 = vector.broadcast %xor3A_1092 : i32 to vector<16xi32>
        %xor3A_1094 = arith.xori %iota3A_1091, %xor3A_1093 : vector<16xi32>
        %broadcast_in_dim3A_1095 = vector.shape_cast %xor3A_1094 : vector<16xi32> to vector<16x1xi32>
        %gather3A_1096 = vector.shape_cast %broadcast_in_dim3A_1095 : vector<16x1xi32> to vector<16xi32>
        %gather3A_1097 = tpu.dynamic_gather %select_n3A_1090[%gather3A_1096] in [0] : vector<16xi32>, vector<16xi32> -> vector<16xi32>
        %min3A_1098 = arith.minsi %select_n3A_1090, %gather3A_1097 : vector<16xi32>
        %xor3A_1099 = arith.constant 2 : i32
        %xor3A_1100 = vector.broadcast %xor3A_1099 : i32 to vector<16xi32>
        %xor3A_1101 = arith.xori %iota3A_1091, %xor3A_1100 : vector<16xi32>
        %broadcast_in_dim3A_1102 = vector.shape_cast %xor3A_1101 : vector<16xi32> to vector<16x1xi32>
        %gather3A_1103 = vector.shape_cast %broadcast_in_dim3A_1102 : vector<16x1xi32> to vector<16xi32>
        %gather3A_1104 = tpu.dynamic_gather %min3A_1098[%gather3A_1103] in [0] : vector<16xi32>, vector<16xi32> -> vector<16xi32>
        %min3A_1105 = arith.minsi %min3A_1098, %gather3A_1104 : vector<16xi32>
        %xor3A_1106 = arith.constant 4 : i32
        %xor3A_1107 = vector.broadcast %xor3A_1106 : i32 to vector<16xi32>
        %xor3A_1108 = arith.xori %iota3A_1091, %xor3A_1107 : vector<16xi32>
        %broadcast_in_dim3A_1109 = vector.shape_cast %xor3A_1108 : vector<16xi32> to vector<16x1xi32>
        %gather3A_1110 = vector.shape_cast %broadcast_in_dim3A_1109 : vector<16x1xi32> to vector<16xi32>
        %gather3A_1111 = tpu.dynamic_gather %min3A_1105[%gather3A_1110] in [0] : vector<16xi32>, vector<16xi32> -> vector<16xi32>
        %min3A_1112 = arith.minsi %min3A_1105, %gather3A_1111 : vector<16xi32>
        %xor3A_1113 = arith.constant 8 : i32
        %xor3A_1114 = vector.broadcast %xor3A_1113 : i32 to vector<16xi32>
        %xor3A_1115 = arith.xori %iota3A_1091, %xor3A_1114 : vector<16xi32>
        %broadcast_in_dim3A_1116 = vector.shape_cast %xor3A_1115 : vector<16xi32> to vector<16x1xi32>
        %gather3A_1117 = vector.shape_cast %broadcast_in_dim3A_1116 : vector<16x1xi32> to vector<16xi32>
        %gather3A_1118 = tpu.dynamic_gather %min3A_1112[%gather3A_1117] in [0] : vector<16xi32>, vector<16xi32> -> vector<16xi32>
        %min3A_1119 = arith.minsi %min3A_1112, %gather3A_1118 : vector<16xi32>
        %broadcast_in_dim3A_1120 = vector.broadcast %scan3A_828 : i32 to vector<16xi32>
        tpu.vector_store_idx %arg8[%broadcast_in_dim3A_1120], %max3A_1082 masked %eq3A_488 : memref<64xf32, #tpu.memory_space<vmem>>[vector<16xi32>], vector<16xf32>, vector<16xi1>
        %gather3A_1121 = tpu.vector_load_idx %arg7[%min3A_1119] : memref<4096xi32, #tpu.memory_space<vmem>>[vector<16xi32>], vector<16xi32>,
        tpu.vector_store_idx %arg9[%broadcast_in_dim3A_1120], %gather3A_1121 masked %eq3A_488 : memref<64xi32, #tpu.memory_space<vmem>>[vector<16xi32>], vector<16xi32>, vector<16xi1>
        tpu.vector_store_idx %arg6[%min3A_1119], %broadcast_in_dim3A_407 masked %eq3A_488 : memref<4096xf32, #tpu.memory_space<vmem>>[vector<16xi32>], vector<16xf32>, vector<16xi1>
        %scan3A_1122 = arith.constant 0 : i32
        scf.yield %scan3A_1122 : i32
      }
      %scan3A_827 = arith.constant 64 : i32
      scf.yield %scan3A_826 : i32
    } else {
      %scan3A_821 = arith.constant 0 : i32
      %scan3A_822 = arith.constant 0 : i32
      %scan3A_823 = arith.constant 64 : i32
      %scan3A_824 = arith.addi %scan3A_822, %scan3A_823 : i32
      %scan3A_825 = arith.constant 1 : i32
      %scan3A_826 = scf.for %scan3A_828 = %scan3A_822 to %scan3A_824 step %scan3A_825 iter_args(%scan3A_829 = %scan3A_821) -> (i32)  : i32 {
        %broadcast_in_dim3A_830 = arith.constant 0 : i32
        %broadcast_in_dim3A_831 = vector.broadcast %broadcast_in_dim3A_830 : i32 to vector<16xi32>
        %while3A = arith.constant 0 : i32
        %while3A_832 = arith.subi %select_n3A_485, %while3A : i32
        %while3A_833 = arith.addi %while3A, %while3A_832 : i32
        %while3A_834 = arith.constant 1 : i32
        %while3A_835 = arith.divsi %while3A_832, %while3A_834 : i32
        %while3A_836 = arith.muli %while3A_835, %while3A_834 : i32
        %while3A_837 = arith.addi %while3A, %while3A_836 : i32
        %while3A_838 = arith.constant 1 : i32
        %while3A_839:2 = scf.for %while3A_910 = %while3A to %while3A_837 step %while3A_838 iter_args(%while3A_911 = %broadcast_in_dim3A_407, %while3A_912 = %broadcast_in_dim3A_831) -> (vector<16xf32>, vector<16xi32>)  : i32 {
          %mul3A_913 = arith.constant 16 : i32
          %mul3A_914 = arith.muli %while3A_910, %mul3A_913 : i32
          %multiple_of3A = tpu.assume_multiple %mul3A_914, 16 : i32
          %get3A_915 = arith.index_cast %multiple_of3A : i32 to index
          %get3A_916 = tpu.vector_load %arg6[%get3A_915] {strides = array<i32>} : memref<4096xf32, #tpu.memory_space<vmem>>, vector<16xf32>,
          %gt3A = arith.cmpf ogt, %get3A_916, %while3A_911 : vector<16xf32>
          %select_n3A_917 = arith.select %gt3A, %get3A_916, %while3A_911 : vector<16xi1>, vector<16xf32>
          %broadcast_in_dim3A_918 = vector.broadcast %while3A_910 : i32 to vector<16xi32>
          %select_n3A_919 = arith.select %gt3A, %broadcast_in_dim3A_918, %while3A_912 : vector<16xi1>, vector<16xi32>
          scf.yield %select_n3A_917, %select_n3A_919 : vector<16xf32>, vector<16xi32>
        }
        %while3A_840 = arith.constant 1 : i32
        %while3A_841:2 = scf.for %while3A_910 = %while3A_837 to %while3A_833 step %while3A_840 iter_args(%while3A_911 = %while3A_839#0, %while3A_912 = %while3A_839#1) -> (vector<16xf32>, vector<16xi32>)  : i32 {
          %mul3A_913 = arith.constant 16 : i32
          %mul3A_914 = arith.muli %while3A_910, %mul3A_913 : i32
          %multiple_of3A = tpu.assume_multiple %mul3A_914, 16 : i32
          %get3A_915 = arith.index_cast %multiple_of3A : i32 to index
          %get3A_916 = tpu.vector_load %arg6[%get3A_915] {strides = array<i32>} : memref<4096xf32, #tpu.memory_space<vmem>>, vector<16xf32>,
          %gt3A = arith.cmpf ogt, %get3A_916, %while3A_911 : vector<16xf32>
          %select_n3A_917 = arith.select %gt3A, %get3A_916, %while3A_911 : vector<16xi1>, vector<16xf32>
          %broadcast_in_dim3A_918 = vector.broadcast %while3A_910 : i32 to vector<16xi32>
          %select_n3A_919 = arith.select %gt3A, %broadcast_in_dim3A_918, %while3A_912 : vector<16xi1>, vector<16xi32>
          scf.yield %select_n3A_917, %select_n3A_919 : vector<16xf32>, vector<16xi32>
        }
        %iota3A_842 = tpu.iota {dimensions = array<i32: 0>} : vector<16xi32>
        %xor3A_843 = arith.constant 1 : i32
        %xor3A_844 = vector.broadcast %xor3A_843 : i32 to vector<16xi32>
        %xor3A_845 = arith.xori %iota3A_842, %xor3A_844 : vector<16xi32>
        %broadcast_in_dim3A_846 = vector.shape_cast %xor3A_845 : vector<16xi32> to vector<16x1xi32>
        %gather3A_847 = vector.shape_cast %broadcast_in_dim3A_846 : vector<16x1xi32> to vector<16xi32>
        %gather3A_848 = tpu.dynamic_gather %while3A_841#0[%gather3A_847] in [0] : vector<16xf32>, vector<16xi32> -> vector<16xf32>
        %max3A = arith.maximumf %while3A_841#0, %gather3A_848 : vector<16xf32>
        %xor3A_849 = arith.constant 2 : i32
        %xor3A_850 = vector.broadcast %xor3A_849 : i32 to vector<16xi32>
        %xor3A_851 = arith.xori %iota3A_842, %xor3A_850 : vector<16xi32>
        %broadcast_in_dim3A_852 = vector.shape_cast %xor3A_851 : vector<16xi32> to vector<16x1xi32>
        %gather3A_853 = vector.shape_cast %broadcast_in_dim3A_852 : vector<16x1xi32> to vector<16xi32>
        %gather3A_854 = tpu.dynamic_gather %max3A[%gather3A_853] in [0] : vector<16xf32>, vector<16xi32> -> vector<16xf32>
        %max3A_855 = arith.maximumf %max3A, %gather3A_854 : vector<16xf32>
        %xor3A_856 = arith.constant 4 : i32
        %xor3A_857 = vector.broadcast %xor3A_856 : i32 to vector<16xi32>
        %xor3A_858 = arith.xori %iota3A_842, %xor3A_857 : vector<16xi32>
        %broadcast_in_dim3A_859 = vector.shape_cast %xor3A_858 : vector<16xi32> to vector<16x1xi32>
        %gather3A_860 = vector.shape_cast %broadcast_in_dim3A_859 : vector<16x1xi32> to vector<16xi32>
        %gather3A_861 = tpu.dynamic_gather %max3A_855[%gather3A_860] in [0] : vector<16xf32>, vector<16xi32> -> vector<16xf32>
        %max3A_862 = arith.maximumf %max3A_855, %gather3A_861 : vector<16xf32>
        %xor3A_863 = arith.constant 8 : i32
        %xor3A_864 = vector.broadcast %xor3A_863 : i32 to vector<16xi32>
        %xor3A_865 = arith.xori %iota3A_842, %xor3A_864 : vector<16xi32>
        %broadcast_in_dim3A_866 = vector.shape_cast %xor3A_865 : vector<16xi32> to vector<16x1xi32>
        %gather3A_867 = vector.shape_cast %broadcast_in_dim3A_866 : vector<16x1xi32> to vector<16xi32>
        %gather3A_868 = tpu.dynamic_gather %max3A_862[%gather3A_867] in [0] : vector<16xf32>, vector<16xi32> -> vector<16xf32>
        %max3A_869 = arith.maximumf %max3A_862, %gather3A_868 : vector<16xf32>
        %eq3A_870 = arith.cmpf oeq, %while3A_841#0, %max3A_869 : vector<16xf32>
        %mul3A_871 = arith.constant 16 : i32
        %mul3A_872 = vector.broadcast %mul3A_871 : i32 to vector<16xi32>
        %mul3A_873 = arith.muli %while3A_841#1, %mul3A_872 : vector<16xi32>
        %add3A_874 = arith.addi %mul3A_873, %iota3A_405 : vector<16xi32>
        %jit3A_875 = arith.constant 1073741824 : i32
        %broadcast_in_dim3A_876 = vector.broadcast %jit3A_875 : i32 to vector<16xi32>
        %select_n3A_877 = arith.select %eq3A_870, %add3A_874, %broadcast_in_dim3A_876 : vector<16xi1>, vector<16xi32>
        %iota3A_878 = tpu.iota {dimensions = array<i32: 0>} : vector<16xi32>
        %xor3A_879 = arith.constant 1 : i32
        %xor3A_880 = vector.broadcast %xor3A_879 : i32 to vector<16xi32>
        %xor3A_881 = arith.xori %iota3A_878, %xor3A_880 : vector<16xi32>
        %broadcast_in_dim3A_882 = vector.shape_cast %xor3A_881 : vector<16xi32> to vector<16x1xi32>
        %gather3A_883 = vector.shape_cast %broadcast_in_dim3A_882 : vector<16x1xi32> to vector<16xi32>
        %gather3A_884 = tpu.dynamic_gather %select_n3A_877[%gather3A_883] in [0] : vector<16xi32>, vector<16xi32> -> vector<16xi32>
        %min3A_885 = arith.minsi %select_n3A_877, %gather3A_884 : vector<16xi32>
        %xor3A_886 = arith.constant 2 : i32
        %xor3A_887 = vector.broadcast %xor3A_886 : i32 to vector<16xi32>
        %xor3A_888 = arith.xori %iota3A_878, %xor3A_887 : vector<16xi32>
        %broadcast_in_dim3A_889 = vector.shape_cast %xor3A_888 : vector<16xi32> to vector<16x1xi32>
        %gather3A_890 = vector.shape_cast %broadcast_in_dim3A_889 : vector<16x1xi32> to vector<16xi32>
        %gather3A_891 = tpu.dynamic_gather %min3A_885[%gather3A_890] in [0] : vector<16xi32>, vector<16xi32> -> vector<16xi32>
        %min3A_892 = arith.minsi %min3A_885, %gather3A_891 : vector<16xi32>
        %xor3A_893 = arith.constant 4 : i32
        %xor3A_894 = vector.broadcast %xor3A_893 : i32 to vector<16xi32>
        %xor3A_895 = arith.xori %iota3A_878, %xor3A_894 : vector<16xi32>
        %broadcast_in_dim3A_896 = vector.shape_cast %xor3A_895 : vector<16xi32> to vector<16x1xi32>
        %gather3A_897 = vector.shape_cast %broadcast_in_dim3A_896 : vector<16x1xi32> to vector<16xi32>
        %gather3A_898 = tpu.dynamic_gather %min3A_892[%gather3A_897] in [0] : vector<16xi32>, vector<16xi32> -> vector<16xi32>
        %min3A_899 = arith.minsi %min3A_892, %gather3A_898 : vector<16xi32>
        %xor3A_900 = arith.constant 8 : i32
        %xor3A_901 = vector.broadcast %xor3A_900 : i32 to vector<16xi32>
        %xor3A_902 = arith.xori %iota3A_878, %xor3A_901 : vector<16xi32>
        %broadcast_in_dim3A_903 = vector.shape_cast %xor3A_902 : vector<16xi32> to vector<16x1xi32>
        %gather3A_904 = vector.shape_cast %broadcast_in_dim3A_903 : vector<16x1xi32> to vector<16xi32>
        %gather3A_905 = tpu.dynamic_gather %min3A_899[%gather3A_904] in [0] : vector<16xi32>, vector<16xi32> -> vector<16xi32>
        %min3A_906 = arith.minsi %min3A_899, %gather3A_905 : vector<16xi32>
        %broadcast_in_dim3A_907 = vector.broadcast %scan3A_828 : i32 to vector<16xi32>
        tpu.vector_store_idx %arg8[%broadcast_in_dim3A_907], %max3A_869 masked %eq3A_488 : memref<64xf32, #tpu.memory_space<vmem>>[vector<16xi32>], vector<16xf32>, vector<16xi1>
        %gather3A_908 = tpu.vector_load_idx %arg7[%min3A_906] : memref<4096xi32, #tpu.memory_space<vmem>>[vector<16xi32>], vector<16xi32>,
        tpu.vector_store_idx %arg9[%broadcast_in_dim3A_907], %gather3A_908 masked %eq3A_488 : memref<64xi32, #tpu.memory_space<vmem>>[vector<16xi32>], vector<16xi32>, vector<16xi1>
        tpu.vector_store_idx %arg6[%min3A_906], %broadcast_in_dim3A_407 masked %eq3A_488 : memref<4096xf32, #tpu.memory_space<vmem>>[vector<16xi32>], vector<16xf32>, vector<16xi1>
        %scan3A_909 = arith.constant 0 : i32
        scf.yield %scan3A_909 : i32
      }
      %scan3A_827 = arith.constant 64 : i32
      scf.yield %scan3A_826 : i32
    }
    %get3A_495 = arith.constant 0 : index
    %get3A_496 = tpu.vector_load %arg8[%get3A_495] {strides = array<i32>} : memref<64xf32, #tpu.memory_space<vmem>>, vector<16xf32>,
    %div3A_497 = arith.constant 8.000000e-01 : f32
    %div3A_498 = vector.broadcast %div3A_497 : f32 to vector<16xf32>
    %div3A_499 = arith.divf %get3A_496, %div3A_498 : vector<16xf32>
    %swap3A_500 = arith.constant 0 : index
    %swap3A_501 = tpu.vector_load %arg8[%swap3A_500] {strides = array<i32>} : memref<64xf32, #tpu.memory_space<vmem>>, vector<16xf32>,
    tpu.vector_store %arg8[%swap3A_500], %div3A_499 {strides = array<i32>} : memref<64xf32, #tpu.memory_space<vmem>>, vector<16xf32>,
    %get3A_502 = arith.constant 16 : index
    %get3A_503 = tpu.vector_load %arg8[%get3A_502] {strides = array<i32>} : memref<64xf32, #tpu.memory_space<vmem>>, vector<16xf32>,
    %div3A_504 = arith.constant 8.000000e-01 : f32
    %div3A_505 = vector.broadcast %div3A_504 : f32 to vector<16xf32>
    %div3A_506 = arith.divf %get3A_503, %div3A_505 : vector<16xf32>
    %swap3A_507 = arith.constant 16 : index
    %swap3A_508 = tpu.vector_load %arg8[%swap3A_507] {strides = array<i32>} : memref<64xf32, #tpu.memory_space<vmem>>, vector<16xf32>,
    tpu.vector_store %arg8[%swap3A_507], %div3A_506 {strides = array<i32>} : memref<64xf32, #tpu.memory_space<vmem>>, vector<16xf32>,
    %get3A_509 = arith.constant 32 : index
    %get3A_510 = tpu.vector_load %arg8[%get3A_509] {strides = array<i32>} : memref<64xf32, #tpu.memory_space<vmem>>, vector<16xf32>,
    %div3A_511 = arith.constant 8.000000e-01 : f32
    %div3A_512 = vector.broadcast %div3A_511 : f32 to vector<16xf32>
    %div3A_513 = arith.divf %get3A_510, %div3A_512 : vector<16xf32>
    %swap3A_514 = arith.constant 32 : index
    %swap3A_515 = tpu.vector_load %arg8[%swap3A_514] {strides = array<i32>} : memref<64xf32, #tpu.memory_space<vmem>>, vector<16xf32>,
    tpu.vector_store %arg8[%swap3A_514], %div3A_513 {strides = array<i32>} : memref<64xf32, #tpu.memory_space<vmem>>, vector<16xf32>,
    %get3A_516 = arith.constant 48 : index
    %get3A_517 = tpu.vector_load %arg8[%get3A_516] {strides = array<i32>} : memref<64xf32, #tpu.memory_space<vmem>>, vector<16xf32>,
    %div3A_518 = arith.constant 8.000000e-01 : f32
    %div3A_519 = vector.broadcast %div3A_518 : f32 to vector<16xf32>
    %div3A_520 = arith.divf %get3A_517, %div3A_519 : vector<16xf32>
    %swap3A_521 = arith.constant 48 : index
    %swap3A_522 = tpu.vector_load %arg8[%swap3A_521] {strides = array<i32>} : memref<64xf32, #tpu.memory_space<vmem>>, vector<16xf32>,
    tpu.vector_store %arg8[%swap3A_521], %div3A_520 {strides = array<i32>} : memref<64xf32, #tpu.memory_space<vmem>>, vector<16xf32>,
    %broadcast_in_dim3A_523 = vector.broadcast %sub3A_2 : i32 to vector<16xi32>
    %gather3A_524 = tpu.vector_load_idx %arg8[%broadcast_in_dim3A_523] : memref<64xf32, #tpu.memory_space<vmem>>[vector<16xi32>], vector<16xf32>,
    %broadcast_in_dim3A_525 = arith.constant 0 : i32
    %broadcast_in_dim3A_526 = vector.broadcast %broadcast_in_dim3A_525 : i32 to vector<16xi32>
    %gather3A_527 = tpu.vector_load_idx %arg8[%broadcast_in_dim3A_526] : memref<64xf32, #tpu.memory_space<vmem>>[vector<16xi32>], vector<16xf32>,
    %broadcast_in_dim3A_528 = arith.constant 0.000000e+00 : f32
    %broadcast_in_dim3A_529 = vector.broadcast %broadcast_in_dim3A_528 : f32 to vector<16xf32>
    %get3A_530 = arith.constant 0 : index
    %get3A_531 = tpu.vector_load %arg8[%get3A_530] {strides = array<i32>} : memref<64xf32, #tpu.memory_space<vmem>>, vector<16xf32>,
    %ge3A_532 = arith.cmpf oge, %get3A_531, %gather3A_524 : vector<16xf32>
    %sub3A_533 = arith.subf %get3A_531, %gather3A_527 : vector<16xf32>
    %exp3A_534 = math.exp %sub3A_533 : vector<16xf32>
    %jit3A_535 = arith.constant 0.000000e+00 : f32
    %broadcast_in_dim3A_536 = vector.broadcast %jit3A_535 : f32 to vector<16xf32>
    %select_n3A_537 = arith.select %ge3A_532, %exp3A_534, %broadcast_in_dim3A_536 : vector<16xi1>, vector<16xf32>
    %add3A_538 = arith.addf %broadcast_in_dim3A_529, %select_n3A_537 : vector<16xf32>
    %get3A_539 = arith.constant 16 : index
    %get3A_540 = tpu.vector_load %arg8[%get3A_539] {strides = array<i32>} : memref<64xf32, #tpu.memory_space<vmem>>, vector<16xf32>,
    %ge3A_541 = arith.cmpf oge, %get3A_540, %gather3A_524 : vector<16xf32>
    %sub3A_542 = arith.subf %get3A_540, %gather3A_527 : vector<16xf32>
    %exp3A_543 = math.exp %sub3A_542 : vector<16xf32>
    %jit3A_544 = arith.constant 0.000000e+00 : f32
    %broadcast_in_dim3A_545 = vector.broadcast %jit3A_544 : f32 to vector<16xf32>
    %select_n3A_546 = arith.select %ge3A_541, %exp3A_543, %broadcast_in_dim3A_545 : vector<16xi1>, vector<16xf32>
    %add3A_547 = arith.addf %add3A_538, %select_n3A_546 : vector<16xf32>
    %get3A_548 = arith.constant 32 : index
    %get3A_549 = tpu.vector_load %arg8[%get3A_548] {strides = array<i32>} : memref<64xf32, #tpu.memory_space<vmem>>, vector<16xf32>,
    %ge3A_550 = arith.cmpf oge, %get3A_549, %gather3A_524 : vector<16xf32>
    %sub3A_551 = arith.subf %get3A_549, %gather3A_527 : vector<16xf32>
    %exp3A_552 = math.exp %sub3A_551 : vector<16xf32>
    %jit3A_553 = arith.constant 0.000000e+00 : f32
    %broadcast_in_dim3A_554 = vector.broadcast %jit3A_553 : f32 to vector<16xf32>
    %select_n3A_555 = arith.select %ge3A_550, %exp3A_552, %broadcast_in_dim3A_554 : vector<16xi1>, vector<16xf32>
    %add3A_556 = arith.addf %add3A_547, %select_n3A_555 : vector<16xf32>
    %get3A_557 = arith.constant 48 : index
    %get3A_558 = tpu.vector_load %arg8[%get3A_557] {strides = array<i32>} : memref<64xf32, #tpu.memory_space<vmem>>, vector<16xf32>,
    %ge3A_559 = arith.cmpf oge, %get3A_558, %gather3A_524 : vector<16xf32>
    %sub3A_560 = arith.subf %get3A_558, %gather3A_527 : vector<16xf32>
    %exp3A_561 = math.exp %sub3A_560 : vector<16xf32>
    %jit3A_562 = arith.constant 0.000000e+00 : f32
    %broadcast_in_dim3A_563 = vector.broadcast %jit3A_562 : f32 to vector<16xf32>
    %select_n3A_564 = arith.select %ge3A_559, %exp3A_561, %broadcast_in_dim3A_563 : vector<16xi1>, vector<16xf32>
    %add3A_565 = arith.addf %add3A_556, %select_n3A_564 : vector<16xf32>
    %iota3A_566 = tpu.iota {dimensions = array<i32: 0>} : vector<16xi32>
    %xor3A_567 = arith.constant 1 : i32
    %xor3A_568 = vector.broadcast %xor3A_567 : i32 to vector<16xi32>
    %xor3A_569 = arith.xori %iota3A_566, %xor3A_568 : vector<16xi32>
    %broadcast_in_dim3A_570 = vector.shape_cast %xor3A_569 : vector<16xi32> to vector<16x1xi32>
    %gather3A_571 = vector.shape_cast %broadcast_in_dim3A_570 : vector<16x1xi32> to vector<16xi32>
    %gather3A_572 = tpu.dynamic_gather %add3A_565[%gather3A_571] in [0] : vector<16xf32>, vector<16xi32> -> vector<16xf32>
    %add3A_573 = arith.addf %add3A_565, %gather3A_572 : vector<16xf32>
    %xor3A_574 = arith.constant 2 : i32
    %xor3A_575 = vector.broadcast %xor3A_574 : i32 to vector<16xi32>
    %xor3A_576 = arith.xori %iota3A_566, %xor3A_575 : vector<16xi32>
    %broadcast_in_dim3A_577 = vector.shape_cast %xor3A_576 : vector<16xi32> to vector<16x1xi32>
    %gather3A_578 = vector.shape_cast %broadcast_in_dim3A_577 : vector<16x1xi32> to vector<16xi32>
    %gather3A_579 = tpu.dynamic_gather %add3A_573[%gather3A_578] in [0] : vector<16xf32>, vector<16xi32> -> vector<16xf32>
    %add3A_580 = arith.addf %add3A_573, %gather3A_579 : vector<16xf32>
    %xor3A_581 = arith.constant 4 : i32
    %xor3A_582 = vector.broadcast %xor3A_581 : i32 to vector<16xi32>
    %xor3A_583 = arith.xori %iota3A_566, %xor3A_582 : vector<16xi32>
    %broadcast_in_dim3A_584 = vector.shape_cast %xor3A_583 : vector<16xi32> to vector<16x1xi32>
    %gather3A_585 = vector.shape_cast %broadcast_in_dim3A_584 : vector<16x1xi32> to vector<16xi32>
    %gather3A_586 = tpu.dynamic_gather %add3A_580[%gather3A_585] in [0] : vector<16xf32>, vector<16xi32> -> vector<16xf32>
    %add3A_587 = arith.addf %add3A_580, %gather3A_586 : vector<16xf32>
    %xor3A_588 = arith.constant 8 : i32
    %xor3A_589 = vector.broadcast %xor3A_588 : i32 to vector<16xi32>
    %xor3A_590 = arith.xori %iota3A_566, %xor3A_589 : vector<16xi32>
    %broadcast_in_dim3A_591 = vector.shape_cast %xor3A_590 : vector<16xi32> to vector<16x1xi32>
    %gather3A_592 = vector.shape_cast %broadcast_in_dim3A_591 : vector<16x1xi32> to vector<16xi32>
    %gather3A_593 = tpu.dynamic_gather %add3A_587[%gather3A_592] in [0] : vector<16xf32>, vector<16xi32> -> vector<16xf32>
    %add3A_594 = arith.addf %add3A_587, %gather3A_593 : vector<16xf32>
    %broadcast_in_dim3A_595 = arith.constant 0.000000e+00 : f32
    %broadcast_in_dim3A_596 = vector.broadcast %broadcast_in_dim3A_595 : f32 to vector<16xf32>
    %div3A_597 = arith.divf %select_n3A_537, %add3A_594 : vector<16xf32>
    %broadcast_in_dim3A_598 = arith.constant true
    %broadcast_in_dim3A_599 = vector.broadcast %broadcast_in_dim3A_598 : i1 to vector<16xi1>
    %masked_cumsum3A_600 = tpu.scan <sum>, %div3A_597 masked %broadcast_in_dim3A_599 : vector<16xf32>, vector<16xi1> -> vector<16xf32>
    %add3A_601 = arith.addf %masked_cumsum3A_600, %broadcast_in_dim3A_596 : vector<16xf32>
    %le3A_602 = arith.constant 0.899999976 : f32
    %le3A_603 = vector.broadcast %le3A_602 : f32 to vector<16xf32>
    %le3A_604 = arith.cmpf ole, %add3A_601, %le3A_603 : vector<16xf32>
    %convert_element_type3A_605 = arith.extui %le3A_604 : vector<16xi1> to vector<16xi32>
    %iota3A_606 = tpu.iota {dimensions = array<i32: 0>} : vector<16xi32>
    %xor3A_607 = arith.constant 1 : i32
    %xor3A_608 = vector.broadcast %xor3A_607 : i32 to vector<16xi32>
    %xor3A_609 = arith.xori %iota3A_606, %xor3A_608 : vector<16xi32>
    %broadcast_in_dim3A_610 = vector.shape_cast %xor3A_609 : vector<16xi32> to vector<16x1xi32>
    %gather3A_611 = vector.shape_cast %broadcast_in_dim3A_610 : vector<16x1xi32> to vector<16xi32>
    %gather3A_612 = tpu.dynamic_gather %convert_element_type3A_605[%gather3A_611] in [0] : vector<16xi32>, vector<16xi32> -> vector<16xi32>
    %add3A_613 = arith.addi %convert_element_type3A_605, %gather3A_612 : vector<16xi32>
    %xor3A_614 = arith.constant 2 : i32
    %xor3A_615 = vector.broadcast %xor3A_614 : i32 to vector<16xi32>
    %xor3A_616 = arith.xori %iota3A_606, %xor3A_615 : vector<16xi32>
    %broadcast_in_dim3A_617 = vector.shape_cast %xor3A_616 : vector<16xi32> to vector<16x1xi32>
    %gather3A_618 = vector.shape_cast %broadcast_in_dim3A_617 : vector<16x1xi32> to vector<16xi32>
    %gather3A_619 = tpu.dynamic_gather %add3A_613[%gather3A_618] in [0] : vector<16xi32>, vector<16xi32> -> vector<16xi32>
    %add3A_620 = arith.addi %add3A_613, %gather3A_619 : vector<16xi32>
    %xor3A_621 = arith.constant 4 : i32
    %xor3A_622 = vector.broadcast %xor3A_621 : i32 to vector<16xi32>
    %xor3A_623 = arith.xori %iota3A_606, %xor3A_622 : vector<16xi32>
    %broadcast_in_dim3A_624 = vector.shape_cast %xor3A_623 : vector<16xi32> to vector<16x1xi32>
    %gather3A_625 = vector.shape_cast %broadcast_in_dim3A_624 : vector<16x1xi32> to vector<16xi32>
    %gather3A_626 = tpu.dynamic_gather %add3A_620[%gather3A_625] in [0] : vector<16xi32>, vector<16xi32> -> vector<16xi32>
    %add3A_627 = arith.addi %add3A_620, %gather3A_626 : vector<16xi32>
    %xor3A_628 = arith.constant 8 : i32
    %xor3A_629 = vector.broadcast %xor3A_628 : i32 to vector<16xi32>
    %xor3A_630 = arith.xori %iota3A_606, %xor3A_629 : vector<16xi32>
    %broadcast_in_dim3A_631 = vector.shape_cast %xor3A_630 : vector<16xi32> to vector<16x1xi32>
    %gather3A_632 = vector.shape_cast %broadcast_in_dim3A_631 : vector<16x1xi32> to vector<16xi32>
    %gather3A_633 = tpu.dynamic_gather %add3A_627[%gather3A_632] in [0] : vector<16xi32>, vector<16xi32> -> vector<16xi32>
    %add3A_634 = arith.addi %add3A_627, %gather3A_633 : vector<16xi32>
    %slice3A_635 = vector.extract_strided_slice %add3A_634 {offsets = [0], sizes = [1], strides = [1]} : vector<16xi32> to vector<1xi32>
    %squeeze3A_636 = vector.extract %slice3A_635[0] : i32 from vector<1xi32>
    %add3A_637 = arith.constant 0 : i32
    %add3A_638 = arith.addi %add3A_637, %squeeze3A_636 : i32
    %slice3A_639 = vector.extract_strided_slice %add3A_601 {offsets = [15], sizes = [1], strides = [1]} : vector<16xf32> to vector<1xf32>
    %squeeze3A_640 = vector.extract %slice3A_639[0] : f32 from vector<1xf32>
    %broadcast_in_dim3A_641 = vector.broadcast %squeeze3A_640 : f32 to vector<16xf32>
    %div3A_642 = arith.divf %select_n3A_546, %add3A_594 : vector<16xf32>
    %broadcast_in_dim3A_643 = arith.constant true
    %broadcast_in_dim3A_644 = vector.broadcast %broadcast_in_dim3A_643 : i1 to vector<16xi1>
    %masked_cumsum3A_645 = tpu.scan <sum>, %div3A_642 masked %broadcast_in_dim3A_644 : vector<16xf32>, vector<16xi1> -> vector<16xf32>
    %add3A_646 = arith.addf %masked_cumsum3A_645, %broadcast_in_dim3A_641 : vector<16xf32>
    %le3A_647 = arith.constant 0.899999976 : f32
    %le3A_648 = vector.broadcast %le3A_647 : f32 to vector<16xf32>
    %le3A_649 = arith.cmpf ole, %add3A_646, %le3A_648 : vector<16xf32>
    %convert_element_type3A_650 = arith.extui %le3A_649 : vector<16xi1> to vector<16xi32>
    %iota3A_651 = tpu.iota {dimensions = array<i32: 0>} : vector<16xi32>
    %xor3A_652 = arith.constant 1 : i32
    %xor3A_653 = vector.broadcast %xor3A_652 : i32 to vector<16xi32>
    %xor3A_654 = arith.xori %iota3A_651, %xor3A_653 : vector<16xi32>
    %broadcast_in_dim3A_655 = vector.shape_cast %xor3A_654 : vector<16xi32> to vector<16x1xi32>
    %gather3A_656 = vector.shape_cast %broadcast_in_dim3A_655 : vector<16x1xi32> to vector<16xi32>
    %gather3A_657 = tpu.dynamic_gather %convert_element_type3A_650[%gather3A_656] in [0] : vector<16xi32>, vector<16xi32> -> vector<16xi32>
    %add3A_658 = arith.addi %convert_element_type3A_650, %gather3A_657 : vector<16xi32>
    %xor3A_659 = arith.constant 2 : i32
    %xor3A_660 = vector.broadcast %xor3A_659 : i32 to vector<16xi32>
    %xor3A_661 = arith.xori %iota3A_651, %xor3A_660 : vector<16xi32>
    %broadcast_in_dim3A_662 = vector.shape_cast %xor3A_661 : vector<16xi32> to vector<16x1xi32>
    %gather3A_663 = vector.shape_cast %broadcast_in_dim3A_662 : vector<16x1xi32> to vector<16xi32>
    %gather3A_664 = tpu.dynamic_gather %add3A_658[%gather3A_663] in [0] : vector<16xi32>, vector<16xi32> -> vector<16xi32>
    %add3A_665 = arith.addi %add3A_658, %gather3A_664 : vector<16xi32>
    %xor3A_666 = arith.constant 4 : i32
    %xor3A_667 = vector.broadcast %xor3A_666 : i32 to vector<16xi32>
    %xor3A_668 = arith.xori %iota3A_651, %xor3A_667 : vector<16xi32>
    %broadcast_in_dim3A_669 = vector.shape_cast %xor3A_668 : vector<16xi32> to vector<16x1xi32>
    %gather3A_670 = vector.shape_cast %broadcast_in_dim3A_669 : vector<16x1xi32> to vector<16xi32>
    %gather3A_671 = tpu.dynamic_gather %add3A_665[%gather3A_670] in [0] : vector<16xi32>, vector<16xi32> -> vector<16xi32>
    %add3A_672 = arith.addi %add3A_665, %gather3A_671 : vector<16xi32>
    %xor3A_673 = arith.constant 8 : i32
    %xor3A_674 = vector.broadcast %xor3A_673 : i32 to vector<16xi32>
    %xor3A_675 = arith.xori %iota3A_651, %xor3A_674 : vector<16xi32>
    %broadcast_in_dim3A_676 = vector.shape_cast %xor3A_675 : vector<16xi32> to vector<16x1xi32>
    %gather3A_677 = vector.shape_cast %broadcast_in_dim3A_676 : vector<16x1xi32> to vector<16xi32>
    %gather3A_678 = tpu.dynamic_gather %add3A_672[%gather3A_677] in [0] : vector<16xi32>, vector<16xi32> -> vector<16xi32>
    %add3A_679 = arith.addi %add3A_672, %gather3A_678 : vector<16xi32>
    %slice3A_680 = vector.extract_strided_slice %add3A_679 {offsets = [0], sizes = [1], strides = [1]} : vector<16xi32> to vector<1xi32>
    %squeeze3A_681 = vector.extract %slice3A_680[0] : i32 from vector<1xi32>
    %add3A_682 = arith.addi %add3A_638, %squeeze3A_681 : i32
    %slice3A_683 = vector.extract_strided_slice %add3A_646 {offsets = [15], sizes = [1], strides = [1]} : vector<16xf32> to vector<1xf32>
    %squeeze3A_684 = vector.extract %slice3A_683[0] : f32 from vector<1xf32>
    %broadcast_in_dim3A_685 = vector.broadcast %squeeze3A_684 : f32 to vector<16xf32>
    %div3A_686 = arith.divf %select_n3A_555, %add3A_594 : vector<16xf32>
    %broadcast_in_dim3A_687 = arith.constant true
    %broadcast_in_dim3A_688 = vector.broadcast %broadcast_in_dim3A_687 : i1 to vector<16xi1>
    %masked_cumsum3A_689 = tpu.scan <sum>, %div3A_686 masked %broadcast_in_dim3A_688 : vector<16xf32>, vector<16xi1> -> vector<16xf32>
    %add3A_690 = arith.addf %masked_cumsum3A_689, %broadcast_in_dim3A_685 : vector<16xf32>
    %le3A_691 = arith.constant 0.899999976 : f32
    %le3A_692 = vector.broadcast %le3A_691 : f32 to vector<16xf32>
    %le3A_693 = arith.cmpf ole, %add3A_690, %le3A_692 : vector<16xf32>
    %convert_element_type3A_694 = arith.extui %le3A_693 : vector<16xi1> to vector<16xi32>
    %iota3A_695 = tpu.iota {dimensions = array<i32: 0>} : vector<16xi32>
    %xor3A_696 = arith.constant 1 : i32
    %xor3A_697 = vector.broadcast %xor3A_696 : i32 to vector<16xi32>
    %xor3A_698 = arith.xori %iota3A_695, %xor3A_697 : vector<16xi32>
    %broadcast_in_dim3A_699 = vector.shape_cast %xor3A_698 : vector<16xi32> to vector<16x1xi32>
    %gather3A_700 = vector.shape_cast %broadcast_in_dim3A_699 : vector<16x1xi32> to vector<16xi32>
    %gather3A_701 = tpu.dynamic_gather %convert_element_type3A_694[%gather3A_700] in [0] : vector<16xi32>, vector<16xi32> -> vector<16xi32>
    %add3A_702 = arith.addi %convert_element_type3A_694, %gather3A_701 : vector<16xi32>
    %xor3A_703 = arith.constant 2 : i32
    %xor3A_704 = vector.broadcast %xor3A_703 : i32 to vector<16xi32>
    %xor3A_705 = arith.xori %iota3A_695, %xor3A_704 : vector<16xi32>
    %broadcast_in_dim3A_706 = vector.shape_cast %xor3A_705 : vector<16xi32> to vector<16x1xi32>
    %gather3A_707 = vector.shape_cast %broadcast_in_dim3A_706 : vector<16x1xi32> to vector<16xi32>
    %gather3A_708 = tpu.dynamic_gather %add3A_702[%gather3A_707] in [0] : vector<16xi32>, vector<16xi32> -> vector<16xi32>
    %add3A_709 = arith.addi %add3A_702, %gather3A_708 : vector<16xi32>
    %xor3A_710 = arith.constant 4 : i32
    %xor3A_711 = vector.broadcast %xor3A_710 : i32 to vector<16xi32>
    %xor3A_712 = arith.xori %iota3A_695, %xor3A_711 : vector<16xi32>
    %broadcast_in_dim3A_713 = vector.shape_cast %xor3A_712 : vector<16xi32> to vector<16x1xi32>
    %gather3A_714 = vector.shape_cast %broadcast_in_dim3A_713 : vector<16x1xi32> to vector<16xi32>
    %gather3A_715 = tpu.dynamic_gather %add3A_709[%gather3A_714] in [0] : vector<16xi32>, vector<16xi32> -> vector<16xi32>
    %add3A_716 = arith.addi %add3A_709, %gather3A_715 : vector<16xi32>
    %xor3A_717 = arith.constant 8 : i32
    %xor3A_718 = vector.broadcast %xor3A_717 : i32 to vector<16xi32>
    %xor3A_719 = arith.xori %iota3A_695, %xor3A_718 : vector<16xi32>
    %broadcast_in_dim3A_720 = vector.shape_cast %xor3A_719 : vector<16xi32> to vector<16x1xi32>
    %gather3A_721 = vector.shape_cast %broadcast_in_dim3A_720 : vector<16x1xi32> to vector<16xi32>
    %gather3A_722 = tpu.dynamic_gather %add3A_716[%gather3A_721] in [0] : vector<16xi32>, vector<16xi32> -> vector<16xi32>
    %add3A_723 = arith.addi %add3A_716, %gather3A_722 : vector<16xi32>
    %slice3A_724 = vector.extract_strided_slice %add3A_723 {offsets = [0], sizes = [1], strides = [1]} : vector<16xi32> to vector<1xi32>
    %squeeze3A_725 = vector.extract %slice3A_724[0] : i32 from vector<1xi32>
    %add3A_726 = arith.addi %add3A_682, %squeeze3A_725 : i32
    %slice3A_727 = vector.extract_strided_slice %add3A_690 {offsets = [15], sizes = [1], strides = [1]} : vector<16xf32> to vector<1xf32>
    %squeeze3A_728 = vector.extract %slice3A_727[0] : f32 from vector<1xf32>
    %broadcast_in_dim3A_729 = vector.broadcast %squeeze3A_728 : f32 to vector<16xf32>
    %div3A_730 = arith.divf %select_n3A_564, %add3A_594 : vector<16xf32>
    %broadcast_in_dim3A_731 = arith.constant true
    %broadcast_in_dim3A_732 = vector.broadcast %broadcast_in_dim3A_731 : i1 to vector<16xi1>
    %masked_cumsum3A_733 = tpu.scan <sum>, %div3A_730 masked %broadcast_in_dim3A_732 : vector<16xf32>, vector<16xi1> -> vector<16xf32>
    %add3A_734 = arith.addf %masked_cumsum3A_733, %broadcast_in_dim3A_729 : vector<16xf32>
    %le3A_735 = arith.constant 0.899999976 : f32
    %le3A_736 = vector.broadcast %le3A_735 : f32 to vector<16xf32>
    %le3A_737 = arith.cmpf ole, %add3A_734, %le3A_736 : vector<16xf32>
    %convert_element_type3A_738 = arith.extui %le3A_737 : vector<16xi1> to vector<16xi32>
    %iota3A_739 = tpu.iota {dimensions = array<i32: 0>} : vector<16xi32>
    %xor3A_740 = arith.constant 1 : i32
    %xor3A_741 = vector.broadcast %xor3A_740 : i32 to vector<16xi32>
    %xor3A_742 = arith.xori %iota3A_739, %xor3A_741 : vector<16xi32>
    %broadcast_in_dim3A_743 = vector.shape_cast %xor3A_742 : vector<16xi32> to vector<16x1xi32>
    %gather3A_744 = vector.shape_cast %broadcast_in_dim3A_743 : vector<16x1xi32> to vector<16xi32>
    %gather3A_745 = tpu.dynamic_gather %convert_element_type3A_738[%gather3A_744] in [0] : vector<16xi32>, vector<16xi32> -> vector<16xi32>
    %add3A_746 = arith.addi %convert_element_type3A_738, %gather3A_745 : vector<16xi32>
    %xor3A_747 = arith.constant 2 : i32
    %xor3A_748 = vector.broadcast %xor3A_747 : i32 to vector<16xi32>
    %xor3A_749 = arith.xori %iota3A_739, %xor3A_748 : vector<16xi32>
    %broadcast_in_dim3A_750 = vector.shape_cast %xor3A_749 : vector<16xi32> to vector<16x1xi32>
    %gather3A_751 = vector.shape_cast %broadcast_in_dim3A_750 : vector<16x1xi32> to vector<16xi32>
    %gather3A_752 = tpu.dynamic_gather %add3A_746[%gather3A_751] in [0] : vector<16xi32>, vector<16xi32> -> vector<16xi32>
    %add3A_753 = arith.addi %add3A_746, %gather3A_752 : vector<16xi32>
    %xor3A_754 = arith.constant 4 : i32
    %xor3A_755 = vector.broadcast %xor3A_754 : i32 to vector<16xi32>
    %xor3A_756 = arith.xori %iota3A_739, %xor3A_755 : vector<16xi32>
    %broadcast_in_dim3A_757 = vector.shape_cast %xor3A_756 : vector<16xi32> to vector<16x1xi32>
    %gather3A_758 = vector.shape_cast %broadcast_in_dim3A_757 : vector<16x1xi32> to vector<16xi32>
    %gather3A_759 = tpu.dynamic_gather %add3A_753[%gather3A_758] in [0] : vector<16xi32>, vector<16xi32> -> vector<16xi32>
    %add3A_760 = arith.addi %add3A_753, %gather3A_759 : vector<16xi32>
    %xor3A_761 = arith.constant 8 : i32
    %xor3A_762 = vector.broadcast %xor3A_761 : i32 to vector<16xi32>
    %xor3A_763 = arith.xori %iota3A_739, %xor3A_762 : vector<16xi32>
    %broadcast_in_dim3A_764 = vector.shape_cast %xor3A_763 : vector<16xi32> to vector<16x1xi32>
    %gather3A_765 = vector.shape_cast %broadcast_in_dim3A_764 : vector<16x1xi32> to vector<16xi32>
    %gather3A_766 = tpu.dynamic_gather %add3A_760[%gather3A_765] in [0] : vector<16xi32>, vector<16xi32> -> vector<16xi32>
    %add3A_767 = arith.addi %add3A_760, %gather3A_766 : vector<16xi32>
    %slice3A_768 = vector.extract_strided_slice %add3A_767 {offsets = [0], sizes = [1], strides = [1]} : vector<16xi32> to vector<1xi32>
    %squeeze3A_769 = vector.extract %slice3A_768[0] : i32 from vector<1xi32>
    %add3A_770 = arith.addi %add3A_726, %squeeze3A_769 : i32
    %slice3A_771 = vector.extract_strided_slice %add3A_734 {offsets = [15], sizes = [1], strides = [1]} : vector<16xf32> to vector<1xf32>
    %squeeze3A_772 = vector.extract %slice3A_771[0] : f32 from vector<1xf32>
    %broadcast_in_dim3A_773 = vector.broadcast %squeeze3A_772 : f32 to vector<16xf32>
    %add3A_774 = arith.constant 1 : i32
    %add3A_775 = arith.addi %add3A_774, %add3A_770 : i32
    %min3A_776 = arith.constant 64 : i32
    %min3A_777 = arith.minsi %add3A_775, %min3A_776 : i32
    %scan3A_778 = arith.constant 0 : i32
    %scan3A_779 = arith.constant 0 : i32
    %scan3A_780 = arith.constant 250 : i32
    %scan3A_781 = arith.addi %scan3A_779, %scan3A_780 : i32
    %scan3A_782 = arith.constant 1 : i32
    %scan3A_783 = scf.for %scan3A_821 = %scan3A_779 to %scan3A_781 step %scan3A_782 iter_args(%scan3A_822 = %scan3A_778) -> (i32)  : i32 {
      %mul3A_823 = arith.constant 400 : i32
      %mul3A_824 = arith.muli %scan3A_821, %mul3A_823 : i32
      %multiple_of3A = tpu.assume_multiple %mul3A_824, 16 : i32
      %add3A_825 = arith.constant 0 : i32
      %add3A_826 = arith.addi %multiple_of3A, %add3A_825 : i32
      %swap3A_827 = arith.index_cast %add3A_826 : i32 to index
      %swap3A_828 = tpu.vector_load %arg5[%swap3A_827] {strides = array<i32>} : memref<100000xf32, #tpu.memory_space<vmem>>, vector<16xf32>,
      tpu.vector_store %arg5[%swap3A_827], %broadcast_in_dim3A_407 {strides = array<i32>} : memref<100000xf32, #tpu.memory_space<vmem>>, vector<16xf32>,
      %add3A_829 = arith.constant 16 : i32
      %add3A_830 = arith.addi %multiple_of3A, %add3A_829 : i32
      %swap3A_831 = arith.index_cast %add3A_830 : i32 to index
      %swap3A_832 = tpu.vector_load %arg5[%swap3A_831] {strides = array<i32>} : memref<100000xf32, #tpu.memory_space<vmem>>, vector<16xf32>,
      tpu.vector_store %arg5[%swap3A_831], %broadcast_in_dim3A_407 {strides = array<i32>} : memref<100000xf32, #tpu.memory_space<vmem>>, vector<16xf32>,
      %add3A_833 = arith.constant 32 : i32
      %add3A_834 = arith.addi %multiple_of3A, %add3A_833 : i32
      %swap3A_835 = arith.index_cast %add3A_834 : i32 to index
      %swap3A_836 = tpu.vector_load %arg5[%swap3A_835] {strides = array<i32>} : memref<100000xf32, #tpu.memory_space<vmem>>, vector<16xf32>,
      tpu.vector_store %arg5[%swap3A_835], %broadcast_in_dim3A_407 {strides = array<i32>} : memref<100000xf32, #tpu.memory_space<vmem>>, vector<16xf32>,
      %add3A_837 = arith.constant 48 : i32
      %add3A_838 = arith.addi %multiple_of3A, %add3A_837 : i32
      %swap3A_839 = arith.index_cast %add3A_838 : i32 to index
      %swap3A_840 = tpu.vector_load %arg5[%swap3A_839] {strides = array<i32>} : memref<100000xf32, #tpu.memory_space<vmem>>, vector<16xf32>,
      tpu.vector_store %arg5[%swap3A_839], %broadcast_in_dim3A_407 {strides = array<i32>} : memref<100000xf32, #tpu.memory_space<vmem>>, vector<16xf32>,
      %add3A_841 = arith.constant 64 : i32
      %add3A_842 = arith.addi %multiple_of3A, %add3A_841 : i32
      %swap3A_843 = arith.index_cast %add3A_842 : i32 to index
      %swap3A_844 = tpu.vector_load %arg5[%swap3A_843] {strides = array<i32>} : memref<100000xf32, #tpu.memory_space<vmem>>, vector<16xf32>,
      tpu.vector_store %arg5[%swap3A_843], %broadcast_in_dim3A_407 {strides = array<i32>} : memref<100000xf32, #tpu.memory_space<vmem>>, vector<16xf32>,
      %add3A_845 = arith.constant 80 : i32
      %add3A_846 = arith.addi %multiple_of3A, %add3A_845 : i32
      %swap3A_847 = arith.index_cast %add3A_846 : i32 to index
      %swap3A_848 = tpu.vector_load %arg5[%swap3A_847] {strides = array<i32>} : memref<100000xf32, #tpu.memory_space<vmem>>, vector<16xf32>,
      tpu.vector_store %arg5[%swap3A_847], %broadcast_in_dim3A_407 {strides = array<i32>} : memref<100000xf32, #tpu.memory_space<vmem>>, vector<16xf32>,
      %add3A_849 = arith.constant 96 : i32
      %add3A_850 = arith.addi %multiple_of3A, %add3A_849 : i32
      %swap3A_851 = arith.index_cast %add3A_850 : i32 to index
      %swap3A_852 = tpu.vector_load %arg5[%swap3A_851] {strides = array<i32>} : memref<100000xf32, #tpu.memory_space<vmem>>, vector<16xf32>,
      tpu.vector_store %arg5[%swap3A_851], %broadcast_in_dim3A_407 {strides = array<i32>} : memref<100000xf32, #tpu.memory_space<vmem>>, vector<16xf32>,
      %add3A_853 = arith.constant 112 : i32
      %add3A_854 = arith.addi %multiple_of3A, %add3A_853 : i32
      %swap3A_855 = arith.index_cast %add3A_854 : i32 to index
      %swap3A_856 = tpu.vector_load %arg5[%swap3A_855] {strides = array<i32>} : memref<100000xf32, #tpu.memory_space<vmem>>, vector<16xf32>,
      tpu.vector_store %arg5[%swap3A_855], %broadcast_in_dim3A_407 {strides = array<i32>} : memref<100000xf32, #tpu.memory_space<vmem>>, vector<16xf32>,
      %add3A_857 = arith.constant 128 : i32
      %add3A_858 = arith.addi %multiple_of3A, %add3A_857 : i32
      %swap3A_859 = arith.index_cast %add3A_858 : i32 to index
      %swap3A_860 = tpu.vector_load %arg5[%swap3A_859] {strides = array<i32>} : memref<100000xf32, #tpu.memory_space<vmem>>, vector<16xf32>,
      tpu.vector_store %arg5[%swap3A_859], %broadcast_in_dim3A_407 {strides = array<i32>} : memref<100000xf32, #tpu.memory_space<vmem>>, vector<16xf32>,
      %add3A_861 = arith.constant 144 : i32
      %add3A_862 = arith.addi %multiple_of3A, %add3A_861 : i32
      %swap3A_863 = arith.index_cast %add3A_862 : i32 to index
      %swap3A_864 = tpu.vector_load %arg5[%swap3A_863] {strides = array<i32>} : memref<100000xf32, #tpu.memory_space<vmem>>, vector<16xf32>,
      tpu.vector_store %arg5[%swap3A_863], %broadcast_in_dim3A_407 {strides = array<i32>} : memref<100000xf32, #tpu.memory_space<vmem>>, vector<16xf32>,
      %add3A_865 = arith.constant 160 : i32
      %add3A_866 = arith.addi %multiple_of3A, %add3A_865 : i32
      %swap3A_867 = arith.index_cast %add3A_866 : i32 to index
      %swap3A_868 = tpu.vector_load %arg5[%swap3A_867] {strides = array<i32>} : memref<100000xf32, #tpu.memory_space<vmem>>, vector<16xf32>,
      tpu.vector_store %arg5[%swap3A_867], %broadcast_in_dim3A_407 {strides = array<i32>} : memref<100000xf32, #tpu.memory_space<vmem>>, vector<16xf32>,
      %add3A_869 = arith.constant 176 : i32
      %add3A_870 = arith.addi %multiple_of3A, %add3A_869 : i32
      %swap3A_871 = arith.index_cast %add3A_870 : i32 to index
      %swap3A_872 = tpu.vector_load %arg5[%swap3A_871] {strides = array<i32>} : memref<100000xf32, #tpu.memory_space<vmem>>, vector<16xf32>,
      tpu.vector_store %arg5[%swap3A_871], %broadcast_in_dim3A_407 {strides = array<i32>} : memref<100000xf32, #tpu.memory_space<vmem>>, vector<16xf32>,
      %add3A_873 = arith.constant 192 : i32
      %add3A_874 = arith.addi %multiple_of3A, %add3A_873 : i32
      %swap3A_875 = arith.index_cast %add3A_874 : i32 to index
      %swap3A_876 = tpu.vector_load %arg5[%swap3A_875] {strides = array<i32>} : memref<100000xf32, #tpu.memory_space<vmem>>, vector<16xf32>,
      tpu.vector_store %arg5[%swap3A_875], %broadcast_in_dim3A_407 {strides = array<i32>} : memref<100000xf32, #tpu.memory_space<vmem>>, vector<16xf32>,
      %add3A_877 = arith.constant 208 : i32
      %add3A_878 = arith.addi %multiple_of3A, %add3A_877 : i32
      %swap3A_879 = arith.index_cast %add3A_878 : i32 to index
      %swap3A_880 = tpu.vector_load %arg5[%swap3A_879] {strides = array<i32>} : memref<100000xf32, #tpu.memory_space<vmem>>, vector<16xf32>,
      tpu.vector_store %arg5[%swap3A_879], %broadcast_in_dim3A_407 {strides = array<i32>} : memref<100000xf32, #tpu.memory_space<vmem>>, vector<16xf32>,
      %add3A_881 = arith.constant 224 : i32
      %add3A_882 = arith.addi %multiple_of3A, %add3A_881 : i32
      %swap3A_883 = arith.index_cast %add3A_882 : i32 to index
      %swap3A_884 = tpu.vector_load %arg5[%swap3A_883] {strides = array<i32>} : memref<100000xf32, #tpu.memory_space<vmem>>, vector<16xf32>,
      tpu.vector_store %arg5[%swap3A_883], %broadcast_in_dim3A_407 {strides = array<i32>} : memref<100000xf32, #tpu.memory_space<vmem>>, vector<16xf32>,
      %add3A_885 = arith.constant 240 : i32
      %add3A_886 = arith.addi %multiple_of3A, %add3A_885 : i32
      %swap3A_887 = arith.index_cast %add3A_886 : i32 to index
      %swap3A_888 = tpu.vector_load %arg5[%swap3A_887] {strides = array<i32>} : memref<100000xf32, #tpu.memory_space<vmem>>, vector<16xf32>,
      tpu.vector_store %arg5[%swap3A_887], %broadcast_in_dim3A_407 {strides = array<i32>} : memref<100000xf32, #tpu.memory_space<vmem>>, vector<16xf32>,
      %add3A_889 = arith.constant 256 : i32
      %add3A_890 = arith.addi %multiple_of3A, %add3A_889 : i32
      %swap3A_891 = arith.index_cast %add3A_890 : i32 to index
      %swap3A_892 = tpu.vector_load %arg5[%swap3A_891] {strides = array<i32>} : memref<100000xf32, #tpu.memory_space<vmem>>, vector<16xf32>,
      tpu.vector_store %arg5[%swap3A_891], %broadcast_in_dim3A_407 {strides = array<i32>} : memref<100000xf32, #tpu.memory_space<vmem>>, vector<16xf32>,
      %add3A_893 = arith.constant 272 : i32
      %add3A_894 = arith.addi %multiple_of3A, %add3A_893 : i32
      %swap3A_895 = arith.index_cast %add3A_894 : i32 to index
      %swap3A_896 = tpu.vector_load %arg5[%swap3A_895] {strides = array<i32>} : memref<100000xf32, #tpu.memory_space<vmem>>, vector<16xf32>,
      tpu.vector_store %arg5[%swap3A_895], %broadcast_in_dim3A_407 {strides = array<i32>} : memref<100000xf32, #tpu.memory_space<vmem>>, vector<16xf32>,
      %add3A_897 = arith.constant 288 : i32
      %add3A_898 = arith.addi %multiple_of3A, %add3A_897 : i32
      %swap3A_899 = arith.index_cast %add3A_898 : i32 to index
      %swap3A_900 = tpu.vector_load %arg5[%swap3A_899] {strides = array<i32>} : memref<100000xf32, #tpu.memory_space<vmem>>, vector<16xf32>,
      tpu.vector_store %arg5[%swap3A_899], %broadcast_in_dim3A_407 {strides = array<i32>} : memref<100000xf32, #tpu.memory_space<vmem>>, vector<16xf32>,
      %add3A_901 = arith.constant 304 : i32
      %add3A_902 = arith.addi %multiple_of3A, %add3A_901 : i32
      %swap3A_903 = arith.index_cast %add3A_902 : i32 to index
      %swap3A_904 = tpu.vector_load %arg5[%swap3A_903] {strides = array<i32>} : memref<100000xf32, #tpu.memory_space<vmem>>, vector<16xf32>,
      tpu.vector_store %arg5[%swap3A_903], %broadcast_in_dim3A_407 {strides = array<i32>} : memref<100000xf32, #tpu.memory_space<vmem>>, vector<16xf32>,
      %add3A_905 = arith.constant 320 : i32
      %add3A_906 = arith.addi %multiple_of3A, %add3A_905 : i32
      %swap3A_907 = arith.index_cast %add3A_906 : i32 to index
      %swap3A_908 = tpu.vector_load %arg5[%swap3A_907] {strides = array<i32>} : memref<100000xf32, #tpu.memory_space<vmem>>, vector<16xf32>,
      tpu.vector_store %arg5[%swap3A_907], %broadcast_in_dim3A_407 {strides = array<i32>} : memref<100000xf32, #tpu.memory_space<vmem>>, vector<16xf32>,
      %add3A_909 = arith.constant 336 : i32
      %add3A_910 = arith.addi %multiple_of3A, %add3A_909 : i32
      %swap3A_911 = arith.index_cast %add3A_910 : i32 to index
      %swap3A_912 = tpu.vector_load %arg5[%swap3A_911] {strides = array<i32>} : memref<100000xf32, #tpu.memory_space<vmem>>, vector<16xf32>,
      tpu.vector_store %arg5[%swap3A_911], %broadcast_in_dim3A_407 {strides = array<i32>} : memref<100000xf32, #tpu.memory_space<vmem>>, vector<16xf32>,
      %add3A_913 = arith.constant 352 : i32
      %add3A_914 = arith.addi %multiple_of3A, %add3A_913 : i32
      %swap3A_915 = arith.index_cast %add3A_914 : i32 to index
      %swap3A_916 = tpu.vector_load %arg5[%swap3A_915] {strides = array<i32>} : memref<100000xf32, #tpu.memory_space<vmem>>, vector<16xf32>,
      tpu.vector_store %arg5[%swap3A_915], %broadcast_in_dim3A_407 {strides = array<i32>} : memref<100000xf32, #tpu.memory_space<vmem>>, vector<16xf32>,
      %add3A_917 = arith.constant 368 : i32
      %add3A_918 = arith.addi %multiple_of3A, %add3A_917 : i32
      %swap3A_919 = arith.index_cast %add3A_918 : i32 to index
      %swap3A_920 = tpu.vector_load %arg5[%swap3A_919] {strides = array<i32>} : memref<100000xf32, #tpu.memory_space<vmem>>, vector<16xf32>,
      tpu.vector_store %arg5[%swap3A_919], %broadcast_in_dim3A_407 {strides = array<i32>} : memref<100000xf32, #tpu.memory_space<vmem>>, vector<16xf32>,
      %add3A_921 = arith.constant 384 : i32
      %add3A_922 = arith.addi %multiple_of3A, %add3A_921 : i32
      %swap3A_923 = arith.index_cast %add3A_922 : i32 to index
      %swap3A_924 = tpu.vector_load %arg5[%swap3A_923] {strides = array<i32>} : memref<100000xf32, #tpu.memory_space<vmem>>, vector<16xf32>,
      tpu.vector_store %arg5[%swap3A_923], %broadcast_in_dim3A_407 {strides = array<i32>} : memref<100000xf32, #tpu.memory_space<vmem>>, vector<16xf32>,
      %scan3A_925 = arith.constant 0 : i32
      scf.yield %scan3A_925 : i32
    }
    %scan3A_784 = arith.constant 250 : i32
    %get3A_785 = arith.constant 0 : index
    %get3A_786 = tpu.vector_load %arg9[%get3A_785] {strides = array<i32>} : memref<64xi32, #tpu.memory_space<vmem>>, vector<16xi32>,
    %get3A_787 = arith.constant 0 : index
    %get3A_788 = tpu.vector_load %arg8[%get3A_787] {strides = array<i32>} : memref<64xf32, #tpu.memory_space<vmem>>, vector<16xf32>,
    %add3A_789 = arith.constant 0 : i32
    %add3A_790 = vector.broadcast %add3A_789 : i32 to vector<16xi32>
    %add3A_791 = arith.addi %add3A_790, %iota3A_405 : vector<16xi32>
    %lt3A_792 = vector.broadcast %min3A_777 : i32 to vector<16xi32>
    %lt3A_793 = arith.cmpi slt, %add3A_791, %lt3A_792 : vector<16xi32>
    tpu.vector_store_idx %arg5[%get3A_786], %get3A_788 masked %lt3A_793 : memref<100000xf32, #tpu.memory_space<vmem>>[vector<16xi32>], vector<16xf32>, vector<16xi1>
    %get3A_794 = arith.constant 16 : index
    %get3A_795 = tpu.vector_load %arg9[%get3A_794] {strides = array<i32>} : memref<64xi32, #tpu.memory_space<vmem>>, vector<16xi32>,
    %get3A_796 = arith.constant 16 : index
    %get3A_797 = tpu.vector_load %arg8[%get3A_796] {strides = array<i32>} : memref<64xf32, #tpu.memory_space<vmem>>, vector<16xf32>,
    %add3A_798 = arith.constant 16 : i32
    %add3A_799 = vector.broadcast %add3A_798 : i32 to vector<16xi32>
    %add3A_800 = arith.addi %add3A_799, %iota3A_405 : vector<16xi32>
    %lt3A_801 = vector.broadcast %min3A_777 : i32 to vector<16xi32>
    %lt3A_802 = arith.cmpi slt, %add3A_800, %lt3A_801 : vector<16xi32>
    tpu.vector_store_idx %arg5[%get3A_795], %get3A_797 masked %lt3A_802 : memref<100000xf32, #tpu.memory_space<vmem>>[vector<16xi32>], vector<16xf32>, vector<16xi1>
    %get3A_803 = arith.constant 32 : index
    %get3A_804 = tpu.vector_load %arg9[%get3A_803] {strides = array<i32>} : memref<64xi32, #tpu.memory_space<vmem>>, vector<16xi32>,
    %get3A_805 = arith.constant 32 : index
    %get3A_806 = tpu.vector_load %arg8[%get3A_805] {strides = array<i32>} : memref<64xf32, #tpu.memory_space<vmem>>, vector<16xf32>,
    %add3A_807 = arith.constant 32 : i32
    %add3A_808 = vector.broadcast %add3A_807 : i32 to vector<16xi32>
    %add3A_809 = arith.addi %add3A_808, %iota3A_405 : vector<16xi32>
    %lt3A_810 = vector.broadcast %min3A_777 : i32 to vector<16xi32>
    %lt3A_811 = arith.cmpi slt, %add3A_809, %lt3A_810 : vector<16xi32>
    tpu.vector_store_idx %arg5[%get3A_804], %get3A_806 masked %lt3A_811 : memref<100000xf32, #tpu.memory_space<vmem>>[vector<16xi32>], vector<16xf32>, vector<16xi1>
    %get3A_812 = arith.constant 48 : index
    %get3A_813 = tpu.vector_load %arg9[%get3A_812] {strides = array<i32>} : memref<64xi32, #tpu.memory_space<vmem>>, vector<16xi32>,
    %get3A_814 = arith.constant 48 : index
    %get3A_815 = tpu.vector_load %arg8[%get3A_814] {strides = array<i32>} : memref<64xf32, #tpu.memory_space<vmem>>, vector<16xf32>,
    %add3A_816 = arith.constant 48 : i32
    %add3A_817 = vector.broadcast %add3A_816 : i32 to vector<16xi32>
    %add3A_818 = arith.addi %add3A_817, %iota3A_405 : vector<16xi32>
    %lt3A_819 = vector.broadcast %min3A_777 : i32 to vector<16xi32>
    %lt3A_820 = arith.cmpi slt, %add3A_818, %lt3A_819 : vector<16xi32>
    tpu.vector_store_idx %arg5[%get3A_813], %get3A_815 masked %lt3A_820 : memref<100000xf32, #tpu.memory_space<vmem>>[vector<16xi32>], vector<16xf32>, vector<16xi1>
    "tpu.region"() ({
      %run_scoped3A = tpu.sem_alloc : memref<!tpu.dma_semaphore, #tpu.memory_space<semaphore_mem>>
      %dma_start3A = arith.constant 0 : i32
      %dma_start3A_821 = tpu.memref_slice %arg4[%add3A_404, %dma_start3A] : memref<64x100000xf32, #tpu.memory_space<hbm>> -> memref<1x100000xf32, #tpu.memory_space<hbm>>
      %dma_start3A_822 = tpu.memref_squeeze %dma_start3A_821 : memref<1x100000xf32, #tpu.memory_space<hbm>> -> memref<100000xf32, #tpu.memory_space<hbm>>
      %dma_start3A_823 = arith.constant 0 : i32
      %dma_start3A_824 = tpu.memref_slice %arg4[%add3A_404, %dma_start3A_823] : memref<64x100000xf32, #tpu.memory_space<hbm>> -> memref<1x100000xf32, #tpu.memory_space<hbm>>
      %dma_start3A_825 = tpu.memref_squeeze %dma_start3A_824 : memref<1x100000xf32, #tpu.memory_space<hbm>> -> memref<100000xf32, #tpu.memory_space<hbm>>
      tpu.enqueue_dma source(%arg5 : memref<100000xf32, #tpu.memory_space<vmem>>) target(%dma_start3A_825 : memref<100000xf32, #tpu.memory_space<hbm>>) target_semaphore(%run_scoped3A : memref<!tpu.dma_semaphore, #tpu.memory_space<semaphore_mem>>)
      %dma_wait3A = arith.constant 0 : i32
      %dma_wait3A_826 = tpu.memref_slice %arg4[%add3A_404, %dma_wait3A] : memref<64x100000xf32, #tpu.memory_space<hbm>> -> memref<1x100000xf32, #tpu.memory_space<hbm>>
      %dma_wait3A_827 = tpu.memref_squeeze %dma_wait3A_826 : memref<1x100000xf32, #tpu.memory_space<hbm>> -> memref<100000xf32, #tpu.memory_space<hbm>>
      %dma_wait3A_828 = arith.constant 0 : i32
      %dma_wait3A_829 = tpu.memref_slice %arg4[%add3A_404, %dma_wait3A_828] : memref<64x100000xf32, #tpu.memory_space<hbm>> -> memref<1x100000xf32, #tpu.memory_space<hbm>>
      %dma_wait3A_830 = tpu.memref_squeeze %dma_wait3A_829 : memref<1x100000xf32, #tpu.memory_space<hbm>> -> memref<100000xf32, #tpu.memory_space<hbm>>
      tpu.wait_dma2 semaphore(%run_scoped3A : memref<!tpu.dma_semaphore, #tpu.memory_space<semaphore_mem>>) src(%arg5 : memref<100000xf32, #tpu.memory_space<vmem>>) dst(%dma_wait3A_830 : memref<100000xf32, #tpu.memory_space<hbm>>)
      tpu.yield
    }) : () -> ()
    return
  }
}

</mosaic_0001>

<sc_bundles>
// kernel: kernel.3.cloned.1.call-start
scs
__scs_entry_jumppad:
0x0: {  	(pc) =	sbr.rel $0x88, $3  }
0x1: {  	(tag) =	ssettag $0x0;
	lr =	simm.s32 $0x1  }
0x2: {  	[smem:$0x3F9F] =	sst lr;
	_ =	strace $0xD0000000  }
0x3: {  	_ = 	snop  }
0x4: {  	_ = 	snop  }
0x5: {  	_ = 	snop  }
0x6: {  	_ = 	snop  }
0x7: {  	_ = 	snop  }
__scs_overlays_trampoline_lowered:
0x8: {  	[smem:$0x3FAE] =	sst s0  }
0x9: {  	[smem:$0x3FAF] =	sst s1  }
0xa: {  	[smem:$0x3FB0] =	sst s2  }
0xb: {  	[smem:$0x3FB1] =	sst s3  }
0xc: {  	[smem:$0x3FB2] =	sst s4  }
0xd: {  	[smem:$0x3FB3] =	sst s5  }
0xe: {  	[smem:$0x3FB4] =	sst s6  }
0xf: {  	[smem:$0x3FB5] =	sst s7  }
0x10: {  	[smem:$0x3FB6] =	sst s8  }
0x11: {  	[smem:$0x3FB7] =	sst s9;
	s0 =	simm.s32 @!p0 $0x0  }
0x12: {  	s1 =	sld [smem:$0x3F9D];
	s0 =	simm.s32 @p0 $0x1  }
0x13: {  	[smem:$0x3FB8] =	sst s0;
	s0 =	simm.s32 @!p1 $0x0  }
0x14: {  	s2 =	sld [smem:$0x3F9C];
	s0 =	simm.s32 @p1 $0x1  }
0x15: {  	[smem:$0x3FB9] =	sst s0;
	s0 =	simm.s32 @!p2 $0x0  }
0x16: {  	s3 =	sld [smem:$0x3FDB];
	s0 =	simm.s32 @p2 $0x1  }
0x17: {  	s4 =	simm.s32 $0x1BF5;
	[smem:$0x3FBB] =	sst s0  }
0x18: {  	s0 =	sld [smem:$0x3F9E];
	_ =	swait.ge [sflag:s4], $0x0  }
0x19: {  	s7 =	sld [smem:$0x3F9F]  }
0x1a: {  	s8 =	sadd.s32 $0xFFFFE003, lr  }
0x1b: {  	s9 =	sadd.s32 $0xFFFFFEF7, lr;
	s5 =	simm.s32 $0xFFFFFFFF;
	p2 =	slt.u32 s8, $0xFFFFF086  }
0x1c: {  	p1 =	slt.u32 s9, $0xF7A;
	s5 =	simm.s32 @!p2 $0x0  }
0x1d: {  	s5 =	simm.s32 @p1 $0x1;
	p0 =	seq.s32 s7, s2  }
0x1e: {  	s7 =	smul.u32 @!p0 $0xF7A, s2;
	p2 =	seq.s32 @!p0 s5, $0x0  }
0x1f: {  	s9 =	smul.u32 $0xF7A, s1;
	s8 =	simm.s32 @!p0 $0x1BF5;
	p2 =	por !p2, p0  }
0x20: {  	[sflag:s8] =	ssyncset.s32 @!p0 $0xFFFFF086;
	s6 =	sadd.s32 @!p0 s3, s7;
	s7 =	simm.s32 @!p0 $0x108  }
0x21: {  	s3 =	sadd.s32 s3, s9;
	s6 =	sadd.s32 @!p0 $0x88, s6;
	s7 =	simm.s32 @p2 $0x1082  }
0x22: {  	[simem:s7], [sflag:s8] =	dma.local @!p0 [hbm:s6], $0xF7A  }
0x23: {  	s9 =	sor.u32 $0xD0000000, s2;
	s6 =	simm.s32 $0x108;
	_ =	swait.ge @!p0 [sflag:s8], $0x0  }
0x24: {  	s3 =	sadd.s32 $0x88, s3;
	s6 =	simm.s32 @!p1 $0x1082;
	[sflag:s4] =	ssyncset.s32 $0xFFFFF086  }
0x25: {  	[simem:s6], [sflag:s4] =	dma.local [hbm:s3], $0xF7A  }
0x26: {  	[smem:$0x3F9F] =	sst s1;
	(tag) =	ssettag s2;
	_ =	strace s9  }
0x27: {  	s1 =	sld [smem:$0x3FAF]  }
0x28: {  	s2 =	sld [smem:$0x3FB0]  }
0x29: {  	s4 =	sld [smem:$0x3FB2]  }
0x2a: {  	p0 =	seq.s32 s5, $0x0;
	s5 =	sld [smem:$0x3FB3]  }
0x2b: {  	s6 =	sld [smem:$0x3FB4]  }
0x2c: {  	s7 =	sld [smem:$0x3FB5]  }
0x2d: {  	s3 =	simm.s32 $0x108;
	s8 =	sld [smem:$0x3FB6]  }
0x2e: {  	s3 =	simm.s32 @!p0 $0x1082;
	s9 =	sld [smem:$0x3FB7]  }
0x2f: {  	lr =	sadd.s32 s0, s3;
	s0 =	sld [smem:$0x3FAE]  }
0x30: {  	s3 =	sld [smem:$0x3FB1]  }
0x31: {  	[smem:$0x3FBA] =	sst s10  }
0x32: {  	s10 =	sld [smem:$0x3FB8];
	_ =	sdelay $0x3  }
0x33: {  	p0 =	seq.s32 s10, $0x1;
	s10 =	sld [smem:$0x3FBA];
	_ =	sdelay $0x3  }
0x34: {  	[smem:$0x3FBA] =	sst s10  }
0x35: {  	s10 =	sld [smem:$0x3FB9];
	_ =	sdelay $0x3  }
0x36: {  	p1 =	seq.s32 s10, $0x1;
	s10 =	sld [smem:$0x3FBA];
	_ =	sdelay $0x3  }
0x37: {  	[smem:$0x3FBA] =	sst s10  }
0x38: {  	s10 =	sld [smem:$0x3FBB]  }
0x39: {  	_ = 	snop;
	(pc) =	sbr.ind lr, $3  }
0x3a: {  	_ = 	snop  }
0x3b: {  	_ = 	snop  }
0x3c: {  	p2 =	seq.s32 s10, $0x1;
	s10 =	sld [smem:$0x3FBA]  }
0x3d: {  	_ =	shalt  }
0x3e: {  	_ =	shalt  }
0x3f: {  	_ =	shalt  }
0x40: {  	_ =	shalt  }
0x41: {  	_ =	shalt  }
0x42: {  	_ =	shalt  }
0x43: {  	_ =	shalt  }
0x44: {  	_ =	shalt  }
0x45: {  	_ =	shalt  }
0x46: {  	_ =	shalt  }
0x47: {  	_ =	shalt  }
0x48: {  	_ =	shalt  }
0x49: {  	_ =	shalt  }
0x4a: {  	_ =	shalt  }
0x4b: {  	_ =	shalt  }
0x4c: {  	_ =	shalt  }
0x4d: {  	_ =	shalt  }
0x4e: {  	_ =	shalt  }
0x4f: {  	_ =	shalt  }
0x50: {  	_ =	shalt  }
0x51: {  	_ =	shalt  }
0x52: {  	_ =	shalt  }
0x53: {  	_ =	shalt  }
0x54: {  	_ =	shalt  }
0x55: {  	_ =	shalt  }
0x56: {  	_ =	shalt  }
0x57: {  	_ =	shalt  }
0x58: {  	_ =	shalt  }
0x59: {  	_ =	shalt  }
0x5a: {  	_ =	shalt  }
0x5b: {  	_ =	shalt  }
0x5c: {  	_ =	shalt  }
0x5d: {  	_ =	shalt  }
0x5e: {  	_ =	shalt  }
0x5f: {  	_ =	shalt  }
0x60: {  	_ =	shalt  }
0x61: {  	_ =	shalt  }
0x62: {  	_ =	shalt  }
0x63: {  	_ =	shalt  }
0x64: {  	_ =	shalt  }
0x65: {  	_ =	shalt  }
0x66: {  	_ =	shalt  }
0x67: {  	_ =	shalt  }
0x68: {  	_ =	shalt  }
0x69: {  	_ =	shalt  }
0x6a: {  	_ =	shalt  }
0x6b: {  	_ =	shalt  }
0x6c: {  	_ =	shalt  }
0x6d: {  	_ =	shalt  }
0x6e: {  	_ =	shalt  }
0x6f: {  	_ =	shalt  }
0x70: {  	_ =	shalt  }
0x71: {  	_ =	shalt  }
0x72: {  	_ =	shalt  }
0x73: {  	_ =	shalt  }
0x74: {  	_ =	shalt  }
0x75: {  	_ =	shalt  }
0x76: {  	_ =	shalt  }
0x77: {  	_ =	shalt  }
0x78: {  	_ =	shalt  }
0x79: {  	_ =	shalt  }
0x7a: {  	_ =	shalt  }
0x7b: {  	_ =	shalt  }
0x7c: {  	_ =	shalt  }
0x7d: {  	_ =	shalt  }
0x7e: {  	_ =	shalt  }
0x7f: {  	_ =	shalt  }
0x80: {  	_ =	shalt  }
0x81: {  	_ =	shalt  }
0x82: {  	_ =	shalt  }
0x83: {  	_ =	shalt  }
0x84: {  	_ =	shalt  }
0x85: {  	_ =	shalt  }
0x86: {  	_ =	shalt  }
0x87: {  	_ =	shalt  }
.Lfunc_end0:
.L_simem_size_0:
called_computation_lowered:
.L_overlay_start_0:
0x88: {  	s2 =	sld [smem:$0x3FD9]  }
0x89: {  	s3 =	sld [smem:$0x3FFE];
	_ =	sdelay $0x1  }
0x8a: {  	s1 =	srdreg.scid  }
0x8b: {  	s0 =	sand.u32 $0x1, s1  }
0x8c: {  	s17 =	sshll.u32 s0, $0xA;
	s2 =	sadd.s32 s3, s2  }
0x8d: {  	s2 =	sadd.s32 s2, s17  }
0x8e: {  	[smem:$0x3FC6] =	sst s2  }
0x8f: {  	_ = 	snop  }
0x90: {  	s2 =	sld [smem:$0x3FC9]  }
0x91: {  	s18 =	sld [smem:$0x3FD0];
	(tm) =	ssettm $0x1  }
0x92: {  	s4 =	sld [smem:$0x3FFB];
	_ =	sdelay $0x3  }
0x93: {  	_ =	strace s4  }
0x94: {  	s4 =	sld [smem:$0x3FFC];
	_ =	sdelay $0x3  }
0x95: {  	_ =	strace s4  }
0x96: {  	s4 =	sld [smem:$0x3FFD];
	_ =	sdelay $0x3  }
0x97: {  	_ =	strace s4  }
0x98: {  	_ =	strace $0x8FFFFFFF  }
0x99: {  	s19 =	sld [smem:$0x3FDB];
	_ =	sdelay $0x1  }
0x9a: {  	s5 =	simm.s32 $_scs_section_size  }
0x9b: {  	s6 =	simm.s32 $_size__tile_overlayer_lowered;
	s7 =	simm.s32 $_tile_overlayer_lowered  }
0x9c: {  	s22 =	simm.s32 $0x1BFF;
	s21 =	sshll.u32 s7, $0x1;
	s4 =	sadd.s32 s5, s19  }
0x9d: {  	s8 =	simm.s32 $0x0;
	s20 =	sshll.u32 s6, $0x1;
	s6 =	sadd.s32 s21, s4  }
0x9e: {  	[timem:s8], [sflag:s22] =	dma.local [hbm:s6], s20  }
0x9f: {  	_ =	swait.ge [sflag:s22], s20  }
0xa0: {  	s5 =	ssub.s32 $0x0, s20;
	[sflag:s22] =	ssyncset.done $0x0  }
0xa1: {  	[sflag:s22] =	ssyncadd.s32 s5;
	_ =	sdelay $0x1  }
0xa2: {  	s23 =	simm.s32 $0x1B8B  }
0xa3: {  	_ =	swait.ge [sflag:s23], $0x1  }
0xa4: {  	[sflag:s23] =	ssyncset.done $0x0  }
0xa5: {  	s25 =	simm.s32 $0x1B8E;
	s24 =	sld [smem:$0x3FFE];
	[sflag:s23] =	ssyncadd.s32 $0xFFFFFFFF  }
0xa6: {  	s26 =	simm.s32 $execute0_lowered;
	[smem:$0x3FD2] =	sst s25  }
0xa7: {  	s6 =	sshll.u32 s26, $0x1;
	_ =	strace $0x80000046;
	[dreg:$0x1] =	wrdreg $0xFFFFFFFF  }
0xa8: {  	s28 =	simm.s32 $_size_execute0_lowered;
	s4 =	sadd.s32 s4, s6;
	[dreg:$0x0] =	wrdreg $0x0  }
0xa9: {  	s6 =	sshll.u32 s28, $0x1;
	[dreg:$0x2] =	wrdreg s4  }
0xaa: {  	[dreg:$0x3] =	wrdreg s6  }
0xab: {  	[dreg:$0x4] =	wrdreg $0xC0  }
0xac: {  	_ =	task [dreg:s8], $0x5FFFF  }
0xad: {  	[dreg:$0x1] =	wrdreg $0xFFFFFFFF  }
0xae: {  	[dreg:$0x0] =	wrdreg $0x60  }
0xaf: {  	[dreg:$0x2] =	wrdreg s2  }
0xb0: {  	[dreg:$0x3] =	wrdreg s24  }
0xb1: {  	[dreg:$0x4] =	wrdreg s18  }
0xb2: {  	[dreg:$0x5] =	wrdreg $0x9  }
0xb3: {  	_ =	task.clear_ibuf [dreg:s8], $0x6FFFF;
	_ =	strace $0x90000046  }
0xb4: {  	s29 =	simm.s32 $0x9;
	_ =	strace $0x80000048  }
0xb5: {  	_ =	swait.ge [sflag:s29], $0x1  }
0xb6: {  	[sflag:s29] =	ssyncadd.s32 $0xFFFFFFFF  }
0xb7: {  	_ =	strace $0x90000048  }
0xb8: {  	_ =	sfence  }
0xb9: {  	s30 =	sld [smem:$0x0];
	_ =	sdelay $0x2  }
0xba: {  	s31 =	sshll.u32 s1, $0xD;
	s1 =	sshrl.u32 s1, $0x2  }
0xbb: {  	s3 =	sand.u32 $0x4000, s31;
	s1 =	sadd.s32 s1, s30  }
0xbc: {  	s0 =	sor.u32 s3, s0;
	s1 =	sshll.u32 s1, $0x11  }
0xbd: {  	s0 =	sor.u32 s1, s0  }
0xbe: {  	s0 =	sadd.s32 $0x8F2B, s0  }
0xbf: {  	[sflag:s0] =	ssyncadd.remote.s32 $0x1  }
0xc0: {  	_ =	sfence.sel $0xFFFF  }
0xc1: {  	[dreg:$0x0] =	wrdreg $0xFFFFFFFF;
	(pc) =	sbr.abs _section_cstart, $3  }
0xc2: {  	[dreg:$0x1] =	wrdreg $0xFFFFFFFF  }
0xc3: {  	_ =	task.clear_ibuf [dreg:s8], $0x2FFFF;
	_ =	strace $0x9FFFFFFF  }
0xc4: {  	(tm) =	ssettm $0x7FFFFFFF  }
0xc5: {  	_ =	shalt  }
tec
execute0_lowered:
.L_overlay_start_1:
0x0: {  	(tag) =	ssettag $0x1  }
0x1: {  	s6 =	rddreg [dreg:$0x0]  }
0x2: {  	s3 =	rddreg [dreg:$0x1]  }
0x3: {  	s7 =	rddreg [dreg:$0x2];
	s1 =	simm.s32 $0x0;
	v0 =	vimm.s32 $0xEFCDAB89  }
0x4: {  	v1 =	vimm.s32 $0x67452301;
	v2 =	vimm.f32 $8.000000110e-01;
	[smem:$0x7FF] =	sst s1  }
0x5: {  	s0 =	rddreg [dreg:$0x3];
	v3 =	vimm.s32 $0x54761032;
	v4 =	vimm.s32 $0xBA98FEDC;
	_ =	strace $0x80000047  }
0x6: {  	s4 =	srdreg.scid;
	s2 =	stileid.u32;
	v5 =	vimm.s32 $0xFEDCBA98;
	v6 =	vimm.s32 $0x32107654;
	s10 =	simm.s32 $0x1;
	(erf) = vrcp.f32 v2  }
0x7: {  	v7 =	vimm.s32 $0x76543210;
	s11 =	simm.s32 $0x80;
	s12 =	simm.s32 $0x400;
	s13 =	simm.s32 $0x1A700;
	v0 =	vunpack.c.l.s4.s8 v0;
	v1 =	vunpack.c.l.s4.s8 v1  }
0x8: {  	s14 =	simm.s32 $0x19700;
	s15 =	simm.s32 $0x1A780;
	s4 =	sand.u32 $0x1, s4;
	v3 =	vunpack.c.l.s4.s8 v3;
	v5 =	vunpack.c.l.s4.s8 v5;
	v2 =	vimm.s32 $0xDCFE98BA  }
0x9: {  	s5 =	sshll.u32 s2, $0x9;
	s8 =	sshrl.u32 s2, $0x1;
	v4 =	vunpack.c.l.s4.s8 v4;
	v6 =	vunpack.c.l.s4.s8 v6;
	s9 =	sshll.u32 s4, $0x8;
	v2 =	vunpack.c.l.s4.s8 v2  }
0xa: {  	v7 =	vunpack.c.l.s4.s8 v7;
	s8 =	smul.u32 $0xC3800, s8;
	s5 =	sand.u32 $0x200, s5;
	s4 =	ssub.s32 $0x2, s4;
	v0 =	vunpack.c.0.s8.s32 v0;
	v1 =	vunpack.c.0.s8.s32 v1  }
0xb: {  	s16 =	simm.s32 $0x18700;
	s5 =	sor.u32 s9, s5;
	s29 =	sshrl.u32 s4, $0x1;
	v3 =	vunpack.c.0.s8.s32 v3;
	v5 =	vunpack.c.0.s8.s32 v5;
	v2 =	vunpack.c.0.s8.s32 v2  }
0xc: {  	v8 =	vimm.s32 $0x0;
	s17 =	simm.s32 $0x0;
	v4 =	vunpack.c.0.s8.s32 v4;
	v6 =	vunpack.c.0.s8.s32 v6;
	s5 =	sor.u32 s8, s5;
	s30 =	ssub.s32 s4, s29  }
0xd: {  	s3 =	sadd.s32 $0x400, s3;
	v7 =	vunpack.c.0.s8.s32 v7;
	s31 =	sshrl.u32 s5, $0x3;
	s8 =	smax.u32 s30, $0x1;
	v0 =	vcombine.low v1, v0;
	v1 =	vcombine.low v3, v2  }
0xe: {  	s4 =	sadd.s32 s6, s31;
	s5 =	sadd.s32 s7, s31;
	s9 =	sor.u32 $0x10, s31;
	v3 =	vand.u32 $0xF, v5;
	v2 =	vcombine.low v6, v4;
	v4 =	vimm.f32 $-Inf  }
0xf: {  	s6 =	sadd.s32 s6, s9;
	s7 =	sadd.s32 s7, s9;
	s9 =	simm.s32 $0x1A800;
	v6 =	vimm.f32 $0.0e+00;
	v3 =	vcombine.low v3, v7;
	v7 =	vlaneseq.u32;
	v5 =	vpop (erf)  }
.LBB2_1:
0x10: {  	[tilespmem:s9], [sflag:$0x1] =	stream.linear.gather [hbm4b:s3+s1], $0x80, $0x38;
	[tilespmem:$0x1A880] =	vst v63  }
0x11: {  	_ =	swait.ge [sflag:s10], $0x80  }
0x12: {  	[sflag:s10] =	ssyncset.done $0x0  }
0x13: {  	[sflag:s10] =	ssyncadd.s32 $0xFFFFFF80  }
0x14: {  	v9 =	vld [tilespmem:$0x1A800];
	[tilespmem:s1], [sflag:$0x1] =	stream.strided.gather [hbm4b:s4+s11], $0x18700, s12, s11, $0x38  }
0x15: {  	_ =	swait.ge [sflag:s10], $0x18700  }
0x16: {  	[sflag:s10] =	ssyncset.done $0x0  }
0x17: {  	s18 =	simm.s32 $0xC0;
	[sflag:s10] =	ssyncadd.s32 $0xFFFE7900  }
0x18: {  	v11 =	vld [tilespmem:s18+$0x30]  }
0x19: {  	v10 =	vld [tilespmem:s18+$0xFFFFFF60]  }
0x1a: {  	v12 =	vld [tilespmem:s18+$0xFFFFFF40]  }
0x1b: {  	v13 =	vld [tilespmem:s18+$0xFFFFFF50]  }
0x1c: {  	v14 =	vld [tilespmem:s18+$0xFFFFFF80]  }
0x1d: {  	s19 =	sand.u32 $0x1FFF0, s1;
	v15 =	vld [tilespmem:s18+$0xFFFFFFA0]  }
0x1e: {  	v16 =	vld [tilespmem:s19+$0x80]  }
0x1f: {  	v17 =	vld [tilespmem:s18+$0xFFFFFFE0]  }
0x20: {  	v18 =	vld [tilespmem:s18+$0x0]  }
0x21: {  	v19 =	vld [tilespmem:s18+$0x20]  }
0x22: {  	v20 =	vld [tilespmem:s19+$0x100]  }
0x23: {  	v22 =	vld [tilespmem:s18+$0x60];
	v21 =	vmax.f32 v4, v12  }
0x24: {  	v24 =	vld [tilespmem:s18+$0x80];
	v23 =	vmax.f32 v21, v10  }
0x25: {  	v26 =	vld [tilespmem:s18+$0xA0];
	v25 =	vmax.f32 v23, v14  }
0x26: {  	v28 =	vld [tilespmem:s19+$0x180];
	v12 =	vmin.f32 v4, v12;
	v21 =	vmin.f32 v21, v10;
	v27 =	vmax.f32 v25, v15  }
0x27: {  	s20 =	simm.s32 $0x190;
	v35 =	vld [tilespmem:s18+$0xFFFFFFB0];
	v12 =	vmax.f32 v4, v12;
	v14 =	vmin.f32 v23, v14;
	v29 =	vmax.f32 v27, v16  }
0x28: {  	s20 =	sand.u32 $0x1FFF0, s20;
	v30 =	vld [tilespmem:s18+$0xFFFFFF90];
	v12 =	vmax.f32 v12, v21;
	v15 =	vmin.f32 v25, v15;
	v23 =	vmax.f32 v29, v17  }
0x29: {  	s19 =	simm.s32 $0x250;
	v40 =	vld [tilespmem:s20+$0x180];
	v12 =	vmax.f32 v12, v14;
	v16 =	vmin.f32 v27, v16;
	v25 =	vmax.f32 v23, v18  }
0x2a: {  	v33 =	vld [tilespmem:s19+$0x0];
	v12 =	vmax.f32 v12, v15;
	v18 =	vmin.f32 v23, v18;
	v23 =	vmax.f32 v25, v19  }
0x2b: {  	v21 =	vld [tilespmem:s18+$0xFFFFFF70];
	v15 =	vmin.f32 v29, v17;
	v19 =	vmin.f32 v25, v19;
	v25 =	vmax.f32 v23, v20  }
0x2c: {  	v27 =	vld [tilespmem:s19+$0xFFFFFF40];
	v16 =	vmax.f32 v12, v16;
	v20 =	vmin.f32 v23, v20;
	v23 =	vmax.f32 v25, v22  }
0x2d: {  	v14 =	vld [tilespmem:s19+$0xFFFFFF60];
	v15 =	vmax.f32 v16, v15;
	v17 =	vmax.f32 v23, v24;
	v32 =	vmin.f32 v23, v24  }
0x2e: {  	v16 =	vld [tilespmem:s19+$0xFFFFFF80];
	v23 =	vmax.f32 v17, v26;
	v37 =	vmin.f32 v17, v26;
	v17 =	vmax.f32 v15, v18  }
0x2f: {  	v22 =	vmin.f32 v25, v22;
	v18 =	vld [tilespmem:s19+$0xFFFFFFA0];
	v17 =	vmax.f32 v17, v19  }
0x30: {  	v24 =	vmax.f32 v23, v28;
	v15 =	vmin.f32 v23, v28;
	v28 =	vld [tilespmem:s20+$0x80];
	v17 =	vmax.f32 v17, v20  }
0x31: {  	v19 =	vld [tilespmem:s19+$0xFFFFFFE0];
	v20 =	vmax.f32 v4, v13;
	v23 =	vmax.f32 v24, v27;
	v13 =	vmin.f32 v4, v13  }
0x32: {  	v10 =	vld [tilespmem:s19+$0x30];
	v25 =	vmin.f32 v24, v27;
	v31 =	vmax.f32 v20, v21;
	v29 =	vmax.f32 v23, v14  }
0x33: {  	v36 =	vmin.f32 v20, v21;
	v21 =	vld [tilespmem:s19+$0x20];
	v26 =	vmin.f32 v23, v14;
	v20 =	vmax.f32 v29, v16  }
0x34: {  	v38 =	vmax.f32 v17, v22;
	v17 =	vld [tilespmem:s20+$0x100];
	v13 =	vmax.f32 v4, v13;
	v14 =	vmax.f32 v20, v18  }
0x35: {  	v24 =	vmin.f32 v29, v16;
	v16 =	vld [tilespmem:s19+$0x60];
	v39 =	vmax.f32 v31, v30;
	v29 =	vmax.f32 v14, v28  }
0x36: {  	v23 =	vmin.f32 v20, v18;
	v18 =	vld [tilespmem:s19+$0x80];
	v27 =	vmin.f32 v14, v28;
	v14 =	vmax.f32 v29, v19  }
0x37: {  	v34 =	vmin.f32 v31, v30;
	v36 =	vmax.f32 v13, v36;
	v28 =	vld [tilespmem:s19+$0xA0];
	v20 =	vmax.f32 v14, v33  }
0x38: {  	v12 =	vld [tilespmem:s19+$0xFFFFFF50];
	v38 =	vmax.f32 v38, v32;
	v22 =	vmin.f32 v14, v33;
	v14 =	vmax.f32 v20, v21  }
0x39: {  	v31 =	vld [tilespmem:s18+$0xFFFFFFD0];
	v38 =	vmax.f32 v38, v37;
	v37 =	vmax.f32 v39, v35;
	v30 =	vmax.f32 v14, v17  }
0x3a: {  	v32 =	vld [tilespmem:s18+$0xFFFFFFF0];
	v33 =	vmin.f32 v39, v35;
	v20 =	vmin.f32 v20, v21;
	v13 =	vmax.f32 v30, v16  }
0x3b: {  	v35 =	vld [tilespmem:s18+$0x10];
	v21 =	vmin.f32 v14, v17;
	v17 =	vmin.f32 v30, v16;
	v30 =	vmax.f32 v13, v18  }
0x3c: {  	v16 =	vld [tilespmem:s18+$0xB0];
	v14 =	vmin.f32 v13, v18;
	v41 =	vmax.f32 v30, v28  }
0x3d: {  	s21 =	simm.s32 $0x320;
	s20 =	simm.s32 $0x250;
	v18 =	vld [tilespmem:s18+$0x90];
	v13 =	vmin.f32 v30, v28;
	v30 =	vmax.f32 v41, v40;
	v28 =	vmin.f32 v41, v40  }
.LBB2_2:
0x3e: {  	p0 =	sne.s32 s21, $0x18510  }
0x3f: {  	s19 =	sadd.s32 $0x190, s19;
	v34 =	vmax.f32 v36, v34;
	v36 =	vmin.f32 v37, v31;
	v39 =	vld [tilespmem:s18+$0x50];
	v38 =	vmax.f32 v38, v15;
	v15 =	vmovc v28;
	s22 =	smov.u32 s21;
	s21 =	sadd.s32 $0x190, s21  }
0x40: {  	v19 =	vmin.f32 v29, v19;
	v28 =	vld [tilespmem:s19+$0x30];
	v25 =	vmax.f32 v38, v25;
	v29 =	vmax.f32 v34, v33  }
0x41: {  	v25 =	vmax.f32 v25, v26;
	v26 =	vmax.f32 v37, v31;
	v29 =	vmax.f32 v29, v36;
	v31 =	vld [tilespmem:s18+$0x70];
	s18 =	smov.u32 s20;
	s20 =	smov.u32 s19  }
0x42: {  	v24 =	vmax.f32 v25, v24;
	v37 =	vld [tilespmem:s18+$0xFFFFFFB0];
	v25 =	vmax.f32 v26, v32;
	v26 =	vmin.f32 v26, v32  }
0x43: {  	v32 =	vld [tilespmem:s18+$0xFFFFFF90];
	v23 =	vmax.f32 v24, v23;
	v24 =	vmax.f32 v25, v35;
	v25 =	vmin.f32 v25, v35  }
0x44: {  	v26 =	vmax.f32 v29, v26;
	v33 =	vld [tilespmem:s18+$0xFFFFFF70];
	v23 =	vmax.f32 v23, v27;
	v27 =	vmax.f32 v24, v11  }
0x45: {  	v29 =	vld [tilespmem:s19+$0xFFFFFF60];
	v19 =	vmax.f32 v23, v19;
	v23 =	vmin.f32 v24, v11;
	v24 =	vmax.f32 v27, v39;
	v11 =	vmovc v10  }
0x46: {  	v10 =	vmovc v28;
	v34 =	vld [tilespmem:s19+$0xFFFFFF40];
	v19 =	vmax.f32 v19, v22;
	v22 =	vmax.f32 v26, v25;
	v26 =	vmax.f32 v24, v31  }
0x47: {  	v28 =	vld [tilespmem:s19+$0xFFFFFF50];
	v19 =	vmax.f32 v19, v20;
	v20 =	vmax.f32 v22, v23;
	v22 =	vmax.f32 v26, v18  }
0x48: {  	v31 =	vmin.f32 v24, v31;
	v23 =	vld [tilespmem:s19+$0xFFFFFF80];
	v21 =	vmax.f32 v19, v21;
	v19 =	vmax.f32 v22, v16  }
0x49: {  	s22 =	sand.u32 $0x1FFF0, s22;
	v35 =	vld [tilespmem:s19+$0xFFFFFFA0];
	v24 =	vmax.f32 v19, v12;
	v36 =	vmin.f32 v19, v12;
	v12 =	vmin.f32 v27, v39  }
0x4a: {  	v27 =	vld [tilespmem:s22+$0x80];
	v38 =	vmax.f32 v24, v33;
	v33 =	vmin.f32 v24, v33;
	v20 =	vmax.f32 v20, v12  }
0x4b: {  	v18 =	vmin.f32 v26, v18;
	v40 =	vmax.f32 v30, v34;
	v25 =	vmin.f32 v30, v34;
	v19 =	vld [tilespmem:s19+$0xFFFFFFE0]  }
0x4c: {  	v39 =	vmax.f32 v21, v17;
	v24 =	vmax.f32 v40, v29;
	v26 =	vmin.f32 v40, v29;
	v30 =	vld [tilespmem:s19+$0x0];
	v12 =	vmovc v28  }
0x4d: {  	v20 =	vmax.f32 v20, v31;
	v17 =	vmax.f32 v24, v23;
	v24 =	vmin.f32 v24, v23;
	v21 =	vld [tilespmem:s19+$0x20]  }
0x4e: {  	v18 =	vmax.f32 v20, v18;
	v28 =	vmax.f32 v17, v35;
	v23 =	vmin.f32 v17, v35;
	v17 =	vld [tilespmem:s22+$0x100]  }
0x4f: {  	v16 =	vmin.f32 v22, v16;
	v40 =	vmax.f32 v38, v32;
	v29 =	vmax.f32 v28, v27;
	v35 =	vld [tilespmem:s19+$0x60]  }
0x50: {  	v16 =	vmax.f32 v18, v16;
	v27 =	vmin.f32 v28, v27;
	v20 =	vmax.f32 v29, v19;
	v28 =	vld [tilespmem:s19+$0x80]  }
0x51: {  	v16 =	vmax.f32 v16, v36;
	v18 =	vmax.f32 v20, v30;
	v22 =	vmin.f32 v20, v30;
	v30 =	vld [tilespmem:s19+$0xA0]  }
0x52: {  	v34 =	vmin.f32 v38, v32;
	v31 =	vmax.f32 v18, v21;
	v20 =	vmin.f32 v18, v21;
	v41 =	vld [tilespmem:s22+$0x180]  }
.Ltmp0:
0x53: {  	v36 =	vmax.f32 v16, v33;
	v18 =	vmax.f32 v31, v17;
	v21 =	vmin.f32 v31, v17;
	v31 =	vld [tilespmem:s18+$0xFFFFFFD0];
	(pc) =	sbr.rel @p0 .LBB2_2-.Ltmp0, $4  }
0x54: {  	v33 =	vmin.f32 v40, v37;
	v32 =	vmax.f32 v18, v35;
	v17 =	vmin.f32 v18, v35;
	v16 =	vld [tilespmem:s18+$0xB0]  }
0x55: {  	v38 =	vmax.f32 v39, v14;
	v35 =	vmax.f32 v32, v28;
	v14 =	vmin.f32 v32, v28;
	v18 =	vld [tilespmem:s18+$0x90]  }
0x56: {  	v38 =	vmax.f32 v38, v13;
	v28 =	vmax.f32 v35, v30;
	v32 =	vld [tilespmem:s18+$0xFFFFFFF0];
	v13 =	vmin.f32 v35, v30  }
0x57: {  	v37 =	vmax.f32 v40, v37;
	v30 =	vmax.f32 v28, v41;
	v28 =	vmin.f32 v28, v41;
	v35 =	vld [tilespmem:s18+$0x10]  }
0x58: {  	v30 =	vmax.f32 v36, v34;
	v15 =	vmax.f32 v38, v15  }
0x59: {  	v58 =	vmin.f32 v37, v31;
	v19 =	vmin.f32 v29, v19;
	v15 =	vmax.f32 v15, v25  }
0x5a: {  	v59 =	vld [tilespmem:s18+$0x50];
	v61 =	vmax.f32 v37, v31;
	v60 =	vmax.f32 v30, v33;
	v15 =	vmax.f32 v15, v26  }
0x5b: {  	v62 =	vld [tilespmem:s18+$0x70];
	v29 =	vmax.f32 v60, v58;
	v15 =	vmax.f32 v15, v24;
	v63 =	vmax.f32 v61, v32  }
0x5c: {  	v26 =	vmin.f32 v61, v32;
	v15 =	vmax.f32 v15, v23;
	v31 =	vmax.f32 v63, v35  }
0x5d: {  	v24 =	vmin.f32 v63, v35;
	v26 =	vmax.f32 v29, v26;
	v15 =	vmax.f32 v15, v27  }
0x5e: {  	v32 =	vmax.f32 v31, v11;
	v11 =	vmin.f32 v31, v11;
	v34 =	vmax.f32 v26, v24  }
0x5f: {  	v15 =	vmax.f32 v15, v19;
	v33 =	vmax.f32 v32, v59;
	v11 =	vmax.f32 v34, v11  }
0x60: {  	v35 =	vld [tilespmem:s20+$0xFFFFFF70];
	v39 =	vmin.f32 v32, v59;
	v15 =	vmax.f32 v15, v22;
	v36 =	vmax.f32 v33, v62  }
0x61: {  	v19 =	vmin.f32 v33, v62;
	v11 =	vmax.f32 v11, v39;
	v15 =	vmax.f32 v15, v20  }
0x62: {  	v37 =	vld [tilespmem:s20+$0xFFFFFF90];
	v38 =	vmax.f32 v36, v18;
	v43 =	vmin.f32 v36, v18;
	v11 =	vmax.f32 v11, v19  }
0x63: {  	v40 =	vld [tilespmem:s20+$0xFFFFFFB0];
	v15 =	vmax.f32 v15, v21;
	v41 =	vmax.f32 v38, v16;
	v11 =	vmax.f32 v11, v43  }
0x64: {  	v46 =	vld [tilespmem:s20+$0xFFFFFFD0];
	v45 =	vmin.f32 v38, v16;
	v42 =	vmax.f32 v41, v12;
	v44 =	vmin.f32 v41, v12  }
0x65: {  	v48 =	vld [tilespmem:s20+$0xFFFFFFF0];
	v11 =	vmax.f32 v11, v45;
	v15 =	vmax.f32 v15, v17;
	v47 =	vmax.f32 v42, v35  }
0x66: {  	v50 =	vld [tilespmem:s20+$0x10];
	v21 =	vmin.f32 v42, v35;
	v11 =	vmax.f32 v11, v44;
	v14 =	vmax.f32 v15, v14  }
0x67: {  	v49 =	vmax.f32 v47, v37;
	v19 =	vmin.f32 v47, v37;
	v11 =	vmax.f32 v11, v21  }
0x68: {  	v53 =	vld [tilespmem:s20+$0x50];
	v51 =	vmin.f32 v49, v40;
	v52 =	vmax.f32 v49, v40;
	v11 =	vmax.f32 v11, v19  }
0x69: {  	v55 =	vld [tilespmem:s20+$0x70];
	v54 =	vmin.f32 v52, v46;
	v11 =	vmax.f32 v11, v51;
	v15 =	vmax.f32 v52, v46  }
0x6a: {  	v56 =	vld [tilespmem:s20+$0x90];
	v11 =	vmax.f32 v11, v54;
	v57 =	vmax.f32 v15, v48;
	v15 =	vmin.f32 v15, v48  }
0x6b: {  	v58 =	vld [tilespmem:s20+$0xB0];
	v59 =	vmax.f32 v57, v50;
	v12 =	vmin.f32 v57, v50;
	v11 =	vmax.f32 v11, v15  }
0x6c: {  	v60 =	vmax.f32 v59, v10;
	v10 =	vmin.f32 v59, v10;
	v11 =	vmax.f32 v11, v12  }
0x6d: {  	v61 =	vmax.f32 v60, v53;
	v10 =	vmax.f32 v11, v10;
	v11 =	vmin.f32 v60, v53  }
0x6e: {  	v62 =	vmax.f32 v61, v55;
	v12 =	vmin.f32 v61, v55;
	v10 =	vmax.f32 v10, v11  }
0x6f: {  	v11 =	vmax.f32 v62, v56;
	v15 =	vmin.f32 v62, v56;
	v10 =	vmax.f32 v10, v12  }
0x70: {  	v63 =	vmax.f32 v14, v13;
	v10 =	vmax.f32 v10, v15;
	v11 =	vmin.f32 v11, v58  }
0x71: {  	v12 =	vmax.f32 v63, v28;
	v10 =	vmax.f32 v10, v11  }
0x72: {  	v10 =	vmin.f32 v12, v10  }
0x73: {  	v11 =	vperm.xlane v10, v0;
	_ =	sdelay $0x1  }
0x74: {  	v10 =	vmin.f32 v10, v11  }
0x75: {  	v11 =	vperm.xlane v10, v1;
	_ =	sdelay $0x1  }
0x76: {  	v10 =	vmin.f32 v10, v11  }
0x77: {  	v11 =	vperm.xlane v10, v2;
	_ =	sdelay $0x1  }
0x78: {  	v10 =	vmin.f32 v10, v11  }
0x79: {  	s18 =	simm.s32 $0x40;
	s19 =	simm.s32 $0x0;
	v11 =	vperm.xlane v10, v3  }
.LBB2_4:
0x7a: {  	p0 =	sne.s32 s18, $0x3FC0;
	[tilespmem:s19+$0x18700] =	vst v4;
	s19 =	smov.u32 s18;
	s18 =	sadd.s32 $0x40, s18  }
.Ltmp1:
0x7b: {  	(pc) =	sbr.rel @p0 .LBB2_4-.Ltmp1, $2  }
0x7c: {  	_ =	sdelay $0x2  }
0x7d: {  	s19 =	sshra.s32 s19, $0x2  }
.Ltmp2:
0x7e: {  	(pc) =	sbr.rel .LBB2_6-.Ltmp2, $2  }
0x7f: {  	_ =	sdelay $0x2  }
0x80: {  	[tilespmem:s19+$0x18700] =	vst v4;
	v10 =	vmin.f32 v10, v11;
	s20 =	simm.s32 $0x0;
	s18 =	simm.s32 $0x40;
	s19 =	simm.s32 $0x20  }
.LBB2_8:
0x81: {  	s18 =	sadd.s32 $0x50, s18  }
0x82: {  	p0 =	sne.s32 s18, $0x186E0  }
.Ltmp3:
0x83: {  	_ = 	snop;
	(pc) =	sbr.rel @!p0 .LBB2_9-.Ltmp3, $2  }
0x84: {  	_ =	sdelay $0x2  }
0x85: {  	s19 =	sadd.s32 $0x50, s19  }
.LBB2_6:
0x86: {  	v13 =	vld [tilespmem:s19+$0x0]  }
0x87: {  	v12 =	vld [tilespmem:s19+$0x10]  }
0x88: {  	v14 =	vld [tilespmem:s19+$0xFFFFFFF0]  }
0x89: {  	v15 =	vld [tilespmem:s19+$0xFFFFFFE0]  }
0x8a: {  	v11 =	vld [tilespmem:s19+$0x20];
	_ =	sdelay $0x1  }
0x8b: {  	vm2 =	vge.f32 v13, v10;
	vm3 =	vge.f32 v12, v10  }
0x8c: {  	vm1 =	vge.f32 v14, v10;
	vm4 =	vmor vm2, vm3  }
0x8d: {  	vm0 =	vge.f32 v15, v10;
	vm5 =	vmor vm1, vm4  }
0x8e: {  	vm4 =	vge.f32 v11, v10;
	vm5 =	vmor vm0, vm5  }
0x8f: {  	vm5 =	vmor vm4, vm5  }
0x90: {  	v16 =	vsel vm5, $0x3F800000, v6  }
0x91: {  	(xrf0) =	vmax.scan.msk.f32 $0xffff, v16;
	_ =	sdelay $0x5  }
0x92: {  	v16, _, _ =	vpop (xrf0)  }
0x93: {  	(v2sf) =	vpush v16, $0xF;
	_ =	sdelay $0xe  }
0x94: {  	s21 =	spop (v2sf)  }
0x95: {  	p0 =	sgt.f32 s21, $0.0e+00  }
.Ltmp4:
0x96: {  	_ = 	snop;
	(pc) =	sbr.rel @!p0 .LBB2_8-.Ltmp4, $1  }
0x97: {  	_ =	sdelay $0x3  }
0x98: {  	v16 =	vsel vm0, $0x3F800000, v6  }
0x99: {  	(xrf0) =	vmax.scan.msk.f32 $0xffff, v16;
	_ =	sdelay $0x5  }
0x9a: {  	v16, _, _ =	vpop (xrf0)  }
0x9b: {  	(v2sf) =	vpush v16, $0xF;
	_ =	sdelay $0xe  }
0x9c: {  	s21 =	spop (v2sf)  }
0x9d: {  	p0 =	sgt.f32 s21, $0.0e+00;
	_ =	sdelay $0x1  }
0x9e: {  	vm0 =	vge.f32 @p0 v15, v10;
	v16 =	vimm.s32 @p0 $0x0  }
0x9f: {  	v17 =	vsel @p0 vm0, $0x1, v16  }
0xa0: {  	v60 =	vsel vm1, $0x3F800000, v6;
	(xrf0) =	vadd.scan.msk.s32 @p0 $0xffff, v17  }
0xa1: {  	(xrf0) =	vmax.scan.msk.f32 $0xffff, v60;
	_ =	sdelay $0x4  }
0xa2: {  	v17, _, _ =	vpop @p0 (xrf0)  }
0xa3: {  	(v2sf) =	vpush @p0 v17, $0xF;
	v18, _, _ =	vpop (xrf0)  }
0xa4: {  	(v2sf) =	vpush v18, $0xF;
	_ =	sdelay $0xd  }
0xa5: {  	s21 =	spop @p0 (v2sf)  }
0xa6: {  	s22 =	spop (v2sf)  }
0xa7: {  	p1 =	sgt.f32 s22, $0.0e+00;
	_ =	sdelay $0x1  }
0xa8: {  	vm1 =	vge.f32 @p1 v14, v10;
	v18 =	vimm.s32 @p1 $0x0  }
0xa9: {  	v19 =	vsel @p1 vm1, $0x1, v18  }
0xaa: {  	v61 =	vsel vm2, $0x3F800000, v6;
	(xrf0) =	vadd.scan.msk.s32 @p1 $0xffff, v19  }
0xab: {  	(xrf0) =	vmax.scan.msk.f32 $0xffff, v61;
	_ =	sdelay $0x4  }
0xac: {  	v19, _, _ =	vpop @p1 (xrf0)  }
0xad: {  	(v2sf) =	vpush @p1 v19, $0xF;
	v20, _, _ =	vpop (xrf0)  }
0xae: {  	(v2sf) =	vpush v20, $0xF;
	_ =	sdelay $0xd  }
0xaf: {  	s22 =	spop @p1 (v2sf)  }
0xb0: {  	s23 =	spop (v2sf)  }
0xb1: {  	p2 =	sgt.f32 s23, $0.0e+00;
	_ =	sdelay $0x1  }
0xb2: {  	vm2 =	vge.f32 @p2 v13, v10;
	v20 =	vimm.s32 @p2 $0x0  }
0xb3: {  	v21 =	vsel @p2 vm2, $0x1, v20  }
0xb4: {  	v62 =	vsel vm3, $0x3F800000, v6;
	(xrf0) =	vadd.scan.msk.s32 @p2 $0xffff, v21  }
0xb5: {  	(xrf0) =	vmax.scan.msk.f32 $0xffff, v62;
	_ =	sdelay $0x4  }
0xb6: {  	v21, _, _ =	vpop @p2 (xrf0)  }
0xb7: {  	(v2sf) =	vpush @p2 v21, $0xF;
	v22, _, _ =	vpop (xrf0)  }
0xb8: {  	(v2sf) =	vpush v22, $0xF;
	_ =	sdelay $0xd  }
0xb9: {  	s23 =	spop @p2 (v2sf)  }
0xba: {  	s24 =	spop (v2sf)  }
0xbb: {  	p3 =	sgt.f32 s24, $0.0e+00;
	_ =	sdelay $0x1  }
0xbc: {  	vm3 =	vge.f32 @p3 v12, v10;
	v22 =	vimm.s32 @p3 $0x0  }
0xbd: {  	v23 =	vsel @p3 vm3, $0x1, v22  }
0xbe: {  	v63 =	vsel vm4, $0x3F800000, v6;
	(xrf0) =	vadd.scan.msk.s32 @p3 $0xffff, v23  }
0xbf: {  	(xrf0) =	vmax.scan.msk.f32 $0xffff, v63;
	_ =	sdelay $0x4  }
0xc0: {  	v23, _, _ =	vpop @p3 (xrf0)  }
0xc1: {  	(v2sf) =	vpush @p3 v23, $0xF;
	v24, _, _ =	vpop (xrf0)  }
0xc2: {  	(v2sf) =	vpush v24, $0xF;
	_ =	sdelay $0xd  }
0xc3: {  	s24 =	spop @p3 (v2sf)  }
0xc4: {  	s25 =	spop (v2sf)  }
0xc5: {  	p4 =	sgt.f32 s25, $0.0e+00;
	_ =	sdelay $0x1  }
0xc6: {  	vm4 =	vge.f32 @p4 v11, v10;
	v24 =	vimm.s32 @p4 $0x0  }
0xc7: {  	v25 =	vsel @p4 vm4, $0x1, v24  }
0xc8: {  	(xrf0) =	vadd.scan.msk.s32 @p4 $0xffff, v25;
	_ =	sdelay $0x5  }
0xc9: {  	v16 =	vsel @p0 vm0, $0xFFFFFFFF, v16;
	v25, _, _ =	vpop @p4 (xrf0)  }
0xca: {  	v16 =	vadd.s32 @p0 s20, v16;
	(v2sf) =	vpush @p4 v25, $0xF  }
0xcb: {  	v16 =	vadd.s32 @p0 v17, v16;
	s21 =	sadd.s32 @p0 s20, s21;
	v18 =	vsel @p1 vm1, $0xFFFFFFFF, v18  }
0xcc: {  	vm5 =	vlt.s32 @p0 v16, $0xFFF;
	s20 =	smov.u32 @p0 s21;
	v17 =	vadd.s32 @p1 v18, v19  }
0xcd: {  	v16 =	vnsel @p0 vm5, $0xFFF, v16;
	v17 =	vadd.s32 @p1 s20, v17;
	s21 =	sadd.s32 @p1 s22, s20;
	v18 =	vsel @p2 vm2, $0xFFFFFFFF, v20  }
0xce: {  	vm5 =	vlt.s32 @p1 v17, $0xFFF;
	s20 =	smov.u32 @p1 s21;
	v18 =	vadd.s32 @p2 v18, v21  }
0xcf: {  	v17 =	vnsel @p1 vm5, $0xFFF, v17;
	v18 =	vadd.s32 @p2 s20, v18;
	s21 =	sadd.s32 @p2 s23, s20;
	v19 =	vsel @p3 vm3, $0xFFFFFFFF, v22  }
0xd0: {  	v20 =	vlaneseq.u32 @p0;
	vm5 =	vlt.s32 @p2 v18, $0xFFF;
	s20 =	smov.u32 @p2 s21;
	v19 =	vadd.s32 @p3 v19, v23  }
0xd1: {  	s22 =	simm.s32 @p0 $0x18700;
	v18 =	vnsel @p2 vm5, $0xFFF, v18;
	s21 =	sadd.s32 $0xFFFFFFC0, s18;
	v19 =	vadd.s32 @p3 s20, v19;
	s23 =	sadd.s32 @p3 s24, s20;
	v21 =	vsel @p4 vm4, $0xFFFFFFFF, v24  }
0xd2: {  	[tilespmem:v16+s22+$0x0] =	vst.idx.msk @p0 vm0, v15;
	v20 =	vor.u32 @p0 s21, v20;
	s21 =	simm.s32 @p0 $0x19700;
	vm5 =	vlt.s32 @p3 v19, $0xFFF;
	s20 =	smov.u32 @p3 s23;
	v15 =	vadd.s32 @p4 v21, v25  }
0xd3: {  	s22 =	simm.s32 @p1 $0x18700;
	[tilespmem:v16+s21+$0x0] =	vst.idx.msk @p0 vm0, v20;
	s21 =	sadd.s32 $0xFFFFFFD0, s18;
	v16 =	vnsel @p3 vm5, $0xFFF, v19;
	v19 =	vlaneseq.u32 @p1;
	v15 =	vadd.s32 @p4 s20, v15  }
0xd4: {  	[tilespmem:v17+s22+$0x0] =	vst.idx.msk @p1 vm1, v14;
	v14 =	vor.u32 @p1 s21, v19;
	s21 =	simm.s32 @p1 $0x19700;
	vm0 =	vlt.s32 @p4 v15, $0xFFF  }
0xd5: {  	s22 =	simm.s32 @p2 $0x18700;
	[tilespmem:v17+s21+$0x0] =	vst.idx.msk @p1 vm1, v14;
	s21 =	sadd.s32 $0xFFFFFFE0, s18;
	v14 =	vlaneseq.u32 @p2;
	v15 =	vnsel @p4 vm0, $0xFFF, v15  }
0xd6: {  	[tilespmem:v18+s22+$0x0] =	vst.idx.msk @p2 vm2, v13;
	v13 =	vor.u32 @p2 s21, v14;
	s21 =	simm.s32 @p2 $0x19700  }
.Ltmp5:
0xd7: {  	s22 =	simm.s32 @p3 $0x18700;
	[tilespmem:v18+s21+$0x0] =	vst.idx.msk @p2 vm2, v13;
	s21 =	sadd.s32 $0xFFFFFFF0, s18;
	v13 =	vlaneseq.u32 @p3;
	(pc) =	sbr.rel .LBB2_8-.Ltmp5, $4  }
0xd8: {  	[tilespmem:v16+s22+$0x0] =	vst.idx.msk @p3 vm3, v12;
	v12 =	vor.u32 @p3 s21, v13;
	s21 =	simm.s32 @p3 $0x19700  }
0xd9: {  	[tilespmem:v16+s21+$0x0] =	vst.idx.msk @p3 vm3, v12;
	s21 =	simm.s32 @p4 $0x18700;
	v12 =	vlaneseq.u32 @p4;
	s22 =	spop @p4 (v2sf)  }
0xda: {  	[tilespmem:v15+s21+$0x0] =	vst.idx.msk @p4 vm4, v11;
	v11 =	vor.u32 @p4 s18, v12;
	s21 =	simm.s32 @p4 $0x19700;
	s22 =	sadd.s32 @p4 s22, s20  }
0xdb: {  	[tilespmem:v15+s21+$0x0] =	vst.idx.msk @p4 vm4, v11;
	s20 =	smov.u32 @p4 s22  }
.LBB2_9:
0xdc: {  	(v2sf) =	vpush v9, $0x0;
	_ =	sdelay $0x9  }
0xdd: {  	p0 =	sgt.s32 s20, $0x200  }
.Ltmp6:
0xde: {  	_ = 	snop;
	(pc) =	sbr.rel @p0 .LBB2_10-.Ltmp6, $2  }
0xdf: {  	_ =	sdelay $0x2  }
0xe0: {  	s19 =	simm.s32 $0x0;
	s18 =	spop (v2sf)  }
0xe1: {  	v9 =	vld [tilespmem:$0x18700];
	_ =	sdelay $0x1  }
0xe2: {  	v10 =	vld [tilespmem:$0x18710];
	_ =	sdelay $0x1  }
0xe3: {  	v11 =	vld [tilespmem:$0x18720]  }
0xe4: {  	vm0 =	vgt.f32 v9, $-Inf  }
0xe5: {  	v12 =	vld [tilespmem:$0x18730];
	v9 =	vnsel vm0, $0xFF800000, v9  }
0xe6: {  	vm1 =	vgt.f32 v10, v9  }
0xe7: {  	v9 =	vsel vm1, v10, v9;
	v10 =	vld [tilespmem:$0x18740]  }
0xe8: {  	vm12 =	vgt.f32 v11, v9  }
0xe9: {  	v9 =	vsel vm12, v11, v9;
	v11 =	vld [tilespmem:$0x18750]  }
0xea: {  	vm2 =	vgt.f32 v12, v9  }
0xeb: {  	v9 =	vsel vm2, v12, v9;
	v12 =	vld [tilespmem:$0x18760]  }
0xec: {  	vm4 =	vgt.f32 v10, v9  }
0xed: {  	v9 =	vsel vm4, v10, v9;
	v10 =	vld [tilespmem:$0x18770]  }
0xee: {  	vm3 =	vgt.f32 v11, v9  }
0xef: {  	v9 =	vsel vm3, v11, v9;
	v11 =	vld [tilespmem:$0x18780]  }
0xf0: {  	vm15 =	vgt.f32 v12, v9  }
0xf1: {  	v9 =	vsel vm15, v12, v9;
	v12 =	vld [tilespmem:$0x18790]  }
0xf2: {  	vm6 =	vgt.f32 v10, v9  }
0xf3: {  	v9 =	vsel vm6, v10, v9;
	v10 =	vld [tilespmem:$0x187A0]  }
0xf4: {  	vm13 =	vgt.f32 v11, v9  }
0xf5: {  	v9 =	vsel vm13, v11, v9;
	v11 =	vld [tilespmem:$0x187B0]  }
0xf6: {  	vm14 =	vgt.f32 v12, v9  }
0xf7: {  	v9 =	vsel vm14, v12, v9;
	v12 =	vld [tilespmem:$0x187C0]  }
0xf8: {  	vm10 =	vgt.f32 v10, v9  }
0xf9: {  	v9 =	vsel vm10, v10, v9;
	v10 =	vld [tilespmem:$0x187D0]  }
0xfa: {  	vm11 =	vgt.f32 v11, v9  }
0xfb: {  	v9 =	vsel vm11, v11, v9;
	v11 =	vld [tilespmem:$0x187E0]  }
0xfc: {  	vm8 =	vgt.f32 v12, v9  }
0xfd: {  	v9 =	vsel vm8, v12, v9;
	v12 =	vld [tilespmem:$0x187F0]  }
0xfe: {  	vm9 =	vgt.f32 v10, v9  }
0xff: {  	v9 =	vsel vm9, v10, v9;
	v10 =	vld [tilespmem:$0x18800]  }
0x100: {  	vm7 =	vgt.f32 v11, v9  }
0x101: {  	v13 =	vimm.s32 $0x0;
	v9 =	vsel vm7, v11, v9;
	v11 =	vld [tilespmem:$0x18810]  }
0x102: {  	v13 =	vsel vm7, $0xFFFFFFFF, v13;
	vm7 =	vgt.f32 v12, v9  }
0x103: {  	v9 =	vsel vm7, v12, v9;
	v12 =	vld [tilespmem:$0x18820]  }
0x104: {  	[tilespmem:$0x1FFA0] =	vst v13;
	v13 =	vimm.s32 $0x0;
	vm5 =	vgt.f32 v10, v9  }
0x105: {  	v13 =	vsel vm5, $0xFFFFFFFF, v13;
	v9 =	vsel vm5, v10, v9;
	v10 =	vld [tilespmem:$0x18830]  }
0x106: {  	[tilespmem:$0x1FFB0] =	vst v13;
	vm0 =	vgt.f32 v11, v9;
	v13 =	vimm.s32 $0x0  }
0x107: {  	v13 =	vsel vm0, $0xFFFFFFFF, v13;
	v9 =	vsel vm0, v11, v9;
	v11 =	vld [tilespmem:$0x18840]  }
0x108: {  	[tilespmem:$0x1FFC0] =	vst v13;
	vm0 =	vgt.f32 v12, v9;
	v13 =	vimm.s32 $0x0  }
0x109: {  	v13 =	vsel vm0, $0xFFFFFFFF, v13;
	v9 =	vsel vm0, v12, v9;
	v12 =	vld [tilespmem:$0x18850]  }
0x10a: {  	[tilespmem:$0x1FFD0] =	vst v13;
	vm0 =	vgt.f32 v10, v9;
	v13 =	vimm.s32 $0x0  }
0x10b: {  	v13 =	vsel vm0, $0xFFFFFFFF, v13;
	v9 =	vsel vm0, v10, v9  }
0x10c: {  	[tilespmem:$0x1FFE0] =	vst v13;
	v13 =	vld [tilespmem:$0x18860];
	vm5 =	vgt.f32 v11, v9  }
0x10d: {  	v10 =	vsel vm5, v11, v9  }
0x10e: {  	v14 =	vld [tilespmem:$0x18870];
	v11 =	vimm.s32 $0x0;
	vm0 =	vgt.f32 v12, v10  }
0x10f: {  	v9 =	vor.u32 $0x10, v7;
	v11 =	vsel vm0, $0xFFFFFFFF, v11  }
0x110: {  	v16 =	vld [tilespmem:$0x18880];
	v12 =	vsel vm0, v12, v10;
	v10 =	vor.u32 $0x20, v7;
	[tilespmem:$0x1FFF0] =	vst v11;
	v11 =	vsel vm1, v9, v7  }
0x111: {  	v15 =	vsel vm12, v10, v11;
	vm12 =	vgt.f32 v13, v12  }
0x112: {  	v18 =	vld [tilespmem:$0x18890];
	v17 =	vsel vm12, v13, v12  }
0x113: {  	vm0 =	vgt.f32 v14, v17  }
0x114: {  	v20 =	vld [tilespmem:$0x188A0];
	v11 =	vor.u32 $0x30, v7;
	v17 =	vsel vm0, v14, v17  }
0x115: {  	v15 =	vsel vm2, v11, v15;
	v12 =	vor.u32 $0x40, v7;
	vm1 =	vgt.f32 v16, v17  }
0x116: {  	v22 =	vld [tilespmem:$0x188B0];
	v13 =	vor.u32 $0x50, v7;
	v15 =	vsel vm4, v12, v15;
	v21 =	vsel vm1, v16, v17  }
0x117: {  	v24 =	vld [tilespmem:$0x188C0];
	v15 =	vsel vm3, v13, v15;
	v14 =	vor.u32 $0x60, v7;
	vm2 =	vgt.f32 v18, v21  }
0x118: {  	v26 =	vld [tilespmem:$0x188D0];
	v19 =	vsel vm15, v14, v15;
	v15 =	vor.u32 $0x70, v7;
	v21 =	vsel vm2, v18, v21  }
0x119: {  	v28 =	vld [tilespmem:$0x188E0];
	v19 =	vsel vm6, v15, v19;
	v16 =	vor.u32 $0x80, v7;
	vm3 =	vgt.f32 v20, v21  }
0x11a: {  	v27 =	vld [tilespmem:$0x1FFA0];
	v17 =	vor.u32 $0x90, v7;
	v19 =	vsel vm13, v16, v19;
	v25 =	vsel vm3, v20, v21  }
0x11b: {  	v62 =	vld [tilespmem:$0x1FFE0];
	v19 =	vsel vm14, v17, v19;
	v18 =	vor.u32 $0xA0, v7;
	vm4 =	vgt.f32 v22, v25  }
0x11c: {  	v31 =	vld [tilespmem:$0x1FFC0];
	v23 =	vsel vm10, v18, v19;
	v19 =	vor.u32 $0xB0, v7;
	v25 =	vsel vm4, v22, v25  }
0x11d: {  	v32 =	vld [tilespmem:$0x1FFD0];
	v23 =	vsel vm11, v19, v23;
	v20 =	vor.u32 $0xC0, v7;
	vm6 =	vgt.f32 v24, v25  }
0x11e: {  	v21 =	vor.u32 $0xD0, v7;
	v23 =	vsel vm8, v20, v23;
	v29 =	vsel vm6, v24, v25;
	v25 =	vld [tilespmem:$0x1FFB0]  }
0x11f: {  	vm10 =	vnez.u8 v27;
	v23 =	vsel vm9, v21, v23;
	v22 =	vor.u32 $0xE0, v7  }
0x120: {  	v30 =	vld [tilespmem:$0x188F0];
	vm15 =	vnez.u8 v62;
	v27 =	vsel vm10, v22, v23;
	v23 =	vor.u32 $0xF0, v7  }
0x121: {  	vm13 =	vnez.u8 v31;
	v27 =	vsel vm7, v23, v27;
	vm7 =	vgt.f32 v26, v29  }
0x122: {  	vm14 =	vnez.u8 v32;
	v24 =	vor.u32 $0x100, v7;
	v29 =	vsel vm7, v26, v29  }
0x123: {  	v63 =	vld [tilespmem:$0x1FFF0];
	v26 =	vor.u32 $0x120, v7;
	vm8 =	vgt.f32 v28, v29;
	vm11 =	vnez.u8 v25  }
0x124: {  	v29 =	vsel vm8, v28, v29;
	v25 =	vor.u32 $0x110, v7;
	v27 =	vsel vm11, v24, v27  }
0x125: {  	v31 =	vsel vm13, v25, v27;
	v27 =	vor.u32 $0x130, v7;
	vm13 =	vgt.f32 v30, v29  }
0x126: {  	v31 =	vsel vm14, v26, v31;
	v43 =	vsel vm13, v30, v29;
	v29 =	vand.u32 $0xF, v0  }
0x127: {  	v28 =	vor.u32 $0x140, v7;
	v31 =	vsel vm15, v27, v31;
	v33 =	vperm.xlane v43, v29  }
0x128: {  	v30 =	vor.u32 $0x150, v7;
	vm14 =	vnez.u8 v63;
	v31 =	vsel vm5, v28, v31  }
0x129: {  	v32 =	vsel vm14, v30, v31;
	v31 =	vor.u32 $0x160, v7;
	v36 =	vmax.f32 v43, v33  }
0x12a: {  	v33 =	vor.u32 $0x170, v7;
	v34 =	vsel vm12, v31, v32;
	v32 =	vand.u32 $0xF, v1  }
0x12b: {  	v35 =	vsel vm0, v33, v34;
	v37 =	vperm.xlane v36, v32;
	v34 =	vor.u32 $0x180, v7  }
0x12c: {  	v38 =	vsel vm1, v34, v35  }
0x12d: {  	v35 =	vor.u32 $0x190, v7;
	v39 =	vmax.f32 v36, v37;
	v36 =	vand.u32 $0xF, v2  }
0x12e: {  	v38 =	vsel vm2, v35, v38;
	v37 =	vor.u32 $0x1A0, v7;
	v40 =	vperm.xlane v39, v36  }
0x12f: {  	v41 =	vsel vm3, v37, v38;
	v38 =	vor.u32 $0x1B0, v7  }
0x130: {  	v41 =	vsel vm4, v38, v41;
	v42 =	vmax.f32 v39, v40;
	v39 =	vor.u32 $0x1C0, v7  }
0x131: {  	v40 =	vor.u32 $0x1D0, v7;
	v41 =	vsel vm6, v39, v41;
	v44 =	vperm.xlane v42, v3  }
0x132: {  	v45 =	vsel vm7, v40, v41;
	v41 =	vor.u32 $0x1E0, v7  }
0x133: {  	v45 =	vsel vm8, v41, v45;
	v44 =	vmax.f32 v42, v44;
	v42 =	vor.u32 $0x1F0, v7  }
0x134: {  	v45 =	vsel vm13, v42, v45;
	vm15 =	veq.f32 v43, v44  }
0x135: {  	v43 =	vnsel vm15, $0x40000000, v45  }
0x136: {  	v45 =	vperm.xlane v43, v29;
	_ =	sdelay $0x1  }
0x137: {  	vm0 =	vlt.s32 v43, v45  }
0x138: {  	v43 =	vsel vm0, v43, v45  }
0x139: {  	v45 =	vperm.xlane v43, v32;
	_ =	sdelay $0x1  }
0x13a: {  	vm0 =	vlt.s32 v43, v45  }
0x13b: {  	v43 =	vsel vm0, v43, v45  }
0x13c: {  	v45 =	vperm.xlane v43, v36;
	_ =	sdelay $0x1  }
0x13d: {  	vm0 =	vlt.s32 v43, v45  }
0x13e: {  	v43 =	vsel vm0, v43, v45  }
0x13f: {  	v45 =	vperm.xlane v43, v3;
	_ =	sdelay $0x1  }
0x140: {  	v46 =	vmov s19;
	vm0 =	vlt.s32 v43, v45  }
0x141: {  	v43 =	vsel vm0, v43, v45;
	_ =	sdelay $0x3  }
0x142: {  	[tilespmem:v46+s13+$0x0] =	vst.idx.msk $0x1, v44  }
0x143: {  	v44 =	vld.idx.msk [tilespmem:v43+s14+$0x0], $0xffff;
	_ =	sdelay $0x4  }
0x144: {  	s19 =	simm.s32 $0x1;
	[tilespmem:v46+s15+$0x0] =	vst.idx.msk $0x1, v44  }
.LBB2_14:
0x145: {  	[tilespmem:v43+s16+$0x0] =	vst.idx.msk $0x1, v4  }
0x146: {  	v43 =	vld [tilespmem:$0x18700];
	_ =	sdelay $0x1  }
0x147: {  	v44 =	vld [tilespmem:$0x18710];
	_ =	sdelay $0x1  }
0x148: {  	v45 =	vld [tilespmem:$0x18720]  }
0x149: {  	vm0 =	vgt.f32 v43, $-Inf  }
0x14a: {  	v46 =	vld [tilespmem:$0x18730];
	v43 =	vnsel vm0, $0xFF800000, v43  }
0x14b: {  	vm0 =	vgt.f32 v44, v43  }
0x14c: {  	v55 =	vld [tilespmem:$0x18740];
	v43 =	vsel vm0, v44, v43  }
0x14d: {  	vm1 =	vgt.f32 v45, v43  }
0x14e: {  	v56 =	vld [tilespmem:$0x18750];
	v43 =	vsel vm1, v45, v43  }
0x14f: {  	vm2 =	vgt.f32 v46, v43  }
0x150: {  	v57 =	vld [tilespmem:$0x18760];
	v43 =	vsel vm2, v46, v43  }
0x151: {  	vm3 =	vgt.f32 v55, v43  }
0x152: {  	v58 =	vld [tilespmem:$0x18770];
	v43 =	vsel vm3, v55, v43  }
0x153: {  	vm4 =	vgt.f32 v56, v43  }
0x154: {  	v47 =	vimm.s32 $0x0;
	v59 =	vld [tilespmem:$0x18780];
	v43 =	vsel vm4, v56, v43  }
0x155: {  	v47 =	vsel vm4, $0xFFFFFFFF, v47;
	vm4 =	vgt.f32 v57, v43  }
0x156: {  	v60 =	vimm.s32 $0x0;
	v61 =	vld [tilespmem:$0x18790];
	v43 =	vsel vm4, v57, v43  }
0x157: {  	[tilespmem:$0x1FF00] =	vst v47;
	v47 =	vsel vm4, $0xFFFFFFFF, v60;
	vm4 =	vgt.f32 v58, v43  }
0x158: {  	v62 =	vimm.s32 $0x0;
	v63 =	vld [tilespmem:$0x187A0];
	v43 =	vsel vm4, v58, v43  }
0x159: {  	[tilespmem:$0x1FF10] =	vst v47;
	v47 =	vsel vm4, $0xFFFFFFFF, v62;
	vm4 =	vgt.f32 v59, v43  }
0x15a: {  	v48 =	vimm.s32 $0x0;
	v49 =	vld [tilespmem:$0x187B0];
	v43 =	vsel vm4, v59, v43  }
0x15b: {  	[tilespmem:$0x1FF20] =	vst v47;
	v47 =	vsel vm4, $0xFFFFFFFF, v48;
	vm4 =	vgt.f32 v61, v43  }
0x15c: {  	v50 =	vimm.s32 $0x0;
	v51 =	vld [tilespmem:$0x187C0];
	v43 =	vsel vm4, v61, v43  }
0x15d: {  	[tilespmem:$0x1FF30] =	vst v47;
	v47 =	vsel vm4, $0xFFFFFFFF, v50;
	vm4 =	vgt.f32 v63, v43  }
0x15e: {  	v52 =	vimm.s32 $0x0;
	v53 =	vld [tilespmem:$0x187D0];
	v43 =	vsel vm4, v63, v43  }
0x15f: {  	[tilespmem:$0x1FF40] =	vst v47;
	v47 =	vsel vm4, $0xFFFFFFFF, v52;
	vm4 =	vgt.f32 v49, v43  }
0x160: {  	v54 =	vimm.s32 $0x0;
	v55 =	vld [tilespmem:$0x187E0];
	v43 =	vsel vm4, v49, v43  }
0x161: {  	[tilespmem:$0x1FF50] =	vst v47;
	v47 =	vsel vm4, $0xFFFFFFFF, v54;
	vm4 =	vgt.f32 v51, v43  }
0x162: {  	v56 =	vimm.s32 $0x0;
	v57 =	vld [tilespmem:$0x187F0];
	v43 =	vsel vm4, v51, v43  }
0x163: {  	[tilespmem:$0x1FF60] =	vst v47;
	v47 =	vsel vm4, $0xFFFFFFFF, v56;
	vm4 =	vgt.f32 v53, v43  }
0x164: {  	v58 =	vimm.s32 $0x0;
	v59 =	vld [tilespmem:$0x18800];
	v43 =	vsel vm4, v53, v43  }
0x165: {  	[tilespmem:$0x1FF70] =	vst v47;
	v47 =	vsel vm4, $0xFFFFFFFF, v58;
	vm4 =	vgt.f32 v55, v43  }
0x166: {  	v61 =	vld [tilespmem:$0x18810];
	v43 =	vsel vm4, v55, v43  }
0x167: {  	vm14 =	vgt.f32 v57, v43  }
0x168: {  	v62 =	vld [tilespmem:$0x18820];
	v43 =	vsel vm14, v57, v43  }
0x169: {  	vm15 =	vgt.f32 v59, v43  }
0x16a: {  	v63 =	vld [tilespmem:$0x18830];
	v43 =	vsel vm15, v59, v43  }
0x16b: {  	vm12 =	vgt.f32 v61, v43  }
0x16c: {  	v48 =	vld [tilespmem:$0x18840];
	v43 =	vsel vm12, v61, v43  }
0x16d: {  	vm11 =	vgt.f32 v62, v43  }
0x16e: {  	v49 =	vld [tilespmem:$0x18850];
	v43 =	vsel vm11, v62, v43  }
0x16f: {  	vm10 =	vgt.f32 v63, v43  }
0x170: {  	v50 =	vld [tilespmem:$0x18860];
	v43 =	vsel vm10, v63, v43  }
0x171: {  	vm9 =	vgt.f32 v48, v43  }
0x172: {  	v51 =	vld [tilespmem:$0x18870];
	v43 =	vsel vm9, v48, v43  }
0x173: {  	v52 =	vld [tilespmem:$0x18880];
	vm8 =	vgt.f32 v49, v43  }
0x174: {  	v56 =	vld [tilespmem:$0x188B0];
	v43 =	vsel vm8, v49, v43  }
0x175: {  	v53 =	vld [tilespmem:$0x18890];
	vm7 =	vgt.f32 v50, v43  }
0x176: {  	v58 =	vld [tilespmem:$0x1FF10];
	v43 =	vsel vm7, v50, v43  }
0x177: {  	v60 =	vimm.s32 $0x0;
	v55 =	vld [tilespmem:$0x188A0];
	vm6 =	vgt.f32 v51, v43  }
0x178: {  	[tilespmem:$0x1FF80] =	vst v47;
	v47 =	vsel vm4, $0xFFFFFFFF, v60;
	v60 =	vld [tilespmem:$0x188D0];
	v43 =	vsel vm6, v51, v43  }
0x179: {  	v48 =	vld [tilespmem:$0x1FF00];
	vm5 =	vgt.f32 v52, v43  }
0x17a: {  	v54 =	vsel vm0, v9, v7;
	v57 =	vld [tilespmem:$0x188C0];
	v43 =	vsel vm5, v52, v43  }
0x17b: {  	[tilespmem:$0x1FF90] =	vst v47;
	v47 =	vsel vm1, v10, v54;
	v59 =	vld [tilespmem:$0x1FF20];
	vm4 =	vgt.f32 v53, v43  }
0x17c: {  	v47 =	vsel vm2, v11, v47;
	v61 =	vld [tilespmem:$0x1FF30];
	v43 =	vsel vm4, v53, v43  }
0x17d: {  	v47 =	vsel vm3, v12, v47;
	v62 =	vld [tilespmem:$0x1FF40];
	vm3 =	vgt.f32 v55, v43  }
0x17e: {  	vm13 =	vnez.u8 v48;
	v52 =	vld [tilespmem:$0x1FF50];
	v43 =	vsel vm3, v55, v43  }
0x17f: {  	v47 =	vsel vm13, v13, v47;
	vm13 =	vnez.u8 v58;
	v53 =	vld [tilespmem:$0x1FF60];
	vm2 =	vgt.f32 v56, v43  }
0x180: {  	v47 =	vsel vm13, v14, v47;
	vm13 =	vnez.u8 v59;
	v55 =	vld [tilespmem:$0x1FF70];
	v43 =	vsel vm2, v56, v43  }
0x181: {  	v47 =	vsel vm13, v15, v47;
	vm13 =	vnez.u8 v61;
	v56 =	vld [tilespmem:$0x1FF80];
	vm1 =	vgt.f32 v57, v43  }
0x182: {  	v47 =	vsel vm13, v16, v47;
	vm13 =	vnez.u8 v62;
	v43 =	vsel vm1, v57, v43;
	v57 =	vld [tilespmem:$0x1FF90]  }
0x183: {  	v47 =	vsel vm13, v17, v47;
	vm13 =	vnez.u8 v52  }
0x184: {  	v63 =	vld [tilespmem:$0x188E0];
	v47 =	vsel vm13, v18, v47;
	vm13 =	vnez.u8 v53  }
0x185: {  	v47 =	vsel vm13, v19, v47;
	vm13 =	vnez.u8 v55  }
0x186: {  	v54 =	vld [tilespmem:$0x188F0];
	v47 =	vsel vm13, v20, v47;
	vm13 =	vnez.u8 v56  }
0x187: {  	vm0 =	vgt.f32 v60, v43;
	v47 =	vsel vm13, v21, v47;
	vm13 =	vnez.u8 v57  }
0x188: {  	v43 =	vsel vm0, v60, v43;
	v45 =	vsel vm13, v22, v47  }
0x189: {  	vm13 =	vgt.f32 v63, v43;
	v45 =	vsel vm14, v23, v45  }
0x18a: {  	v43 =	vsel vm13, v63, v43;
	v45 =	vsel vm15, v24, v45  }
0x18b: {  	vm14 =	vgt.f32 v54, v43;
	v45 =	vsel vm12, v25, v45  }
0x18c: {  	v43 =	vsel vm14, v54, v43;
	v58 =	vsel vm11, v26, v45  }
0x18d: {  	v59 =	vperm.xlane v43, v29;
	v44 =	vsel vm10, v27, v58  }
0x18e: {  	v44 =	vsel vm9, v28, v44  }
0x18f: {  	v45 =	vmax.f32 v43, v59;
	v44 =	vsel vm8, v30, v44  }
0x190: {  	v60 =	vperm.xlane v45, v32;
	v44 =	vsel vm7, v31, v44  }
0x191: {  	v44 =	vsel vm6, v33, v44  }
0x192: {  	v45 =	vmax.f32 v45, v60;
	v44 =	vsel vm5, v34, v44  }
0x193: {  	v46 =	vperm.xlane v45, v36;
	v44 =	vsel vm4, v35, v44  }
0x194: {  	v44 =	vsel vm3, v37, v44  }
0x195: {  	v45 =	vmax.f32 v45, v46;
	v44 =	vsel vm2, v38, v44  }
0x196: {  	v46 =	vperm.xlane v45, v3;
	v44 =	vsel vm1, v39, v44  }
0x197: {  	v44 =	vsel vm0, v40, v44  }
0x198: {  	v45 =	vmax.f32 v45, v46;
	v44 =	vsel vm13, v41, v44  }
0x199: {  	vm15 =	veq.f32 v43, v45;
	v62 =	vsel vm14, v42, v44  }
0x19a: {  	v43 =	vnsel vm15, $0x40000000, v62  }
0x19b: {  	v63 =	vperm.xlane v43, v29;
	_ =	sdelay $0x1  }
0x19c: {  	vm0 =	vlt.s32 v43, v63  }
0x19d: {  	v43 =	vsel vm0, v43, v63  }
0x19e: {  	v44 =	vperm.xlane v43, v32;
	_ =	sdelay $0x1  }
0x19f: {  	vm0 =	vlt.s32 v43, v44  }
0x1a0: {  	v43 =	vsel vm0, v43, v44  }
0x1a1: {  	v44 =	vperm.xlane v43, v36;
	_ =	sdelay $0x1  }
0x1a2: {  	vm0 =	vlt.s32 v43, v44  }
0x1a3: {  	v43 =	vsel vm0, v43, v44  }
0x1a4: {  	v44 =	vperm.xlane v43, v3  }
0x1a5: {  	s20 =	smov.u32 s19  }
0x1a6: {  	v61 =	vmov s20;
	vm0 =	vlt.s32 v43, v44  }
0x1a7: {  	v43 =	vsel vm0, v43, v44;
	_ =	sdelay $0x3  }
0x1a8: {  	[tilespmem:v61+s13+$0x0] =	vst.idx.msk $0x1, v45  }
0x1a9: {  	p0 =	seq.s32 s19, $0x3F;
	v44 =	vld.idx.msk [tilespmem:v43+s14+$0x0], $0xffff  }
.Ltmp7:
0x1aa: {  	_ = 	snop;
	(pc) =	sbr.rel @!p0 .LBB2_14-.Ltmp7, $2  }
0x1ab: {  	_ =	sdelay $0x2  }
0x1ac: {  	s19 =	sadd.s32 $0x1, s19;
	[tilespmem:v61+s15+$0x0] =	vst.idx.msk $0x1, v44  }
0x1ad: {  	_ =	sdelay $0x3  }
0x1ae: {  	[tilespmem:v43+s16+$0x0] =	vst.idx.msk $0x1, v4  }
.LBB2_23:
0x1af: {  	v9 =	vld [tilespmem:$0x1A700]  }
0x1b0: {  	v10 =	vld [tilespmem:$0x1A710]  }
0x1b1: {  	v11 =	vld [tilespmem:$0x1A720]  }
0x1b2: {  	v12 =	vld [tilespmem:$0x1A730];
	_ =	sdelay $0x1  }
0x1b3: {  	v9 =	vmul.f32 v9, v5  }
0x1b4: {  	v10 =	vmul.f32 v10, v5  }
0x1b5: {  	v11 =	vmul.f32 v11, v5;
	[tilespmem:$0x1A700] =	vst v9  }
0x1b6: {  	v13 =	vmul.f32 v12, v5;
	[tilespmem:$0x1A710] =	vst v10  }
0x1b7: {  	[tilespmem:$0x1A720] =	vst v11  }
0x1b8: {  	[tilespmem:$0x1A730] =	vst v13  }
0x1b9: {  	v14 =	vld.msk [tilespmem:s13+$0x0], $0xffff;
	_ =	sdelay $0x4  }
0x1ba: {  	v12 =	vsub.f32 v9, v14;
	_ =	sdelay $0x1  }
0x1bb: {  	s18 =	sadd.s32 $0xFFFFFFFF, s18;
	v16 =	vsub.f32 v10, v14;
	v15 =	vmul.f32 $1.442695020e+00, v12  }
0x1bc: {  	v12 =	vmov s18  }
0x1bd: {  	(erf) = vpow2.f32 v15;
	v15 =	vmul.f32 $1.442695020e+00, v16;
	_ =	sdelay $0x1  }
0x1be: {  	v16 =	vsub.f32 v11, v14;
	(erf) = vpow2.f32 v15  }
0x1bf: {  	v14 =	vsub.f32 v13, v14  }
0x1c0: {  	v15 =	vmul.f32 $1.442695020e+00, v16;
	v16 =	vld.idx.msk [tilespmem:v12+s13+$0x0], $0xffff  }
0x1c1: {  	v14 =	vmul.f32 $1.442695020e+00, v14  }
0x1c2: {  	(erf) = vpow2.f32 v15;
	_ =	sdelay $0x1  }
0x1c3: {  	(erf) = vpow2.f32 v14  }
0x1c4: {  	vm0 =	vge.f32 v9, v16;
	v14 =	vpop (erf)  }
0x1c5: {  	v14 =	vnsel vm0, $0x0, v14  }
0x1c6: {  	vm10 =	vge.f32 v10, v16;
	v9 =	vpop (erf);
	v15 =	vadd.f32 $0.0e+00, v14  }
0x1c7: {  	v17 =	vnsel vm10, $0x0, v9  }
0x1c8: {  	v10 =	vadd.f32 v15, v17;
	_ =	sdelay $0x1  }
0x1c9: {  	vm11 =	vge.f32 v11, v16;
	v9 =	vpop (erf)  }
0x1ca: {  	v15 =	vnsel vm11, $0x0, v9  }
0x1cb: {  	vm12 =	vge.f32 v13, v16;
	v9 =	vadd.f32 v10, v15;
	v10 =	vpop (erf)  }
0x1cc: {  	v13 =	vnsel vm12, $0x0, v10  }
0x1cd: {  	v9 =	vadd.f32 v9, v13  }
0x1ce: {  	v11 =	vand.u32 $0xF, v0  }
0x1cf: {  	v10 =	vperm.xlane v9, v11;
	_ =	sdelay $0x1  }
0x1d0: {  	v9 =	vadd.f32 v9, v10  }
0x1d1: {  	v10 =	vand.u32 $0xF, v1  }
0x1d2: {  	v16 =	vperm.xlane v9, v10;
	_ =	sdelay $0x1  }
0x1d3: {  	v16 =	vadd.f32 v9, v16  }
0x1d4: {  	v9 =	vand.u32 $0xF, v2  }
0x1d5: {  	v18 =	vperm.xlane v16, v9;
	_ =	sdelay $0x1  }
0x1d6: {  	v16 =	vadd.f32 v16, v18;
	_ =	sdelay $0x1  }
0x1d7: {  	v18 =	vperm.xlane v16, v3;
	_ =	sdelay $0x1  }
0x1d8: {  	v16 =	vadd.f32 v16, v18;
	_ =	sdelay $0x1  }
0x1d9: {  	(erf) = vrcp.f32 v16;
	_ =	sdelay $0x8  }
0x1da: {  	v16 =	vpop (erf)  }
0x1db: {  	v14 =	vmul.f32 v16, v14;
	_ =	sdelay $0x1  }
0x1dc: {  	(xrf2) =	vadd.scan.msk.f32 $0xffff, v14;
	_ =	sdelay $0x9  }
0x1dd: {  	v14, _, _ =	vpop (xrf2)  }
0x1de: {  	(v2sf) =	vpush v14, $0xF;
	_ =	sdelay $0x4  }
0x1df: {  	v17 =	vmul.f32 v16, v17;
	_ =	sdelay $0x1  }
0x1e0: {  	(xrf2) =	vadd.scan.msk.f32 $0xffff, v17;
	_ =	sdelay $0x1  }
0x1e1: {  	v15 =	vmul.f32 v16, v15;
	_ =	sdelay $0x1  }
0x1e2: {  	(xrf2) =	vadd.scan.msk.f32 $0xffff, v15;
	_ =	sdelay $0x1  }
0x1e3: {  	v13 =	vmul.f32 v16, v13;
	_ =	sdelay $0x1  }
0x1e4: {  	(xrf2) =	vadd.scan.msk.f32 $0xffff, v13;
	s31 =	spop (v2sf)  }
0x1e5: {  	s18 =	sadd.f32 $0.0e+00, s31  }
0x1e6: {  	v13, _, _ =	vpop (xrf2)  }
0x1e7: {  	v13 =	vadd.f32 s18, v13;
	_ =	sdelay $0x1  }
0x1e8: {  	v15 =	vbroadcast v13, $0xF  }
0x1e9: {  	v16, _, _ =	vpop (xrf2)  }
0x1ea: {  	v15 =	vadd.f32 v15, v16;
	_ =	sdelay $0x1  }
0x1eb: {  	v16 =	vbroadcast v15, $0xF  }
0x1ec: {  	vm13 =	vle.f32 v14, $8.999999760e-01;
	v14, _, _ =	vpop (xrf2)  }
0x1ed: {  	vm14 =	vle.f32 v13, $8.999999760e-01;
	v14 =	vadd.f32 v16, v14  }
0x1ee: {  	v17 =	vsel vm13, $0x1, v8;
	s18 =	simm.s32 $0xC0;
	v13 =	vsel vm14, $0x1, v8  }
0x1ef: {  	[tilespmem:s18+$0xFFFFFF40] =	vst v4;
	vm15 =	vle.f32 v15, $8.999999760e-01;
	v16 =	vperm.xlane v17, v11;
	vm1 =	vle.f32 v14, $8.999999760e-01  }
0x1f0: {  	[tilespmem:s18+$0xFFFFFFB0] =	vst v4;
	v15 =	vperm.xlane v13, v11;
	v14 =	vsel vm15, $0x1, v8;
	v18 =	vsel vm1, $0x1, v8  }
0x1f1: {  	[tilespmem:s18+$0xFFFFFFA0] =	vst v4;
	v16 =	vadd.s32 v17, v16;
	v17 =	vperm.xlane v14, v11;
	v19 =	vperm.xlane v18, v11  }
0x1f2: {  	[tilespmem:s18+$0xFFFFFF90] =	vst v4;
	v13 =	vadd.s32 v13, v15;
	v20 =	vperm.xlane v16, v10  }
0x1f3: {  	[tilespmem:s18+$0xFFFFFF80] =	vst v4;
	v15 =	vperm.xlane v13, v10;
	v14 =	vadd.s32 v14, v17;
	v17 =	vadd.s32 v18, v19  }
0x1f4: {  	[tilespmem:s18+$0xFFFFFF70] =	vst v4;
	v16 =	vadd.s32 v20, v16;
	v18 =	vperm.xlane v14, v10;
	v19 =	vperm.xlane v17, v10  }
0x1f5: {  	s19 =	simm.s32 $0x0;
	[tilespmem:s18+$0xFFFFFF60] =	vst v4;
	v15 =	vadd.s32 v15, v13;
	v20 =	vperm.xlane v16, v9  }
0x1f6: {  	s19 =	sand.u32 $0x1FFF0, s19;
	[tilespmem:s18+$0xFFFFFF50] =	vst v4;
	v21 =	vperm.xlane v15, v9;
	v22 =	vadd.s32 v18, v14;
	v19 =	vadd.s32 v19, v17  }
0x1f7: {  	[tilespmem:s19+$0x80] =	vst v4;
	v13 =	vadd.s32 v20, v16;
	v17 =	vperm.xlane v22, v9;
	v20 =	vperm.xlane v19, v9  }
0x1f8: {  	[tilespmem:s18+$0x30] =	vst v4;
	v14 =	vadd.s32 v21, v15;
	v16 =	vperm.xlane v13, v3  }
0x1f9: {  	[tilespmem:s18+$0x20] =	vst v4;
	v18 =	vperm.xlane v14, v3;
	v17 =	vadd.s32 v17, v22;
	v15 =	vadd.s32 v20, v19  }
0x1fa: {  	s20 =	simm.s32 $0x190;
	s21 =	simm.s32 $0xC0;
	[tilespmem:s18+$0x10] =	vst v4;
	v20 =	vperm.xlane v17, v3;
	v19 =	vperm.xlane v15, v3  }
.LBB2_24:
0x1fb: {  	p0 =	sne.s32 s20, $0x18510  }
0x1fc: {  	[tilespmem:s18+$0x0] =	vst v4;
	s21 =	sadd.s32 $0x190, s21;
	s22 =	smov.u32 s20;
	s20 =	sadd.s32 $0x190, s20  }
0x1fd: {  	[tilespmem:s18+$0xFFFFFFF0] =	vst v4  }
0x1fe: {  	[tilespmem:s18+$0xFFFFFFD0] =	vst v4  }
0x1ff: {  	[tilespmem:s18+$0xFFFFFFE0] =	vst v4  }
0x200: {  	[tilespmem:s19+$0x100] =	vst v4  }
0x201: {  	[tilespmem:s18+$0x50] =	vst v4  }
0x202: {  	[tilespmem:s18+$0xB0] =	vst v4  }
0x203: {  	[tilespmem:s18+$0xA0] =	vst v4  }
0x204: {  	[tilespmem:s18+$0x90] =	vst v4  }
0x205: {  	[tilespmem:s18+$0x80] =	vst v4  }
0x206: {  	[tilespmem:s18+$0x60] =	vst v4  }
0x207: {  	[tilespmem:s18+$0x70] =	vst v4;
	s18 =	smov.u32 s21  }
0x208: {  	[tilespmem:s19+$0x180] =	vst v4  }
0x209: {  	[tilespmem:s21+$0xFFFFFF40] =	vst v4  }
0x20a: {  	[tilespmem:s21+$0xFFFFFFB0] =	vst v4  }
0x20b: {  	[tilespmem:s21+$0xFFFFFFA0] =	vst v4  }
0x20c: {  	[tilespmem:s21+$0xFFFFFF90] =	vst v4  }
0x20d: {  	[tilespmem:s21+$0xFFFFFF80] =	vst v4  }
0x20e: {  	[tilespmem:s21+$0xFFFFFF70] =	vst v4  }
0x20f: {  	[tilespmem:s21+$0xFFFFFF60] =	vst v4  }
.Ltmp8:
0x210: {  	s19 =	sand.u32 $0x1FFF0, s22;
	[tilespmem:s21+$0xFFFFFF50] =	vst v4;
	(pc) =	sbr.rel @p0 .LBB2_24-.Ltmp8, $4  }
0x211: {  	[tilespmem:s19+$0x80] =	vst v4  }
0x212: {  	[tilespmem:s21+$0x30] =	vst v4  }
0x213: {  	[tilespmem:s21+$0x20] =	vst v4  }
0x214: {  	[tilespmem:s21+$0x10] =	vst v4  }
0x215: {  	v13 =	vadd.s32 v16, v13  }
0x216: {  	(v2sf) =	vpush v13, $0x0;
	v13 =	vadd.s32 v18, v14  }
0x217: {  	(v2sf) =	vpush v13, $0x0;
	v13 =	vadd.s32 v20, v17  }
0x218: {  	(v2sf) =	vpush v13, $0x0;
	v13 =	vadd.s32 v19, v15  }
0x219: {  	(v2sf) =	vpush v13, $0x0;
	_ =	sdelay $0x5  }
0x21a: {  	[tilespmem:s18+$0x0] =	vst v4  }
0x21b: {  	[tilespmem:s18+$0xFFFFFFF0] =	vst v4  }
0x21c: {  	[tilespmem:s18+$0xFFFFFFD0] =	vst v4  }
0x21d: {  	[tilespmem:s18+$0xFFFFFFE0] =	vst v4  }
0x21e: {  	[tilespmem:s19+$0x100] =	vst v4  }
0x21f: {  	[tilespmem:s18+$0x50] =	vst v4  }
0x220: {  	[tilespmem:s18+$0xB0] =	vst v4;
	s20 =	spop (v2sf)  }
0x221: {  	[tilespmem:s18+$0xA0] =	vst v4;
	s21 =	spop (v2sf)  }
0x222: {  	[tilespmem:s18+$0x90] =	vst v4;
	s20 =	sadd.s32 s21, s20;
	s28 =	spop (v2sf)  }
0x223: {  	[tilespmem:s18+$0x80] =	vst v4;
	s20 =	sadd.s32 s28, s20;
	s29 =	spop (v2sf)  }
0x224: {  	[tilespmem:s18+$0x60] =	vst v4;
	s20 =	sadd.s32 s29, s20  }
0x225: {  	[tilespmem:s18+$0x70] =	vst v4;
	s18 =	sadd.s32 $0x1, s20  }
0x226: {  	[tilespmem:s19+$0x180] =	vst v4;
	p0 =	slt.s32 s18, $0x40  }
0x227: {  	v13 =	vld [tilespmem:$0x1A780];
	s18 =	simm.s32 @!p0 $0x40  }
0x228: {  	v16 =	vmov s18  }
0x229: {  	vm0 =	vgt.s32 v16, v7  }
0x22a: {  	v14 =	vld [tilespmem:$0x1A700];
	_ =	sdelay $0x3  }
0x22b: {  	s30 =	simm.s32 $0x0  }
0x22c: {  	[tilespmem:v13+s30+$0x0] =	vst.idx.msk vm0, v14  }
0x22d: {  	v14 =	vld [tilespmem:$0x1A790]  }
0x22e: {  	v13 =	vor.u32 $0x10, v7  }
0x22f: {  	vm13 =	vgt.s32 v16, v13  }
0x230: {  	v15 =	vld [tilespmem:$0x1A710];
	_ =	sdelay $0x4  }
0x231: {  	[tilespmem:v14+s30+$0x0] =	vst.idx.msk vm13, v15  }
0x232: {  	v15 =	vld [tilespmem:$0x1A7A0]  }
0x233: {  	v14 =	vor.u32 $0x20, v7  }
0x234: {  	vm14 =	vgt.s32 v16, v14  }
0x235: {  	v17 =	vld [tilespmem:$0x1A720];
	_ =	sdelay $0x4  }
0x236: {  	[tilespmem:v15+s30+$0x0] =	vst.idx.msk vm14, v17  }
0x237: {  	v17 =	vld [tilespmem:$0x1A7B0]  }
0x238: {  	v15 =	vor.u32 $0x30, v7  }
0x239: {  	vm15 =	vgt.s32 v16, v15  }
0x23a: {  	v16 =	vld [tilespmem:$0x1A730];
	_ =	sdelay $0x4  }
0x23b: {  	[tilespmem:v17+s30+$0x0] =	vst.idx.msk vm15, v16  }
0x23c: {  	[hbm4b:s5+s11] =	stream.strided.scatter [tilespmem:s30], [sflag:$0x1], $0x18700, s12, s11, $0x38;
	[tilespmem:$0x1A880] =	vst v63  }
0x23d: {  	_ =	swait.ge [sflag:s10], $0x18700  }
0x23e: {  	[sflag:s10] =	ssyncset.done $0x0  }
0x23f: {  	[sflag:s10] =	ssyncadd.s32 $0xFFFE7900  }
0x240: {  	[tilespmem:s30], [sflag:$0x1] =	stream.strided.gather [hbm4b:s6+s11], $0x18700, s12, s11, $0x38;
	[tilespmem:$0x1A880] =	vst v63  }
0x241: {  	_ =	swait.ge [sflag:s10], $0x18700  }
0x242: {  	[sflag:s10] =	ssyncset.done $0x0  }
0x243: {  	s18 =	simm.s32 $0xC0;
	[sflag:s10] =	ssyncadd.s32 $0xFFFE7900  }
0x244: {  	v17 =	vld [tilespmem:s18+$0x30]  }
0x245: {  	v16 =	vld [tilespmem:s18+$0xFFFFFF60]  }
0x246: {  	v18 =	vld [tilespmem:s18+$0xFFFFFF40]  }
0x247: {  	v19 =	vld [tilespmem:s18+$0xFFFFFF50]  }
0x248: {  	v20 =	vld [tilespmem:s18+$0xFFFFFF80]  }
0x249: {  	s19 =	sand.u32 $0x1FFF0, s30;
	v21 =	vld [tilespmem:s18+$0xFFFFFFA0]  }
0x24a: {  	v22 =	vld [tilespmem:s19+$0x80]  }
0x24b: {  	v23 =	vld [tilespmem:s18+$0xFFFFFFE0]  }
0x24c: {  	v24 =	vld [tilespmem:s18+$0x0]  }
0x24d: {  	v25 =	vld [tilespmem:s18+$0x20]  }
0x24e: {  	v27 =	vld [tilespmem:s19+$0x100]  }
0x24f: {  	v26 =	vimm.f32 $-Inf;
	v29 =	vld [tilespmem:s18+$0x60]  }
0x250: {  	v31 =	vld [tilespmem:s18+$0x80];
	v28 =	vmax.f32 v26, v18  }
0x251: {  	v33 =	vld [tilespmem:s18+$0xA0];
	v30 =	vmax.f32 v28, v16  }
0x252: {  	v35 =	vld [tilespmem:s19+$0x180];
	v18 =	vmin.f32 v26, v18;
	v28 =	vmin.f32 v28, v16;
	v32 =	vmax.f32 v30, v20  }
0x253: {  	s31 =	simm.s32 $0x190;
	v41 =	vld [tilespmem:s18+$0xFFFFFFB0];
	v18 =	vmax.f32 v26, v18;
	v20 =	vmin.f32 v30, v20;
	v34 =	vmax.f32 v32, v21  }
0x254: {  	s20 =	sand.u32 $0x1FFF0, s31;
	v56 =	vld [tilespmem:s18+$0xFFFFFF90];
	v18 =	vmax.f32 v18, v28;
	v21 =	vmin.f32 v32, v21;
	v36 =	vmax.f32 v34, v22  }
0x255: {  	v59 =	vld [tilespmem:s20+$0x80];
	v18 =	vmax.f32 v18, v20;
	v22 =	vmin.f32 v34, v22;
	v30 =	vmax.f32 v36, v23  }
0x256: {  	s19 =	simm.s32 $0x250;
	v47 =	vld [tilespmem:s20+$0x180];
	v18 =	vmax.f32 v18, v21;
	v21 =	vmin.f32 v36, v23;
	v55 =	vmax.f32 v30, v24  }
0x257: {  	v37 =	vld [tilespmem:s19+$0xFFFFFF40];
	v22 =	vmax.f32 v18, v22;
	v24 =	vmin.f32 v30, v24;
	v30 =	vmax.f32 v55, v25  }
0x258: {  	v28 =	vld [tilespmem:s18+$0xFFFFFF70];
	v21 =	vmax.f32 v22, v21;
	v57 =	vmax.f32 v30, v27  }
0x259: {  	v20 =	vld [tilespmem:s19+$0xFFFFFF60];
	v25 =	vmin.f32 v55, v25;
	v27 =	vmin.f32 v30, v27;
	v30 =	vmax.f32 v57, v29  }
0x25a: {  	v22 =	vld [tilespmem:s19+$0xFFFFFF80];
	v29 =	vmin.f32 v57, v29;
	v23 =	vmax.f32 v30, v31;
	v58 =	vmin.f32 v30, v31  }
0x25b: {  	v30 =	vmax.f32 v23, v33;
	v43 =	vmin.f32 v23, v33;
	v23 =	vmax.f32 v21, v24;
	v24 =	vld [tilespmem:s19+$0xFFFFFFA0]  }
0x25c: {  	v39 =	vld [tilespmem:s19+$0x0];
	v31 =	vmax.f32 v30, v35;
	v21 =	vmin.f32 v30, v35;
	v23 =	vmax.f32 v23, v25  }
0x25d: {  	v25 =	vld [tilespmem:s19+$0xFFFFFFE0];
	v23 =	vmax.f32 v23, v27;
	v27 =	vmax.f32 v26, v19;
	v30 =	vmax.f32 v31, v37  }
0x25e: {  	v61 =	vld [tilespmem:s19+$0x20];
	v19 =	vmin.f32 v26, v19;
	v31 =	vmin.f32 v31, v37;
	v60 =	vmax.f32 v30, v20  }
0x25f: {  	v46 =	vld [tilespmem:s19+$0xA0];
	v38 =	vmax.f32 v27, v28;
	v42 =	vmin.f32 v27, v28;
	v27 =	vmax.f32 v60, v22  }
0x260: {  	v32 =	vmin.f32 v30, v20;
	v44 =	vmax.f32 v23, v29;
	v23 =	vld [tilespmem:s20+$0x100];
	v20 =	vmax.f32 v27, v24  }
0x261: {  	v19 =	vmax.f32 v26, v19;
	v30 =	vmin.f32 v60, v22;
	v22 =	vld [tilespmem:s19+$0x60];
	v35 =	vmax.f32 v20, v59  }
0x262: {  	v29 =	vmin.f32 v27, v24;
	v24 =	vld [tilespmem:s19+$0x80];
	v33 =	vmin.f32 v20, v59;
	v20 =	vmax.f32 v35, v25  }
0x263: {  	v16 =	vld [tilespmem:s19+$0x30];
	v45 =	vmax.f32 v38, v56;
	v40 =	vmin.f32 v38, v56;
	v27 =	vmax.f32 v20, v39  }
0x264: {  	v18 =	vld [tilespmem:s19+$0xFFFFFF50];
	v36 =	vmax.f32 v44, v58;
	v28 =	vmin.f32 v20, v39;
	v20 =	vmax.f32 v27, v61  }
0x265: {  	v37 =	vld [tilespmem:s18+$0xFFFFFFD0];
	v42 =	vmax.f32 v19, v42;
	v44 =	vmax.f32 v36, v43;
	v62 =	vmax.f32 v20, v23  }
0x266: {  	v38 =	vld [tilespmem:s18+$0xFFFFFFF0];
	v43 =	vmax.f32 v45, v41;
	v39 =	vmin.f32 v45, v41;
	v19 =	vmax.f32 v62, v22  }
0x267: {  	v41 =	vld [tilespmem:s18+$0x10];
	v26 =	vmin.f32 v27, v61;
	v27 =	vmin.f32 v20, v23;
	v63 =	vmax.f32 v19, v24  }
0x268: {  	v23 =	vmin.f32 v62, v22;
	v22 =	vld [tilespmem:s18+$0xB0];
	v20 =	vmin.f32 v19, v24;
	v48 =	vmax.f32 v63, v46  }
0x269: {  	s21 =	simm.s32 $0x320;
	s20 =	simm.s32 $0x250;
	v24 =	vld [tilespmem:s18+$0x90];
	v19 =	vmin.f32 v63, v46;
	v36 =	vmax.f32 v48, v47;
	v34 =	vmin.f32 v48, v47  }
.LBB2_26:
0x26a: {  	p0 =	sne.s32 s21, $0x18510  }
0x26b: {  	s19 =	sadd.s32 $0x190, s19;
	v40 =	vmax.f32 v42, v40;
	v42 =	vmin.f32 v43, v37;
	v45 =	vld [tilespmem:s18+$0x50];
	v44 =	vmax.f32 v44, v21;
	v21 =	vmovc v34;
	s22 =	smov.u32 s21;
	s21 =	sadd.s32 $0x190, s21  }
0x26c: {  	v25 =	vmin.f32 v35, v25;
	v34 =	vld [tilespmem:s19+$0x30];
	v31 =	vmax.f32 v44, v31;
	v35 =	vmax.f32 v40, v39  }
0x26d: {  	v31 =	vmax.f32 v31, v32;
	v32 =	vmax.f32 v43, v37;
	v35 =	vmax.f32 v35, v42;
	v37 =	vld [tilespmem:s18+$0x70];
	s18 =	smov.u32 s20;
	s20 =	smov.u32 s19  }
0x26e: {  	v30 =	vmax.f32 v31, v30;
	v43 =	vld [tilespmem:s18+$0xFFFFFFB0];
	v31 =	vmax.f32 v32, v38;
	v32 =	vmin.f32 v32, v38  }
0x26f: {  	v38 =	vld [tilespmem:s18+$0xFFFFFF90];
	v29 =	vmax.f32 v30, v29;
	v30 =	vmax.f32 v31, v41;
	v31 =	vmin.f32 v31, v41  }
0x270: {  	v32 =	vmax.f32 v35, v32;
	v39 =	vld [tilespmem:s18+$0xFFFFFF70];
	v29 =	vmax.f32 v29, v33;
	v33 =	vmax.f32 v30, v17  }
0x271: {  	v35 =	vld [tilespmem:s19+$0xFFFFFF60];
	v25 =	vmax.f32 v29, v25;
	v29 =	vmin.f32 v30, v17;
	v30 =	vmax.f32 v33, v45;
	v17 =	vmovc v16  }
0x272: {  	v16 =	vmovc v34;
	v40 =	vld [tilespmem:s19+$0xFFFFFF40];
	v25 =	vmax.f32 v25, v28;
	v28 =	vmax.f32 v32, v31;
	v32 =	vmax.f32 v30, v37  }
0x273: {  	v34 =	vld [tilespmem:s19+$0xFFFFFF50];
	v25 =	vmax.f32 v25, v26;
	v26 =	vmax.f32 v28, v29;
	v28 =	vmax.f32 v32, v24  }
0x274: {  	v37 =	vmin.f32 v30, v37;
	v29 =	vld [tilespmem:s19+$0xFFFFFF80];
	v27 =	vmax.f32 v25, v27;
	v25 =	vmax.f32 v28, v22  }
0x275: {  	s22 =	sand.u32 $0x1FFF0, s22;
	v41 =	vld [tilespmem:s19+$0xFFFFFFA0];
	v30 =	vmax.f32 v25, v18;
	v42 =	vmin.f32 v25, v18;
	v18 =	vmin.f32 v33, v45  }
0x276: {  	v33 =	vld [tilespmem:s22+$0x80];
	v44 =	vmax.f32 v30, v39;
	v39 =	vmin.f32 v30, v39;
	v26 =	vmax.f32 v26, v18  }
0x277: {  	v24 =	vmin.f32 v32, v24;
	v46 =	vmax.f32 v36, v40;
	v31 =	vmin.f32 v36, v40;
	v25 =	vld [tilespmem:s19+$0xFFFFFFE0]  }
0x278: {  	v45 =	vmax.f32 v27, v23;
	v30 =	vmax.f32 v46, v35;
	v32 =	vmin.f32 v46, v35;
	v36 =	vld [tilespmem:s19+$0x0];
	v18 =	vmovc v34  }
0x279: {  	v26 =	vmax.f32 v26, v37;
	v23 =	vmax.f32 v30, v29;
	v30 =	vmin.f32 v30, v29;
	v27 =	vld [tilespmem:s19+$0x20]  }
0x27a: {  	v24 =	vmax.f32 v26, v24;
	v34 =	vmax.f32 v23, v41;
	v29 =	vmin.f32 v23, v41;
	v23 =	vld [tilespmem:s22+$0x100]  }
0x27b: {  	v22 =	vmin.f32 v28, v22;
	v46 =	vmax.f32 v44, v38;
	v35 =	vmax.f32 v34, v33;
	v41 =	vld [tilespmem:s19+$0x60]  }
0x27c: {  	v22 =	vmax.f32 v24, v22;
	v33 =	vmin.f32 v34, v33;
	v26 =	vmax.f32 v35, v25;
	v34 =	vld [tilespmem:s19+$0x80]  }
0x27d: {  	v22 =	vmax.f32 v22, v42;
	v24 =	vmax.f32 v26, v36;
	v28 =	vmin.f32 v26, v36;
	v36 =	vld [tilespmem:s19+$0xA0]  }
0x27e: {  	v40 =	vmin.f32 v44, v38;
	v37 =	vmax.f32 v24, v27;
	v26 =	vmin.f32 v24, v27;
	v47 =	vld [tilespmem:s22+$0x180]  }
.Ltmp9:
0x27f: {  	v42 =	vmax.f32 v22, v39;
	v24 =	vmax.f32 v37, v23;
	v27 =	vmin.f32 v37, v23;
	v37 =	vld [tilespmem:s18+$0xFFFFFFD0];
	(pc) =	sbr.rel @p0 .LBB2_26-.Ltmp9, $4  }
0x280: {  	v39 =	vmin.f32 v46, v43;
	v38 =	vmax.f32 v24, v41;
	v23 =	vmin.f32 v24, v41;
	v22 =	vld [tilespmem:s18+$0xB0]  }
0x281: {  	v44 =	vmax.f32 v45, v20;
	v41 =	vmax.f32 v38, v34;
	v20 =	vmin.f32 v38, v34;
	v24 =	vld [tilespmem:s18+$0x90]  }
0x282: {  	v44 =	vmax.f32 v44, v19;
	v34 =	vmax.f32 v41, v36;
	v38 =	vld [tilespmem:s18+$0xFFFFFFF0];
	v19 =	vmin.f32 v41, v36  }
0x283: {  	v43 =	vmax.f32 v46, v43;
	v36 =	vmax.f32 v34, v47;
	v34 =	vmin.f32 v34, v47;
	v41 =	vld [tilespmem:s18+$0x10]  }
0x284: {  	v36 =	vmax.f32 v42, v40;
	v21 =	vmax.f32 v44, v21  }
0x285: {  	v56 =	vmin.f32 v43, v37;
	v25 =	vmin.f32 v35, v25;
	v21 =	vmax.f32 v21, v31  }
0x286: {  	v57 =	vld [tilespmem:s18+$0x50];
	v59 =	vmax.f32 v43, v37;
	v58 =	vmax.f32 v36, v39;
	v21 =	vmax.f32 v21, v32  }
0x287: {  	v60 =	vld [tilespmem:s18+$0x70];
	v35 =	vmax.f32 v58, v56;
	v21 =	vmax.f32 v21, v30;
	v61 =	vmax.f32 v59, v38  }
0x288: {  	v32 =	vmin.f32 v59, v38;
	v21 =	vmax.f32 v21, v29;
	v62 =	vmax.f32 v61, v41  }
0x289: {  	v30 =	vmin.f32 v61, v41;
	v32 =	vmax.f32 v35, v32;
	v21 =	vmax.f32 v21, v33  }
0x28a: {  	v63 =	vmax.f32 v62, v17;
	v17 =	vmin.f32 v62, v17;
	v38 =	vmax.f32 v32, v30  }
0x28b: {  	v21 =	vmax.f32 v21, v25;
	v37 =	vmax.f32 v63, v57;
	v17 =	vmax.f32 v38, v17  }
0x28c: {  	v39 =	vld [tilespmem:s20+$0xFFFFFF70];
	v43 =	vmin.f32 v63, v57;
	v21 =	vmax.f32 v21, v28;
	v40 =	vmax.f32 v37, v60  }
0x28d: {  	v25 =	vmin.f32 v37, v60;
	v17 =	vmax.f32 v17, v43;
	v21 =	vmax.f32 v21, v26  }
0x28e: {  	v41 =	vld [tilespmem:s20+$0xFFFFFF90];
	v42 =	vmax.f32 v40, v24;
	v47 =	vmin.f32 v40, v24;
	v17 =	vmax.f32 v17, v25  }
0x28f: {  	v44 =	vld [tilespmem:s20+$0xFFFFFFB0];
	v21 =	vmax.f32 v21, v27;
	v45 =	vmax.f32 v42, v22;
	v17 =	vmax.f32 v17, v47  }
0x290: {  	v49 =	vld [tilespmem:s20+$0xFFFFFFD0];
	v48 =	vmin.f32 v42, v22;
	v46 =	vmax.f32 v45, v18;
	v18 =	vmin.f32 v45, v18  }
0x291: {  	v51 =	vld [tilespmem:s20+$0xFFFFFFF0];
	v17 =	vmax.f32 v17, v48;
	v21 =	vmax.f32 v21, v23;
	v50 =	vmax.f32 v46, v39  }
0x292: {  	v27 =	vmin.f32 v46, v39;
	v17 =	vmax.f32 v17, v18;
	v18 =	vld [tilespmem:s20+$0x10];
	v20 =	vmax.f32 v21, v20  }
0x293: {  	v52 =	vmax.f32 v50, v41;
	v25 =	vmin.f32 v50, v41;
	v17 =	vmax.f32 v17, v27  }
0x294: {  	v55 =	vld [tilespmem:s20+$0x50];
	v53 =	vmin.f32 v52, v44;
	v54 =	vmax.f32 v52, v44;
	v17 =	vmax.f32 v17, v25  }
0x295: {  	v57 =	vld [tilespmem:s20+$0x70];
	v56 =	vmin.f32 v54, v49;
	v17 =	vmax.f32 v17, v53;
	v21 =	vmax.f32 v54, v49  }
0x296: {  	v58 =	vld [tilespmem:s20+$0x90];
	v17 =	vmax.f32 v17, v56;
	v59 =	vmax.f32 v21, v51;
	v21 =	vmin.f32 v21, v51  }
0x297: {  	v60 =	vld [tilespmem:s20+$0xB0];
	v61 =	vmax.f32 v59, v18;
	v18 =	vmin.f32 v59, v18;
	v17 =	vmax.f32 v17, v21  }
0x298: {  	v62 =	vmax.f32 v61, v16;
	v16 =	vmin.f32 v61, v16;
	v17 =	vmax.f32 v17, v18  }
0x299: {  	v18 =	vmax.f32 v62, v55;
	v16 =	vmax.f32 v17, v16;
	v17 =	vmin.f32 v62, v55  }
0x29a: {  	v63 =	vmax.f32 v18, v57;
	v18 =	vmin.f32 v18, v57;
	v16 =	vmax.f32 v16, v17  }
0x29b: {  	v17 =	vmax.f32 v63, v58;
	v21 =	vmin.f32 v63, v58;
	v16 =	vmax.f32 v16, v18  }
0x29c: {  	v18 =	vmax.f32 v20, v19;
	v16 =	vmax.f32 v16, v21;
	v17 =	vmin.f32 v17, v60  }
0x29d: {  	v18 =	vmax.f32 v18, v34;
	v16 =	vmax.f32 v16, v17  }
0x29e: {  	v16 =	vmin.f32 v18, v16  }
0x29f: {  	v17 =	vperm.xlane v16, v0;
	_ =	sdelay $0x1  }
0x2a0: {  	v16 =	vmin.f32 v16, v17  }
0x2a1: {  	v17 =	vperm.xlane v16, v1;
	_ =	sdelay $0x1  }
0x2a2: {  	v16 =	vmin.f32 v16, v17  }
0x2a3: {  	v17 =	vperm.xlane v16, v2;
	_ =	sdelay $0x1  }
0x2a4: {  	v16 =	vmin.f32 v16, v17  }
0x2a5: {  	s18 =	simm.s32 $0x40;
	s19 =	simm.s32 $0x0;
	v17 =	vperm.xlane v16, v3  }
.LBB2_28:
0x2a6: {  	p0 =	sne.s32 s18, $0x3FC0;
	[tilespmem:s19+$0x18700] =	vst v4;
	s19 =	smov.u32 s18;
	s18 =	sadd.s32 $0x40, s18  }
.Ltmp10:
0x2a7: {  	(pc) =	sbr.rel @p0 .LBB2_28-.Ltmp10, $2  }
0x2a8: {  	_ =	sdelay $0x2  }
0x2a9: {  	s19 =	sshra.s32 s19, $0x2  }
.Ltmp11:
0x2aa: {  	(pc) =	sbr.rel .LBB2_30-.Ltmp11, $2  }
0x2ab: {  	_ =	sdelay $0x2  }
0x2ac: {  	[tilespmem:s19+$0x18700] =	vst v4;
	v16 =	vmin.f32 v16, v17;
	s19 =	simm.s32 $0x0;
	s18 =	simm.s32 $0x40;
	s20 =	simm.s32 $0x20  }
.LBB2_32:
0x2ad: {  	s18 =	sadd.s32 $0x50, s18  }
0x2ae: {  	p0 =	sne.s32 s18, $0x186E0  }
.Ltmp12:
0x2af: {  	_ = 	snop;
	(pc) =	sbr.rel @!p0 .LBB2_33-.Ltmp12, $2  }
0x2b0: {  	_ =	sdelay $0x2  }
0x2b1: {  	s20 =	sadd.s32 $0x50, s20  }
.LBB2_30:
0x2b2: {  	v19 =	vld [tilespmem:s20+$0x0]  }
0x2b3: {  	v18 =	vld [tilespmem:s20+$0x10]  }
0x2b4: {  	v20 =	vld [tilespmem:s20+$0xFFFFFFF0]  }
0x2b5: {  	v21 =	vld [tilespmem:s20+$0xFFFFFFE0]  }
0x2b6: {  	v17 =	vld [tilespmem:s20+$0x20];
	_ =	sdelay $0x1  }
0x2b7: {  	vm2 =	vge.f32 v19, v16;
	vm3 =	vge.f32 v18, v16  }
0x2b8: {  	vm1 =	vge.f32 v20, v16;
	vm4 =	vmor vm2, vm3  }
0x2b9: {  	vm0 =	vge.f32 v21, v16;
	vm5 =	vmor vm1, vm4  }
0x2ba: {  	vm4 =	vge.f32 v17, v16;
	vm5 =	vmor vm0, vm5  }
0x2bb: {  	vm5 =	vmor vm4, vm5  }
0x2bc: {  	v22 =	vsel vm5, $0x3F800000, v6  }
0x2bd: {  	(xrf0) =	vmax.scan.msk.f32 $0xffff, v22;
	_ =	sdelay $0x5  }
0x2be: {  	v22, _, _ =	vpop (xrf0)  }
0x2bf: {  	(v2sf) =	vpush v22, $0xF;
	_ =	sdelay $0xe  }
0x2c0: {  	s21 =	spop (v2sf)  }
0x2c1: {  	p0 =	sgt.f32 s21, $0.0e+00  }
.Ltmp13:
0x2c2: {  	_ = 	snop;
	(pc) =	sbr.rel @!p0 .LBB2_32-.Ltmp13, $1  }
0x2c3: {  	_ =	sdelay $0x3  }
0x2c4: {  	v22 =	vsel vm0, $0x3F800000, v6  }
0x2c5: {  	(xrf0) =	vmax.scan.msk.f32 $0xffff, v22;
	_ =	sdelay $0x5  }
0x2c6: {  	v22, _, _ =	vpop (xrf0)  }
0x2c7: {  	(v2sf) =	vpush v22, $0xF;
	_ =	sdelay $0xe  }
0x2c8: {  	s21 =	spop (v2sf)  }
0x2c9: {  	p0 =	sgt.f32 s21, $0.0e+00;
	_ =	sdelay $0x1  }
0x2ca: {  	vm0 =	vge.f32 @p0 v21, v16;
	v22 =	vimm.s32 @p0 $0x0  }
0x2cb: {  	v23 =	vsel @p0 vm0, $0x1, v22  }
0x2cc: {  	v60 =	vsel vm1, $0x3F800000, v6;
	(xrf0) =	vadd.scan.msk.s32 @p0 $0xffff, v23  }
0x2cd: {  	(xrf0) =	vmax.scan.msk.f32 $0xffff, v60;
	_ =	sdelay $0x4  }
0x2ce: {  	v23, _, _ =	vpop @p0 (xrf0)  }
0x2cf: {  	(v2sf) =	vpush @p0 v23, $0xF;
	v24, _, _ =	vpop (xrf0)  }
0x2d0: {  	(v2sf) =	vpush v24, $0xF;
	_ =	sdelay $0xd  }
0x2d1: {  	s21 =	spop @p0 (v2sf)  }
0x2d2: {  	s22 =	spop (v2sf)  }
0x2d3: {  	p1 =	sgt.f32 s22, $0.0e+00;
	_ =	sdelay $0x1  }
0x2d4: {  	vm1 =	vge.f32 @p1 v20, v16;
	v24 =	vimm.s32 @p1 $0x0  }
0x2d5: {  	v25 =	vsel @p1 vm1, $0x1, v24  }
0x2d6: {  	v61 =	vsel vm2, $0x3F800000, v6;
	(xrf0) =	vadd.scan.msk.s32 @p1 $0xffff, v25  }
0x2d7: {  	(xrf0) =	vmax.scan.msk.f32 $0xffff, v61;
	_ =	sdelay $0x4  }
0x2d8: {  	v25, _, _ =	vpop @p1 (xrf0)  }
0x2d9: {  	(v2sf) =	vpush @p1 v25, $0xF;
	v26, _, _ =	vpop (xrf0)  }
0x2da: {  	(v2sf) =	vpush v26, $0xF;
	_ =	sdelay $0xd  }
0x2db: {  	s22 =	spop @p1 (v2sf)  }
0x2dc: {  	s23 =	spop (v2sf)  }
0x2dd: {  	p2 =	sgt.f32 s23, $0.0e+00;
	_ =	sdelay $0x1  }
0x2de: {  	vm2 =	vge.f32 @p2 v19, v16;
	v26 =	vimm.s32 @p2 $0x0  }
0x2df: {  	v27 =	vsel @p2 vm2, $0x1, v26  }
0x2e0: {  	v62 =	vsel vm3, $0x3F800000, v6;
	(xrf0) =	vadd.scan.msk.s32 @p2 $0xffff, v27  }
0x2e1: {  	(xrf0) =	vmax.scan.msk.f32 $0xffff, v62;
	_ =	sdelay $0x4  }
0x2e2: {  	v27, _, _ =	vpop @p2 (xrf0)  }
0x2e3: {  	(v2sf) =	vpush @p2 v27, $0xF;
	v28, _, _ =	vpop (xrf0)  }
0x2e4: {  	(v2sf) =	vpush v28, $0xF;
	_ =	sdelay $0xd  }
0x2e5: {  	s23 =	spop @p2 (v2sf)  }
0x2e6: {  	s24 =	spop (v2sf)  }
0x2e7: {  	p3 =	sgt.f32 s24, $0.0e+00;
	_ =	sdelay $0x1  }
0x2e8: {  	vm3 =	vge.f32 @p3 v18, v16;
	v28 =	vimm.s32 @p3 $0x0  }
0x2e9: {  	v29 =	vsel @p3 vm3, $0x1, v28  }
0x2ea: {  	v63 =	vsel vm4, $0x3F800000, v6;
	(xrf0) =	vadd.scan.msk.s32 @p3 $0xffff, v29  }
0x2eb: {  	(xrf0) =	vmax.scan.msk.f32 $0xffff, v63;
	_ =	sdelay $0x4  }
0x2ec: {  	v29, _, _ =	vpop @p3 (xrf0)  }
0x2ed: {  	(v2sf) =	vpush @p3 v29, $0xF;
	v30, _, _ =	vpop (xrf0)  }
0x2ee: {  	(v2sf) =	vpush v30, $0xF;
	_ =	sdelay $0xd  }
0x2ef: {  	s24 =	spop @p3 (v2sf)  }
0x2f0: {  	s25 =	spop (v2sf)  }
0x2f1: {  	p4 =	sgt.f32 s25, $0.0e+00;
	_ =	sdelay $0x1  }
0x2f2: {  	vm4 =	vge.f32 @p4 v17, v16;
	v30 =	vimm.s32 @p4 $0x0  }
0x2f3: {  	v31 =	vsel @p4 vm4, $0x1, v30  }
0x2f4: {  	(xrf0) =	vadd.scan.msk.s32 @p4 $0xffff, v31;
	_ =	sdelay $0x5  }
0x2f5: {  	v22 =	vsel @p0 vm0, $0xFFFFFFFF, v22;
	v31, _, _ =	vpop @p4 (xrf0)  }
0x2f6: {  	v22 =	vadd.s32 @p0 s19, v22;
	(v2sf) =	vpush @p4 v31, $0xF  }
0x2f7: {  	v22 =	vadd.s32 @p0 v23, v22;
	s21 =	sadd.s32 @p0 s19, s21;
	v24 =	vsel @p1 vm1, $0xFFFFFFFF, v24  }
0x2f8: {  	vm5 =	vlt.s32 @p0 v22, $0xFFF;
	s19 =	smov.u32 @p0 s21;
	v23 =	vadd.s32 @p1 v24, v25  }
0x2f9: {  	v22 =	vnsel @p0 vm5, $0xFFF, v22;
	v23 =	vadd.s32 @p1 s19, v23;
	s21 =	sadd.s32 @p1 s22, s19;
	v24 =	vsel @p2 vm2, $0xFFFFFFFF, v26  }
0x2fa: {  	vm5 =	vlt.s32 @p1 v23, $0xFFF;
	s19 =	smov.u32 @p1 s21;
	v24 =	vadd.s32 @p2 v24, v27  }
0x2fb: {  	v23 =	vnsel @p1 vm5, $0xFFF, v23;
	v24 =	vadd.s32 @p2 s19, v24;
	s21 =	sadd.s32 @p2 s23, s19;
	v25 =	vsel @p3 vm3, $0xFFFFFFFF, v28  }
0x2fc: {  	v26 =	vlaneseq.u32 @p0;
	vm5 =	vlt.s32 @p2 v24, $0xFFF;
	s19 =	smov.u32 @p2 s21;
	v25 =	vadd.s32 @p3 v25, v29  }
0x2fd: {  	s22 =	simm.s32 @p0 $0x18700;
	v24 =	vnsel @p2 vm5, $0xFFF, v24;
	s21 =	sadd.s32 $0xFFFFFFC0, s18;
	v25 =	vadd.s32 @p3 s19, v25;
	s23 =	sadd.s32 @p3 s24, s19;
	v27 =	vsel @p4 vm4, $0xFFFFFFFF, v30  }
0x2fe: {  	[tilespmem:v22+s22+$0x0] =	vst.idx.msk @p0 vm0, v21;
	v26 =	vor.u32 @p0 s21, v26;
	s21 =	simm.s32 @p0 $0x19700;
	vm5 =	vlt.s32 @p3 v25, $0xFFF;
	s19 =	smov.u32 @p3 s23;
	v21 =	vadd.s32 @p4 v27, v31  }
0x2ff: {  	s22 =	simm.s32 @p1 $0x18700;
	[tilespmem:v22+s21+$0x0] =	vst.idx.msk @p0 vm0, v26;
	s21 =	sadd.s32 $0xFFFFFFD0, s18;
	v22 =	vnsel @p3 vm5, $0xFFF, v25;
	v25 =	vlaneseq.u32 @p1;
	v21 =	vadd.s32 @p4 s19, v21  }
0x300: {  	[tilespmem:v23+s22+$0x0] =	vst.idx.msk @p1 vm1, v20;
	v20 =	vor.u32 @p1 s21, v25;
	s21 =	simm.s32 @p1 $0x19700;
	vm0 =	vlt.s32 @p4 v21, $0xFFF  }
0x301: {  	s22 =	simm.s32 @p2 $0x18700;
	[tilespmem:v23+s21+$0x0] =	vst.idx.msk @p1 vm1, v20;
	s21 =	sadd.s32 $0xFFFFFFE0, s18;
	v20 =	vlaneseq.u32 @p2;
	v21 =	vnsel @p4 vm0, $0xFFF, v21  }
0x302: {  	[tilespmem:v24+s22+$0x0] =	vst.idx.msk @p2 vm2, v19;
	v19 =	vor.u32 @p2 s21, v20;
	s21 =	simm.s32 @p2 $0x19700  }
.Ltmp14:
0x303: {  	s22 =	simm.s32 @p3 $0x18700;
	[tilespmem:v24+s21+$0x0] =	vst.idx.msk @p2 vm2, v19;
	s21 =	sadd.s32 $0xFFFFFFF0, s18;
	v19 =	vlaneseq.u32 @p3;
	(pc) =	sbr.rel .LBB2_32-.Ltmp14, $4  }
0x304: {  	[tilespmem:v22+s22+$0x0] =	vst.idx.msk @p3 vm3, v18;
	v18 =	vor.u32 @p3 s21, v19;
	s21 =	simm.s32 @p3 $0x19700  }
0x305: {  	[tilespmem:v22+s21+$0x0] =	vst.idx.msk @p3 vm3, v18;
	s21 =	simm.s32 @p4 $0x18700;
	v18 =	vlaneseq.u32 @p4;
	s22 =	spop @p4 (v2sf)  }
0x306: {  	[tilespmem:v21+s21+$0x0] =	vst.idx.msk @p4 vm4, v17;
	v17 =	vor.u32 @p4 s18, v18;
	s21 =	simm.s32 @p4 $0x19700;
	s22 =	sadd.s32 @p4 s22, s19  }
0x307: {  	[tilespmem:v21+s21+$0x0] =	vst.idx.msk @p4 vm4, v17;
	s19 =	smov.u32 @p4 s22  }
.LBB2_33:
0x308: {  	p0 =	sgt.s32 s19, $0x200  }
.Ltmp15:
0x309: {  	_ = 	snop;
	(pc) =	sbr.rel @p0 .LBB2_34-.Ltmp15, $2  }
0x30a: {  	_ =	sdelay $0x2  }
0x30b: {  	s18 =	simm.s32 $0x0  }
0x30c: {  	v16 =	vld [tilespmem:$0x18700];
	_ =	sdelay $0x1  }
0x30d: {  	v17 =	vld [tilespmem:$0x18710];
	_ =	sdelay $0x1  }
0x30e: {  	v18 =	vld [tilespmem:$0x18720]  }
0x30f: {  	vm0 =	vgt.f32 v16, $-Inf  }
0x310: {  	v19 =	vld [tilespmem:$0x18730];
	v16 =	vnsel vm0, $0xFF800000, v16  }
0x311: {  	vm14 =	vgt.f32 v17, v16  }
0x312: {  	v16 =	vsel vm14, v17, v16;
	v17 =	vld [tilespmem:$0x18740]  }
0x313: {  	vm0 =	vgt.f32 v18, v16  }
0x314: {  	v16 =	vsel vm0, v18, v16;
	v18 =	vld [tilespmem:$0x18750]  }
0x315: {  	vm1 =	vgt.f32 v19, v16  }
0x316: {  	v16 =	vsel vm1, v19, v16;
	v19 =	vld [tilespmem:$0x18760]  }
0x317: {  	vm2 =	vgt.f32 v17, v16  }
0x318: {  	v16 =	vsel vm2, v17, v16;
	v17 =	vld [tilespmem:$0x18770]  }
0x319: {  	vm4 =	vgt.f32 v18, v16  }
0x31a: {  	v16 =	vsel vm4, v18, v16;
	v18 =	vld [tilespmem:$0x18780]  }
0x31b: {  	vm3 =	vgt.f32 v19, v16  }
0x31c: {  	v16 =	vsel vm3, v19, v16;
	v19 =	vld [tilespmem:$0x18790]  }
0x31d: {  	vm15 =	vgt.f32 v17, v16  }
0x31e: {  	v16 =	vsel vm15, v17, v16;
	v17 =	vld [tilespmem:$0x187A0]  }
0x31f: {  	vm5 =	vgt.f32 v18, v16  }
0x320: {  	v16 =	vsel vm5, v18, v16;
	v18 =	vld [tilespmem:$0x187B0]  }
0x321: {  	vm12 =	vgt.f32 v19, v16  }
0x322: {  	v16 =	vsel vm12, v19, v16;
	v19 =	vld [tilespmem:$0x187C0]  }
0x323: {  	vm13 =	vgt.f32 v17, v16  }
0x324: {  	v16 =	vsel vm13, v17, v16;
	v17 =	vld [tilespmem:$0x187D0]  }
0x325: {  	vm8 =	vgt.f32 v18, v16  }
0x326: {  	v16 =	vsel vm8, v18, v16;
	v18 =	vld [tilespmem:$0x187E0]  }
0x327: {  	vm9 =	vgt.f32 v19, v16  }
0x328: {  	v16 =	vsel vm9, v19, v16;
	v19 =	vld [tilespmem:$0x187F0]  }
0x329: {  	vm6 =	vgt.f32 v17, v16  }
0x32a: {  	v20 =	vimm.s32 $0x0;
	v16 =	vsel vm6, v17, v16;
	v17 =	vld [tilespmem:$0x18800]  }
0x32b: {  	v20 =	vsel vm6, $0xFFFFFFFF, v20;
	vm6 =	vgt.f32 v18, v16  }
0x32c: {  	[tilespmem:$0x1FEA0] =	vst v20;
	v20 =	vimm.s32 $0x0;
	v16 =	vsel vm6, v18, v16;
	v18 =	vld [tilespmem:$0x18810]  }
0x32d: {  	v20 =	vsel vm6, $0xFFFFFFFF, v20;
	vm6 =	vgt.f32 v19, v16  }
0x32e: {  	[tilespmem:$0x1FEB0] =	vst v20;
	v20 =	vimm.s32 $0x0;
	v16 =	vsel vm6, v19, v16;
	v19 =	vld [tilespmem:$0x18820]  }
0x32f: {  	v20 =	vsel vm6, $0xFFFFFFFF, v20;
	vm6 =	vgt.f32 v17, v16  }
0x330: {  	[tilespmem:$0x1FEC0] =	vst v20;
	v20 =	vimm.s32 $0x0;
	v16 =	vsel vm6, v17, v16;
	v17 =	vld [tilespmem:$0x18830]  }
0x331: {  	v20 =	vsel vm6, $0xFFFFFFFF, v20;
	vm6 =	vgt.f32 v18, v16  }
0x332: {  	[tilespmem:$0x1FED0] =	vst v20;
	v20 =	vimm.s32 $0x0;
	v16 =	vsel vm6, v18, v16;
	v18 =	vld [tilespmem:$0x18840]  }
0x333: {  	v20 =	vsel vm6, $0xFFFFFFFF, v20;
	vm6 =	vgt.f32 v19, v16  }
0x334: {  	[tilespmem:$0x1FEE0] =	vst v20;
	v20 =	vimm.s32 $0x0;
	v16 =	vsel vm6, v19, v16;
	v19 =	vld [tilespmem:$0x18850]  }
0x335: {  	v20 =	vsel vm6, $0xFFFFFFFF, v20;
	vm6 =	vgt.f32 v17, v16  }
0x336: {  	v16 =	vsel vm6, v17, v16;
	v17 =	vld [tilespmem:$0x18860]  }
0x337: {  	vm7 =	vgt.f32 v18, v16  }
0x338: {  	v16 =	vsel vm7, v18, v16;
	v18 =	vld [tilespmem:$0x18870]  }
0x339: {  	vm10 =	vgt.f32 v19, v16  }
0x33a: {  	v16 =	vsel vm10, v19, v16;
	v19 =	vld [tilespmem:$0x18880]  }
0x33b: {  	vm11 =	vgt.f32 v17, v16  }
0x33c: {  	[tilespmem:$0x1FEF0] =	vst v20;
	v20 =	vld [tilespmem:$0x18890];
	v16 =	vsel vm11, v17, v16  }
0x33d: {  	v17 =	vsel vm14, v13, v7;
	vm14 =	vgt.f32 v18, v16  }
0x33e: {  	v21 =	vld [tilespmem:$0x188A0];
	v18 =	vsel vm14, v18, v16  }
0x33f: {  	v17 =	vsel vm0, v14, v17;
	vm0 =	vgt.f32 v19, v18  }
0x340: {  	v23 =	vld [tilespmem:$0x188B0];
	v19 =	vsel vm0, v19, v18  }
0x341: {  	v17 =	vsel vm1, v15, v17;
	vm1 =	vgt.f32 v20, v19  }
0x342: {  	v25 =	vld [tilespmem:$0x188C0];
	v16 =	vor.u32 $0x40, v7;
	v24 =	vsel vm1, v20, v19  }
0x343: {  	v22 =	vsel vm2, v16, v17;
	v17 =	vor.u32 $0x50, v7;
	vm2 =	vgt.f32 v21, v24  }
0x344: {  	v27 =	vld [tilespmem:$0x188D0];
	v22 =	vsel vm4, v17, v22;
	v18 =	vor.u32 $0x60, v7;
	v24 =	vsel vm2, v21, v24  }
0x345: {  	v29 =	vld [tilespmem:$0x188E0];
	v22 =	vsel vm3, v18, v22;
	vm3 =	vgt.f32 v23, v24  }
0x346: {  	v30 =	vld [tilespmem:$0x1FEA0];
	v19 =	vor.u32 $0x70, v7;
	v28 =	vsel vm3, v23, v24  }
0x347: {  	v32 =	vld [tilespmem:$0x1FEB0];
	v20 =	vor.u32 $0x80, v7;
	v22 =	vsel vm15, v19, v22;
	vm4 =	vgt.f32 v25, v28  }
0x348: {  	v33 =	vld [tilespmem:$0x1FED0];
	v22 =	vsel vm5, v20, v22;
	v21 =	vor.u32 $0x90, v7;
	v28 =	vsel vm4, v25, v28  }
0x349: {  	v62 =	vld [tilespmem:$0x1FEE0];
	v26 =	vsel vm12, v21, v22;
	v22 =	vor.u32 $0xA0, v7;
	vm5 =	vgt.f32 v27, v28  }
0x34a: {  	v26 =	vsel vm13, v22, v26;
	v23 =	vor.u32 $0xB0, v7;
	v61 =	vsel vm5, v27, v28;
	v28 =	vld [tilespmem:$0x1FEC0]  }
0x34b: {  	v24 =	vor.u32 $0xC0, v7;
	v26 =	vsel vm8, v23, v26  }
0x34c: {  	v31 =	vld [tilespmem:$0x188F0];
	vm12 =	vnez.u8 v30;
	v26 =	vsel vm9, v24, v26;
	v25 =	vor.u32 $0xD0, v7  }
0x34d: {  	v34 =	vld [tilespmem:$0x1FEF0];
	vm13 =	vnez.u8 v32;
	v30 =	vsel vm12, v25, v26;
	v26 =	vor.u32 $0xE0, v7  }
0x34e: {  	vm12 =	vnez.u8 v33;
	v30 =	vsel vm13, v26, v30;
	v27 =	vor.u32 $0xF0, v7  }
0x34f: {  	vm13 =	vnez.u8 v62;
	vm8 =	vgt.f32 v29, v61;
	vm15 =	vnez.u8 v28  }
0x350: {  	v32 =	vsel vm8, v29, v61;
	v28 =	vor.u32 $0x100, v7;
	v30 =	vsel vm15, v27, v30  }
0x351: {  	v29 =	vor.u32 $0x110, v7;
	vm9 =	vgt.f32 v31, v32;
	v30 =	vsel vm12, v28, v30  }
0x352: {  	vm12 =	vnez.u8 v34;
	v33 =	vsel vm13, v29, v30;
	v30 =	vor.u32 $0x120, v7  }
0x353: {  	v44 =	vsel vm9, v31, v32;
	v31 =	vor.u32 $0x130, v7;
	v33 =	vsel vm12, v30, v33  }
0x354: {  	v32 =	vor.u32 $0x140, v7;
	v63 =	vperm.xlane v44, v11;
	v33 =	vsel vm6, v31, v33  }
0x355: {  	v35 =	vsel vm7, v32, v33;
	v33 =	vor.u32 $0x150, v7  }
0x356: {  	v37 =	vmax.f32 v44, v63;
	v34 =	vor.u32 $0x160, v7;
	v35 =	vsel vm10, v33, v35  }
0x357: {  	v38 =	vperm.xlane v37, v10;
	v36 =	vsel vm11, v34, v35;
	v35 =	vor.u32 $0x170, v7  }
0x358: {  	v39 =	vsel vm14, v35, v36;
	v36 =	vor.u32 $0x180, v7  }
0x359: {  	v40 =	vmax.f32 v37, v38;
	v37 =	vor.u32 $0x190, v7;
	v39 =	vsel vm0, v36, v39  }
0x35a: {  	v38 =	vor.u32 $0x1A0, v7;
	v41 =	vperm.xlane v40, v9;
	v39 =	vsel vm1, v37, v39  }
0x35b: {  	v42 =	vsel vm2, v38, v39;
	v39 =	vor.u32 $0x1B0, v7  }
0x35c: {  	v43 =	vmax.f32 v40, v41;
	v40 =	vor.u32 $0x1C0, v7;
	v42 =	vsel vm3, v39, v42  }
0x35d: {  	v41 =	vor.u32 $0x1D0, v7;
	v45 =	vperm.xlane v43, v3;
	v42 =	vsel vm4, v40, v42  }
0x35e: {  	v46 =	vsel vm5, v41, v42;
	v42 =	vor.u32 $0x1E0, v7  }
0x35f: {  	v45 =	vmax.f32 v43, v45;
	v43 =	vor.u32 $0x1F0, v7;
	v46 =	vsel vm8, v42, v46  }
0x360: {  	vm15 =	veq.f32 v44, v45;
	v46 =	vsel vm9, v43, v46  }
0x361: {  	v44 =	vnsel vm15, $0x40000000, v46  }
0x362: {  	v46 =	vperm.xlane v44, v11;
	_ =	sdelay $0x1  }
0x363: {  	vm0 =	vlt.s32 v44, v46  }
0x364: {  	v44 =	vsel vm0, v44, v46  }
0x365: {  	v46 =	vperm.xlane v44, v10;
	_ =	sdelay $0x1  }
0x366: {  	vm0 =	vlt.s32 v44, v46  }
0x367: {  	v44 =	vsel vm0, v44, v46  }
0x368: {  	v46 =	vperm.xlane v44, v9;
	_ =	sdelay $0x1  }
0x369: {  	vm0 =	vlt.s32 v44, v46  }
0x36a: {  	v44 =	vsel vm0, v44, v46  }
0x36b: {  	v46 =	vperm.xlane v44, v3;
	_ =	sdelay $0x1  }
0x36c: {  	v47 =	vmov s18;
	vm0 =	vlt.s32 v44, v46  }
0x36d: {  	v44 =	vsel vm0, v44, v46;
	_ =	sdelay $0x3  }
0x36e: {  	[tilespmem:v47+s13+$0x0] =	vst.idx.msk $0x1, v45  }
0x36f: {  	v45 =	vld.idx.msk [tilespmem:v44+s14+$0x0], $0xffff;
	_ =	sdelay $0x4  }
0x370: {  	s18 =	simm.s32 $0x1;
	[tilespmem:v47+s15+$0x0] =	vst.idx.msk $0x1, v45  }
.LBB2_38:
0x371: {  	[tilespmem:v44+s16+$0x0] =	vst.idx.msk $0x1, v4  }
0x372: {  	v44 =	vld [tilespmem:$0x18700];
	_ =	sdelay $0x1  }
0x373: {  	v45 =	vld [tilespmem:$0x18710];
	_ =	sdelay $0x1  }
0x374: {  	v46 =	vld [tilespmem:$0x18720]  }
0x375: {  	vm0 =	vgt.f32 v44, $-Inf  }
0x376: {  	v47 =	vld [tilespmem:$0x18730];
	v44 =	vnsel vm0, $0xFF800000, v44  }
0x377: {  	vm0 =	vgt.f32 v45, v44  }
0x378: {  	v59 =	vld [tilespmem:$0x18740];
	v44 =	vsel vm0, v45, v44  }
0x379: {  	vm1 =	vgt.f32 v46, v44  }
0x37a: {  	v60 =	vld [tilespmem:$0x18750];
	v44 =	vsel vm1, v46, v44  }
0x37b: {  	vm2 =	vgt.f32 v47, v44  }
0x37c: {  	v61 =	vld [tilespmem:$0x18760];
	v44 =	vsel vm2, v47, v44  }
0x37d: {  	vm3 =	vgt.f32 v59, v44  }
0x37e: {  	v62 =	vld [tilespmem:$0x18770];
	v44 =	vsel vm3, v59, v44  }
0x37f: {  	vm4 =	vgt.f32 v60, v44  }
0x380: {  	v48 =	vimm.s32 $0x0;
	v63 =	vld [tilespmem:$0x18780];
	v44 =	vsel vm4, v60, v44  }
0x381: {  	v48 =	vsel vm4, $0xFFFFFFFF, v48;
	vm4 =	vgt.f32 v61, v44  }
0x382: {  	v52 =	vimm.s32 $0x0;
	v53 =	vld [tilespmem:$0x18790];
	v44 =	vsel vm4, v61, v44  }
0x383: {  	[tilespmem:$0x1FE00] =	vst v48;
	v48 =	vsel vm4, $0xFFFFFFFF, v52;
	vm4 =	vgt.f32 v62, v44  }
0x384: {  	v54 =	vimm.s32 $0x0;
	v55 =	vld [tilespmem:$0x187A0];
	v44 =	vsel vm4, v62, v44  }
0x385: {  	[tilespmem:$0x1FE10] =	vst v48;
	v48 =	vsel vm4, $0xFFFFFFFF, v54;
	vm4 =	vgt.f32 v63, v44  }
0x386: {  	v56 =	vimm.s32 $0x0;
	v57 =	vld [tilespmem:$0x187B0];
	v44 =	vsel vm4, v63, v44  }
0x387: {  	[tilespmem:$0x1FE20] =	vst v48;
	v48 =	vsel vm4, $0xFFFFFFFF, v56;
	vm4 =	vgt.f32 v53, v44  }
0x388: {  	v58 =	vimm.s32 $0x0;
	v59 =	vld [tilespmem:$0x187C0];
	v44 =	vsel vm4, v53, v44  }
0x389: {  	[tilespmem:$0x1FE30] =	vst v48;
	v48 =	vsel vm4, $0xFFFFFFFF, v58;
	vm4 =	vgt.f32 v55, v44  }
0x38a: {  	v60 =	vimm.s32 $0x0;
	v61 =	vld [tilespmem:$0x187D0];
	v44 =	vsel vm4, v55, v44  }
0x38b: {  	[tilespmem:$0x1FE40] =	vst v48;
	v48 =	vsel vm4, $0xFFFFFFFF, v60;
	vm4 =	vgt.f32 v57, v44  }
0x38c: {  	v62 =	vimm.s32 $0x0;
	v63 =	vld [tilespmem:$0x187E0];
	v44 =	vsel vm4, v57, v44  }
0x38d: {  	[tilespmem:$0x1FE50] =	vst v48;
	v48 =	vsel vm4, $0xFFFFFFFF, v62;
	vm4 =	vgt.f32 v59, v44  }
0x38e: {  	v52 =	vimm.s32 $0x0;
	v53 =	vld [tilespmem:$0x187F0];
	v44 =	vsel vm4, v59, v44  }
0x38f: {  	[tilespmem:$0x1FE60] =	vst v48;
	v48 =	vsel vm4, $0xFFFFFFFF, v52;
	vm4 =	vgt.f32 v61, v44  }
0x390: {  	v54 =	vimm.s32 $0x0;
	v55 =	vld [tilespmem:$0x18800];
	v44 =	vsel vm4, v61, v44  }
0x391: {  	[tilespmem:$0x1FE70] =	vst v48;
	v48 =	vsel vm4, $0xFFFFFFFF, v54;
	vm4 =	vgt.f32 v63, v44  }
0x392: {  	v57 =	vld [tilespmem:$0x18810];
	v44 =	vsel vm4, v63, v44  }
0x393: {  	vm14 =	vgt.f32 v53, v44  }
0x394: {  	v58 =	vld [tilespmem:$0x18820];
	v44 =	vsel vm14, v53, v44  }
0x395: {  	vm15 =	vgt.f32 v55, v44  }
0x396: {  	v59 =	vld [tilespmem:$0x18830];
	v44 =	vsel vm15, v55, v44  }
0x397: {  	vm12 =	vgt.f32 v57, v44  }
0x398: {  	v60 =	vld [tilespmem:$0x18840];
	v44 =	vsel vm12, v57, v44  }
0x399: {  	vm11 =	vgt.f32 v58, v44  }
0x39a: {  	v61 =	vld [tilespmem:$0x18850];
	v44 =	vsel vm11, v58, v44  }
0x39b: {  	vm10 =	vgt.f32 v59, v44  }
0x39c: {  	v62 =	vld [tilespmem:$0x18860];
	v44 =	vsel vm10, v59, v44  }
0x39d: {  	vm9 =	vgt.f32 v60, v44  }
0x39e: {  	v63 =	vld [tilespmem:$0x18870];
	v44 =	vsel vm9, v60, v44  }
0x39f: {  	v49 =	vld [tilespmem:$0x1FE00];
	vm8 =	vgt.f32 v61, v44  }
0x3a0: {  	v56 =	vimm.s32 $0x0;
	v52 =	vld [tilespmem:$0x18880];
	v44 =	vsel vm8, v61, v44  }
0x3a1: {  	[tilespmem:$0x1FE80] =	vst v48;
	v48 =	vsel vm4, $0xFFFFFFFF, v56;
	v56 =	vld [tilespmem:$0x188B0];
	vm7 =	vgt.f32 v62, v44  }
0x3a2: {  	v53 =	vld [tilespmem:$0x18890];
	v44 =	vsel vm7, v62, v44  }
0x3a3: {  	v55 =	vld [tilespmem:$0x188A0];
	vm6 =	vgt.f32 v63, v44  }
0x3a4: {  	v57 =	vld [tilespmem:$0x188C0];
	v44 =	vsel vm6, v63, v44  }
0x3a5: {  	v58 =	vld [tilespmem:$0x1FE10];
	vm5 =	vgt.f32 v52, v44  }
0x3a6: {  	v54 =	vsel vm0, v13, v7;
	v59 =	vld [tilespmem:$0x1FE20];
	v44 =	vsel vm5, v52, v44  }
0x3a7: {  	[tilespmem:$0x1FE90] =	vst v48;
	v48 =	vsel vm1, v14, v54;
	v60 =	vld [tilespmem:$0x188D0];
	vm4 =	vgt.f32 v53, v44  }
0x3a8: {  	v48 =	vsel vm2, v15, v48;
	v61 =	vld [tilespmem:$0x1FE30];
	v44 =	vsel vm4, v53, v44  }
0x3a9: {  	v48 =	vsel vm3, v16, v48;
	v62 =	vld [tilespmem:$0x1FE40];
	vm3 =	vgt.f32 v55, v44  }
0x3aa: {  	vm13 =	vnez.u8 v49;
	v52 =	vld [tilespmem:$0x1FE50];
	v44 =	vsel vm3, v55, v44  }
0x3ab: {  	v48 =	vsel vm13, v17, v48;
	vm13 =	vnez.u8 v58;
	v53 =	vld [tilespmem:$0x1FE60];
	vm2 =	vgt.f32 v56, v44  }
0x3ac: {  	v48 =	vsel vm13, v18, v48;
	vm13 =	vnez.u8 v59;
	v55 =	vld [tilespmem:$0x1FE70];
	v44 =	vsel vm2, v56, v44  }
0x3ad: {  	v48 =	vsel vm13, v19, v48;
	vm13 =	vnez.u8 v61;
	v56 =	vld [tilespmem:$0x1FE80];
	vm1 =	vgt.f32 v57, v44  }
0x3ae: {  	v48 =	vsel vm13, v20, v48;
	vm13 =	vnez.u8 v62;
	v44 =	vsel vm1, v57, v44;
	v57 =	vld [tilespmem:$0x1FE90]  }
0x3af: {  	v48 =	vsel vm13, v21, v48;
	vm13 =	vnez.u8 v52  }
0x3b0: {  	v63 =	vld [tilespmem:$0x188E0];
	v48 =	vsel vm13, v22, v48;
	vm13 =	vnez.u8 v53  }
0x3b1: {  	v48 =	vsel vm13, v23, v48;
	vm13 =	vnez.u8 v55  }
0x3b2: {  	v54 =	vld [tilespmem:$0x188F0];
	v48 =	vsel vm13, v24, v48;
	vm13 =	vnez.u8 v56  }
0x3b3: {  	vm0 =	vgt.f32 v60, v44;
	v48 =	vsel vm13, v25, v48;
	vm13 =	vnez.u8 v57  }
0x3b4: {  	v44 =	vsel vm0, v60, v44;
	v46 =	vsel vm13, v26, v48  }
0x3b5: {  	vm13 =	vgt.f32 v63, v44;
	v46 =	vsel vm14, v27, v46  }
0x3b6: {  	v44 =	vsel vm13, v63, v44;
	v46 =	vsel vm15, v28, v46  }
0x3b7: {  	vm14 =	vgt.f32 v54, v44;
	v46 =	vsel vm12, v29, v46  }
0x3b8: {  	v44 =	vsel vm14, v54, v44;
	v58 =	vsel vm11, v30, v46  }
0x3b9: {  	v59 =	vperm.xlane v44, v11;
	v45 =	vsel vm10, v31, v58  }
0x3ba: {  	v45 =	vsel vm9, v32, v45  }
0x3bb: {  	v46 =	vmax.f32 v44, v59;
	v45 =	vsel vm8, v33, v45  }
0x3bc: {  	v60 =	vperm.xlane v46, v10;
	v45 =	vsel vm7, v34, v45  }
0x3bd: {  	v45 =	vsel vm6, v35, v45  }
0x3be: {  	v46 =	vmax.f32 v46, v60;
	v45 =	vsel vm5, v36, v45  }
0x3bf: {  	v47 =	vperm.xlane v46, v9;
	v45 =	vsel vm4, v37, v45  }
0x3c0: {  	v45 =	vsel vm3, v38, v45  }
0x3c1: {  	v46 =	vmax.f32 v46, v47;
	v45 =	vsel vm2, v39, v45  }
0x3c2: {  	v47 =	vperm.xlane v46, v3;
	v45 =	vsel vm1, v40, v45  }
0x3c3: {  	v45 =	vsel vm0, v41, v45  }
0x3c4: {  	v46 =	vmax.f32 v46, v47;
	v45 =	vsel vm13, v42, v45  }
0x3c5: {  	vm15 =	veq.f32 v44, v46;
	v62 =	vsel vm14, v43, v45  }
0x3c6: {  	v44 =	vnsel vm15, $0x40000000, v62  }
0x3c7: {  	v63 =	vperm.xlane v44, v11;
	_ =	sdelay $0x1  }
0x3c8: {  	vm0 =	vlt.s32 v44, v63  }
0x3c9: {  	v44 =	vsel vm0, v44, v63  }
0x3ca: {  	v45 =	vperm.xlane v44, v10;
	_ =	sdelay $0x1  }
0x3cb: {  	vm0 =	vlt.s32 v44, v45  }
0x3cc: {  	v44 =	vsel vm0, v44, v45  }
0x3cd: {  	v45 =	vperm.xlane v44, v9;
	_ =	sdelay $0x1  }
0x3ce: {  	vm0 =	vlt.s32 v44, v45  }
0x3cf: {  	v44 =	vsel vm0, v44, v45  }
0x3d0: {  	v45 =	vperm.xlane v44, v3  }
0x3d1: {  	s19 =	smov.u32 s18  }
0x3d2: {  	v61 =	vmov s19;
	vm0 =	vlt.s32 v44, v45  }
0x3d3: {  	v44 =	vsel vm0, v44, v45;
	_ =	sdelay $0x3  }
0x3d4: {  	[tilespmem:v61+s13+$0x0] =	vst.idx.msk $0x1, v46  }
0x3d5: {  	p0 =	seq.s32 s18, $0x3F;
	v45 =	vld.idx.msk [tilespmem:v44+s14+$0x0], $0xffff  }
.Ltmp16:
0x3d6: {  	_ = 	snop;
	(pc) =	sbr.rel @!p0 .LBB2_38-.Ltmp16, $2  }
0x3d7: {  	_ =	sdelay $0x2  }
0x3d8: {  	s18 =	sadd.s32 $0x1, s18;
	[tilespmem:v61+s15+$0x0] =	vst.idx.msk $0x1, v45  }
0x3d9: {  	_ =	sdelay $0x3  }
0x3da: {  	[tilespmem:v44+s16+$0x0] =	vst.idx.msk $0x1, v4  }
.LBB2_47:
0x3db: {  	v16 =	vld [tilespmem:$0x1A700]  }
0x3dc: {  	v17 =	vld [tilespmem:$0x1A710]  }
0x3dd: {  	v18 =	vld [tilespmem:$0x1A720]  }
0x3de: {  	v19 =	vld [tilespmem:$0x1A730];
	_ =	sdelay $0x1  }
0x3df: {  	v16 =	vmul.f32 v16, v5  }
0x3e0: {  	v17 =	vmul.f32 v17, v5  }
0x3e1: {  	v18 =	vmul.f32 v18, v5;
	[tilespmem:$0x1A700] =	vst v16  }
0x3e2: {  	v19 =	vmul.f32 v19, v5;
	[tilespmem:$0x1A710] =	vst v17  }
0x3e3: {  	[tilespmem:$0x1A720] =	vst v18  }
0x3e4: {  	[tilespmem:$0x1A730] =	vst v19  }
0x3e5: {  	v20 =	vld.msk [tilespmem:s13+$0x0], $0xffff;
	_ =	sdelay $0x4  }
0x3e6: {  	v21 =	vsub.f32 v16, v20;
	_ =	sdelay $0x1  }
0x3e7: {  	v22 =	vsub.f32 v17, v20;
	v21 =	vmul.f32 $1.442695020e+00, v21;
	_ =	sdelay $0x1  }
0x3e8: {  	v59 =	vsub.f32 v18, v20;
	v58 =	vmul.f32 $1.442695020e+00, v22;
	(erf) = vpow2.f32 v21;
	_ =	sdelay $0x1  }
0x3e9: {  	v20 =	vsub.f32 v19, v20;
	v60 =	vmul.f32 $1.442695020e+00, v59;
	(erf) = vpow2.f32 v58;
	_ =	sdelay $0x1  }
0x3ea: {  	v12 =	vld.idx.msk [tilespmem:v12+s13+$0x0], $0xffff;
	v20 =	vmul.f32 $1.442695020e+00, v20;
	(erf) = vpow2.f32 v60;
	_ =	sdelay $0x1  }
0x3eb: {  	(erf) = vpow2.f32 v20;
	_ =	sdelay $0x2  }
0x3ec: {  	vm0 =	vge.f32 v16, v12;
	v20 =	vpop (erf)  }
0x3ed: {  	v16 =	vnsel vm0, $0x0, v20  }
0x3ee: {  	vm10 =	vge.f32 v17, v12;
	v20 =	vpop (erf);
	v61 =	vadd.f32 $0.0e+00, v16  }
0x3ef: {  	v17 =	vnsel vm10, $0x0, v20  }
0x3f0: {  	vm11 =	vge.f32 v18, v12;
	v20 =	vpop (erf);
	v21 =	vadd.f32 v61, v17  }
0x3f1: {  	v18 =	vnsel vm11, $0x0, v20  }
0x3f2: {  	vm12 =	vge.f32 v19, v12;
	v12 =	vpop (erf);
	v20 =	vadd.f32 v21, v18  }
0x3f3: {  	v12 =	vnsel vm12, $0x0, v12  }
0x3f4: {  	v19 =	vadd.f32 v20, v12;
	_ =	sdelay $0x1  }
0x3f5: {  	v20 =	vperm.xlane v19, v11;
	_ =	sdelay $0x1  }
0x3f6: {  	v19 =	vadd.f32 v19, v20;
	_ =	sdelay $0x1  }
0x3f7: {  	v20 =	vperm.xlane v19, v10;
	_ =	sdelay $0x1  }
0x3f8: {  	v19 =	vadd.f32 v19, v20;
	_ =	sdelay $0x1  }
0x3f9: {  	v20 =	vperm.xlane v19, v9;
	_ =	sdelay $0x1  }
0x3fa: {  	v19 =	vadd.f32 v19, v20;
	_ =	sdelay $0x1  }
0x3fb: {  	v20 =	vperm.xlane v19, v3;
	_ =	sdelay $0x1  }
0x3fc: {  	v19 =	vadd.f32 v19, v20;
	_ =	sdelay $0x1  }
0x3fd: {  	(erf) = vrcp.f32 v19;
	_ =	sdelay $0x8  }
0x3fe: {  	v19 =	vpop (erf)  }
0x3ff: {  	v16 =	vmul.f32 v19, v16;
	_ =	sdelay $0x1  }
0x400: {  	(xrf2) =	vadd.scan.msk.f32 $0xffff, v16;
	_ =	sdelay $0x9  }
0x401: {  	v16, _, _ =	vpop (xrf2)  }
0x402: {  	(v2sf) =	vpush v16, $0xF;
	_ =	sdelay $0x4  }
0x403: {  	v17 =	vmul.f32 v19, v17;
	_ =	sdelay $0x1  }
0x404: {  	(xrf2) =	vadd.scan.msk.f32 $0xffff, v17;
	_ =	sdelay $0x1  }
0x405: {  	v17 =	vmul.f32 v19, v18;
	_ =	sdelay $0x1  }
0x406: {  	(xrf2) =	vadd.scan.msk.f32 $0xffff, v17;
	_ =	sdelay $0x1  }
0x407: {  	v12 =	vmul.f32 v19, v12;
	_ =	sdelay $0x1  }
0x408: {  	(xrf2) =	vadd.scan.msk.f32 $0xffff, v12;
	s18 =	spop (v2sf)  }
0x409: {  	s18 =	sadd.f32 $0.0e+00, s18  }
0x40a: {  	v12, _, _ =	vpop (xrf2)  }
0x40b: {  	v12 =	vadd.f32 s18, v12;
	_ =	sdelay $0x1  }
0x40c: {  	v17 =	vbroadcast v12, $0xF  }
0x40d: {  	v18, _, _ =	vpop (xrf2)  }
0x40e: {  	v17 =	vadd.f32 v17, v18;
	_ =	sdelay $0x1  }
0x40f: {  	v18 =	vbroadcast v17, $0xF  }
0x410: {  	vm13 =	vle.f32 v16, $8.999999760e-01;
	v16, _, _ =	vpop (xrf2)  }
0x411: {  	vm14 =	vle.f32 v12, $8.999999760e-01;
	v16 =	vadd.f32 v18, v16  }
0x412: {  	v19 =	vsel vm13, $0x1, v8;
	s18 =	simm.s32 $0xC0;
	v12 =	vsel vm14, $0x1, v8  }
0x413: {  	[tilespmem:s18+$0xFFFFFF40] =	vst v4;
	vm15 =	vle.f32 v17, $8.999999760e-01;
	v18 =	vperm.xlane v19, v11;
	vm1 =	vle.f32 v16, $8.999999760e-01  }
0x414: {  	[tilespmem:s18+$0xFFFFFFB0] =	vst v4;
	v17 =	vperm.xlane v12, v11;
	v16 =	vsel vm15, $0x1, v8;
	v20 =	vsel vm1, $0x1, v8  }
0x415: {  	[tilespmem:s18+$0xFFFFFFA0] =	vst v4;
	v18 =	vadd.s32 v19, v18;
	v19 =	vperm.xlane v16, v11;
	v11 =	vperm.xlane v20, v11  }
0x416: {  	[tilespmem:s18+$0xFFFFFF90] =	vst v4;
	v12 =	vadd.s32 v12, v17;
	v62 =	vperm.xlane v18, v10  }
0x417: {  	[tilespmem:s18+$0xFFFFFF80] =	vst v4;
	v17 =	vperm.xlane v12, v10;
	v16 =	vadd.s32 v16, v19;
	v11 =	vadd.s32 v20, v11  }
0x418: {  	[tilespmem:s18+$0xFFFFFF70] =	vst v4;
	v18 =	vadd.s32 v62, v18;
	v19 =	vperm.xlane v16, v10;
	v10 =	vperm.xlane v11, v10  }
0x419: {  	s19 =	simm.s32 $0x0;
	[tilespmem:s18+$0xFFFFFF60] =	vst v4;
	v17 =	vadd.s32 v17, v12;
	v20 =	vperm.xlane v18, v9  }
0x41a: {  	s19 =	sand.u32 $0x1FFF0, s19;
	[tilespmem:s18+$0xFFFFFF50] =	vst v4;
	v63 =	vperm.xlane v17, v9;
	v16 =	vadd.s32 v19, v16;
	v11 =	vadd.s32 v10, v11  }
0x41b: {  	[tilespmem:s19+$0x80] =	vst v4;
	v10 =	vadd.s32 v20, v18;
	v18 =	vperm.xlane v16, v9;
	v19 =	vperm.xlane v11, v9  }
0x41c: {  	[tilespmem:s18+$0x30] =	vst v4;
	v12 =	vperm.xlane v10, v3;
	v9 =	vadd.s32 v63, v17  }
0x41d: {  	[tilespmem:s18+$0x20] =	vst v4;
	v17 =	vperm.xlane v9, v3;
	v16 =	vadd.s32 v18, v16;
	v11 =	vadd.s32 v19, v11  }
0x41e: {  	s20 =	simm.s32 $0x190;
	s21 =	simm.s32 $0xC0;
	[tilespmem:s18+$0x10] =	vst v4;
	v19 =	vperm.xlane v16, v3;
	v18 =	vperm.xlane v11, v3  }
.LBB2_48:
0x41f: {  	p0 =	sne.s32 s20, $0x18510  }
0x420: {  	[tilespmem:s18+$0x0] =	vst v4;
	s21 =	sadd.s32 $0x190, s21;
	s22 =	smov.u32 s20;
	s20 =	sadd.s32 $0x190, s20  }
0x421: {  	[tilespmem:s18+$0xFFFFFFF0] =	vst v4  }
0x422: {  	[tilespmem:s18+$0xFFFFFFD0] =	vst v4  }
0x423: {  	[tilespmem:s18+$0xFFFFFFE0] =	vst v4  }
0x424: {  	[tilespmem:s19+$0x100] =	vst v4  }
0x425: {  	[tilespmem:s18+$0x50] =	vst v4  }
0x426: {  	[tilespmem:s18+$0xB0] =	vst v4  }
0x427: {  	[tilespmem:s18+$0xA0] =	vst v4  }
0x428: {  	[tilespmem:s18+$0x90] =	vst v4  }
0x429: {  	[tilespmem:s18+$0x80] =	vst v4  }
0x42a: {  	[tilespmem:s18+$0x60] =	vst v4  }
0x42b: {  	[tilespmem:s18+$0x70] =	vst v4;
	s18 =	smov.u32 s21  }
0x42c: {  	[tilespmem:s19+$0x180] =	vst v4  }
0x42d: {  	[tilespmem:s21+$0xFFFFFF40] =	vst v4  }
0x42e: {  	[tilespmem:s21+$0xFFFFFFB0] =	vst v4  }
0x42f: {  	[tilespmem:s21+$0xFFFFFFA0] =	vst v4  }
0x430: {  	[tilespmem:s21+$0xFFFFFF90] =	vst v4  }
0x431: {  	[tilespmem:s21+$0xFFFFFF80] =	vst v4  }
0x432: {  	[tilespmem:s21+$0xFFFFFF70] =	vst v4  }
0x433: {  	[tilespmem:s21+$0xFFFFFF60] =	vst v4  }
.Ltmp17:
0x434: {  	s19 =	sand.u32 $0x1FFF0, s22;
	[tilespmem:s21+$0xFFFFFF50] =	vst v4;
	(pc) =	sbr.rel @p0 .LBB2_48-.Ltmp17, $4  }
0x435: {  	[tilespmem:s19+$0x80] =	vst v4  }
0x436: {  	[tilespmem:s21+$0x30] =	vst v4  }
0x437: {  	[tilespmem:s21+$0x20] =	vst v4  }
0x438: {  	[tilespmem:s21+$0x10] =	vst v4  }
0x439: {  	v10 =	vadd.s32 v12, v10  }
0x43a: {  	v9 =	vadd.s32 v17, v9;
	(v2sf) =	vpush v10, $0x0  }
0x43b: {  	(v2sf) =	vpush v9, $0x0;
	v9 =	vadd.s32 v19, v16  }
0x43c: {  	(v2sf) =	vpush v9, $0x0;
	v9 =	vadd.s32 v18, v11  }
0x43d: {  	(v2sf) =	vpush v9, $0x0;
	_ =	sdelay $0x5  }
0x43e: {  	[tilespmem:s18+$0x0] =	vst v4  }
0x43f: {  	[tilespmem:s18+$0xFFFFFFF0] =	vst v4  }
0x440: {  	[tilespmem:s18+$0xFFFFFFD0] =	vst v4  }
0x441: {  	[tilespmem:s18+$0xFFFFFFE0] =	vst v4  }
0x442: {  	[tilespmem:s19+$0x100] =	vst v4  }
0x443: {  	[tilespmem:s18+$0x50] =	vst v4  }
0x444: {  	[tilespmem:s18+$0xB0] =	vst v4;
	s20 =	spop (v2sf)  }
0x445: {  	[tilespmem:s18+$0xA0] =	vst v4;
	s21 =	spop (v2sf)  }
0x446: {  	[tilespmem:s18+$0x90] =	vst v4;
	s20 =	sadd.s32 s21, s20;
	s30 =	spop (v2sf)  }
0x447: {  	[tilespmem:s18+$0x80] =	vst v4;
	s20 =	sadd.s32 s30, s20;
	s31 =	spop (v2sf)  }
0x448: {  	[tilespmem:s18+$0x60] =	vst v4;
	s20 =	sadd.s32 s31, s20  }
0x449: {  	[tilespmem:s18+$0x70] =	vst v4;
	s18 =	sadd.s32 $0x1, s20  }
0x44a: {  	[tilespmem:s19+$0x180] =	vst v4;
	p0 =	slt.s32 s18, $0x40  }
0x44b: {  	v9 =	vld [tilespmem:$0x1A780];
	s18 =	simm.s32 @!p0 $0x40  }
0x44c: {  	v10 =	vmov s18  }
0x44d: {  	vm0 =	vgt.s32 v10, v7  }
0x44e: {  	v11 =	vld [tilespmem:$0x1A700];
	_ =	sdelay $0x4  }
0x44f: {  	[tilespmem:v9+s1+$0x0] =	vst.idx.msk vm0, v11  }
0x450: {  	v9 =	vld [tilespmem:$0x1A790];
	_ =	sdelay $0x1  }
0x451: {  	vm13 =	vgt.s32 v10, v13  }
0x452: {  	v11 =	vld [tilespmem:$0x1A710];
	_ =	sdelay $0x4  }
0x453: {  	[tilespmem:v9+s1+$0x0] =	vst.idx.msk vm13, v11  }
0x454: {  	v9 =	vld [tilespmem:$0x1A7A0];
	_ =	sdelay $0x1  }
0x455: {  	vm14 =	vgt.s32 v10, v14  }
0x456: {  	v11 =	vld [tilespmem:$0x1A720];
	_ =	sdelay $0x4  }
0x457: {  	[tilespmem:v9+s1+$0x0] =	vst.idx.msk vm14, v11  }
0x458: {  	v9 =	vld [tilespmem:$0x1A7B0];
	_ =	sdelay $0x1  }
0x459: {  	vm15 =	vgt.s32 v10, v15  }
0x45a: {  	v10 =	vld [tilespmem:$0x1A730];
	_ =	sdelay $0x3  }
0x45b: {  	s17 =	sadd.s32 $0x1, s17  }
0x45c: {  	p0 =	sne.s32 s17, s8;
	[tilespmem:v9+s1+$0x0] =	vst.idx.msk vm15, v10  }
0x45d: {  	[hbm4b:s7+s11] =	stream.strided.scatter [tilespmem:s1], [sflag:$0x1], $0x18700, s12, s11, $0x38;
	[tilespmem:$0x1A880] =	vst v63  }
.Ltmp18:
0x45e: {  	_ = 	snop;
	(pc) =	sbr.rel @p0 .LBB2_1-.Ltmp18, $4  }
.Ltmp19:
0x45f: {  	_ = 	snop;
	(pc) =	sbr.rel @!p0 .LBB2_50-.Ltmp19, $4  }
0x460: {  	_ =	swait.ge [sflag:s10], $0x18700  }
0x461: {  	[sflag:s10] =	ssyncset.done $0x0  }
0x462: {  	[sflag:s10] =	ssyncadd.s32 $0xFFFE7900  }
0x463: {  	_ = 	snop  }
.LBB2_10:
0x464: {  	p0 =	slt.s32 s20, $0x1000  }
0x465: {  	p1 =	slt.s32 s20, $0xFFFFFFF2;
	s20 =	simm.s32 @!p0 $0x1000  }
0x466: {  	s20 =	sadd.s32 $0xF, s20  }
0x467: {  	s21 =	sand.u32 $0xF, s20  }
.Ltmp20:
0x468: {  	s22 =	sshra.s32 s20, $0x1F;
	p6 =	sne.s32 s21, $0x0;
	(pc) =	sbr.rel .LBB2_11-.Ltmp20, $4  }
0x469: {  	s31 =	sshrl.u32 s22, $0x1C;
	p0 =	por !p1, !p6  }
0x46a: {  	s21 =	simm.s32 $0x1;
	s20 =	sadd.s32 s31, s20;
	p0 =	por !p0, !p0  }
0x46b: {  	s20 =	sshra.s32 s20, $0x4;
	s21 =	simm.s32 @!p0 $0x0  }
0x46c: {  	s20 =	ssub.s32 s20, s21  }
.LBB2_12:
0x46d: {  	v10 =	vlaneseq.u32  }
.LBB2_22:
0x46e: {  	v11 =	vand.u32 $0xF, v0  }
0x46f: {  	v12 =	vperm.xlane v9, v11;
	_ =	sdelay $0x1  }
0x470: {  	v13 =	vand.u32 $0xF, v1;
	v12 =	vmax.f32 v9, v12  }
0x471: {  	v14 =	vperm.xlane v12, v13;
	_ =	sdelay $0x1  }
0x472: {  	v63 =	vand.u32 $0xF, v2;
	v12 =	vmax.f32 v12, v14  }
0x473: {  	v15 =	vperm.xlane v12, v63;
	_ =	sdelay $0x1  }
0x474: {  	v12 =	vmax.f32 v12, v15  }
0x475: {  	v15 =	vperm.xlane v12, v3;
	_ =	sdelay $0x1  }
0x476: {  	v12 =	vmax.f32 v12, v15  }
0x477: {  	vm0 =	veq.f32 v9, v12  }
0x478: {  	v9 =	vnsel vm0, $0x40000000, v10  }
0x479: {  	v10 =	vperm.xlane v9, v11;
	_ =	sdelay $0x1  }
0x47a: {  	vm0 =	vlt.s32 v9, v10  }
0x47b: {  	v9 =	vsel vm0, v9, v10  }
0x47c: {  	v10 =	vperm.xlane v9, v13;
	_ =	sdelay $0x1  }
0x47d: {  	vm0 =	vlt.s32 v9, v10  }
0x47e: {  	v9 =	vsel vm0, v9, v10  }
0x47f: {  	v10 =	vperm.xlane v9, v63;
	_ =	sdelay $0x1  }
0x480: {  	vm0 =	vlt.s32 v9, v10  }
0x481: {  	v9 =	vsel vm0, v9, v10  }
0x482: {  	v10 =	vperm.xlane v9, v3;
	_ =	sdelay $0x1  }
0x483: {  	v11 =	vmov s19;
	vm0 =	vlt.s32 v9, v10  }
0x484: {  	v9 =	vsel vm0, v9, v10;
	_ =	sdelay $0x3  }
0x485: {  	[tilespmem:v11+s13+$0x0] =	vst.idx.msk $0x1, v12  }
0x486: {  	s19 =	sadd.s32 $0x1, s19;
	v10 =	vld.idx.msk [tilespmem:v9+s14+$0x0], $0xffff  }
0x487: {  	p0 =	sne.s32 s19, $0x40  }
.Ltmp21:
0x488: {  	_ = 	snop;
	(pc) =	sbr.rel @!p0 .LBB2_23-.Ltmp21, $3  }
0x489: {  	_ =	sdelay $0x1  }
0x48a: {  	[tilespmem:v11+s15+$0x0] =	vst.idx.msk $0x1, v10  }
0x48b: {  	[tilespmem:v9+s16+$0x0] =	vst.idx.msk $0x1, v4  }
.LBB2_11:
0x48c: {  	p0 =	slt.s32 s20, $0x1  }
.Ltmp22:
0x48d: {  	_ = 	snop;
	(pc) =	sbr.rel @p0 .LBB2_12-.Ltmp22, $2  }
0x48e: {  	_ =	sdelay $0x2  }
0x48f: {  	v9 =	vimm.f32 $-Inf  }
0x490: {  	p1 =	sne.s32 s20, $0x1  }
.Ltmp23:
0x491: {  	_ = 	snop;
	(pc) =	sbr.rel @!p1 .LBB2_17-.Ltmp23, $2  }
0x492: {  	_ =	sdelay $0x2  }
0x493: {  	v10 =	vimm.s32 $0x0;
	s22 =	simm.s32 $0x18700;
	s21 =	simm.s32 $0x1;
	p0 =	por $0x0, $0x0  }
0x494: {  	v11 =	vld [tilespmem:s22+$0x0];
	p1 =	sne.s32 s20, $0x2  }
.Ltmp24:
0x495: {  	_ = 	snop;
	(pc) =	sbr.rel @!p1 .LBB2_19-.Ltmp24, $3  }
0x496: {  	_ =	sdelay $0x1  }
0x497: {  	s24 =	simm.s32 $0x2  }
0x498: {  	s22 =	simm.s32 $0x18710;
	p0 =	por $0x1, $0x1;
	v12 =	vimm.f32 $-Inf;
	s23 =	simm.s32 $0x0;
	v13 =	vimm.s32 $0x0;
	vm0 =	vgt.f32 v11, v9  }
.LBB2_20:
0x499: {  	v13 =	vsel vm0, s23, v13;
	s23 =	smov.u32 s21;
	s21 =	smov.u32 s24;
	s24 =	sadd.s32 $0x1, s24  }
0x49a: {  	v12 =	vsel vm0, v11, v12;
	v11 =	vld [tilespmem:s22+$0x0];
	p1 =	sne.s32 s20, s24  }
.Ltmp25:
0x49b: {  	(pc) =	sbr.rel @p1 .LBB2_20-.Ltmp25, $2  }
0x49c: {  	_ =	sdelay $0x2  }
0x49d: {  	s22 =	sadd.s32 $0x10, s22;
	vm0 =	vgt.f32 v11, v12  }
.LBB2_21:
0x49e: {  	v14 =	vld [tilespmem:s22+$0x0];
	_ =	sdelay $0x2  }
0x49f: {  	v11 =	vsel @p0 vm0, v11, v12  }
.Ltmp26:
0x4a0: {  	v12 =	vsel @p0 vm0, s23, v13;
	v9 =	vpsel p0, v11, v9;
	(pc) =	sbr.rel .LBB2_22-.Ltmp26, $4  }
0x4a1: {  	v10 =	vpsel p0, v12, v10;
	vm15 =	vgt.f32 v14, v9  }
0x4a2: {  	v10 =	vsel vm15, s21, v10  }
0x4a3: {  	v10 =	vshll.u32 v10, $0x4  }
0x4a4: {  	v9 =	vsel vm15, v14, v9;
	v10 =	vor.u32 v7, v10  }
.LBB2_17:
.Ltmp27:
0x4a5: {  	(pc) =	sbr.rel .LBB2_21-.Ltmp27, $2  }
0x4a6: {  	_ =	sdelay $0x2  }
0x4a7: {  	v12 =	vimm.f32 $-Inf;
	v13 =	vimm.s32 $0x0;
	s21 =	simm.s32 $0x0  }
.LBB2_19:
.Ltmp28:
0x4a8: {  	(pc) =	sbr.rel .LBB2_21-.Ltmp28, $2  }
0x4a9: {  	_ =	sdelay $0x2  }
0x4aa: {  	v12 =	vimm.f32 $-Inf;
	s23 =	simm.s32 $0x0;
	v13 =	vimm.s32 $0x0  }
.LBB2_34:
0x4ab: {  	p0 =	slt.s32 s19, $0x1000  }
0x4ac: {  	p1 =	slt.s32 s19, $0xFFFFFFF2;
	s19 =	simm.s32 @!p0 $0x1000  }
0x4ad: {  	s19 =	sadd.s32 $0xF, s19  }
0x4ae: {  	s20 =	sand.u32 $0xF, s19  }
.Ltmp29:
0x4af: {  	s21 =	sshra.s32 s19, $0x1F;
	p6 =	sne.s32 s20, $0x0;
	(pc) =	sbr.rel .LBB2_35-.Ltmp29, $4  }
0x4b0: {  	s31 =	sshrl.u32 s21, $0x1C;
	p0 =	por !p1, !p6  }
0x4b1: {  	s20 =	simm.s32 $0x1;
	s19 =	sadd.s32 s31, s19;
	p0 =	por !p0, !p0  }
0x4b2: {  	s19 =	sshra.s32 s19, $0x4;
	s20 =	simm.s32 @!p0 $0x0  }
0x4b3: {  	s19 =	ssub.s32 s19, s20  }
.LBB2_36:
0x4b4: {  	v17 =	vlaneseq.u32  }
.LBB2_46:
0x4b5: {  	v18 =	vperm.xlane v16, v11;
	_ =	sdelay $0x1  }
0x4b6: {  	v18 =	vmax.f32 v16, v18  }
0x4b7: {  	v19 =	vperm.xlane v18, v10;
	_ =	sdelay $0x1  }
0x4b8: {  	v18 =	vmax.f32 v18, v19  }
0x4b9: {  	v19 =	vperm.xlane v18, v9;
	_ =	sdelay $0x1  }
0x4ba: {  	v18 =	vmax.f32 v18, v19  }
0x4bb: {  	v19 =	vperm.xlane v18, v3;
	_ =	sdelay $0x1  }
0x4bc: {  	v18 =	vmax.f32 v18, v19  }
0x4bd: {  	vm0 =	veq.f32 v16, v18  }
0x4be: {  	v16 =	vnsel vm0, $0x40000000, v17  }
0x4bf: {  	v17 =	vperm.xlane v16, v11;
	_ =	sdelay $0x1  }
0x4c0: {  	vm0 =	vlt.s32 v16, v17  }
0x4c1: {  	v16 =	vsel vm0, v16, v17  }
0x4c2: {  	v17 =	vperm.xlane v16, v10;
	_ =	sdelay $0x1  }
0x4c3: {  	vm0 =	vlt.s32 v16, v17  }
0x4c4: {  	v16 =	vsel vm0, v16, v17  }
0x4c5: {  	v17 =	vperm.xlane v16, v9;
	_ =	sdelay $0x1  }
0x4c6: {  	vm0 =	vlt.s32 v16, v17  }
0x4c7: {  	v16 =	vsel vm0, v16, v17  }
0x4c8: {  	v17 =	vperm.xlane v16, v3;
	_ =	sdelay $0x1  }
0x4c9: {  	v63 =	vmov s18;
	vm0 =	vlt.s32 v16, v17  }
0x4ca: {  	v16 =	vsel vm0, v16, v17;
	_ =	sdelay $0x3  }
0x4cb: {  	[tilespmem:v63+s13+$0x0] =	vst.idx.msk $0x1, v18  }
0x4cc: {  	s18 =	sadd.s32 $0x1, s18;
	v17 =	vld.idx.msk [tilespmem:v16+s14+$0x0], $0xffff  }
0x4cd: {  	p0 =	sne.s32 s18, $0x40  }
.Ltmp30:
0x4ce: {  	_ = 	snop;
	(pc) =	sbr.rel @!p0 .LBB2_47-.Ltmp30, $3  }
0x4cf: {  	_ =	sdelay $0x1  }
0x4d0: {  	[tilespmem:v63+s15+$0x0] =	vst.idx.msk $0x1, v17  }
0x4d1: {  	[tilespmem:v16+s16+$0x0] =	vst.idx.msk $0x1, v4  }
.LBB2_35:
0x4d2: {  	p0 =	slt.s32 s19, $0x1  }
.Ltmp31:
0x4d3: {  	_ = 	snop;
	(pc) =	sbr.rel @p0 .LBB2_36-.Ltmp31, $2  }
0x4d4: {  	_ =	sdelay $0x2  }
0x4d5: {  	v16 =	vimm.f32 $-Inf  }
0x4d6: {  	p1 =	sne.s32 s19, $0x1  }
.Ltmp32:
0x4d7: {  	_ = 	snop;
	(pc) =	sbr.rel @!p1 .LBB2_41-.Ltmp32, $2  }
0x4d8: {  	_ =	sdelay $0x2  }
0x4d9: {  	v17 =	vimm.s32 $0x0;
	s21 =	simm.s32 $0x18700;
	s20 =	simm.s32 $0x1;
	p0 =	por $0x0, $0x0  }
0x4da: {  	v18 =	vld [tilespmem:s21+$0x0];
	p1 =	sne.s32 s19, $0x2  }
.Ltmp33:
0x4db: {  	_ = 	snop;
	(pc) =	sbr.rel @!p1 .LBB2_43-.Ltmp33, $3  }
0x4dc: {  	_ =	sdelay $0x1  }
0x4dd: {  	s23 =	simm.s32 $0x2  }
0x4de: {  	s21 =	simm.s32 $0x18710;
	p0 =	por $0x1, $0x1;
	v19 =	vimm.f32 $-Inf;
	s22 =	simm.s32 $0x0;
	v20 =	vimm.s32 $0x0;
	vm0 =	vgt.f32 v18, v16  }
.LBB2_44:
0x4df: {  	v20 =	vsel vm0, s22, v20;
	s22 =	smov.u32 s20;
	s20 =	smov.u32 s23;
	s23 =	sadd.s32 $0x1, s23  }
0x4e0: {  	v19 =	vsel vm0, v18, v19;
	v18 =	vld [tilespmem:s21+$0x0];
	p1 =	sne.s32 s19, s23  }
.Ltmp34:
0x4e1: {  	(pc) =	sbr.rel @p1 .LBB2_44-.Ltmp34, $2  }
0x4e2: {  	_ =	sdelay $0x2  }
0x4e3: {  	s21 =	sadd.s32 $0x10, s21;
	vm0 =	vgt.f32 v18, v19  }
.LBB2_45:
0x4e4: {  	v21 =	vld [tilespmem:s21+$0x0];
	_ =	sdelay $0x2  }
0x4e5: {  	v18 =	vsel @p0 vm0, v18, v19  }
.Ltmp35:
0x4e6: {  	v19 =	vsel @p0 vm0, s22, v20;
	v16 =	vpsel p0, v18, v16;
	(pc) =	sbr.rel .LBB2_46-.Ltmp35, $4  }
0x4e7: {  	v17 =	vpsel p0, v19, v17;
	vm15 =	vgt.f32 v21, v16  }
0x4e8: {  	v17 =	vsel vm15, s20, v17  }
0x4e9: {  	v17 =	vshll.u32 v17, $0x4  }
0x4ea: {  	v16 =	vsel vm15, v21, v16;
	v17 =	vor.u32 v7, v17  }
.LBB2_41:
.Ltmp36:
0x4eb: {  	(pc) =	sbr.rel .LBB2_45-.Ltmp36, $2  }
0x4ec: {  	_ =	sdelay $0x2  }
0x4ed: {  	v19 =	vimm.f32 $-Inf;
	v20 =	vimm.s32 $0x0;
	s20 =	simm.s32 $0x0  }
.LBB2_43:
.Ltmp37:
0x4ee: {  	(pc) =	sbr.rel .LBB2_45-.Ltmp37, $2  }
0x4ef: {  	_ =	sdelay $0x2  }
0x4f0: {  	v19 =	vimm.f32 $-Inf;
	s22 =	simm.s32 $0x0;
	v20 =	vimm.s32 $0x0  }
.LBB2_50:
0x4f1: {  	_ =	sfence.sel $0x180000  }
0x4f2: {  	[bflag:$0x0] =	sbarrier.arrive $0xFFFF  }
0x4f3: {  	p0 =	sne.s32 s2, $0x0;
	_ =	strace $0x90000047  }
0x4f4: {  	s0 =	sadd.s32 @!p0 $0x100000, s0;
	[bflag:$0x2] =	sbarrier.arrive $0xFFFF  }
0x4f5: {  	[sflag:s0] =	ssyncadd.tile.s32 @!p0 $0x1;
	_ =	shalt  }
.Lfunc_end2:
_tile_overlayer_lowered:
.L_overlay_start_2:
0x4f6: {  	(tag) =	ssettag $0x2  }
0x4f7: {  	s0 =	rddreg [dreg:$0x0];
	s2 =	stileid.u32  }
0x4f8: {  	s1 =	rddreg [dreg:$0x1];
	p0 =	sne.s32 s2, $0x0  }
0x4f9: {  	s3 =	rddreg [dreg:$0x2];
	[bflag:$0x3] =	sbarrier.arrive $0xFFFF;
	s2 =	simm.s32 @!p0 $0x1C01  }
0x4fa: {  	[timem:s3], [sflag:s2] =	dma.local @!p0 [hbm:s0], s1  }
0x4fb: {  	s0 =	simm.s32 @!p0 $0x1  }
0x4fc: {  	_ =	swait.ge @!p0 [sflag:s0], s1  }
0x4fd: {  	s1 =	ssub.s32 @!p0 $0x0, s1;
	[sflag:s0] =	ssyncset.done @!p0 $0x0  }
0x4fe: {  	[sflag:s0] =	ssyncadd.s32 @!p0 s1  }
0x4ff: {  	[bflag:$0x3] =	sbarrier.arrive $0xFFFF  }
0x500: {  	_ =	shalt  }

</sc_bundles>
